<compile_context>
chip_gen: v7x
topology: tpu7x:2x2x1
jax: 0.10.2.dev20260603
libtpu: 0.0.44.dev20260713+nightly
codegen_flags: <defaults>
</compile_context>

<pallas_src>
import functools

import jax
import jax.numpy as jnp
from jax import lax
from jax.experimental import pallas as pl
from jax.experimental.pallas import tpu as pltpu
from jax.experimental.pallas import tpu_sc as plsc

DIM = 192
NUM_HEADS = 6
GROUP = 128
QKV_PAD = 640
OUT_PAD = 256
_NC = 2
_NS = 16
_NW = _NC * _NS


@functools.lru_cache(maxsize=None)
def _make_sc_row_gather(rows: int, d: int, chunk: int):
    assert rows % (_NW * chunk) == 0 and d % 128 == 0
    per_worker = rows // _NW
    n_chunks = per_worker // chunk
    assert n_chunks >= 2
    mesh = plsc.VectorSubcoreMesh(core_axis_name="c", subcore_axis_name="s")

    @functools.partial(
        pl.kernel,
        out_type=jax.ShapeDtypeStruct((rows, d), jnp.float32),
        mesh=mesh,
        scratch_types=[
            pltpu.VMEM((chunk,), jnp.int32),
            pltpu.VMEM((chunk,), jnp.int32),
            pltpu.VMEM((chunk, d), jnp.float32),
            pltpu.VMEM((chunk, d), jnp.float32),
            pltpu.SemaphoreType.DMA,
            pltpu.SemaphoreType.DMA,
            pltpu.SemaphoreType.DMA,
            pltpu.SemaphoreType.DMA,
        ],
    )
    def gather_kernel(table_hbm, idx_hbm, out_hbm, idx0, idx1, rows0, rows1,
                      sg0, sg1, ss0, ss1):
        wid = lax.axis_index("s") * _NC + lax.axis_index("c")
        base = wid * per_worker
        bufs = [(idx0, rows0, sg0, ss0), (idx1, rows1, sg1, ss1)]
        store_h = [None, None]
        for ch in range(n_chunks):
            idx_v, rows_v, sg, ss = bufs[ch % 2]
            off = base + ch * chunk
            if store_h[ch % 2] is not None:
                store_h[ch % 2].wait()
            pltpu.sync_copy(idx_hbm.at[pl.ds(off, chunk)], idx_v)
            pltpu.async_copy(table_hbm.at[idx_v], rows_v, sg).wait()
            store_h[ch % 2] = pltpu.async_copy(
                rows_v, out_hbm.at[pl.ds(off, chunk)], ss)
        store_h[0].wait()
        store_h[1].wait()

    return gather_kernel


@functools.lru_cache(maxsize=None)
def _make_sc_row_scatter(rows: int, d: int, chunk: int):
    assert rows % (_NW * chunk) == 0 and d % 128 == 0
    per_worker = rows // _NW
    n_chunks = per_worker // chunk
    mesh = plsc.VectorSubcoreMesh(core_axis_name="c", subcore_axis_name="s")

    @functools.partial(
        pl.kernel,
        out_type=jax.ShapeDtypeStruct((rows, d), jnp.float32),
        mesh=mesh,
        scratch_types=[
            pltpu.VMEM((chunk,), jnp.int32),
            pltpu.VMEM((chunk,), jnp.int32),
            pltpu.VMEM((chunk, d), jnp.float32),
            pltpu.VMEM((chunk, d), jnp.float32),
            pltpu.SemaphoreType.DMA,
            pltpu.SemaphoreType.DMA,
            pltpu.SemaphoreType.DMA,
            pltpu.SemaphoreType.DMA,
        ],
    )
    def scatter_kernel(src_hbm, idx_hbm, out_hbm, idx0, idx1, rows0, rows1,
                       sl0, sl1, ss0, ss1):
        wid = lax.axis_index("s") * _NC + lax.axis_index("c")
        base = wid * per_worker
        bufs = [(idx0, rows0, sl0, ss0), (idx1, rows1, sl1, ss1)]
        scat_h = [None, None]
        for ch in range(n_chunks):
            idx_v, rows_v, sl_, ss = bufs[ch % 2]
            off = base + ch * chunk
            if scat_h[ch % 2] is not None:
                scat_h[ch % 2].wait()
            pltpu.sync_copy(idx_hbm.at[pl.ds(off, chunk)], idx_v)
            pltpu.async_copy(src_hbm.at[pl.ds(off, chunk)], rows_v, sl_).wait()
            scat_h[ch % 2] = pltpu.async_copy(rows_v, out_hbm.at[idx_v], ss)
        scat_h[0].wait()
        scat_h[1].wait()

    return scatter_kernel


def _attn_body(scale, gpb, x_ref, wt_ref, b_ref, o_ref):
    dh = DIM // NUM_HEADS
    wt = wt_ref[...]
    bias = b_ref[...]
    for g in range(gpb):
        x = x_ref[g]
        q = x[:, :DIM] * scale
        k = x[:, DIM:2 * DIM]
        v = x[:, 2 * DIM:3 * DIM]
        y = bias
        for h in range(NUM_HEADS):
            sl = slice(h * dh, (h + 1) * dh)
            qh = q[:, sl]
            kh = k[:, sl]
            vh = v[:, sl]
            s = lax.dot_general(qh, kh, (((1,), (1,)), ((), ())),
                                preferred_element_type=jnp.float32)
            e = jnp.exp(jnp.minimum(s, 80.0))
            acc = jnp.dot(e, vh, preferred_element_type=jnp.float32)
            r = lax.reciprocal(jnp.sum(e, axis=-1, keepdims=True))
            y = y + jnp.dot(acc * r, wt[sl, :],
                            preferred_element_type=jnp.float32)
        o_ref[g, :, :DIM] = y


def _tc_attention(shuf, w_t, bias2d, scale, gpb=4):
    n_groups = shuf.shape[0]
    return pl.pallas_call(
        functools.partial(_attn_body, scale, gpb),
        grid=(n_groups // gpb,),
        in_specs=[
            pl.BlockSpec((gpb, GROUP, QKV_PAD), lambda i: (i, 0, 0)),
            pl.BlockSpec((DIM, DIM), lambda i: (0, 0)),
            pl.BlockSpec((1, DIM), lambda i: (0, 0)),
        ],
        out_specs=pl.BlockSpec((gpb, GROUP, OUT_PAD), lambda i: (i, 0, 0)),
        out_shape=jax.ShapeDtypeStruct((n_groups, GROUP, OUT_PAD),
                                       jnp.float32),
    )(shuf, w_t, bias2d)


@functools.lru_cache(maxsize=None)
def _make_sc_row_scatter_multi(rows: int, d: int, chunk: int, parts: int):
    assert rows % (_NW * chunk * parts) == 0
    part_rows = rows // parts
    per_worker = part_rows // _NW
    n_chunks = per_worker // chunk
    mesh = plsc.VectorSubcoreMesh(core_axis_name="c", subcore_axis_name="s")

    @functools.partial(
        pl.kernel,
        out_type=jax.ShapeDtypeStruct((rows, d), jnp.float32),
        mesh=mesh,
        scratch_types=[
            pltpu.VMEM((chunk,), jnp.int32),
            pltpu.VMEM((chunk,), jnp.int32),
            pltpu.VMEM((chunk, d), jnp.float32),
            pltpu.VMEM((chunk, d), jnp.float32),
            pltpu.SemaphoreType.DMA,
            pltpu.SemaphoreType.DMA,
            pltpu.SemaphoreType.DMA,
            pltpu.SemaphoreType.DMA,
        ],
    )
    def scatter_kernel(*refs):
        srcs = refs[:parts]
        idx_hbm, out_hbm = refs[parts], refs[parts + 1]
        idx0, idx1, rows0, rows1, sl0, sl1, ss0, ss1 = refs[parts + 2:]
        wid = lax.axis_index("s") * _NC + lax.axis_index("c")
        bufs = [(idx0, rows0, sl0, ss0), (idx1, rows1, sl1, ss1)]
        scat_h = [None, None]
        i = 0
        for p in range(parts):
            base = wid * per_worker
            for ch in range(n_chunks):
                idx_v, rows_v, sl_, ss = bufs[i % 2]
                loc = base + ch * chunk
                if scat_h[i % 2] is not None:
                    scat_h[i % 2].wait()
                pltpu.sync_copy(idx_hbm.at[pl.ds(p * part_rows + loc, chunk)],
                                idx_v)
                pltpu.async_copy(srcs[p].at[pl.ds(loc, chunk)], rows_v,
                                 sl_).wait()
                scat_h[i % 2] = pltpu.async_copy(rows_v, out_hbm.at[idx_v], ss)
                i += 1
        scat_h[0].wait()
        scat_h[1].wait()

    return scatter_kernel


def kernel(qkv, tk_id, x_size, proj_w, proj_b):
    b, n, c3 = qkv.shape
    c = c3 // 3
    scale = (c // NUM_HEADS) ** (-0.5)
    ng = n // GROUP
    parts = 4
    part_rows = b * n // parts

    sort_idx = jnp.argsort(tk_id, axis=-1)

    offs = (jnp.arange(b, dtype=jnp.int32) * n)[:, None]
    sidx = (sort_idx.astype(jnp.int32) + offs).reshape(b * n)

    qkv_pad = jnp.pad(qkv.reshape(b * n, c3), ((0, 0), (0, QKV_PAD - c3)))

    gather = _make_sc_row_gather(part_rows, QKV_PAD, 64)
    wt = proj_w.T
    b2 = proj_b.reshape(1, c)
    ys = []
    for p in range(parts):
        sidx_p = lax.dynamic_slice_in_dim(sidx, p * part_rows, part_rows)
        shuf_p = gather(qkv_pad, sidx_p)
        y_p = _tc_attention(
            shuf_p.reshape(part_rows // GROUP, GROUP, QKV_PAD), wt, b2, scale)
        ys.append(y_p.reshape(part_rows, OUT_PAD))

    xp = _make_sc_row_scatter_multi(b * n, OUT_PAD, 128, parts)(*ys, sidx)
    return xp[:, :c].reshape(b, n, c)

# --- scband reference (transcript-rebuilt; emitter-appended) ---
"""Pipeline reference for scband-ac-msa-9689446219832 (READ-ONLY COPY).

The authoritative reference and input builder live on the scoring server;
editing this copy changes nothing except your own understanding.
"""

import jax, jax.numpy as jnp
import numpy as np

DIM = 192
NUM_HEADS = 6
CATEGORY_SIZE = 128


def setup_inputs(seed: int = 0) -> dict:
    key = jax.random.key(seed)
    k1, k2, k3, k4 = jax.random.split(key, 4)
    qkv = jax.random.normal(k1, (2, 16384, 3 * DIM), dtype=jnp.float32)
    # tk_id: per-token category score; float with unique values so sort order is deterministic
    tk_id = jax.random.uniform(k2, (2, 16384), dtype=jnp.float32)
    proj_w = jax.random.normal(k3, (DIM, DIM), dtype=jnp.float32) * 0.05
    proj_b = jax.random.normal(k4, (DIM,), dtype=jnp.float32) * 0.05
    return {"qkv": qkv, "tk_id": tk_id, "x_size": 128, "proj_w": proj_w, "proj_b": proj_b}


def reference(qkv, tk_id, x_size, proj_w, proj_b):
    b, n, c3 = qkv.shape
    c = c3 // 3
    gs = min(n, CATEGORY_SIZE)
    ng = (n + gs - 1) // gs
    pad_n = ng * gs - n
    scale = (c // NUM_HEADS) ** (-0.5)

    # sort tokens by category id (ascending); stable vs unstable identical since tk_id values unique
    sort_idx = jnp.argsort(tk_id, axis=-1)
    # index_reverse: inverse permutation
    inv_idx = jnp.argsort(sort_idx, axis=-1)

    # feature_shuffle: gather along token dim
    shuffled_qkv = jnp.take_along_axis(qkv, sort_idx[:, :, None], axis=1)

    if pad_n > 0:
        tail = jnp.flip(shuffled_qkv[:, n - pad_n:n, :], axis=1)
        padded_qkv = jnp.concatenate([shuffled_qkv, tail], axis=1)
    else:
        padded_qkv = shuffled_qkv

    y = padded_qkv.reshape(b, ng, gs, 3, NUM_HEADS, c // NUM_HEADS)
    y = jnp.transpose(y, (3, 0, 1, 4, 2, 5))  # (3, b, ng, h, gs, dh)
    q, k, v = y[0], y[1], y[2]

    attn = jnp.matmul(q, jnp.swapaxes(k, -2, -1)) * scale
    attn = jax.nn.softmax(attn, axis=-1)
    out = jnp.matmul(attn, v)  # (b, ng, h, gs, dh)
    out = jnp.transpose(out, (0, 1, 3, 2, 4)).reshape(b, n + pad_n, c)[:, :n, :]

    # inverse shuffle back to original token order
    x = jnp.take_along_axis(out, inv_idx[:, :, None], axis=1)
    x = jnp.matmul(x, proj_w.T) + proj_b
    return x

if __name__ == "__main__":
    import jax
    _d = setup_inputs()
    print(jax.jit(kernel)(*tuple(_d.values())))

</pallas_src>

<mosaic_0001>
#map = affine_map<(d0, d1) -> (0, 0)>
#map1 = affine_map<(d0, d1) -> (0)>
module attributes {stable_mosaic.version = 14 : i64} {
  func.func @gather_kernel(%arg0: i32, %arg1: i32, %arg2: memref<32768x640xf32, #tpu.memory_space<hbm>>, %arg3: memref<8192xi32, #tpu.memory_space<hbm>>, %arg4: memref<8192x640xf32, #tpu.memory_space<hbm>>, %arg5: memref<64xi32, #tpu.memory_space<vmem>>, %arg6: memref<64xi32, #tpu.memory_space<vmem>>, %arg7: memref<64x640xf32, #tpu.memory_space<vmem>>, %arg8: memref<64x640xf32, #tpu.memory_space<vmem>>, %arg9: memref<!tpu.dma_semaphore, #tpu.memory_space<semaphore_mem>>, %arg10: memref<!tpu.dma_semaphore, #tpu.memory_space<semaphore_mem>>, %arg11: memref<!tpu.dma_semaphore, #tpu.memory_space<semaphore_mem>>, %arg12: memref<!tpu.dma_semaphore, #tpu.memory_space<semaphore_mem>>) attributes {dimension_semantics = [#tpu.dimension_semantics<core_parallel>, #tpu.dimension_semantics<subcore_parallel>], iteration_bounds = array<i64: 2, 16>, scalar_prefetch = 0 : i64, scratch_operands = 8 : i64, tpu.core_type = #tpu.core_type<sc_vector_subcore>, window_params = [{transform_indices = #map}, {transform_indices = #map1}, {transform_indices = #map}]} {
    %mul3A = arith.constant 2 : i32
    %mul3A_0 = arith.muli %arg1, %mul3A : i32
    %add3A = arith.addi %mul3A_0, %arg0 : i32
    %mul3A_1 = arith.constant 256 : i32
    %mul3A_2 = arith.muli %add3A, %mul3A_1 : i32
    %add3A_3 = arith.constant 0 : i32
    %add3A_4 = arith.addi %mul3A_2, %add3A_3 : i32
    "tpu.region"() ({
      %run_scoped3A = tpu.sem_alloc : memref<!tpu.dma_semaphore, #tpu.memory_space<semaphore_mem>>
      %dma_start3A_65 = tpu.memref_slice %arg3[%add3A_4] : memref<8192xi32, #tpu.memory_space<hbm>> -> memref<64xi32, #tpu.memory_space<hbm>>
      %dma_start3A_66 = tpu.memref_slice %arg3[%add3A_4] : memref<8192xi32, #tpu.memory_space<hbm>> -> memref<64xi32, #tpu.memory_space<hbm>>
      tpu.enqueue_dma source(%dma_start3A_66 : memref<64xi32, #tpu.memory_space<hbm>>) target(%arg5 : memref<64xi32, #tpu.memory_space<vmem>>) target_semaphore(%run_scoped3A : memref<!tpu.dma_semaphore, #tpu.memory_space<semaphore_mem>>)
      %dma_wait3A_67 = tpu.memref_slice %arg3[%add3A_4] : memref<8192xi32, #tpu.memory_space<hbm>> -> memref<64xi32, #tpu.memory_space<hbm>>
      %dma_wait3A_68 = tpu.memref_slice %arg3[%add3A_4] : memref<8192xi32, #tpu.memory_space<hbm>> -> memref<64xi32, #tpu.memory_space<hbm>>
      tpu.wait_dma2 semaphore(%run_scoped3A : memref<!tpu.dma_semaphore, #tpu.memory_space<semaphore_mem>>) src(%dma_wait3A_68 : memref<64xi32, #tpu.memory_space<hbm>>) dst(%arg5 : memref<64xi32, #tpu.memory_space<vmem>>)
      tpu.yield
    }) : () -> ()
    %dma_start3A = arith.constant 0 : i32
    %dma_start3A_5 = arith.constant 0 : i32
    %dma_start3A_6 = tpu.memref_slice %arg2[%dma_start3A, %dma_start3A_5] : memref<32768x640xf32, #tpu.memory_space<hbm>> -> memref<32768x640xf32, #tpu.memory_space<hbm>>
    tpu.enqueue_indirect_dma source(%dma_start3A_6 : memref<32768x640xf32, #tpu.memory_space<hbm>>) target(%arg7 : memref<64x640xf32, #tpu.memory_space<vmem>>) offsets(%arg5 : memref<64xi32, #tpu.memory_space<vmem>>) semaphore(%arg9 : memref<!tpu.dma_semaphore, #tpu.memory_space<semaphore_mem>>)
    %dma_wait3A = arith.constant 0 : i32
    %dma_wait3A_7 = arith.constant 0 : i32
    %dma_wait3A_8 = tpu.memref_slice %arg2[%dma_wait3A, %dma_wait3A_7] : memref<32768x640xf32, #tpu.memory_space<hbm>> -> memref<32768x640xf32, #tpu.memory_space<hbm>>
    tpu.wait_indirect_dma semaphore(%arg9 : memref<!tpu.dma_semaphore, #tpu.memory_space<semaphore_mem>>) src(%dma_wait3A_8 : memref<32768x640xf32, #tpu.memory_space<hbm>>) dst(%arg7 : memref<64x640xf32, #tpu.memory_space<vmem>>)
    %dma_start3A_9 = arith.constant 0 : i32
    %dma_start3A_10 = tpu.memref_slice %arg4[%add3A_4, %dma_start3A_9] : memref<8192x640xf32, #tpu.memory_space<hbm>> -> memref<64x640xf32, #tpu.memory_space<hbm>>
    %dma_start3A_11 = arith.constant 0 : i32
    %dma_start3A_12 = tpu.memref_slice %arg4[%add3A_4, %dma_start3A_11] : memref<8192x640xf32, #tpu.memory_space<hbm>> -> memref<64x640xf32, #tpu.memory_space<hbm>>
    tpu.enqueue_dma source(%arg7 : memref<64x640xf32, #tpu.memory_space<vmem>>) target(%dma_start3A_12 : memref<64x640xf32, #tpu.memory_space<hbm>>) target_semaphore(%arg11 : memref<!tpu.dma_semaphore, #tpu.memory_space<semaphore_mem>>)
    %add3A_13 = arith.constant 64 : i32
    %add3A_14 = arith.addi %mul3A_2, %add3A_13 : i32
    "tpu.region"() ({
      %run_scoped3A = tpu.sem_alloc : memref<!tpu.dma_semaphore, #tpu.memory_space<semaphore_mem>>
      %dma_start3A_65 = tpu.memref_slice %arg3[%add3A_14] : memref<8192xi32, #tpu.memory_space<hbm>> -> memref<64xi32, #tpu.memory_space<hbm>>
      %dma_start3A_66 = tpu.memref_slice %arg3[%add3A_14] : memref<8192xi32, #tpu.memory_space<hbm>> -> memref<64xi32, #tpu.memory_space<hbm>>
      tpu.enqueue_dma source(%dma_start3A_66 : memref<64xi32, #tpu.memory_space<hbm>>) target(%arg6 : memref<64xi32, #tpu.memory_space<vmem>>) target_semaphore(%run_scoped3A : memref<!tpu.dma_semaphore, #tpu.memory_space<semaphore_mem>>)
      %dma_wait3A_67 = tpu.memref_slice %arg3[%add3A_14] : memref<8192xi32, #tpu.memory_space<hbm>> -> memref<64xi32, #tpu.memory_space<hbm>>
      %dma_wait3A_68 = tpu.memref_slice %arg3[%add3A_14] : memref<8192xi32, #tpu.memory_space<hbm>> -> memref<64xi32, #tpu.memory_space<hbm>>
      tpu.wait_dma2 semaphore(%run_scoped3A : memref<!tpu.dma_semaphore, #tpu.memory_space<semaphore_mem>>) src(%dma_wait3A_68 : memref<64xi32, #tpu.memory_space<hbm>>) dst(%arg6 : memref<64xi32, #tpu.memory_space<vmem>>)
      tpu.yield
    }) : () -> ()
    %dma_start3A_15 = arith.constant 0 : i32
    %dma_start3A_16 = arith.constant 0 : i32
    %dma_start3A_17 = tpu.memref_slice %arg2[%dma_start3A_15, %dma_start3A_16] : memref<32768x640xf32, #tpu.memory_space<hbm>> -> memref<32768x640xf32, #tpu.memory_space<hbm>>
    tpu.enqueue_indirect_dma source(%dma_start3A_17 : memref<32768x640xf32, #tpu.memory_space<hbm>>) target(%arg8 : memref<64x640xf32, #tpu.memory_space<vmem>>) offsets(%arg6 : memref<64xi32, #tpu.memory_space<vmem>>) semaphore(%arg10 : memref<!tpu.dma_semaphore, #tpu.memory_space<semaphore_mem>>)
    %dma_wait3A_18 = arith.constant 0 : i32
    %dma_wait3A_19 = arith.constant 0 : i32
    %dma_wait3A_20 = tpu.memref_slice %arg2[%dma_wait3A_18, %dma_wait3A_19] : memref<32768x640xf32, #tpu.memory_space<hbm>> -> memref<32768x640xf32, #tpu.memory_space<hbm>>
    tpu.wait_indirect_dma semaphore(%arg10 : memref<!tpu.dma_semaphore, #tpu.memory_space<semaphore_mem>>) src(%dma_wait3A_20 : memref<32768x640xf32, #tpu.memory_space<hbm>>) dst(%arg8 : memref<64x640xf32, #tpu.memory_space<vmem>>)
    %dma_start3A_21 = arith.constant 0 : i32
    %dma_start3A_22 = tpu.memref_slice %arg4[%add3A_14, %dma_start3A_21] : memref<8192x640xf32, #tpu.memory_space<hbm>> -> memref<64x640xf32, #tpu.memory_space<hbm>>
    %dma_start3A_23 = arith.constant 0 : i32
    %dma_start3A_24 = tpu.memref_slice %arg4[%add3A_14, %dma_start3A_23] : memref<8192x640xf32, #tpu.memory_space<hbm>> -> memref<64x640xf32, #tpu.memory_space<hbm>>
    tpu.enqueue_dma source(%arg8 : memref<64x640xf32, #tpu.memory_space<vmem>>) target(%dma_start3A_24 : memref<64x640xf32, #tpu.memory_space<hbm>>) target_semaphore(%arg12 : memref<!tpu.dma_semaphore, #tpu.memory_space<semaphore_mem>>)
    %add3A_25 = arith.constant 128 : i32
    %add3A_26 = arith.addi %mul3A_2, %add3A_25 : i32
    %dma_wait3A_27 = arith.constant 0 : i32
    %dma_wait3A_28 = tpu.memref_slice %arg4[%add3A_4, %dma_wait3A_27] : memref<8192x640xf32, #tpu.memory_space<hbm>> -> memref<64x640xf32, #tpu.memory_space<hbm>>
    %dma_wait3A_29 = arith.constant 0 : i32
    %dma_wait3A_30 = tpu.memref_slice %arg4[%add3A_4, %dma_wait3A_29] : memref<8192x640xf32, #tpu.memory_space<hbm>> -> memref<64x640xf32, #tpu.memory_space<hbm>>
    tpu.wait_dma2 semaphore(%arg11 : memref<!tpu.dma_semaphore, #tpu.memory_space<semaphore_mem>>) src(%arg7 : memref<64x640xf32, #tpu.memory_space<vmem>>) dst(%dma_wait3A_30 : memref<64x640xf32, #tpu.memory_space<hbm>>)
    "tpu.region"() ({
      %run_scoped3A = tpu.sem_alloc : memref<!tpu.dma_semaphore, #tpu.memory_space<semaphore_mem>>
      %dma_start3A_65 = tpu.memref_slice %arg3[%add3A_26] : memref<8192xi32, #tpu.memory_space<hbm>> -> memref<64xi32, #tpu.memory_space<hbm>>
      %dma_start3A_66 = tpu.memref_slice %arg3[%add3A_26] : memref<8192xi32, #tpu.memory_space<hbm>> -> memref<64xi32, #tpu.memory_space<hbm>>
      tpu.enqueue_dma source(%dma_start3A_66 : memref<64xi32, #tpu.memory_space<hbm>>) target(%arg5 : memref<64xi32, #tpu.memory_space<vmem>>) target_semaphore(%run_scoped3A : memref<!tpu.dma_semaphore, #tpu.memory_space<semaphore_mem>>)
      %dma_wait3A_67 = tpu.memref_slice %arg3[%add3A_26] : memref<8192xi32, #tpu.memory_space<hbm>> -> memref<64xi32, #tpu.memory_space<hbm>>
      %dma_wait3A_68 = tpu.memref_slice %arg3[%add3A_26] : memref<8192xi32, #tpu.memory_space<hbm>> -> memref<64xi32, #tpu.memory_space<hbm>>
      tpu.wait_dma2 semaphore(%run_scoped3A : memref<!tpu.dma_semaphore, #tpu.memory_space<semaphore_mem>>) src(%dma_wait3A_68 : memref<64xi32, #tpu.memory_space<hbm>>) dst(%arg5 : memref<64xi32, #tpu.memory_space<vmem>>)
      tpu.yield
    }) : () -> ()
    %dma_start3A_31 = arith.constant 0 : i32
    %dma_start3A_32 = arith.constant 0 : i32
    %dma_start3A_33 = tpu.memref_slice %arg2[%dma_start3A_31, %dma_start3A_32] : memref<32768x640xf32, #tpu.memory_space<hbm>> -> memref<32768x640xf32, #tpu.memory_space<hbm>>
    tpu.enqueue_indirect_dma source(%dma_start3A_33 : memref<32768x640xf32, #tpu.memory_space<hbm>>) target(%arg7 : memref<64x640xf32, #tpu.memory_space<vmem>>) offsets(%arg5 : memref<64xi32, #tpu.memory_space<vmem>>) semaphore(%arg9 : memref<!tpu.dma_semaphore, #tpu.memory_space<semaphore_mem>>)
    %dma_wait3A_34 = arith.constant 0 : i32
    %dma_wait3A_35 = arith.constant 0 : i32
    %dma_wait3A_36 = tpu.memref_slice %arg2[%dma_wait3A_34, %dma_wait3A_35] : memref<32768x640xf32, #tpu.memory_space<hbm>> -> memref<32768x640xf32, #tpu.memory_space<hbm>>
    tpu.wait_indirect_dma semaphore(%arg9 : memref<!tpu.dma_semaphore, #tpu.memory_space<semaphore_mem>>) src(%dma_wait3A_36 : memref<32768x640xf32, #tpu.memory_space<hbm>>) dst(%arg7 : memref<64x640xf32, #tpu.memory_space<vmem>>)
    %dma_start3A_37 = arith.constant 0 : i32
    %dma_start3A_38 = tpu.memref_slice %arg4[%add3A_26, %dma_start3A_37] : memref<8192x640xf32, #tpu.memory_space<hbm>> -> memref<64x640xf32, #tpu.memory_space<hbm>>
    %dma_start3A_39 = arith.constant 0 : i32
    %dma_start3A_40 = tpu.memref_slice %arg4[%add3A_26, %dma_start3A_39] : memref<8192x640xf32, #tpu.memory_space<hbm>> -> memref<64x640xf32, #tpu.memory_space<hbm>>
    tpu.enqueue_dma source(%arg7 : memref<64x640xf32, #tpu.memory_space<vmem>>) target(%dma_start3A_40 : memref<64x640xf32, #tpu.memory_space<hbm>>) target_semaphore(%arg11 : memref<!tpu.dma_semaphore, #tpu.memory_space<semaphore_mem>>)
    %add3A_41 = arith.constant 192 : i32
    %add3A_42 = arith.addi %mul3A_2, %add3A_41 : i32
    %dma_wait3A_43 = arith.constant 0 : i32
    %dma_wait3A_44 = tpu.memref_slice %arg4[%add3A_14, %dma_wait3A_43] : memref<8192x640xf32, #tpu.memory_space<hbm>> -> memref<64x640xf32, #tpu.memory_space<hbm>>
    %dma_wait3A_45 = arith.constant 0 : i32
    %dma_wait3A_46 = tpu.memref_slice %arg4[%add3A_14, %dma_wait3A_45] : memref<8192x640xf32, #tpu.memory_space<hbm>> -> memref<64x640xf32, #tpu.memory_space<hbm>>
    tpu.wait_dma2 semaphore(%arg12 : memref<!tpu.dma_semaphore, #tpu.memory_space<semaphore_mem>>) src(%arg8 : memref<64x640xf32, #tpu.memory_space<vmem>>) dst(%dma_wait3A_46 : memref<64x640xf32, #tpu.memory_space<hbm>>)
    "tpu.region"() ({
      %run_scoped3A = tpu.sem_alloc : memref<!tpu.dma_semaphore, #tpu.memory_space<semaphore_mem>>
      %dma_start3A_65 = tpu.memref_slice %arg3[%add3A_42] : memref<8192xi32, #tpu.memory_space<hbm>> -> memref<64xi32, #tpu.memory_space<hbm>>
      %dma_start3A_66 = tpu.memref_slice %arg3[%add3A_42] : memref<8192xi32, #tpu.memory_space<hbm>> -> memref<64xi32, #tpu.memory_space<hbm>>
      tpu.enqueue_dma source(%dma_start3A_66 : memref<64xi32, #tpu.memory_space<hbm>>) target(%arg6 : memref<64xi32, #tpu.memory_space<vmem>>) target_semaphore(%run_scoped3A : memref<!tpu.dma_semaphore, #tpu.memory_space<semaphore_mem>>)
      %dma_wait3A_67 = tpu.memref_slice %arg3[%add3A_42] : memref<8192xi32, #tpu.memory_space<hbm>> -> memref<64xi32, #tpu.memory_space<hbm>>
      %dma_wait3A_68 = tpu.memref_slice %arg3[%add3A_42] : memref<8192xi32, #tpu.memory_space<hbm>> -> memref<64xi32, #tpu.memory_space<hbm>>
      tpu.wait_dma2 semaphore(%run_scoped3A : memref<!tpu.dma_semaphore, #tpu.memory_space<semaphore_mem>>) src(%dma_wait3A_68 : memref<64xi32, #tpu.memory_space<hbm>>) dst(%arg6 : memref<64xi32, #tpu.memory_space<vmem>>)
      tpu.yield
    }) : () -> ()
    %dma_start3A_47 = arith.constant 0 : i32
    %dma_start3A_48 = arith.constant 0 : i32
    %dma_start3A_49 = tpu.memref_slice %arg2[%dma_start3A_47, %dma_start3A_48] : memref<32768x640xf32, #tpu.memory_space<hbm>> -> memref<32768x640xf32, #tpu.memory_space<hbm>>
    tpu.enqueue_indirect_dma source(%dma_start3A_49 : memref<32768x640xf32, #tpu.memory_space<hbm>>) target(%arg8 : memref<64x640xf32, #tpu.memory_space<vmem>>) offsets(%arg6 : memref<64xi32, #tpu.memory_space<vmem>>) semaphore(%arg10 : memref<!tpu.dma_semaphore, #tpu.memory_space<semaphore_mem>>)
    %dma_wait3A_50 = arith.constant 0 : i32
    %dma_wait3A_51 = arith.constant 0 : i32
    %dma_wait3A_52 = tpu.memref_slice %arg2[%dma_wait3A_50, %dma_wait3A_51] : memref<32768x640xf32, #tpu.memory_space<hbm>> -> memref<32768x640xf32, #tpu.memory_space<hbm>>
    tpu.wait_indirect_dma semaphore(%arg10 : memref<!tpu.dma_semaphore, #tpu.memory_space<semaphore_mem>>) src(%dma_wait3A_52 : memref<32768x640xf32, #tpu.memory_space<hbm>>) dst(%arg8 : memref<64x640xf32, #tpu.memory_space<vmem>>)
    %dma_start3A_53 = arith.constant 0 : i32
    %dma_start3A_54 = tpu.memref_slice %arg4[%add3A_42, %dma_start3A_53] : memref<8192x640xf32, #tpu.memory_space<hbm>> -> memref<64x640xf32, #tpu.memory_space<hbm>>
    %dma_start3A_55 = arith.constant 0 : i32
    %dma_start3A_56 = tpu.memref_slice %arg4[%add3A_42, %dma_start3A_55] : memref<8192x640xf32, #tpu.memory_space<hbm>> -> memref<64x640xf32, #tpu.memory_space<hbm>>
    tpu.enqueue_dma source(%arg8 : memref<64x640xf32, #tpu.memory_space<vmem>>) target(%dma_start3A_56 : memref<64x640xf32, #tpu.memory_space<hbm>>) target_semaphore(%arg12 : memref<!tpu.dma_semaphore, #tpu.memory_space<semaphore_mem>>)
    %dma_wait3A_57 = arith.constant 0 : i32
    %dma_wait3A_58 = tpu.memref_slice %arg4[%add3A_26, %dma_wait3A_57] : memref<8192x640xf32, #tpu.memory_space<hbm>> -> memref<64x640xf32, #tpu.memory_space<hbm>>
    %dma_wait3A_59 = arith.constant 0 : i32
    %dma_wait3A_60 = tpu.memref_slice %arg4[%add3A_26, %dma_wait3A_59] : memref<8192x640xf32, #tpu.memory_space<hbm>> -> memref<64x640xf32, #tpu.memory_space<hbm>>
    tpu.wait_dma2 semaphore(%arg11 : memref<!tpu.dma_semaphore, #tpu.memory_space<semaphore_mem>>) src(%arg7 : memref<64x640xf32, #tpu.memory_space<vmem>>) dst(%dma_wait3A_60 : memref<64x640xf32, #tpu.memory_space<hbm>>)
    %dma_wait3A_61 = arith.constant 0 : i32
    %dma_wait3A_62 = tpu.memref_slice %arg4[%add3A_42, %dma_wait3A_61] : memref<8192x640xf32, #tpu.memory_space<hbm>> -> memref<64x640xf32, #tpu.memory_space<hbm>>
    %dma_wait3A_63 = arith.constant 0 : i32
    %dma_wait3A_64 = tpu.memref_slice %arg4[%add3A_42, %dma_wait3A_63] : memref<8192x640xf32, #tpu.memory_space<hbm>> -> memref<64x640xf32, #tpu.memory_space<hbm>>
    tpu.wait_dma2 semaphore(%arg12 : memref<!tpu.dma_semaphore, #tpu.memory_space<semaphore_mem>>) src(%arg8 : memref<64x640xf32, #tpu.memory_space<vmem>>) dst(%dma_wait3A_64 : memref<64x640xf32, #tpu.memory_space<hbm>>)
    return
  }
}

#map = affine_map<(d0, d1) -> (0, 0)>
#map1 = affine_map<(d0, d1) -> (0)>
module attributes {stable_mosaic.version = 14 : i64} {
  func.func @gather_kernel(%arg0: i32, %arg1: i32, %arg2: memref<32768x640xf32, #tpu.memory_space<hbm>>, %arg3: memref<8192xi32, #tpu.memory_space<hbm>>, %arg4: memref<8192x640xf32, #tpu.memory_space<hbm>>, %arg5: memref<64xi32, #tpu.memory_space<vmem>>, %arg6: memref<64xi32, #tpu.memory_space<vmem>>, %arg7: memref<64x640xf32, #tpu.memory_space<vmem>>, %arg8: memref<64x640xf32, #tpu.memory_space<vmem>>, %arg9: memref<!tpu.dma_semaphore, #tpu.memory_space<semaphore_mem>>, %arg10: memref<!tpu.dma_semaphore, #tpu.memory_space<semaphore_mem>>, %arg11: memref<!tpu.dma_semaphore, #tpu.memory_space<semaphore_mem>>, %arg12: memref<!tpu.dma_semaphore, #tpu.memory_space<semaphore_mem>>) attributes {dimension_semantics = [#tpu.dimension_semantics<core_parallel>, #tpu.dimension_semantics<subcore_parallel>], iteration_bounds = array<i64: 2, 16>, scalar_prefetch = 0 : i64, scratch_operands = 8 : i64, tpu.core_type = #tpu.core_type<sc_vector_subcore>, window_params = [{transform_indices = #map}, {transform_indices = #map1}, {transform_indices = #map}]} {
    %mul3A = arith.constant 2 : i32
    %mul3A_0 = arith.muli %arg1, %mul3A : i32
    %add3A = arith.addi %mul3A_0, %arg0 : i32
    %mul3A_1 = arith.constant 256 : i32
    %mul3A_2 = arith.muli %add3A, %mul3A_1 : i32
    %add3A_3 = arith.constant 0 : i32
    %add3A_4 = arith.addi %mul3A_2, %add3A_3 : i32
    "tpu.region"() ({
      %run_scoped3A = tpu.sem_alloc : memref<!tpu.dma_semaphore, #tpu.memory_space<semaphore_mem>>
      %dma_start3A_65 = tpu.memref_slice %arg3[%add3A_4] : memref<8192xi32, #tpu.memory_space<hbm>> -> memref<64xi32, #tpu.memory_space<hbm>>
      %dma_start3A_66 = tpu.memref_slice %arg3[%add3A_4] : memref<8192xi32, #tpu.memory_space<hbm>> -> memref<64xi32, #tpu.memory_space<hbm>>
      tpu.enqueue_dma source(%dma_start3A_66 : memref<64xi32, #tpu.memory_space<hbm>>) target(%arg5 : memref<64xi32, #tpu.memory_space<vmem>>) target_semaphore(%run_scoped3A : memref<!tpu.dma_semaphore, #tpu.memory_space<semaphore_mem>>)
      %dma_wait3A_67 = tpu.memref_slice %arg3[%add3A_4] : memref<8192xi32, #tpu.memory_space<hbm>> -> memref<64xi32, #tpu.memory_space<hbm>>
      %dma_wait3A_68 = tpu.memref_slice %arg3[%add3A_4] : memref<8192xi32, #tpu.memory_space<hbm>> -> memref<64xi32, #tpu.memory_space<hbm>>
      tpu.wait_dma2 semaphore(%run_scoped3A : memref<!tpu.dma_semaphore, #tpu.memory_space<semaphore_mem>>) src(%dma_wait3A_68 : memref<64xi32, #tpu.memory_space<hbm>>) dst(%arg5 : memref<64xi32, #tpu.memory_space<vmem>>)
      tpu.yield
    }) : () -> ()
    %dma_start3A = arith.constant 0 : i32
    %dma_start3A_5 = arith.constant 0 : i32
    %dma_start3A_6 = tpu.memref_slice %arg2[%dma_start3A, %dma_start3A_5] : memref<32768x640xf32, #tpu.memory_space<hbm>> -> memref<32768x640xf32, #tpu.memory_space<hbm>>
    tpu.enqueue_indirect_dma source(%dma_start3A_6 : memref<32768x640xf32, #tpu.memory_space<hbm>>) target(%arg7 : memref<64x640xf32, #tpu.memory_space<vmem>>) offsets(%arg5 : memref<64xi32, #tpu.memory_space<vmem>>) semaphore(%arg9 : memref<!tpu.dma_semaphore, #tpu.memory_space<semaphore_mem>>)
    %dma_wait3A = arith.constant 0 : i32
    %dma_wait3A_7 = arith.constant 0 : i32
    %dma_wait3A_8 = tpu.memref_slice %arg2[%dma_wait3A, %dma_wait3A_7] : memref<32768x640xf32, #tpu.memory_space<hbm>> -> memref<32768x640xf32, #tpu.memory_space<hbm>>
    tpu.wait_indirect_dma semaphore(%arg9 : memref<!tpu.dma_semaphore, #tpu.memory_space<semaphore_mem>>) src(%dma_wait3A_8 : memref<32768x640xf32, #tpu.memory_space<hbm>>) dst(%arg7 : memref<64x640xf32, #tpu.memory_space<vmem>>)
    %dma_start3A_9 = arith.constant 0 : i32
    %dma_start3A_10 = tpu.memref_slice %arg4[%add3A_4, %dma_start3A_9] : memref<8192x640xf32, #tpu.memory_space<hbm>> -> memref<64x640xf32, #tpu.memory_space<hbm>>
    %dma_start3A_11 = arith.constant 0 : i32
    %dma_start3A_12 = tpu.memref_slice %arg4[%add3A_4, %dma_start3A_11] : memref<8192x640xf32, #tpu.memory_space<hbm>> -> memref<64x640xf32, #tpu.memory_space<hbm>>
    tpu.enqueue_dma source(%arg7 : memref<64x640xf32, #tpu.memory_space<vmem>>) target(%dma_start3A_12 : memref<64x640xf32, #tpu.memory_space<hbm>>) target_semaphore(%arg11 : memref<!tpu.dma_semaphore, #tpu.memory_space<semaphore_mem>>)
    %add3A_13 = arith.constant 64 : i32
    %add3A_14 = arith.addi %mul3A_2, %add3A_13 : i32
    "tpu.region"() ({
      %run_scoped3A = tpu.sem_alloc : memref<!tpu.dma_semaphore, #tpu.memory_space<semaphore_mem>>
      %dma_start3A_65 = tpu.memref_slice %arg3[%add3A_14] : memref<8192xi32, #tpu.memory_space<hbm>> -> memref<64xi32, #tpu.memory_space<hbm>>
      %dma_start3A_66 = tpu.memref_slice %arg3[%add3A_14] : memref<8192xi32, #tpu.memory_space<hbm>> -> memref<64xi32, #tpu.memory_space<hbm>>
      tpu.enqueue_dma source(%dma_start3A_66 : memref<64xi32, #tpu.memory_space<hbm>>) target(%arg6 : memref<64xi32, #tpu.memory_space<vmem>>) target_semaphore(%run_scoped3A : memref<!tpu.dma_semaphore, #tpu.memory_space<semaphore_mem>>)
      %dma_wait3A_67 = tpu.memref_slice %arg3[%add3A_14] : memref<8192xi32, #tpu.memory_space<hbm>> -> memref<64xi32, #tpu.memory_space<hbm>>
      %dma_wait3A_68 = tpu.memref_slice %arg3[%add3A_14] : memref<8192xi32, #tpu.memory_space<hbm>> -> memref<64xi32, #tpu.memory_space<hbm>>
      tpu.wait_dma2 semaphore(%run_scoped3A : memref<!tpu.dma_semaphore, #tpu.memory_space<semaphore_mem>>) src(%dma_wait3A_68 : memref<64xi32, #tpu.memory_space<hbm>>) dst(%arg6 : memref<64xi32, #tpu.memory_space<vmem>>)
      tpu.yield
    }) : () -> ()
    %dma_start3A_15 = arith.constant 0 : i32
    %dma_start3A_16 = arith.constant 0 : i32
    %dma_start3A_17 = tpu.memref_slice %arg2[%dma_start3A_15, %dma_start3A_16] : memref<32768x640xf32, #tpu.memory_space<hbm>> -> memref<32768x640xf32, #tpu.memory_space<hbm>>
    tpu.enqueue_indirect_dma source(%dma_start3A_17 : memref<32768x640xf32, #tpu.memory_space<hbm>>) target(%arg8 : memref<64x640xf32, #tpu.memory_space<vmem>>) offsets(%arg6 : memref<64xi32, #tpu.memory_space<vmem>>) semaphore(%arg10 : memref<!tpu.dma_semaphore, #tpu.memory_space<semaphore_mem>>)
    %dma_wait3A_18 = arith.constant 0 : i32
    %dma_wait3A_19 = arith.constant 0 : i32
    %dma_wait3A_20 = tpu.memref_slice %arg2[%dma_wait3A_18, %dma_wait3A_19] : memref<32768x640xf32, #tpu.memory_space<hbm>> -> memref<32768x640xf32, #tpu.memory_space<hbm>>
    tpu.wait_indirect_dma semaphore(%arg10 : memref<!tpu.dma_semaphore, #tpu.memory_space<semaphore_mem>>) src(%dma_wait3A_20 : memref<32768x640xf32, #tpu.memory_space<hbm>>) dst(%arg8 : memref<64x640xf32, #tpu.memory_space<vmem>>)
    %dma_start3A_21 = arith.constant 0 : i32
    %dma_start3A_22 = tpu.memref_slice %arg4[%add3A_14, %dma_start3A_21] : memref<8192x640xf32, #tpu.memory_space<hbm>> -> memref<64x640xf32, #tpu.memory_space<hbm>>
    %dma_start3A_23 = arith.constant 0 : i32
    %dma_start3A_24 = tpu.memref_slice %arg4[%add3A_14, %dma_start3A_23] : memref<8192x640xf32, #tpu.memory_space<hbm>> -> memref<64x640xf32, #tpu.memory_space<hbm>>
    tpu.enqueue_dma source(%arg8 : memref<64x640xf32, #tpu.memory_space<vmem>>) target(%dma_start3A_24 : memref<64x640xf32, #tpu.memory_space<hbm>>) target_semaphore(%arg12 : memref<!tpu.dma_semaphore, #tpu.memory_space<semaphore_mem>>)
    %add3A_25 = arith.constant 128 : i32
    %add3A_26 = arith.addi %mul3A_2, %add3A_25 : i32
    %dma_wait3A_27 = arith.constant 0 : i32
    %dma_wait3A_28 = tpu.memref_slice %arg4[%add3A_4, %dma_wait3A_27] : memref<8192x640xf32, #tpu.memory_space<hbm>> -> memref<64x640xf32, #tpu.memory_space<hbm>>
    %dma_wait3A_29 = arith.constant 0 : i32
    %dma_wait3A_30 = tpu.memref_slice %arg4[%add3A_4, %dma_wait3A_29] : memref<8192x640xf32, #tpu.memory_space<hbm>> -> memref<64x640xf32, #tpu.memory_space<hbm>>
    tpu.wait_dma2 semaphore(%arg11 : memref<!tpu.dma_semaphore, #tpu.memory_space<semaphore_mem>>) src(%arg7 : memref<64x640xf32, #tpu.memory_space<vmem>>) dst(%dma_wait3A_30 : memref<64x640xf32, #tpu.memory_space<hbm>>)
    "tpu.region"() ({
      %run_scoped3A = tpu.sem_alloc : memref<!tpu.dma_semaphore, #tpu.memory_space<semaphore_mem>>
      %dma_start3A_65 = tpu.memref_slice %arg3[%add3A_26] : memref<8192xi32, #tpu.memory_space<hbm>> -> memref<64xi32, #tpu.memory_space<hbm>>
      %dma_start3A_66 = tpu.memref_slice %arg3[%add3A_26] : memref<8192xi32, #tpu.memory_space<hbm>> -> memref<64xi32, #tpu.memory_space<hbm>>
      tpu.enqueue_dma source(%dma_start3A_66 : memref<64xi32, #tpu.memory_space<hbm>>) target(%arg5 : memref<64xi32, #tpu.memory_space<vmem>>) target_semaphore(%run_scoped3A : memref<!tpu.dma_semaphore, #tpu.memory_space<semaphore_mem>>)
      %dma_wait3A_67 = tpu.memref_slice %arg3[%add3A_26] : memref<8192xi32, #tpu.memory_space<hbm>> -> memref<64xi32, #tpu.memory_space<hbm>>
      %dma_wait3A_68 = tpu.memref_slice %arg3[%add3A_26] : memref<8192xi32, #tpu.memory_space<hbm>> -> memref<64xi32, #tpu.memory_space<hbm>>
      tpu.wait_dma2 semaphore(%run_scoped3A : memref<!tpu.dma_semaphore, #tpu.memory_space<semaphore_mem>>) src(%dma_wait3A_68 : memref<64xi32, #tpu.memory_space<hbm>>) dst(%arg5 : memref<64xi32, #tpu.memory_space<vmem>>)
      tpu.yield
    }) : () -> ()
    %dma_start3A_31 = arith.constant 0 : i32
    %dma_start3A_32 = arith.constant 0 : i32
    %dma_start3A_33 = tpu.memref_slice %arg2[%dma_start3A_31, %dma_start3A_32] : memref<32768x640xf32, #tpu.memory_space<hbm>> -> memref<32768x640xf32, #tpu.memory_space<hbm>>
    tpu.enqueue_indirect_dma source(%dma_start3A_33 : memref<32768x640xf32, #tpu.memory_space<hbm>>) target(%arg7 : memref<64x640xf32, #tpu.memory_space<vmem>>) offsets(%arg5 : memref<64xi32, #tpu.memory_space<vmem>>) semaphore(%arg9 : memref<!tpu.dma_semaphore, #tpu.memory_space<semaphore_mem>>)
    %dma_wait3A_34 = arith.constant 0 : i32
    %dma_wait3A_35 = arith.constant 0 : i32
    %dma_wait3A_36 = tpu.memref_slice %arg2[%dma_wait3A_34, %dma_wait3A_35] : memref<32768x640xf32, #tpu.memory_space<hbm>> -> memref<32768x640xf32, #tpu.memory_space<hbm>>
    tpu.wait_indirect_dma semaphore(%arg9 : memref<!tpu.dma_semaphore, #tpu.memory_space<semaphore_mem>>) src(%dma_wait3A_36 : memref<32768x640xf32, #tpu.memory_space<hbm>>) dst(%arg7 : memref<64x640xf32, #tpu.memory_space<vmem>>)
    %dma_start3A_37 = arith.constant 0 : i32
    %dma_start3A_38 = tpu.memref_slice %arg4[%add3A_26, %dma_start3A_37] : memref<8192x640xf32, #tpu.memory_space<hbm>> -> memref<64x640xf32, #tpu.memory_space<hbm>>
    %dma_start3A_39 = arith.constant 0 : i32
    %dma_start3A_40 = tpu.memref_slice %arg4[%add3A_26, %dma_start3A_39] : memref<8192x640xf32, #tpu.memory_space<hbm>> -> memref<64x640xf32, #tpu.memory_space<hbm>>
    tpu.enqueue_dma source(%arg7 : memref<64x640xf32, #tpu.memory_space<vmem>>) target(%dma_start3A_40 : memref<64x640xf32, #tpu.memory_space<hbm>>) target_semaphore(%arg11 : memref<!tpu.dma_semaphore, #tpu.memory_space<semaphore_mem>>)
    %add3A_41 = arith.constant 192 : i32
    %add3A_42 = arith.addi %mul3A_2, %add3A_41 : i32
    %dma_wait3A_43 = arith.constant 0 : i32
    %dma_wait3A_44 = tpu.memref_slice %arg4[%add3A_14, %dma_wait3A_43] : memref<8192x640xf32, #tpu.memory_space<hbm>> -> memref<64x640xf32, #tpu.memory_space<hbm>>
    %dma_wait3A_45 = arith.constant 0 : i32
    %dma_wait3A_46 = tpu.memref_slice %arg4[%add3A_14, %dma_wait3A_45] : memref<8192x640xf32, #tpu.memory_space<hbm>> -> memref<64x640xf32, #tpu.memory_space<hbm>>
    tpu.wait_dma2 semaphore(%arg12 : memref<!tpu.dma_semaphore, #tpu.memory_space<semaphore_mem>>) src(%arg8 : memref<64x640xf32, #tpu.memory_space<vmem>>) dst(%dma_wait3A_46 : memref<64x640xf32, #tpu.memory_space<hbm>>)
    "tpu.region"() ({
      %run_scoped3A = tpu.sem_alloc : memref<!tpu.dma_semaphore, #tpu.memory_space<semaphore_mem>>
      %dma_start3A_65 = tpu.memref_slice %arg3[%add3A_42] : memref<8192xi32, #tpu.memory_space<hbm>> -> memref<64xi32, #tpu.memory_space<hbm>>
      %dma_start3A_66 = tpu.memref_slice %arg3[%add3A_42] : memref<8192xi32, #tpu.memory_space<hbm>> -> memref<64xi32, #tpu.memory_space<hbm>>
      tpu.enqueue_dma source(%dma_start3A_66 : memref<64xi32, #tpu.memory_space<hbm>>) target(%arg6 : memref<64xi32, #tpu.memory_space<vmem>>) target_semaphore(%run_scoped3A : memref<!tpu.dma_semaphore, #tpu.memory_space<semaphore_mem>>)
      %dma_wait3A_67 = tpu.memref_slice %arg3[%add3A_42] : memref<8192xi32, #tpu.memory_space<hbm>> -> memref<64xi32, #tpu.memory_space<hbm>>
      %dma_wait3A_68 = tpu.memref_slice %arg3[%add3A_42] : memref<8192xi32, #tpu.memory_space<hbm>> -> memref<64xi32, #tpu.memory_space<hbm>>
      tpu.wait_dma2 semaphore(%run_scoped3A : memref<!tpu.dma_semaphore, #tpu.memory_space<semaphore_mem>>) src(%dma_wait3A_68 : memref<64xi32, #tpu.memory_space<hbm>>) dst(%arg6 : memref<64xi32, #tpu.memory_space<vmem>>)
      tpu.yield
    }) : () -> ()
    %dma_start3A_47 = arith.constant 0 : i32
    %dma_start3A_48 = arith.constant 0 : i32
    %dma_start3A_49 = tpu.memref_slice %arg2[%dma_start3A_47, %dma_start3A_48] : memref<32768x640xf32, #tpu.memory_space<hbm>> -> memref<32768x640xf32, #tpu.memory_space<hbm>>
    tpu.enqueue_indirect_dma source(%dma_start3A_49 : memref<32768x640xf32, #tpu.memory_space<hbm>>) target(%arg8 : memref<64x640xf32, #tpu.memory_space<vmem>>) offsets(%arg6 : memref<64xi32, #tpu.memory_space<vmem>>) semaphore(%arg10 : memref<!tpu.dma_semaphore, #tpu.memory_space<semaphore_mem>>)
    %dma_wait3A_50 = arith.constant 0 : i32
    %dma_wait3A_51 = arith.constant 0 : i32
    %dma_wait3A_52 = tpu.memref_slice %arg2[%dma_wait3A_50, %dma_wait3A_51] : memref<32768x640xf32, #tpu.memory_space<hbm>> -> memref<32768x640xf32, #tpu.memory_space<hbm>>
    tpu.wait_indirect_dma semaphore(%arg10 : memref<!tpu.dma_semaphore, #tpu.memory_space<semaphore_mem>>) src(%dma_wait3A_52 : memref<32768x640xf32, #tpu.memory_space<hbm>>) dst(%arg8 : memref<64x640xf32, #tpu.memory_space<vmem>>)
    %dma_start3A_53 = arith.constant 0 : i32
    %dma_start3A_54 = tpu.memref_slice %arg4[%add3A_42, %dma_start3A_53] : memref<8192x640xf32, #tpu.memory_space<hbm>> -> memref<64x640xf32, #tpu.memory_space<hbm>>
    %dma_start3A_55 = arith.constant 0 : i32
    %dma_start3A_56 = tpu.memref_slice %arg4[%add3A_42, %dma_start3A_55] : memref<8192x640xf32, #tpu.memory_space<hbm>> -> memref<64x640xf32, #tpu.memory_space<hbm>>
    tpu.enqueue_dma source(%arg8 : memref<64x640xf32, #tpu.memory_space<vmem>>) target(%dma_start3A_56 : memref<64x640xf32, #tpu.memory_space<hbm>>) target_semaphore(%arg12 : memref<!tpu.dma_semaphore, #tpu.memory_space<semaphore_mem>>)
    %dma_wait3A_57 = arith.constant 0 : i32
    %dma_wait3A_58 = tpu.memref_slice %arg4[%add3A_26, %dma_wait3A_57] : memref<8192x640xf32, #tpu.memory_space<hbm>> -> memref<64x640xf32, #tpu.memory_space<hbm>>
    %dma_wait3A_59 = arith.constant 0 : i32
    %dma_wait3A_60 = tpu.memref_slice %arg4[%add3A_26, %dma_wait3A_59] : memref<8192x640xf32, #tpu.memory_space<hbm>> -> memref<64x640xf32, #tpu.memory_space<hbm>>
    tpu.wait_dma2 semaphore(%arg11 : memref<!tpu.dma_semaphore, #tpu.memory_space<semaphore_mem>>) src(%arg7 : memref<64x640xf32, #tpu.memory_space<vmem>>) dst(%dma_wait3A_60 : memref<64x640xf32, #tpu.memory_space<hbm>>)
    %dma_wait3A_61 = arith.constant 0 : i32
    %dma_wait3A_62 = tpu.memref_slice %arg4[%add3A_42, %dma_wait3A_61] : memref<8192x640xf32, #tpu.memory_space<hbm>> -> memref<64x640xf32, #tpu.memory_space<hbm>>
    %dma_wait3A_63 = arith.constant 0 : i32
    %dma_wait3A_64 = tpu.memref_slice %arg4[%add3A_42, %dma_wait3A_63] : memref<8192x640xf32, #tpu.memory_space<hbm>> -> memref<64x640xf32, #tpu.memory_space<hbm>>
    tpu.wait_dma2 semaphore(%arg12 : memref<!tpu.dma_semaphore, #tpu.memory_space<semaphore_mem>>) src(%arg8 : memref<64x640xf32, #tpu.memory_space<vmem>>) dst(%dma_wait3A_64 : memref<64x640xf32, #tpu.memory_space<hbm>>)
    return
  }
}

#map = affine_map<(d0, d1) -> (0, 0)>
#map1 = affine_map<(d0, d1) -> (0)>
module attributes {stable_mosaic.version = 14 : i64} {
  func.func @gather_kernel(%arg0: i32, %arg1: i32, %arg2: memref<32768x640xf32, #tpu.memory_space<hbm>>, %arg3: memref<8192xi32, #tpu.memory_space<hbm>>, %arg4: memref<8192x640xf32, #tpu.memory_space<hbm>>, %arg5: memref<64xi32, #tpu.memory_space<vmem>>, %arg6: memref<64xi32, #tpu.memory_space<vmem>>, %arg7: memref<64x640xf32, #tpu.memory_space<vmem>>, %arg8: memref<64x640xf32, #tpu.memory_space<vmem>>, %arg9: memref<!tpu.dma_semaphore, #tpu.memory_space<semaphore_mem>>, %arg10: memref<!tpu.dma_semaphore, #tpu.memory_space<semaphore_mem>>, %arg11: memref<!tpu.dma_semaphore, #tpu.memory_space<semaphore_mem>>, %arg12: memref<!tpu.dma_semaphore, #tpu.memory_space<semaphore_mem>>) attributes {dimension_semantics = [#tpu.dimension_semantics<core_parallel>, #tpu.dimension_semantics<subcore_parallel>], iteration_bounds = array<i64: 2, 16>, scalar_prefetch = 0 : i64, scratch_operands = 8 : i64, tpu.core_type = #tpu.core_type<sc_vector_subcore>, window_params = [{transform_indices = #map}, {transform_indices = #map1}, {transform_indices = #map}]} {
    %mul3A = arith.constant 2 : i32
    %mul3A_0 = arith.muli %arg1, %mul3A : i32
    %add3A = arith.addi %mul3A_0, %arg0 : i32
    %mul3A_1 = arith.constant 256 : i32
    %mul3A_2 = arith.muli %add3A, %mul3A_1 : i32
    %add3A_3 = arith.constant 0 : i32
    %add3A_4 = arith.addi %mul3A_2, %add3A_3 : i32
    "tpu.region"() ({
      %run_scoped3A = tpu.sem_alloc : memref<!tpu.dma_semaphore, #tpu.memory_space<semaphore_mem>>
      %dma_start3A_65 = tpu.memref_slice %arg3[%add3A_4] : memref<8192xi32, #tpu.memory_space<hbm>> -> memref<64xi32, #tpu.memory_space<hbm>>
      %dma_start3A_66 = tpu.memref_slice %arg3[%add3A_4] : memref<8192xi32, #tpu.memory_space<hbm>> -> memref<64xi32, #tpu.memory_space<hbm>>
      tpu.enqueue_dma source(%dma_start3A_66 : memref<64xi32, #tpu.memory_space<hbm>>) target(%arg5 : memref<64xi32, #tpu.memory_space<vmem>>) target_semaphore(%run_scoped3A : memref<!tpu.dma_semaphore, #tpu.memory_space<semaphore_mem>>)
      %dma_wait3A_67 = tpu.memref_slice %arg3[%add3A_4] : memref<8192xi32, #tpu.memory_space<hbm>> -> memref<64xi32, #tpu.memory_space<hbm>>
      %dma_wait3A_68 = tpu.memref_slice %arg3[%add3A_4] : memref<8192xi32, #tpu.memory_space<hbm>> -> memref<64xi32, #tpu.memory_space<hbm>>
      tpu.wait_dma2 semaphore(%run_scoped3A : memref<!tpu.dma_semaphore, #tpu.memory_space<semaphore_mem>>) src(%dma_wait3A_68 : memref<64xi32, #tpu.memory_space<hbm>>) dst(%arg5 : memref<64xi32, #tpu.memory_space<vmem>>)
      tpu.yield
    }) : () -> ()
    %dma_start3A = arith.constant 0 : i32
    %dma_start3A_5 = arith.constant 0 : i32
    %dma_start3A_6 = tpu.memref_slice %arg2[%dma_start3A, %dma_start3A_5] : memref<32768x640xf32, #tpu.memory_space<hbm>> -> memref<32768x640xf32, #tpu.memory_space<hbm>>
    tpu.enqueue_indirect_dma source(%dma_start3A_6 : memref<32768x640xf32, #tpu.memory_space<hbm>>) target(%arg7 : memref<64x640xf32, #tpu.memory_space<vmem>>) offsets(%arg5 : memref<64xi32, #tpu.memory_space<vmem>>) semaphore(%arg9 : memref<!tpu.dma_semaphore, #tpu.memory_space<semaphore_mem>>)
    %dma_wait3A = arith.constant 0 : i32
    %dma_wait3A_7 = arith.constant 0 : i32
    %dma_wait3A_8 = tpu.memref_slice %arg2[%dma_wait3A, %dma_wait3A_7] : memref<32768x640xf32, #tpu.memory_space<hbm>> -> memref<32768x640xf32, #tpu.memory_space<hbm>>
    tpu.wait_indirect_dma semaphore(%arg9 : memref<!tpu.dma_semaphore, #tpu.memory_space<semaphore_mem>>) src(%dma_wait3A_8 : memref<32768x640xf32, #tpu.memory_space<hbm>>) dst(%arg7 : memref<64x640xf32, #tpu.memory_space<vmem>>)
    %dma_start3A_9 = arith.constant 0 : i32
    %dma_start3A_10 = tpu.memref_slice %arg4[%add3A_4, %dma_start3A_9] : memref<8192x640xf32, #tpu.memory_space<hbm>> -> memref<64x640xf32, #tpu.memory_space<hbm>>
    %dma_start3A_11 = arith.constant 0 : i32
    %dma_start3A_12 = tpu.memref_slice %arg4[%add3A_4, %dma_start3A_11] : memref<8192x640xf32, #tpu.memory_space<hbm>> -> memref<64x640xf32, #tpu.memory_space<hbm>>
    tpu.enqueue_dma source(%arg7 : memref<64x640xf32, #tpu.memory_space<vmem>>) target(%dma_start3A_12 : memref<64x640xf32, #tpu.memory_space<hbm>>) target_semaphore(%arg11 : memref<!tpu.dma_semaphore, #tpu.memory_space<semaphore_mem>>)
    %add3A_13 = arith.constant 64 : i32
    %add3A_14 = arith.addi %mul3A_2, %add3A_13 : i32
    "tpu.region"() ({
      %run_scoped3A = tpu.sem_alloc : memref<!tpu.dma_semaphore, #tpu.memory_space<semaphore_mem>>
      %dma_start3A_65 = tpu.memref_slice %arg3[%add3A_14] : memref<8192xi32, #tpu.memory_space<hbm>> -> memref<64xi32, #tpu.memory_space<hbm>>
      %dma_start3A_66 = tpu.memref_slice %arg3[%add3A_14] : memref<8192xi32, #tpu.memory_space<hbm>> -> memref<64xi32, #tpu.memory_space<hbm>>
      tpu.enqueue_dma source(%dma_start3A_66 : memref<64xi32, #tpu.memory_space<hbm>>) target(%arg6 : memref<64xi32, #tpu.memory_space<vmem>>) target_semaphore(%run_scoped3A : memref<!tpu.dma_semaphore, #tpu.memory_space<semaphore_mem>>)
      %dma_wait3A_67 = tpu.memref_slice %arg3[%add3A_14] : memref<8192xi32, #tpu.memory_space<hbm>> -> memref<64xi32, #tpu.memory_space<hbm>>
      %dma_wait3A_68 = tpu.memref_slice %arg3[%add3A_14] : memref<8192xi32, #tpu.memory_space<hbm>> -> memref<64xi32, #tpu.memory_space<hbm>>
      tpu.wait_dma2 semaphore(%run_scoped3A : memref<!tpu.dma_semaphore, #tpu.memory_space<semaphore_mem>>) src(%dma_wait3A_68 : memref<64xi32, #tpu.memory_space<hbm>>) dst(%arg6 : memref<64xi32, #tpu.memory_space<vmem>>)
      tpu.yield
    }) : () -> ()
    %dma_start3A_15 = arith.constant 0 : i32
    %dma_start3A_16 = arith.constant 0 : i32
    %dma_start3A_17 = tpu.memref_slice %arg2[%dma_start3A_15, %dma_start3A_16] : memref<32768x640xf32, #tpu.memory_space<hbm>> -> memref<32768x640xf32, #tpu.memory_space<hbm>>
    tpu.enqueue_indirect_dma source(%dma_start3A_17 : memref<32768x640xf32, #tpu.memory_space<hbm>>) target(%arg8 : memref<64x640xf32, #tpu.memory_space<vmem>>) offsets(%arg6 : memref<64xi32, #tpu.memory_space<vmem>>) semaphore(%arg10 : memref<!tpu.dma_semaphore, #tpu.memory_space<semaphore_mem>>)
    %dma_wait3A_18 = arith.constant 0 : i32
    %dma_wait3A_19 = arith.constant 0 : i32
    %dma_wait3A_20 = tpu.memref_slice %arg2[%dma_wait3A_18, %dma_wait3A_19] : memref<32768x640xf32, #tpu.memory_space<hbm>> -> memref<32768x640xf32, #tpu.memory_space<hbm>>
    tpu.wait_indirect_dma semaphore(%arg10 : memref<!tpu.dma_semaphore, #tpu.memory_space<semaphore_mem>>) src(%dma_wait3A_20 : memref<32768x640xf32, #tpu.memory_space<hbm>>) dst(%arg8 : memref<64x640xf32, #tpu.memory_space<vmem>>)
    %dma_start3A_21 = arith.constant 0 : i32
    %dma_start3A_22 = tpu.memref_slice %arg4[%add3A_14, %dma_start3A_21] : memref<8192x640xf32, #tpu.memory_space<hbm>> -> memref<64x640xf32, #tpu.memory_space<hbm>>
    %dma_start3A_23 = arith.constant 0 : i32
    %dma_start3A_24 = tpu.memref_slice %arg4[%add3A_14, %dma_start3A_23] : memref<8192x640xf32, #tpu.memory_space<hbm>> -> memref<64x640xf32, #tpu.memory_space<hbm>>
    tpu.enqueue_dma source(%arg8 : memref<64x640xf32, #tpu.memory_space<vmem>>) target(%dma_start3A_24 : memref<64x640xf32, #tpu.memory_space<hbm>>) target_semaphore(%arg12 : memref<!tpu.dma_semaphore, #tpu.memory_space<semaphore_mem>>)
    %add3A_25 = arith.constant 128 : i32
    %add3A_26 = arith.addi %mul3A_2, %add3A_25 : i32
    %dma_wait3A_27 = arith.constant 0 : i32
    %dma_wait3A_28 = tpu.memref_slice %arg4[%add3A_4, %dma_wait3A_27] : memref<8192x640xf32, #tpu.memory_space<hbm>> -> memref<64x640xf32, #tpu.memory_space<hbm>>
    %dma_wait3A_29 = arith.constant 0 : i32
    %dma_wait3A_30 = tpu.memref_slice %arg4[%add3A_4, %dma_wait3A_29] : memref<8192x640xf32, #tpu.memory_space<hbm>> -> memref<64x640xf32, #tpu.memory_space<hbm>>
    tpu.wait_dma2 semaphore(%arg11 : memref<!tpu.dma_semaphore, #tpu.memory_space<semaphore_mem>>) src(%arg7 : memref<64x640xf32, #tpu.memory_space<vmem>>) dst(%dma_wait3A_30 : memref<64x640xf32, #tpu.memory_space<hbm>>)
    "tpu.region"() ({
      %run_scoped3A = tpu.sem_alloc : memref<!tpu.dma_semaphore, #tpu.memory_space<semaphore_mem>>
      %dma_start3A_65 = tpu.memref_slice %arg3[%add3A_26] : memref<8192xi32, #tpu.memory_space<hbm>> -> memref<64xi32, #tpu.memory_space<hbm>>
      %dma_start3A_66 = tpu.memref_slice %arg3[%add3A_26] : memref<8192xi32, #tpu.memory_space<hbm>> -> memref<64xi32, #tpu.memory_space<hbm>>
      tpu.enqueue_dma source(%dma_start3A_66 : memref<64xi32, #tpu.memory_space<hbm>>) target(%arg5 : memref<64xi32, #tpu.memory_space<vmem>>) target_semaphore(%run_scoped3A : memref<!tpu.dma_semaphore, #tpu.memory_space<semaphore_mem>>)
      %dma_wait3A_67 = tpu.memref_slice %arg3[%add3A_26] : memref<8192xi32, #tpu.memory_space<hbm>> -> memref<64xi32, #tpu.memory_space<hbm>>
      %dma_wait3A_68 = tpu.memref_slice %arg3[%add3A_26] : memref<8192xi32, #tpu.memory_space<hbm>> -> memref<64xi32, #tpu.memory_space<hbm>>
      tpu.wait_dma2 semaphore(%run_scoped3A : memref<!tpu.dma_semaphore, #tpu.memory_space<semaphore_mem>>) src(%dma_wait3A_68 : memref<64xi32, #tpu.memory_space<hbm>>) dst(%arg5 : memref<64xi32, #tpu.memory_space<vmem>>)
      tpu.yield
    }) : () -> ()
    %dma_start3A_31 = arith.constant 0 : i32
    %dma_start3A_32 = arith.constant 0 : i32
    %dma_start3A_33 = tpu.memref_slice %arg2[%dma_start3A_31, %dma_start3A_32] : memref<32768x640xf32, #tpu.memory_space<hbm>> -> memref<32768x640xf32, #tpu.memory_space<hbm>>
    tpu.enqueue_indirect_dma source(%dma_start3A_33 : memref<32768x640xf32, #tpu.memory_space<hbm>>) target(%arg7 : memref<64x640xf32, #tpu.memory_space<vmem>>) offsets(%arg5 : memref<64xi32, #tpu.memory_space<vmem>>) semaphore(%arg9 : memref<!tpu.dma_semaphore, #tpu.memory_space<semaphore_mem>>)
    %dma_wait3A_34 = arith.constant 0 : i32
    %dma_wait3A_35 = arith.constant 0 : i32
    %dma_wait3A_36 = tpu.memref_slice %arg2[%dma_wait3A_34, %dma_wait3A_35] : memref<32768x640xf32, #tpu.memory_space<hbm>> -> memref<32768x640xf32, #tpu.memory_space<hbm>>
    tpu.wait_indirect_dma semaphore(%arg9 : memref<!tpu.dma_semaphore, #tpu.memory_space<semaphore_mem>>) src(%dma_wait3A_36 : memref<32768x640xf32, #tpu.memory_space<hbm>>) dst(%arg7 : memref<64x640xf32, #tpu.memory_space<vmem>>)
    %dma_start3A_37 = arith.constant 0 : i32
    %dma_start3A_38 = tpu.memref_slice %arg4[%add3A_26, %dma_start3A_37] : memref<8192x640xf32, #tpu.memory_space<hbm>> -> memref<64x640xf32, #tpu.memory_space<hbm>>
    %dma_start3A_39 = arith.constant 0 : i32
    %dma_start3A_40 = tpu.memref_slice %arg4[%add3A_26, %dma_start3A_39] : memref<8192x640xf32, #tpu.memory_space<hbm>> -> memref<64x640xf32, #tpu.memory_space<hbm>>
    tpu.enqueue_dma source(%arg7 : memref<64x640xf32, #tpu.memory_space<vmem>>) target(%dma_start3A_40 : memref<64x640xf32, #tpu.memory_space<hbm>>) target_semaphore(%arg11 : memref<!tpu.dma_semaphore, #tpu.memory_space<semaphore_mem>>)
    %add3A_41 = arith.constant 192 : i32
    %add3A_42 = arith.addi %mul3A_2, %add3A_41 : i32
    %dma_wait3A_43 = arith.constant 0 : i32
    %dma_wait3A_44 = tpu.memref_slice %arg4[%add3A_14, %dma_wait3A_43] : memref<8192x640xf32, #tpu.memory_space<hbm>> -> memref<64x640xf32, #tpu.memory_space<hbm>>
    %dma_wait3A_45 = arith.constant 0 : i32
    %dma_wait3A_46 = tpu.memref_slice %arg4[%add3A_14, %dma_wait3A_45] : memref<8192x640xf32, #tpu.memory_space<hbm>> -> memref<64x640xf32, #tpu.memory_space<hbm>>
    tpu.wait_dma2 semaphore(%arg12 : memref<!tpu.dma_semaphore, #tpu.memory_space<semaphore_mem>>) src(%arg8 : memref<64x640xf32, #tpu.memory_space<vmem>>) dst(%dma_wait3A_46 : memref<64x640xf32, #tpu.memory_space<hbm>>)
    "tpu.region"() ({
      %run_scoped3A = tpu.sem_alloc : memref<!tpu.dma_semaphore, #tpu.memory_space<semaphore_mem>>
      %dma_start3A_65 = tpu.memref_slice %arg3[%add3A_42] : memref<8192xi32, #tpu.memory_space<hbm>> -> memref<64xi32, #tpu.memory_space<hbm>>
      %dma_start3A_66 = tpu.memref_slice %arg3[%add3A_42] : memref<8192xi32, #tpu.memory_space<hbm>> -> memref<64xi32, #tpu.memory_space<hbm>>
      tpu.enqueue_dma source(%dma_start3A_66 : memref<64xi32, #tpu.memory_space<hbm>>) target(%arg6 : memref<64xi32, #tpu.memory_space<vmem>>) target_semaphore(%run_scoped3A : memref<!tpu.dma_semaphore, #tpu.memory_space<semaphore_mem>>)
      %dma_wait3A_67 = tpu.memref_slice %arg3[%add3A_42] : memref<8192xi32, #tpu.memory_space<hbm>> -> memref<64xi32, #tpu.memory_space<hbm>>
      %dma_wait3A_68 = tpu.memref_slice %arg3[%add3A_42] : memref<8192xi32, #tpu.memory_space<hbm>> -> memref<64xi32, #tpu.memory_space<hbm>>
      tpu.wait_dma2 semaphore(%run_scoped3A : memref<!tpu.dma_semaphore, #tpu.memory_space<semaphore_mem>>) src(%dma_wait3A_68 : memref<64xi32, #tpu.memory_space<hbm>>) dst(%arg6 : memref<64xi32, #tpu.memory_space<vmem>>)
      tpu.yield
    }) : () -> ()
    %dma_start3A_47 = arith.constant 0 : i32
    %dma_start3A_48 = arith.constant 0 : i32
    %dma_start3A_49 = tpu.memref_slice %arg2[%dma_start3A_47, %dma_start3A_48] : memref<32768x640xf32, #tpu.memory_space<hbm>> -> memref<32768x640xf32, #tpu.memory_space<hbm>>
    tpu.enqueue_indirect_dma source(%dma_start3A_49 : memref<32768x640xf32, #tpu.memory_space<hbm>>) target(%arg8 : memref<64x640xf32, #tpu.memory_space<vmem>>) offsets(%arg6 : memref<64xi32, #tpu.memory_space<vmem>>) semaphore(%arg10 : memref<!tpu.dma_semaphore, #tpu.memory_space<semaphore_mem>>)
    %dma_wait3A_50 = arith.constant 0 : i32
    %dma_wait3A_51 = arith.constant 0 : i32
    %dma_wait3A_52 = tpu.memref_slice %arg2[%dma_wait3A_50, %dma_wait3A_51] : memref<32768x640xf32, #tpu.memory_space<hbm>> -> memref<32768x640xf32, #tpu.memory_space<hbm>>
    tpu.wait_indirect_dma semaphore(%arg10 : memref<!tpu.dma_semaphore, #tpu.memory_space<semaphore_mem>>) src(%dma_wait3A_52 : memref<32768x640xf32, #tpu.memory_space<hbm>>) dst(%arg8 : memref<64x640xf32, #tpu.memory_space<vmem>>)
    %dma_start3A_53 = arith.constant 0 : i32
    %dma_start3A_54 = tpu.memref_slice %arg4[%add3A_42, %dma_start3A_53] : memref<8192x640xf32, #tpu.memory_space<hbm>> -> memref<64x640xf32, #tpu.memory_space<hbm>>
    %dma_start3A_55 = arith.constant 0 : i32
    %dma_start3A_56 = tpu.memref_slice %arg4[%add3A_42, %dma_start3A_55] : memref<8192x640xf32, #tpu.memory_space<hbm>> -> memref<64x640xf32, #tpu.memory_space<hbm>>
    tpu.enqueue_dma source(%arg8 : memref<64x640xf32, #tpu.memory_space<vmem>>) target(%dma_start3A_56 : memref<64x640xf32, #tpu.memory_space<hbm>>) target_semaphore(%arg12 : memref<!tpu.dma_semaphore, #tpu.memory_space<semaphore_mem>>)
    %dma_wait3A_57 = arith.constant 0 : i32
    %dma_wait3A_58 = tpu.memref_slice %arg4[%add3A_26, %dma_wait3A_57] : memref<8192x640xf32, #tpu.memory_space<hbm>> -> memref<64x640xf32, #tpu.memory_space<hbm>>
    %dma_wait3A_59 = arith.constant 0 : i32
    %dma_wait3A_60 = tpu.memref_slice %arg4[%add3A_26, %dma_wait3A_59] : memref<8192x640xf32, #tpu.memory_space<hbm>> -> memref<64x640xf32, #tpu.memory_space<hbm>>
    tpu.wait_dma2 semaphore(%arg11 : memref<!tpu.dma_semaphore, #tpu.memory_space<semaphore_mem>>) src(%arg7 : memref<64x640xf32, #tpu.memory_space<vmem>>) dst(%dma_wait3A_60 : memref<64x640xf32, #tpu.memory_space<hbm>>)
    %dma_wait3A_61 = arith.constant 0 : i32
    %dma_wait3A_62 = tpu.memref_slice %arg4[%add3A_42, %dma_wait3A_61] : memref<8192x640xf32, #tpu.memory_space<hbm>> -> memref<64x640xf32, #tpu.memory_space<hbm>>
    %dma_wait3A_63 = arith.constant 0 : i32
    %dma_wait3A_64 = tpu.memref_slice %arg4[%add3A_42, %dma_wait3A_63] : memref<8192x640xf32, #tpu.memory_space<hbm>> -> memref<64x640xf32, #tpu.memory_space<hbm>>
    tpu.wait_dma2 semaphore(%arg12 : memref<!tpu.dma_semaphore, #tpu.memory_space<semaphore_mem>>) src(%arg8 : memref<64x640xf32, #tpu.memory_space<vmem>>) dst(%dma_wait3A_64 : memref<64x640xf32, #tpu.memory_space<hbm>>)
    return
  }
}

#map = affine_map<(d0, d1) -> (0, 0)>
#map1 = affine_map<(d0, d1) -> (0)>
module attributes {stable_mosaic.version = 14 : i64} {
  func.func @gather_kernel(%arg0: i32, %arg1: i32, %arg2: memref<32768x640xf32, #tpu.memory_space<hbm>>, %arg3: memref<8192xi32, #tpu.memory_space<hbm>>, %arg4: memref<8192x640xf32, #tpu.memory_space<hbm>>, %arg5: memref<64xi32, #tpu.memory_space<vmem>>, %arg6: memref<64xi32, #tpu.memory_space<vmem>>, %arg7: memref<64x640xf32, #tpu.memory_space<vmem>>, %arg8: memref<64x640xf32, #tpu.memory_space<vmem>>, %arg9: memref<!tpu.dma_semaphore, #tpu.memory_space<semaphore_mem>>, %arg10: memref<!tpu.dma_semaphore, #tpu.memory_space<semaphore_mem>>, %arg11: memref<!tpu.dma_semaphore, #tpu.memory_space<semaphore_mem>>, %arg12: memref<!tpu.dma_semaphore, #tpu.memory_space<semaphore_mem>>) attributes {dimension_semantics = [#tpu.dimension_semantics<core_parallel>, #tpu.dimension_semantics<subcore_parallel>], iteration_bounds = array<i64: 2, 16>, scalar_prefetch = 0 : i64, scratch_operands = 8 : i64, tpu.core_type = #tpu.core_type<sc_vector_subcore>, window_params = [{transform_indices = #map}, {transform_indices = #map1}, {transform_indices = #map}]} {
    %mul3A = arith.constant 2 : i32
    %mul3A_0 = arith.muli %arg1, %mul3A : i32
    %add3A = arith.addi %mul3A_0, %arg0 : i32
    %mul3A_1 = arith.constant 256 : i32
    %mul3A_2 = arith.muli %add3A, %mul3A_1 : i32
    %add3A_3 = arith.constant 0 : i32
    %add3A_4 = arith.addi %mul3A_2, %add3A_3 : i32
    "tpu.region"() ({
      %run_scoped3A = tpu.sem_alloc : memref<!tpu.dma_semaphore, #tpu.memory_space<semaphore_mem>>
      %dma_start3A_65 = tpu.memref_slice %arg3[%add3A_4] : memref<8192xi32, #tpu.memory_space<hbm>> -> memref<64xi32, #tpu.memory_space<hbm>>
      %dma_start3A_66 = tpu.memref_slice %arg3[%add3A_4] : memref<8192xi32, #tpu.memory_space<hbm>> -> memref<64xi32, #tpu.memory_space<hbm>>
      tpu.enqueue_dma source(%dma_start3A_66 : memref<64xi32, #tpu.memory_space<hbm>>) target(%arg5 : memref<64xi32, #tpu.memory_space<vmem>>) target_semaphore(%run_scoped3A : memref<!tpu.dma_semaphore, #tpu.memory_space<semaphore_mem>>)
      %dma_wait3A_67 = tpu.memref_slice %arg3[%add3A_4] : memref<8192xi32, #tpu.memory_space<hbm>> -> memref<64xi32, #tpu.memory_space<hbm>>
      %dma_wait3A_68 = tpu.memref_slice %arg3[%add3A_4] : memref<8192xi32, #tpu.memory_space<hbm>> -> memref<64xi32, #tpu.memory_space<hbm>>
      tpu.wait_dma2 semaphore(%run_scoped3A : memref<!tpu.dma_semaphore, #tpu.memory_space<semaphore_mem>>) src(%dma_wait3A_68 : memref<64xi32, #tpu.memory_space<hbm>>) dst(%arg5 : memref<64xi32, #tpu.memory_space<vmem>>)
      tpu.yield
    }) : () -> ()
    %dma_start3A = arith.constant 0 : i32
    %dma_start3A_5 = arith.constant 0 : i32
    %dma_start3A_6 = tpu.memref_slice %arg2[%dma_start3A, %dma_start3A_5] : memref<32768x640xf32, #tpu.memory_space<hbm>> -> memref<32768x640xf32, #tpu.memory_space<hbm>>
    tpu.enqueue_indirect_dma source(%dma_start3A_6 : memref<32768x640xf32, #tpu.memory_space<hbm>>) target(%arg7 : memref<64x640xf32, #tpu.memory_space<vmem>>) offsets(%arg5 : memref<64xi32, #tpu.memory_space<vmem>>) semaphore(%arg9 : memref<!tpu.dma_semaphore, #tpu.memory_space<semaphore_mem>>)
    %dma_wait3A = arith.constant 0 : i32
    %dma_wait3A_7 = arith.constant 0 : i32
    %dma_wait3A_8 = tpu.memref_slice %arg2[%dma_wait3A, %dma_wait3A_7] : memref<32768x640xf32, #tpu.memory_space<hbm>> -> memref<32768x640xf32, #tpu.memory_space<hbm>>
    tpu.wait_indirect_dma semaphore(%arg9 : memref<!tpu.dma_semaphore, #tpu.memory_space<semaphore_mem>>) src(%dma_wait3A_8 : memref<32768x640xf32, #tpu.memory_space<hbm>>) dst(%arg7 : memref<64x640xf32, #tpu.memory_space<vmem>>)
    %dma_start3A_9 = arith.constant 0 : i32
    %dma_start3A_10 = tpu.memref_slice %arg4[%add3A_4, %dma_start3A_9] : memref<8192x640xf32, #tpu.memory_space<hbm>> -> memref<64x640xf32, #tpu.memory_space<hbm>>
    %dma_start3A_11 = arith.constant 0 : i32
    %dma_start3A_12 = tpu.memref_slice %arg4[%add3A_4, %dma_start3A_11] : memref<8192x640xf32, #tpu.memory_space<hbm>> -> memref<64x640xf32, #tpu.memory_space<hbm>>
    tpu.enqueue_dma source(%arg7 : memref<64x640xf32, #tpu.memory_space<vmem>>) target(%dma_start3A_12 : memref<64x640xf32, #tpu.memory_space<hbm>>) target_semaphore(%arg11 : memref<!tpu.dma_semaphore, #tpu.memory_space<semaphore_mem>>)
    %add3A_13 = arith.constant 64 : i32
    %add3A_14 = arith.addi %mul3A_2, %add3A_13 : i32
    "tpu.region"() ({
      %run_scoped3A = tpu.sem_alloc : memref<!tpu.dma_semaphore, #tpu.memory_space<semaphore_mem>>
      %dma_start3A_65 = tpu.memref_slice %arg3[%add3A_14] : memref<8192xi32, #tpu.memory_space<hbm>> -> memref<64xi32, #tpu.memory_space<hbm>>
      %dma_start3A_66 = tpu.memref_slice %arg3[%add3A_14] : memref<8192xi32, #tpu.memory_space<hbm>> -> memref<64xi32, #tpu.memory_space<hbm>>
      tpu.enqueue_dma source(%dma_start3A_66 : memref<64xi32, #tpu.memory_space<hbm>>) target(%arg6 : memref<64xi32, #tpu.memory_space<vmem>>) target_semaphore(%run_scoped3A : memref<!tpu.dma_semaphore, #tpu.memory_space<semaphore_mem>>)
      %dma_wait3A_67 = tpu.memref_slice %arg3[%add3A_14] : memref<8192xi32, #tpu.memory_space<hbm>> -> memref<64xi32, #tpu.memory_space<hbm>>
      %dma_wait3A_68 = tpu.memref_slice %arg3[%add3A_14] : memref<8192xi32, #tpu.memory_space<hbm>> -> memref<64xi32, #tpu.memory_space<hbm>>
      tpu.wait_dma2 semaphore(%run_scoped3A : memref<!tpu.dma_semaphore, #tpu.memory_space<semaphore_mem>>) src(%dma_wait3A_68 : memref<64xi32, #tpu.memory_space<hbm>>) dst(%arg6 : memref<64xi32, #tpu.memory_space<vmem>>)
      tpu.yield
    }) : () -> ()
    %dma_start3A_15 = arith.constant 0 : i32
    %dma_start3A_16 = arith.constant 0 : i32
    %dma_start3A_17 = tpu.memref_slice %arg2[%dma_start3A_15, %dma_start3A_16] : memref<32768x640xf32, #tpu.memory_space<hbm>> -> memref<32768x640xf32, #tpu.memory_space<hbm>>
    tpu.enqueue_indirect_dma source(%dma_start3A_17 : memref<32768x640xf32, #tpu.memory_space<hbm>>) target(%arg8 : memref<64x640xf32, #tpu.memory_space<vmem>>) offsets(%arg6 : memref<64xi32, #tpu.memory_space<vmem>>) semaphore(%arg10 : memref<!tpu.dma_semaphore, #tpu.memory_space<semaphore_mem>>)
    %dma_wait3A_18 = arith.constant 0 : i32
    %dma_wait3A_19 = arith.constant 0 : i32
    %dma_wait3A_20 = tpu.memref_slice %arg2[%dma_wait3A_18, %dma_wait3A_19] : memref<32768x640xf32, #tpu.memory_space<hbm>> -> memref<32768x640xf32, #tpu.memory_space<hbm>>
    tpu.wait_indirect_dma semaphore(%arg10 : memref<!tpu.dma_semaphore, #tpu.memory_space<semaphore_mem>>) src(%dma_wait3A_20 : memref<32768x640xf32, #tpu.memory_space<hbm>>) dst(%arg8 : memref<64x640xf32, #tpu.memory_space<vmem>>)
    %dma_start3A_21 = arith.constant 0 : i32
    %dma_start3A_22 = tpu.memref_slice %arg4[%add3A_14, %dma_start3A_21] : memref<8192x640xf32, #tpu.memory_space<hbm>> -> memref<64x640xf32, #tpu.memory_space<hbm>>
    %dma_start3A_23 = arith.constant 0 : i32
    %dma_start3A_24 = tpu.memref_slice %arg4[%add3A_14, %dma_start3A_23] : memref<8192x640xf32, #tpu.memory_space<hbm>> -> memref<64x640xf32, #tpu.memory_space<hbm>>
    tpu.enqueue_dma source(%arg8 : memref<64x640xf32, #tpu.memory_space<vmem>>) target(%dma_start3A_24 : memref<64x640xf32, #tpu.memory_space<hbm>>) target_semaphore(%arg12 : memref<!tpu.dma_semaphore, #tpu.memory_space<semaphore_mem>>)
    %add3A_25 = arith.constant 128 : i32
    %add3A_26 = arith.addi %mul3A_2, %add3A_25 : i32
    %dma_wait3A_27 = arith.constant 0 : i32
    %dma_wait3A_28 = tpu.memref_slice %arg4[%add3A_4, %dma_wait3A_27] : memref<8192x640xf32, #tpu.memory_space<hbm>> -> memref<64x640xf32, #tpu.memory_space<hbm>>
    %dma_wait3A_29 = arith.constant 0 : i32
    %dma_wait3A_30 = tpu.memref_slice %arg4[%add3A_4, %dma_wait3A_29] : memref<8192x640xf32, #tpu.memory_space<hbm>> -> memref<64x640xf32, #tpu.memory_space<hbm>>
    tpu.wait_dma2 semaphore(%arg11 : memref<!tpu.dma_semaphore, #tpu.memory_space<semaphore_mem>>) src(%arg7 : memref<64x640xf32, #tpu.memory_space<vmem>>) dst(%dma_wait3A_30 : memref<64x640xf32, #tpu.memory_space<hbm>>)
    "tpu.region"() ({
      %run_scoped3A = tpu.sem_alloc : memref<!tpu.dma_semaphore, #tpu.memory_space<semaphore_mem>>
      %dma_start3A_65 = tpu.memref_slice %arg3[%add3A_26] : memref<8192xi32, #tpu.memory_space<hbm>> -> memref<64xi32, #tpu.memory_space<hbm>>
      %dma_start3A_66 = tpu.memref_slice %arg3[%add3A_26] : memref<8192xi32, #tpu.memory_space<hbm>> -> memref<64xi32, #tpu.memory_space<hbm>>
      tpu.enqueue_dma source(%dma_start3A_66 : memref<64xi32, #tpu.memory_space<hbm>>) target(%arg5 : memref<64xi32, #tpu.memory_space<vmem>>) target_semaphore(%run_scoped3A : memref<!tpu.dma_semaphore, #tpu.memory_space<semaphore_mem>>)
      %dma_wait3A_67 = tpu.memref_slice %arg3[%add3A_26] : memref<8192xi32, #tpu.memory_space<hbm>> -> memref<64xi32, #tpu.memory_space<hbm>>
      %dma_wait3A_68 = tpu.memref_slice %arg3[%add3A_26] : memref<8192xi32, #tpu.memory_space<hbm>> -> memref<64xi32, #tpu.memory_space<hbm>>
      tpu.wait_dma2 semaphore(%run_scoped3A : memref<!tpu.dma_semaphore, #tpu.memory_space<semaphore_mem>>) src(%dma_wait3A_68 : memref<64xi32, #tpu.memory_space<hbm>>) dst(%arg5 : memref<64xi32, #tpu.memory_space<vmem>>)
      tpu.yield
    }) : () -> ()
    %dma_start3A_31 = arith.constant 0 : i32
    %dma_start3A_32 = arith.constant 0 : i32
    %dma_start3A_33 = tpu.memref_slice %arg2[%dma_start3A_31, %dma_start3A_32] : memref<32768x640xf32, #tpu.memory_space<hbm>> -> memref<32768x640xf32, #tpu.memory_space<hbm>>
    tpu.enqueue_indirect_dma source(%dma_start3A_33 : memref<32768x640xf32, #tpu.memory_space<hbm>>) target(%arg7 : memref<64x640xf32, #tpu.memory_space<vmem>>) offsets(%arg5 : memref<64xi32, #tpu.memory_space<vmem>>) semaphore(%arg9 : memref<!tpu.dma_semaphore, #tpu.memory_space<semaphore_mem>>)
    %dma_wait3A_34 = arith.constant 0 : i32
    %dma_wait3A_35 = arith.constant 0 : i32
    %dma_wait3A_36 = tpu.memref_slice %arg2[%dma_wait3A_34, %dma_wait3A_35] : memref<32768x640xf32, #tpu.memory_space<hbm>> -> memref<32768x640xf32, #tpu.memory_space<hbm>>
    tpu.wait_indirect_dma semaphore(%arg9 : memref<!tpu.dma_semaphore, #tpu.memory_space<semaphore_mem>>) src(%dma_wait3A_36 : memref<32768x640xf32, #tpu.memory_space<hbm>>) dst(%arg7 : memref<64x640xf32, #tpu.memory_space<vmem>>)
    %dma_start3A_37 = arith.constant 0 : i32
    %dma_start3A_38 = tpu.memref_slice %arg4[%add3A_26, %dma_start3A_37] : memref<8192x640xf32, #tpu.memory_space<hbm>> -> memref<64x640xf32, #tpu.memory_space<hbm>>
    %dma_start3A_39 = arith.constant 0 : i32
    %dma_start3A_40 = tpu.memref_slice %arg4[%add3A_26, %dma_start3A_39] : memref<8192x640xf32, #tpu.memory_space<hbm>> -> memref<64x640xf32, #tpu.memory_space<hbm>>
    tpu.enqueue_dma source(%arg7 : memref<64x640xf32, #tpu.memory_space<vmem>>) target(%dma_start3A_40 : memref<64x640xf32, #tpu.memory_space<hbm>>) target_semaphore(%arg11 : memref<!tpu.dma_semaphore, #tpu.memory_space<semaphore_mem>>)
    %add3A_41 = arith.constant 192 : i32
    %add3A_42 = arith.addi %mul3A_2, %add3A_41 : i32
    %dma_wait3A_43 = arith.constant 0 : i32
    %dma_wait3A_44 = tpu.memref_slice %arg4[%add3A_14, %dma_wait3A_43] : memref<8192x640xf32, #tpu.memory_space<hbm>> -> memref<64x640xf32, #tpu.memory_space<hbm>>
    %dma_wait3A_45 = arith.constant 0 : i32
    %dma_wait3A_46 = tpu.memref_slice %arg4[%add3A_14, %dma_wait3A_45] : memref<8192x640xf32, #tpu.memory_space<hbm>> -> memref<64x640xf32, #tpu.memory_space<hbm>>
    tpu.wait_dma2 semaphore(%arg12 : memref<!tpu.dma_semaphore, #tpu.memory_space<semaphore_mem>>) src(%arg8 : memref<64x640xf32, #tpu.memory_space<vmem>>) dst(%dma_wait3A_46 : memref<64x640xf32, #tpu.memory_space<hbm>>)
    "tpu.region"() ({
      %run_scoped3A = tpu.sem_alloc : memref<!tpu.dma_semaphore, #tpu.memory_space<semaphore_mem>>
      %dma_start3A_65 = tpu.memref_slice %arg3[%add3A_42] : memref<8192xi32, #tpu.memory_space<hbm>> -> memref<64xi32, #tpu.memory_space<hbm>>
      %dma_start3A_66 = tpu.memref_slice %arg3[%add3A_42] : memref<8192xi32, #tpu.memory_space<hbm>> -> memref<64xi32, #tpu.memory_space<hbm>>
      tpu.enqueue_dma source(%dma_start3A_66 : memref<64xi32, #tpu.memory_space<hbm>>) target(%arg6 : memref<64xi32, #tpu.memory_space<vmem>>) target_semaphore(%run_scoped3A : memref<!tpu.dma_semaphore, #tpu.memory_space<semaphore_mem>>)
      %dma_wait3A_67 = tpu.memref_slice %arg3[%add3A_42] : memref<8192xi32, #tpu.memory_space<hbm>> -> memref<64xi32, #tpu.memory_space<hbm>>
      %dma_wait3A_68 = tpu.memref_slice %arg3[%add3A_42] : memref<8192xi32, #tpu.memory_space<hbm>> -> memref<64xi32, #tpu.memory_space<hbm>>
      tpu.wait_dma2 semaphore(%run_scoped3A : memref<!tpu.dma_semaphore, #tpu.memory_space<semaphore_mem>>) src(%dma_wait3A_68 : memref<64xi32, #tpu.memory_space<hbm>>) dst(%arg6 : memref<64xi32, #tpu.memory_space<vmem>>)
      tpu.yield
    }) : () -> ()
    %dma_start3A_47 = arith.constant 0 : i32
    %dma_start3A_48 = arith.constant 0 : i32
    %dma_start3A_49 = tpu.memref_slice %arg2[%dma_start3A_47, %dma_start3A_48] : memref<32768x640xf32, #tpu.memory_space<hbm>> -> memref<32768x640xf32, #tpu.memory_space<hbm>>
    tpu.enqueue_indirect_dma source(%dma_start3A_49 : memref<32768x640xf32, #tpu.memory_space<hbm>>) target(%arg8 : memref<64x640xf32, #tpu.memory_space<vmem>>) offsets(%arg6 : memref<64xi32, #tpu.memory_space<vmem>>) semaphore(%arg10 : memref<!tpu.dma_semaphore, #tpu.memory_space<semaphore_mem>>)
    %dma_wait3A_50 = arith.constant 0 : i32
    %dma_wait3A_51 = arith.constant 0 : i32
    %dma_wait3A_52 = tpu.memref_slice %arg2[%dma_wait3A_50, %dma_wait3A_51] : memref<32768x640xf32, #tpu.memory_space<hbm>> -> memref<32768x640xf32, #tpu.memory_space<hbm>>
    tpu.wait_indirect_dma semaphore(%arg10 : memref<!tpu.dma_semaphore, #tpu.memory_space<semaphore_mem>>) src(%dma_wait3A_52 : memref<32768x640xf32, #tpu.memory_space<hbm>>) dst(%arg8 : memref<64x640xf32, #tpu.memory_space<vmem>>)
    %dma_start3A_53 = arith.constant 0 : i32
    %dma_start3A_54 = tpu.memref_slice %arg4[%add3A_42, %dma_start3A_53] : memref<8192x640xf32, #tpu.memory_space<hbm>> -> memref<64x640xf32, #tpu.memory_space<hbm>>
    %dma_start3A_55 = arith.constant 0 : i32
    %dma_start3A_56 = tpu.memref_slice %arg4[%add3A_42, %dma_start3A_55] : memref<8192x640xf32, #tpu.memory_space<hbm>> -> memref<64x640xf32, #tpu.memory_space<hbm>>
    tpu.enqueue_dma source(%arg8 : memref<64x640xf32, #tpu.memory_space<vmem>>) target(%dma_start3A_56 : memref<64x640xf32, #tpu.memory_space<hbm>>) target_semaphore(%arg12 : memref<!tpu.dma_semaphore, #tpu.memory_space<semaphore_mem>>)
    %dma_wait3A_57 = arith.constant 0 : i32
    %dma_wait3A_58 = tpu.memref_slice %arg4[%add3A_26, %dma_wait3A_57] : memref<8192x640xf32, #tpu.memory_space<hbm>> -> memref<64x640xf32, #tpu.memory_space<hbm>>
    %dma_wait3A_59 = arith.constant 0 : i32
    %dma_wait3A_60 = tpu.memref_slice %arg4[%add3A_26, %dma_wait3A_59] : memref<8192x640xf32, #tpu.memory_space<hbm>> -> memref<64x640xf32, #tpu.memory_space<hbm>>
    tpu.wait_dma2 semaphore(%arg11 : memref<!tpu.dma_semaphore, #tpu.memory_space<semaphore_mem>>) src(%arg7 : memref<64x640xf32, #tpu.memory_space<vmem>>) dst(%dma_wait3A_60 : memref<64x640xf32, #tpu.memory_space<hbm>>)
    %dma_wait3A_61 = arith.constant 0 : i32
    %dma_wait3A_62 = tpu.memref_slice %arg4[%add3A_42, %dma_wait3A_61] : memref<8192x640xf32, #tpu.memory_space<hbm>> -> memref<64x640xf32, #tpu.memory_space<hbm>>
    %dma_wait3A_63 = arith.constant 0 : i32
    %dma_wait3A_64 = tpu.memref_slice %arg4[%add3A_42, %dma_wait3A_63] : memref<8192x640xf32, #tpu.memory_space<hbm>> -> memref<64x640xf32, #tpu.memory_space<hbm>>
    tpu.wait_dma2 semaphore(%arg12 : memref<!tpu.dma_semaphore, #tpu.memory_space<semaphore_mem>>) src(%arg8 : memref<64x640xf32, #tpu.memory_space<vmem>>) dst(%dma_wait3A_64 : memref<64x640xf32, #tpu.memory_space<hbm>>)
    return
  }
}

#map = affine_map<(d0, d1) -> (0, 0)>
#map1 = affine_map<(d0, d1) -> (0)>
module attributes {stable_mosaic.version = 14 : i64} {
  func.func @scatter_kernel(%arg0: i32, %arg1: i32, %arg2: memref<8192x256xf32, #tpu.memory_space<hbm>>, %arg3: memref<8192x256xf32, #tpu.memory_space<hbm>>, %arg4: memref<8192x256xf32, #tpu.memory_space<hbm>>, %arg5: memref<8192x256xf32, #tpu.memory_space<hbm>>, %arg6: memref<32768xi32, #tpu.memory_space<hbm>>, %arg7: memref<32768x256xf32, #tpu.memory_space<hbm>>, %arg8: memref<128xi32, #tpu.memory_space<vmem>>, %arg9: memref<128xi32, #tpu.memory_space<vmem>>, %arg10: memref<128x256xf32, #tpu.memory_space<vmem>>, %arg11: memref<128x256xf32, #tpu.memory_space<vmem>>, %arg12: memref<!tpu.dma_semaphore, #tpu.memory_space<semaphore_mem>>, %arg13: memref<!tpu.dma_semaphore, #tpu.memory_space<semaphore_mem>>, %arg14: memref<!tpu.dma_semaphore, #tpu.memory_space<semaphore_mem>>, %arg15: memref<!tpu.dma_semaphore, #tpu.memory_space<semaphore_mem>>) attributes {dimension_semantics = [#tpu.dimension_semantics<core_parallel>, #tpu.dimension_semantics<subcore_parallel>], iteration_bounds = array<i64: 2, 16>, scalar_prefetch = 0 : i64, scratch_operands = 8 : i64, tpu.core_type = #tpu.core_type<sc_vector_subcore>, window_params = [{transform_indices = #map}, {transform_indices = #map}, {transform_indices = #map}, {transform_indices = #map}, {transform_indices = #map1}, {transform_indices = #map}]} {
    %mul3A = arith.constant 2 : i32
    %mul3A_0 = arith.muli %arg1, %mul3A : i32
    %add3A = arith.addi %mul3A_0, %arg0 : i32
    %mul3A_1 = arith.constant 256 : i32
    %mul3A_2 = arith.muli %add3A, %mul3A_1 : i32
    %add3A_3 = arith.constant 0 : i32
    %add3A_4 = arith.addi %mul3A_2, %add3A_3 : i32
    %add3A_5 = arith.constant 0 : i32
    %add3A_6 = arith.addi %add3A_5, %add3A_4 : i32
    "tpu.region"() ({
      %run_scoped3A = tpu.sem_alloc : memref<!tpu.dma_semaphore, #tpu.memory_space<semaphore_mem>>
      %dma_start3A_151 = tpu.memref_slice %arg6[%add3A_6] : memref<32768xi32, #tpu.memory_space<hbm>> -> memref<128xi32, #tpu.memory_space<hbm>>
      %dma_start3A_152 = tpu.memref_slice %arg6[%add3A_6] : memref<32768xi32, #tpu.memory_space<hbm>> -> memref<128xi32, #tpu.memory_space<hbm>>
      tpu.enqueue_dma source(%dma_start3A_152 : memref<128xi32, #tpu.memory_space<hbm>>) target(%arg8 : memref<128xi32, #tpu.memory_space<vmem>>) target_semaphore(%run_scoped3A : memref<!tpu.dma_semaphore, #tpu.memory_space<semaphore_mem>>)
      %dma_wait3A_153 = tpu.memref_slice %arg6[%add3A_6] : memref<32768xi32, #tpu.memory_space<hbm>> -> memref<128xi32, #tpu.memory_space<hbm>>
      %dma_wait3A_154 = tpu.memref_slice %arg6[%add3A_6] : memref<32768xi32, #tpu.memory_space<hbm>> -> memref<128xi32, #tpu.memory_space<hbm>>
      tpu.wait_dma2 semaphore(%run_scoped3A : memref<!tpu.dma_semaphore, #tpu.memory_space<semaphore_mem>>) src(%dma_wait3A_154 : memref<128xi32, #tpu.memory_space<hbm>>) dst(%arg8 : memref<128xi32, #tpu.memory_space<vmem>>)
      tpu.yield
    }) : () -> ()
    %dma_start3A = arith.constant 0 : i32
    %dma_start3A_7 = tpu.memref_slice %arg2[%add3A_4, %dma_start3A] : memref<8192x256xf32, #tpu.memory_space<hbm>> -> memref<128x256xf32, #tpu.memory_space<hbm>>
    %dma_start3A_8 = arith.constant 0 : i32
    %dma_start3A_9 = tpu.memref_slice %arg2[%add3A_4, %dma_start3A_8] : memref<8192x256xf32, #tpu.memory_space<hbm>> -> memref<128x256xf32, #tpu.memory_space<hbm>>
    tpu.enqueue_dma source(%dma_start3A_9 : memref<128x256xf32, #tpu.memory_space<hbm>>) target(%arg10 : memref<128x256xf32, #tpu.memory_space<vmem>>) target_semaphore(%arg12 : memref<!tpu.dma_semaphore, #tpu.memory_space<semaphore_mem>>)
    %dma_wait3A = arith.constant 0 : i32
    %dma_wait3A_10 = tpu.memref_slice %arg2[%add3A_4, %dma_wait3A] : memref<8192x256xf32, #tpu.memory_space<hbm>> -> memref<128x256xf32, #tpu.memory_space<hbm>>
    %dma_wait3A_11 = arith.constant 0 : i32
    %dma_wait3A_12 = tpu.memref_slice %arg2[%add3A_4, %dma_wait3A_11] : memref<8192x256xf32, #tpu.memory_space<hbm>> -> memref<128x256xf32, #tpu.memory_space<hbm>>
    tpu.wait_dma2 semaphore(%arg12 : memref<!tpu.dma_semaphore, #tpu.memory_space<semaphore_mem>>) src(%dma_wait3A_12 : memref<128x256xf32, #tpu.memory_space<hbm>>) dst(%arg10 : memref<128x256xf32, #tpu.memory_space<vmem>>)
    %dma_start3A_13 = arith.constant 0 : i32
    %dma_start3A_14 = arith.constant 0 : i32
    %dma_start3A_15 = tpu.memref_slice %arg7[%dma_start3A_13, %dma_start3A_14] : memref<32768x256xf32, #tpu.memory_space<hbm>> -> memref<32768x256xf32, #tpu.memory_space<hbm>>
    tpu.enqueue_indirect_dma source(%arg10 : memref<128x256xf32, #tpu.memory_space<vmem>>) target(%dma_start3A_15 : memref<32768x256xf32, #tpu.memory_space<hbm>>) offsets(%arg8 : memref<128xi32, #tpu.memory_space<vmem>>) semaphore(%arg14 : memref<!tpu.dma_semaphore, #tpu.memory_space<semaphore_mem>>)
    %add3A_16 = arith.constant 128 : i32
    %add3A_17 = arith.addi %mul3A_2, %add3A_16 : i32
    %add3A_18 = arith.constant 0 : i32
    %add3A_19 = arith.addi %add3A_18, %add3A_17 : i32
    "tpu.region"() ({
      %run_scoped3A = tpu.sem_alloc : memref<!tpu.dma_semaphore, #tpu.memory_space<semaphore_mem>>
      %dma_start3A_151 = tpu.memref_slice %arg6[%add3A_19] : memref<32768xi32, #tpu.memory_space<hbm>> -> memref<128xi32, #tpu.memory_space<hbm>>
      %dma_start3A_152 = tpu.memref_slice %arg6[%add3A_19] : memref<32768xi32, #tpu.memory_space<hbm>> -> memref<128xi32, #tpu.memory_space<hbm>>
      tpu.enqueue_dma source(%dma_start3A_152 : memref<128xi32, #tpu.memory_space<hbm>>) target(%arg9 : memref<128xi32, #tpu.memory_space<vmem>>) target_semaphore(%run_scoped3A : memref<!tpu.dma_semaphore, #tpu.memory_space<semaphore_mem>>)
      %dma_wait3A_153 = tpu.memref_slice %arg6[%add3A_19] : memref<32768xi32, #tpu.memory_space<hbm>> -> memref<128xi32, #tpu.memory_space<hbm>>
      %dma_wait3A_154 = tpu.memref_slice %arg6[%add3A_19] : memref<32768xi32, #tpu.memory_space<hbm>> -> memref<128xi32, #tpu.memory_space<hbm>>
      tpu.wait_dma2 semaphore(%run_scoped3A : memref<!tpu.dma_semaphore, #tpu.memory_space<semaphore_mem>>) src(%dma_wait3A_154 : memref<128xi32, #tpu.memory_space<hbm>>) dst(%arg9 : memref<128xi32, #tpu.memory_space<vmem>>)
      tpu.yield
    }) : () -> ()
    %dma_start3A_20 = arith.constant 0 : i32
    %dma_start3A_21 = tpu.memref_slice %arg2[%add3A_17, %dma_start3A_20] : memref<8192x256xf32, #tpu.memory_space<hbm>> -> memref<128x256xf32, #tpu.memory_space<hbm>>
    %dma_start3A_22 = arith.constant 0 : i32
    %dma_start3A_23 = tpu.memref_slice %arg2[%add3A_17, %dma_start3A_22] : memref<8192x256xf32, #tpu.memory_space<hbm>> -> memref<128x256xf32, #tpu.memory_space<hbm>>
    tpu.enqueue_dma source(%dma_start3A_23 : memref<128x256xf32, #tpu.memory_space<hbm>>) target(%arg11 : memref<128x256xf32, #tpu.memory_space<vmem>>) target_semaphore(%arg13 : memref<!tpu.dma_semaphore, #tpu.memory_space<semaphore_mem>>)
    %dma_wait3A_24 = arith.constant 0 : i32
    %dma_wait3A_25 = tpu.memref_slice %arg2[%add3A_17, %dma_wait3A_24] : memref<8192x256xf32, #tpu.memory_space<hbm>> -> memref<128x256xf32, #tpu.memory_space<hbm>>
    %dma_wait3A_26 = arith.constant 0 : i32
    %dma_wait3A_27 = tpu.memref_slice %arg2[%add3A_17, %dma_wait3A_26] : memref<8192x256xf32, #tpu.memory_space<hbm>> -> memref<128x256xf32, #tpu.memory_space<hbm>>
    tpu.wait_dma2 semaphore(%arg13 : memref<!tpu.dma_semaphore, #tpu.memory_space<semaphore_mem>>) src(%dma_wait3A_27 : memref<128x256xf32, #tpu.memory_space<hbm>>) dst(%arg11 : memref<128x256xf32, #tpu.memory_space<vmem>>)
    %dma_start3A_28 = arith.constant 0 : i32
    %dma_start3A_29 = arith.constant 0 : i32
    %dma_start3A_30 = tpu.memref_slice %arg7[%dma_start3A_28, %dma_start3A_29] : memref<32768x256xf32, #tpu.memory_space<hbm>> -> memref<32768x256xf32, #tpu.memory_space<hbm>>
    tpu.enqueue_indirect_dma source(%arg11 : memref<128x256xf32, #tpu.memory_space<vmem>>) target(%dma_start3A_30 : memref<32768x256xf32, #tpu.memory_space<hbm>>) offsets(%arg9 : memref<128xi32, #tpu.memory_space<vmem>>) semaphore(%arg15 : memref<!tpu.dma_semaphore, #tpu.memory_space<semaphore_mem>>)
    %mul3A_31 = arith.constant 256 : i32
    %mul3A_32 = arith.muli %add3A, %mul3A_31 : i32
    %add3A_33 = arith.constant 0 : i32
    %add3A_34 = arith.addi %mul3A_32, %add3A_33 : i32
    %dma_wait3A_35 = arith.constant 0 : i32
    %dma_wait3A_36 = arith.constant 0 : i32
    %dma_wait3A_37 = tpu.memref_slice %arg7[%dma_wait3A_35, %dma_wait3A_36] : memref<32768x256xf32, #tpu.memory_space<hbm>> -> memref<32768x256xf32, #tpu.memory_space<hbm>>
    tpu.wait_indirect_dma semaphore(%arg14 : memref<!tpu.dma_semaphore, #tpu.memory_space<semaphore_mem>>) src(%arg10 : memref<128x256xf32, #tpu.memory_space<vmem>>) dst(%dma_wait3A_37 : memref<32768x256xf32, #tpu.memory_space<hbm>>)
    %add3A_38 = arith.constant 8192 : i32
    %add3A_39 = arith.addi %add3A_38, %add3A_34 : i32
    "tpu.region"() ({
      %run_scoped3A = tpu.sem_alloc : memref<!tpu.dma_semaphore, #tpu.memory_space<semaphore_mem>>
      %dma_start3A_151 = tpu.memref_slice %arg6[%add3A_39] : memref<32768xi32, #tpu.memory_space<hbm>> -> memref<128xi32, #tpu.memory_space<hbm>>
      %dma_start3A_152 = tpu.memref_slice %arg6[%add3A_39] : memref<32768xi32, #tpu.memory_space<hbm>> -> memref<128xi32, #tpu.memory_space<hbm>>
      tpu.enqueue_dma source(%dma_start3A_152 : memref<128xi32, #tpu.memory_space<hbm>>) target(%arg8 : memref<128xi32, #tpu.memory_space<vmem>>) target_semaphore(%run_scoped3A : memref<!tpu.dma_semaphore, #tpu.memory_space<semaphore_mem>>)
      %dma_wait3A_153 = tpu.memref_slice %arg6[%add3A_39] : memref<32768xi32, #tpu.memory_space<hbm>> -> memref<128xi32, #tpu.memory_space<hbm>>
      %dma_wait3A_154 = tpu.memref_slice %arg6[%add3A_39] : memref<32768xi32, #tpu.memory_space<hbm>> -> memref<128xi32, #tpu.memory_space<hbm>>
      tpu.wait_dma2 semaphore(%run_scoped3A : memref<!tpu.dma_semaphore, #tpu.memory_space<semaphore_mem>>) src(%dma_wait3A_154 : memref<128xi32, #tpu.memory_space<hbm>>) dst(%arg8 : memref<128xi32, #tpu.memory_space<vmem>>)
      tpu.yield
    }) : () -> ()
    %dma_start3A_40 = arith.constant 0 : i32
    %dma_start3A_41 = tpu.memref_slice %arg3[%add3A_34, %dma_start3A_40] : memref<8192x256xf32, #tpu.memory_space<hbm>> -> memref<128x256xf32, #tpu.memory_space<hbm>>
    %dma_start3A_42 = arith.constant 0 : i32
    %dma_start3A_43 = tpu.memref_slice %arg3[%add3A_34, %dma_start3A_42] : memref<8192x256xf32, #tpu.memory_space<hbm>> -> memref<128x256xf32, #tpu.memory_space<hbm>>
    tpu.enqueue_dma source(%dma_start3A_43 : memref<128x256xf32, #tpu.memory_space<hbm>>) target(%arg10 : memref<128x256xf32, #tpu.memory_space<vmem>>) target_semaphore(%arg12 : memref<!tpu.dma_semaphore, #tpu.memory_space<semaphore_mem>>)
    %dma_wait3A_44 = arith.constant 0 : i32
    %dma_wait3A_45 = tpu.memref_slice %arg3[%add3A_34, %dma_wait3A_44] : memref<8192x256xf32, #tpu.memory_space<hbm>> -> memref<128x256xf32, #tpu.memory_space<hbm>>
    %dma_wait3A_46 = arith.constant 0 : i32
    %dma_wait3A_47 = tpu.memref_slice %arg3[%add3A_34, %dma_wait3A_46] : memref<8192x256xf32, #tpu.memory_space<hbm>> -> memref<128x256xf32, #tpu.memory_space<hbm>>
    tpu.wait_dma2 semaphore(%arg12 : memref<!tpu.dma_semaphore, #tpu.memory_space<semaphore_mem>>) src(%dma_wait3A_47 : memref<128x256xf32, #tpu.memory_space<hbm>>) dst(%arg10 : memref<128x256xf32, #tpu.memory_space<vmem>>)
    %dma_start3A_48 = arith.constant 0 : i32
    %dma_start3A_49 = arith.constant 0 : i32
    %dma_start3A_50 = tpu.memref_slice %arg7[%dma_start3A_48, %dma_start3A_49] : memref<32768x256xf32, #tpu.memory_space<hbm>> -> memref<32768x256xf32, #tpu.memory_space<hbm>>
    tpu.enqueue_indirect_dma source(%arg10 : memref<128x256xf32, #tpu.memory_space<vmem>>) target(%dma_start3A_50 : memref<32768x256xf32, #tpu.memory_space<hbm>>) offsets(%arg8 : memref<128xi32, #tpu.memory_space<vmem>>) semaphore(%arg14 : memref<!tpu.dma_semaphore, #tpu.memory_space<semaphore_mem>>)
    %add3A_51 = arith.constant 128 : i32
    %add3A_52 = arith.addi %mul3A_32, %add3A_51 : i32
    %dma_wait3A_53 = arith.constant 0 : i32
    %dma_wait3A_54 = arith.constant 0 : i32
    %dma_wait3A_55 = tpu.memref_slice %arg7[%dma_wait3A_53, %dma_wait3A_54] : memref<32768x256xf32, #tpu.memory_space<hbm>> -> memref<32768x256xf32, #tpu.memory_space<hbm>>
    tpu.wait_indirect_dma semaphore(%arg15 : memref<!tpu.dma_semaphore, #tpu.memory_space<semaphore_mem>>) src(%arg11 : memref<128x256xf32, #tpu.memory_space<vmem>>) dst(%dma_wait3A_55 : memref<32768x256xf32, #tpu.memory_space<hbm>>)
    %add3A_56 = arith.constant 8192 : i32
    %add3A_57 = arith.addi %add3A_56, %add3A_52 : i32
    "tpu.region"() ({
      %run_scoped3A = tpu.sem_alloc : memref<!tpu.dma_semaphore, #tpu.memory_space<semaphore_mem>>
      %dma_start3A_151 = tpu.memref_slice %arg6[%add3A_57] : memref<32768xi32, #tpu.memory_space<hbm>> -> memref<128xi32, #tpu.memory_space<hbm>>
      %dma_start3A_152 = tpu.memref_slice %arg6[%add3A_57] : memref<32768xi32, #tpu.memory_space<hbm>> -> memref<128xi32, #tpu.memory_space<hbm>>
      tpu.enqueue_dma source(%dma_start3A_152 : memref<128xi32, #tpu.memory_space<hbm>>) target(%arg9 : memref<128xi32, #tpu.memory_space<vmem>>) target_semaphore(%run_scoped3A : memref<!tpu.dma_semaphore, #tpu.memory_space<semaphore_mem>>)
      %dma_wait3A_153 = tpu.memref_slice %arg6[%add3A_57] : memref<32768xi32, #tpu.memory_space<hbm>> -> memref<128xi32, #tpu.memory_space<hbm>>
      %dma_wait3A_154 = tpu.memref_slice %arg6[%add3A_57] : memref<32768xi32, #tpu.memory_space<hbm>> -> memref<128xi32, #tpu.memory_space<hbm>>
      tpu.wait_dma2 semaphore(%run_scoped3A : memref<!tpu.dma_semaphore, #tpu.memory_space<semaphore_mem>>) src(%dma_wait3A_154 : memref<128xi32, #tpu.memory_space<hbm>>) dst(%arg9 : memref<128xi32, #tpu.memory_space<vmem>>)
      tpu.yield
    }) : () -> ()
    %dma_start3A_58 = arith.constant 0 : i32
    %dma_start3A_59 = tpu.memref_slice %arg3[%add3A_52, %dma_start3A_58] : memref<8192x256xf32, #tpu.memory_space<hbm>> -> memref<128x256xf32, #tpu.memory_space<hbm>>
    %dma_start3A_60 = arith.constant 0 : i32
    %dma_start3A_61 = tpu.memref_slice %arg3[%add3A_52, %dma_start3A_60] : memref<8192x256xf32, #tpu.memory_space<hbm>> -> memref<128x256xf32, #tpu.memory_space<hbm>>
    tpu.enqueue_dma source(%dma_start3A_61 : memref<128x256xf32, #tpu.memory_space<hbm>>) target(%arg11 : memref<128x256xf32, #tpu.memory_space<vmem>>) target_semaphore(%arg13 : memref<!tpu.dma_semaphore, #tpu.memory_space<semaphore_mem>>)
    %dma_wait3A_62 = arith.constant 0 : i32
    %dma_wait3A_63 = tpu.memref_slice %arg3[%add3A_52, %dma_wait3A_62] : memref<8192x256xf32, #tpu.memory_space<hbm>> -> memref<128x256xf32, #tpu.memory_space<hbm>>
    %dma_wait3A_64 = arith.constant 0 : i32
    %dma_wait3A_65 = tpu.memref_slice %arg3[%add3A_52, %dma_wait3A_64] : memref<8192x256xf32, #tpu.memory_space<hbm>> -> memref<128x256xf32, #tpu.memory_space<hbm>>
    tpu.wait_dma2 semaphore(%arg13 : memref<!tpu.dma_semaphore, #tpu.memory_space<semaphore_mem>>) src(%dma_wait3A_65 : memref<128x256xf32, #tpu.memory_space<hbm>>) dst(%arg11 : memref<128x256xf32, #tpu.memory_space<vmem>>)
    %dma_start3A_66 = arith.constant 0 : i32
    %dma_start3A_67 = arith.constant 0 : i32
    %dma_start3A_68 = tpu.memref_slice %arg7[%dma_start3A_66, %dma_start3A_67] : memref<32768x256xf32, #tpu.memory_space<hbm>> -> memref<32768x256xf32, #tpu.memory_space<hbm>>
    tpu.enqueue_indirect_dma source(%arg11 : memref<128x256xf32, #tpu.memory_space<vmem>>) target(%dma_start3A_68 : memref<32768x256xf32, #tpu.memory_space<hbm>>) offsets(%arg9 : memref<128xi32, #tpu.memory_space<vmem>>) semaphore(%arg15 : memref<!tpu.dma_semaphore, #tpu.memory_space<semaphore_mem>>)
    %mul3A_69 = arith.constant 256 : i32
    %mul3A_70 = arith.muli %add3A, %mul3A_69 : i32
    %add3A_71 = arith.constant 0 : i32
    %add3A_72 = arith.addi %mul3A_70, %add3A_71 : i32
    %dma_wait3A_73 = arith.constant 0 : i32
    %dma_wait3A_74 = arith.constant 0 : i32
    %dma_wait3A_75 = tpu.memref_slice %arg7[%dma_wait3A_73, %dma_wait3A_74] : memref<32768x256xf32, #tpu.memory_space<hbm>> -> memref<32768x256xf32, #tpu.memory_space<hbm>>
    tpu.wait_indirect_dma semaphore(%arg14 : memref<!tpu.dma_semaphore, #tpu.memory_space<semaphore_mem>>) src(%arg10 : memref<128x256xf32, #tpu.memory_space<vmem>>) dst(%dma_wait3A_75 : memref<32768x256xf32, #tpu.memory_space<hbm>>)
    %add3A_76 = arith.constant 16384 : i32
    %add3A_77 = arith.addi %add3A_76, %add3A_72 : i32
    "tpu.region"() ({
      %run_scoped3A = tpu.sem_alloc : memref<!tpu.dma_semaphore, #tpu.memory_space<semaphore_mem>>
      %dma_start3A_151 = tpu.memref_slice %arg6[%add3A_77] : memref<32768xi32, #tpu.memory_space<hbm>> -> memref<128xi32, #tpu.memory_space<hbm>>
      %dma_start3A_152 = tpu.memref_slice %arg6[%add3A_77] : memref<32768xi32, #tpu.memory_space<hbm>> -> memref<128xi32, #tpu.memory_space<hbm>>
      tpu.enqueue_dma source(%dma_start3A_152 : memref<128xi32, #tpu.memory_space<hbm>>) target(%arg8 : memref<128xi32, #tpu.memory_space<vmem>>) target_semaphore(%run_scoped3A : memref<!tpu.dma_semaphore, #tpu.memory_space<semaphore_mem>>)
      %dma_wait3A_153 = tpu.memref_slice %arg6[%add3A_77] : memref<32768xi32, #tpu.memory_space<hbm>> -> memref<128xi32, #tpu.memory_space<hbm>>
      %dma_wait3A_154 = tpu.memref_slice %arg6[%add3A_77] : memref<32768xi32, #tpu.memory_space<hbm>> -> memref<128xi32, #tpu.memory_space<hbm>>
      tpu.wait_dma2 semaphore(%run_scoped3A : memref<!tpu.dma_semaphore, #tpu.memory_space<semaphore_mem>>) src(%dma_wait3A_154 : memref<128xi32, #tpu.memory_space<hbm>>) dst(%arg8 : memref<128xi32, #tpu.memory_space<vmem>>)
      tpu.yield
    }) : () -> ()
    %dma_start3A_78 = arith.constant 0 : i32
    %dma_start3A_79 = tpu.memref_slice %arg4[%add3A_72, %dma_start3A_78] : memref<8192x256xf32, #tpu.memory_space<hbm>> -> memref<128x256xf32, #tpu.memory_space<hbm>>
    %dma_start3A_80 = arith.constant 0 : i32
    %dma_start3A_81 = tpu.memref_slice %arg4[%add3A_72, %dma_start3A_80] : memref<8192x256xf32, #tpu.memory_space<hbm>> -> memref<128x256xf32, #tpu.memory_space<hbm>>
    tpu.enqueue_dma source(%dma_start3A_81 : memref<128x256xf32, #tpu.memory_space<hbm>>) target(%arg10 : memref<128x256xf32, #tpu.memory_space<vmem>>) target_semaphore(%arg12 : memref<!tpu.dma_semaphore, #tpu.memory_space<semaphore_mem>>)
    %dma_wait3A_82 = arith.constant 0 : i32
    %dma_wait3A_83 = tpu.memref_slice %arg4[%add3A_72, %dma_wait3A_82] : memref<8192x256xf32, #tpu.memory_space<hbm>> -> memref<128x256xf32, #tpu.memory_space<hbm>>
    %dma_wait3A_84 = arith.constant 0 : i32
    %dma_wait3A_85 = tpu.memref_slice %arg4[%add3A_72, %dma_wait3A_84] : memref<8192x256xf32, #tpu.memory_space<hbm>> -> memref<128x256xf32, #tpu.memory_space<hbm>>
    tpu.wait_dma2 semaphore(%arg12 : memref<!tpu.dma_semaphore, #tpu.memory_space<semaphore_mem>>) src(%dma_wait3A_85 : memref<128x256xf32, #tpu.memory_space<hbm>>) dst(%arg10 : memref<128x256xf32, #tpu.memory_space<vmem>>)
    %dma_start3A_86 = arith.constant 0 : i32
    %dma_start3A_87 = arith.constant 0 : i32
    %dma_start3A_88 = tpu.memref_slice %arg7[%dma_start3A_86, %dma_start3A_87] : memref<32768x256xf32, #tpu.memory_space<hbm>> -> memref<32768x256xf32, #tpu.memory_space<hbm>>
    tpu.enqueue_indirect_dma source(%arg10 : memref<128x256xf32, #tpu.memory_space<vmem>>) target(%dma_start3A_88 : memref<32768x256xf32, #tpu.memory_space<hbm>>) offsets(%arg8 : memref<128xi32, #tpu.memory_space<vmem>>) semaphore(%arg14 : memref<!tpu.dma_semaphore, #tpu.memory_space<semaphore_mem>>)
    %add3A_89 = arith.constant 128 : i32
    %add3A_90 = arith.addi %mul3A_70, %add3A_89 : i32
    %dma_wait3A_91 = arith.constant 0 : i32
    %dma_wait3A_92 = arith.constant 0 : i32
    %dma_wait3A_93 = tpu.memref_slice %arg7[%dma_wait3A_91, %dma_wait3A_92] : memref<32768x256xf32, #tpu.memory_space<hbm>> -> memref<32768x256xf32, #tpu.memory_space<hbm>>
    tpu.wait_indirect_dma semaphore(%arg15 : memref<!tpu.dma_semaphore, #tpu.memory_space<semaphore_mem>>) src(%arg11 : memref<128x256xf32, #tpu.memory_space<vmem>>) dst(%dma_wait3A_93 : memref<32768x256xf32, #tpu.memory_space<hbm>>)
    %add3A_94 = arith.constant 16384 : i32
    %add3A_95 = arith.addi %add3A_94, %add3A_90 : i32
    "tpu.region"() ({
      %run_scoped3A = tpu.sem_alloc : memref<!tpu.dma_semaphore, #tpu.memory_space<semaphore_mem>>
      %dma_start3A_151 = tpu.memref_slice %arg6[%add3A_95] : memref<32768xi32, #tpu.memory_space<hbm>> -> memref<128xi32, #tpu.memory_space<hbm>>
      %dma_start3A_152 = tpu.memref_slice %arg6[%add3A_95] : memref<32768xi32, #tpu.memory_space<hbm>> -> memref<128xi32, #tpu.memory_space<hbm>>
      tpu.enqueue_dma source(%dma_start3A_152 : memref<128xi32, #tpu.memory_space<hbm>>) target(%arg9 : memref<128xi32, #tpu.memory_space<vmem>>) target_semaphore(%run_scoped3A : memref<!tpu.dma_semaphore, #tpu.memory_space<semaphore_mem>>)
      %dma_wait3A_153 = tpu.memref_slice %arg6[%add3A_95] : memref<32768xi32, #tpu.memory_space<hbm>> -> memref<128xi32, #tpu.memory_space<hbm>>
      %dma_wait3A_154 = tpu.memref_slice %arg6[%add3A_95] : memref<32768xi32, #tpu.memory_space<hbm>> -> memref<128xi32, #tpu.memory_space<hbm>>
      tpu.wait_dma2 semaphore(%run_scoped3A : memref<!tpu.dma_semaphore, #tpu.memory_space<semaphore_mem>>) src(%dma_wait3A_154 : memref<128xi32, #tpu.memory_space<hbm>>) dst(%arg9 : memref<128xi32, #tpu.memory_space<vmem>>)
      tpu.yield
    }) : () -> ()
    %dma_start3A_96 = arith.constant 0 : i32
    %dma_start3A_97 = tpu.memref_slice %arg4[%add3A_90, %dma_start3A_96] : memref<8192x256xf32, #tpu.memory_space<hbm>> -> memref<128x256xf32, #tpu.memory_space<hbm>>
    %dma_start3A_98 = arith.constant 0 : i32
    %dma_start3A_99 = tpu.memref_slice %arg4[%add3A_90, %dma_start3A_98] : memref<8192x256xf32, #tpu.memory_space<hbm>> -> memref<128x256xf32, #tpu.memory_space<hbm>>
    tpu.enqueue_dma source(%dma_start3A_99 : memref<128x256xf32, #tpu.memory_space<hbm>>) target(%arg11 : memref<128x256xf32, #tpu.memory_space<vmem>>) target_semaphore(%arg13 : memref<!tpu.dma_semaphore, #tpu.memory_space<semaphore_mem>>)
    %dma_wait3A_100 = arith.constant 0 : i32
    %dma_wait3A_101 = tpu.memref_slice %arg4[%add3A_90, %dma_wait3A_100] : memref<8192x256xf32, #tpu.memory_space<hbm>> -> memref<128x256xf32, #tpu.memory_space<hbm>>
    %dma_wait3A_102 = arith.constant 0 : i32
    %dma_wait3A_103 = tpu.memref_slice %arg4[%add3A_90, %dma_wait3A_102] : memref<8192x256xf32, #tpu.memory_space<hbm>> -> memref<128x256xf32, #tpu.memory_space<hbm>>
    tpu.wait_dma2 semaphore(%arg13 : memref<!tpu.dma_semaphore, #tpu.memory_space<semaphore_mem>>) src(%dma_wait3A_103 : memref<128x256xf32, #tpu.memory_space<hbm>>) dst(%arg11 : memref<128x256xf32, #tpu.memory_space<vmem>>)
    %dma_start3A_104 = arith.constant 0 : i32
    %dma_start3A_105 = arith.constant 0 : i32
    %dma_start3A_106 = tpu.memref_slice %arg7[%dma_start3A_104, %dma_start3A_105] : memref<32768x256xf32, #tpu.memory_space<hbm>> -> memref<32768x256xf32, #tpu.memory_space<hbm>>
    tpu.enqueue_indirect_dma source(%arg11 : memref<128x256xf32, #tpu.memory_space<vmem>>) target(%dma_start3A_106 : memref<32768x256xf32, #tpu.memory_space<hbm>>) offsets(%arg9 : memref<128xi32, #tpu.memory_space<vmem>>) semaphore(%arg15 : memref<!tpu.dma_semaphore, #tpu.memory_space<semaphore_mem>>)
    %mul3A_107 = arith.constant 256 : i32
    %mul3A_108 = arith.muli %add3A, %mul3A_107 : i32
    %add3A_109 = arith.constant 0 : i32
    %add3A_110 = arith.addi %mul3A_108, %add3A_109 : i32
    %dma_wait3A_111 = arith.constant 0 : i32
    %dma_wait3A_112 = arith.constant 0 : i32
    %dma_wait3A_113 = tpu.memref_slice %arg7[%dma_wait3A_111, %dma_wait3A_112] : memref<32768x256xf32, #tpu.memory_space<hbm>> -> memref<32768x256xf32, #tpu.memory_space<hbm>>
    tpu.wait_indirect_dma semaphore(%arg14 : memref<!tpu.dma_semaphore, #tpu.memory_space<semaphore_mem>>) src(%arg10 : memref<128x256xf32, #tpu.memory_space<vmem>>) dst(%dma_wait3A_113 : memref<32768x256xf32, #tpu.memory_space<hbm>>)
    %add3A_114 = arith.constant 24576 : i32
    %add3A_115 = arith.addi %add3A_114, %add3A_110 : i32
    "tpu.region"() ({
      %run_scoped3A = tpu.sem_alloc : memref<!tpu.dma_semaphore, #tpu.memory_space<semaphore_mem>>
      %dma_start3A_151 = tpu.memref_slice %arg6[%add3A_115] : memref<32768xi32, #tpu.memory_space<hbm>> -> memref<128xi32, #tpu.memory_space<hbm>>
      %dma_start3A_152 = tpu.memref_slice %arg6[%add3A_115] : memref<32768xi32, #tpu.memory_space<hbm>> -> memref<128xi32, #tpu.memory_space<hbm>>
      tpu.enqueue_dma source(%dma_start3A_152 : memref<128xi32, #tpu.memory_space<hbm>>) target(%arg8 : memref<128xi32, #tpu.memory_space<vmem>>) target_semaphore(%run_scoped3A : memref<!tpu.dma_semaphore, #tpu.memory_space<semaphore_mem>>)
      %dma_wait3A_153 = tpu.memref_slice %arg6[%add3A_115] : memref<32768xi32, #tpu.memory_space<hbm>> -> memref<128xi32, #tpu.memory_space<hbm>>
      %dma_wait3A_154 = tpu.memref_slice %arg6[%add3A_115] : memref<32768xi32, #tpu.memory_space<hbm>> -> memref<128xi32, #tpu.memory_space<hbm>>
      tpu.wait_dma2 semaphore(%run_scoped3A : memref<!tpu.dma_semaphore, #tpu.memory_space<semaphore_mem>>) src(%dma_wait3A_154 : memref<128xi32, #tpu.memory_space<hbm>>) dst(%arg8 : memref<128xi32, #tpu.memory_space<vmem>>)
      tpu.yield
    }) : () -> ()
    %dma_start3A_116 = arith.constant 0 : i32
    %dma_start3A_117 = tpu.memref_slice %arg5[%add3A_110, %dma_start3A_116] : memref<8192x256xf32, #tpu.memory_space<hbm>> -> memref<128x256xf32, #tpu.memory_space<hbm>>
    %dma_start3A_118 = arith.constant 0 : i32
    %dma_start3A_119 = tpu.memref_slice %arg5[%add3A_110, %dma_start3A_118] : memref<8192x256xf32, #tpu.memory_space<hbm>> -> memref<128x256xf32, #tpu.memory_space<hbm>>
    tpu.enqueue_dma source(%dma_start3A_119 : memref<128x256xf32, #tpu.memory_space<hbm>>) target(%arg10 : memref<128x256xf32, #tpu.memory_space<vmem>>) target_semaphore(%arg12 : memref<!tpu.dma_semaphore, #tpu.memory_space<semaphore_mem>>)
    %dma_wait3A_120 = arith.constant 0 : i32
    %dma_wait3A_121 = tpu.memref_slice %arg5[%add3A_110, %dma_wait3A_120] : memref<8192x256xf32, #tpu.memory_space<hbm>> -> memref<128x256xf32, #tpu.memory_space<hbm>>
    %dma_wait3A_122 = arith.constant 0 : i32
    %dma_wait3A_123 = tpu.memref_slice %arg5[%add3A_110, %dma_wait3A_122] : memref<8192x256xf32, #tpu.memory_space<hbm>> -> memref<128x256xf32, #tpu.memory_space<hbm>>
    tpu.wait_dma2 semaphore(%arg12 : memref<!tpu.dma_semaphore, #tpu.memory_space<semaphore_mem>>) src(%dma_wait3A_123 : memref<128x256xf32, #tpu.memory_space<hbm>>) dst(%arg10 : memref<128x256xf32, #tpu.memory_space<vmem>>)
    %dma_start3A_124 = arith.constant 0 : i32
    %dma_start3A_125 = arith.constant 0 : i32
    %dma_start3A_126 = tpu.memref_slice %arg7[%dma_start3A_124, %dma_start3A_125] : memref<32768x256xf32, #tpu.memory_space<hbm>> -> memref<32768x256xf32, #tpu.memory_space<hbm>>
    tpu.enqueue_indirect_dma source(%arg10 : memref<128x256xf32, #tpu.memory_space<vmem>>) target(%dma_start3A_126 : memref<32768x256xf32, #tpu.memory_space<hbm>>) offsets(%arg8 : memref<128xi32, #tpu.memory_space<vmem>>) semaphore(%arg14 : memref<!tpu.dma_semaphore, #tpu.memory_space<semaphore_mem>>)
    %add3A_127 = arith.constant 128 : i32
    %add3A_128 = arith.addi %mul3A_108, %add3A_127 : i32
    %dma_wait3A_129 = arith.constant 0 : i32
    %dma_wait3A_130 = arith.constant 0 : i32
    %dma_wait3A_131 = tpu.memref_slice %arg7[%dma_wait3A_129, %dma_wait3A_130] : memref<32768x256xf32, #tpu.memory_space<hbm>> -> memref<32768x256xf32, #tpu.memory_space<hbm>>
    tpu.wait_indirect_dma semaphore(%arg15 : memref<!tpu.dma_semaphore, #tpu.memory_space<semaphore_mem>>) src(%arg11 : memref<128x256xf32, #tpu.memory_space<vmem>>) dst(%dma_wait3A_131 : memref<32768x256xf32, #tpu.memory_space<hbm>>)
    %add3A_132 = arith.constant 24576 : i32
    %add3A_133 = arith.addi %add3A_132, %add3A_128 : i32
    "tpu.region"() ({
      %run_scoped3A = tpu.sem_alloc : memref<!tpu.dma_semaphore, #tpu.memory_space<semaphore_mem>>
      %dma_start3A_151 = tpu.memref_slice %arg6[%add3A_133] : memref<32768xi32, #tpu.memory_space<hbm>> -> memref<128xi32, #tpu.memory_space<hbm>>
      %dma_start3A_152 = tpu.memref_slice %arg6[%add3A_133] : memref<32768xi32, #tpu.memory_space<hbm>> -> memref<128xi32, #tpu.memory_space<hbm>>
      tpu.enqueue_dma source(%dma_start3A_152 : memref<128xi32, #tpu.memory_space<hbm>>) target(%arg9 : memref<128xi32, #tpu.memory_space<vmem>>) target_semaphore(%run_scoped3A : memref<!tpu.dma_semaphore, #tpu.memory_space<semaphore_mem>>)
      %dma_wait3A_153 = tpu.memref_slice %arg6[%add3A_133] : memref<32768xi32, #tpu.memory_space<hbm>> -> memref<128xi32, #tpu.memory_space<hbm>>
      %dma_wait3A_154 = tpu.memref_slice %arg6[%add3A_133] : memref<32768xi32, #tpu.memory_space<hbm>> -> memref<128xi32, #tpu.memory_space<hbm>>
      tpu.wait_dma2 semaphore(%run_scoped3A : memref<!tpu.dma_semaphore, #tpu.memory_space<semaphore_mem>>) src(%dma_wait3A_154 : memref<128xi32, #tpu.memory_space<hbm>>) dst(%arg9 : memref<128xi32, #tpu.memory_space<vmem>>)
      tpu.yield
    }) : () -> ()
    %dma_start3A_134 = arith.constant 0 : i32
    %dma_start3A_135 = tpu.memref_slice %arg5[%add3A_128, %dma_start3A_134] : memref<8192x256xf32, #tpu.memory_space<hbm>> -> memref<128x256xf32, #tpu.memory_space<hbm>>
    %dma_start3A_136 = arith.constant 0 : i32
    %dma_start3A_137 = tpu.memref_slice %arg5[%add3A_128, %dma_start3A_136] : memref<8192x256xf32, #tpu.memory_space<hbm>> -> memref<128x256xf32, #tpu.memory_space<hbm>>
    tpu.enqueue_dma source(%dma_start3A_137 : memref<128x256xf32, #tpu.memory_space<hbm>>) target(%arg11 : memref<128x256xf32, #tpu.memory_space<vmem>>) target_semaphore(%arg13 : memref<!tpu.dma_semaphore, #tpu.memory_space<semaphore_mem>>)
    %dma_wait3A_138 = arith.constant 0 : i32
    %dma_wait3A_139 = tpu.memref_slice %arg5[%add3A_128, %dma_wait3A_138] : memref<8192x256xf32, #tpu.memory_space<hbm>> -> memref<128x256xf32, #tpu.memory_space<hbm>>
    %dma_wait3A_140 = arith.constant 0 : i32
    %dma_wait3A_141 = tpu.memref_slice %arg5[%add3A_128, %dma_wait3A_140] : memref<8192x256xf32, #tpu.memory_space<hbm>> -> memref<128x256xf32, #tpu.memory_space<hbm>>
    tpu.wait_dma2 semaphore(%arg13 : memref<!tpu.dma_semaphore, #tpu.memory_space<semaphore_mem>>) src(%dma_wait3A_141 : memref<128x256xf32, #tpu.memory_space<hbm>>) dst(%arg11 : memref<128x256xf32, #tpu.memory_space<vmem>>)
    %dma_start3A_142 = arith.constant 0 : i32
    %dma_start3A_143 = arith.constant 0 : i32
    %dma_start3A_144 = tpu.memref_slice %arg7[%dma_start3A_142, %dma_start3A_143] : memref<32768x256xf32, #tpu.memory_space<hbm>> -> memref<32768x256xf32, #tpu.memory_space<hbm>>
    tpu.enqueue_indirect_dma source(%arg11 : memref<128x256xf32, #tpu.memory_space<vmem>>) target(%dma_start3A_144 : memref<32768x256xf32, #tpu.memory_space<hbm>>) offsets(%arg9 : memref<128xi32, #tpu.memory_space<vmem>>) semaphore(%arg15 : memref<!tpu.dma_semaphore, #tpu.memory_space<semaphore_mem>>)
    %dma_wait3A_145 = arith.constant 0 : i32
    %dma_wait3A_146 = arith.constant 0 : i32
    %dma_wait3A_147 = tpu.memref_slice %arg7[%dma_wait3A_145, %dma_wait3A_146] : memref<32768x256xf32, #tpu.memory_space<hbm>> -> memref<32768x256xf32, #tpu.memory_space<hbm>>
    tpu.wait_indirect_dma semaphore(%arg14 : memref<!tpu.dma_semaphore, #tpu.memory_space<semaphore_mem>>) src(%arg10 : memref<128x256xf32, #tpu.memory_space<vmem>>) dst(%dma_wait3A_147 : memref<32768x256xf32, #tpu.memory_space<hbm>>)
    %dma_wait3A_148 = arith.constant 0 : i32
    %dma_wait3A_149 = arith.constant 0 : i32
    %dma_wait3A_150 = tpu.memref_slice %arg7[%dma_wait3A_148, %dma_wait3A_149] : memref<32768x256xf32, #tpu.memory_space<hbm>> -> memref<32768x256xf32, #tpu.memory_space<hbm>>
    tpu.wait_indirect_dma semaphore(%arg15 : memref<!tpu.dma_semaphore, #tpu.memory_space<semaphore_mem>>) src(%arg11 : memref<128x256xf32, #tpu.memory_space<vmem>>) dst(%dma_wait3A_150 : memref<32768x256xf32, #tpu.memory_space<hbm>>)
    return
  }
}

module attributes {stable_mosaic.version = 14 : i64} {
  func.func @_attn_body(%arg0: i32, %arg1: memref<4x128x640xf32, #tpu.memory_space<vmem>>, %arg2: memref<192x192xf32, #tpu.memory_space<vmem>>, %arg3: memref<1x192xf32, #tpu.memory_space<vmem>>, %arg4: memref<4x128x256xf32, #tpu.memory_space<vmem>>) attributes {dimension_semantics = [#tpu.dimension_semantics<arbitrary>], iteration_bounds = array<i64: 16>, scalar_prefetch = 0 : i64, scratch_operands = 0 : i64, tpu.core_type = #tpu.core_type<tc>, window_params = [{transform_indices = @transform_0, window_bounds = array<i64: 4, 128, 640>}, {pipeline_mode = #tpu.pipeline_mode<synchronous>, transform_indices = @transform_1, window_bounds = array<i64: 192, 192>}, {pipeline_mode = #tpu.pipeline_mode<synchronous>, transform_indices = @transform_2, window_bounds = array<i64: 1, 192>}, {transform_indices = @transform_3, window_bounds = array<i64: 4, 128, 256>}]} {
    %get3A = arith.constant 0 : index
    %get3A_0 = arith.constant 0 : index
    %get3A_1 = vector.load %arg2[%get3A, %get3A_0] : memref<192x192xf32, #tpu.memory_space<vmem>>, vector<192x192xf32>
    %get3A_2 = arith.constant 0 : index
    %get3A_3 = arith.constant 0 : index
    %get3A_4 = vector.load %arg3[%get3A_2, %get3A_3] : memref<1x192xf32, #tpu.memory_space<vmem>>, vector<1x192xf32>
    %get3A_5 = arith.constant 0 : index
    %get3A_6 = arith.constant 0 : index
    %get3A_7 = arith.constant 0 : index
    %get3A_8 = vector.load %arg1[%get3A_5, %get3A_6, %get3A_7] : memref<4x128x640xf32, #tpu.memory_space<vmem>>, vector<1x128x640xf32>
    %get3A_9 = vector.shape_cast %get3A_8 : vector<1x128x640xf32> to vector<128x640xf32>
    %slice3A = vector.extract_strided_slice %get3A_9 {offsets = [0, 0], sizes = [128, 192], strides = [1, 1]} : vector<128x640xf32> to vector<128x192xf32>
    %mul3A = arith.constant 0.176776692 : f32
    %mul3A_10 = vector.broadcast %mul3A : f32 to vector<128x192xf32>
    %mul3A_11 = arith.mulf %slice3A, %mul3A_10 : vector<128x192xf32>
    %slice3A_12 = vector.extract_strided_slice %get3A_9 {offsets = [0, 192], sizes = [128, 192], strides = [1, 1]} : vector<128x640xf32> to vector<128x192xf32>
    %slice3A_13 = vector.extract_strided_slice %get3A_9 {offsets = [0, 384], sizes = [128, 192], strides = [1, 1]} : vector<128x640xf32> to vector<128x192xf32>
    %slice3A_14 = vector.extract_strided_slice %mul3A_11 {offsets = [0, 0], sizes = [128, 32], strides = [1, 1]} : vector<128x192xf32> to vector<128x32xf32>
    %slice3A_15 = vector.extract_strided_slice %slice3A_12 {offsets = [0, 0], sizes = [128, 32], strides = [1, 1]} : vector<128x192xf32> to vector<128x32xf32>
    %slice3A_16 = vector.extract_strided_slice %slice3A_13 {offsets = [0, 0], sizes = [128, 32], strides = [1, 1]} : vector<128x192xf32> to vector<128x32xf32>
    %dot_general3A = arith.constant dense<0.000000e+00> : vector<128x128xf32>
    %dot_general3A_17 = tpu.matmul %slice3A_14, %slice3A_15, %dot_general3A {dimension_numbers = #tpu.dot_dimension_numbers<[1], [1], [0], [0], [0, 0, 1, 0], [], []>, transpose_lhs_hint = false} : vector<128x32xf32>, vector<128x32xf32>, vector<128x128xf32> -> vector<128x128xf32>
    %min3A = arith.constant 8.000000e+01 : f32
    %min3A_18 = vector.broadcast %min3A : f32 to vector<128x128xf32>
    %min3A_19 = arith.minimumf %dot_general3A_17, %min3A_18 : vector<128x128xf32>
    %exp3A = math.exp %min3A_19 : vector<128x128xf32>
    %dot_general3A_20 = arith.constant dense<0.000000e+00> : vector<128x32xf32>
    %dot_general3A_21 = tpu.matmul %exp3A, %slice3A_16, %dot_general3A_20 {dimension_numbers = #tpu.dot_dimension_numbers<[1], [0], [0], [1], [0, 0, 1, 1], [], []>, transpose_lhs_hint = false} : vector<128x128xf32>, vector<128x32xf32>, vector<128x32xf32> -> vector<128x32xf32>
    %reduce_sum3A = arith.constant dense<0.000000e+00> : vector<128xf32>
    %reduce_sum3A_22 = vector.multi_reduction <add>, %exp3A, %reduce_sum3A [1] : vector<128x128xf32> to vector<128xf32>
    %broadcast_in_dim3A = vector.shape_cast %reduce_sum3A_22 : vector<128xf32> to vector<128x1xf32>
    %integer_pow3A = arith.constant 1.000000e+00 : f32
    %integer_pow3A_23 = vector.broadcast %integer_pow3A : f32 to vector<128x1xf32>
    %integer_pow3A_24 = arith.divf %integer_pow3A_23, %broadcast_in_dim3A : vector<128x1xf32>
    %mul3A_25 = vector.broadcast %integer_pow3A_24 : vector<128x1xf32> to vector<128x32xf32>
    %mul3A_26 = arith.mulf %dot_general3A_21, %mul3A_25 : vector<128x32xf32>
    %slice3A_27 = vector.extract_strided_slice %get3A_1 {offsets = [0, 0], sizes = [32, 192], strides = [1, 1]} : vector<192x192xf32> to vector<32x192xf32>
    %dot_general3A_28 = arith.constant dense<0.000000e+00> : vector<128x192xf32>
    %dot_general3A_29 = tpu.matmul %mul3A_26, %slice3A_27, %dot_general3A_28 {dimension_numbers = #tpu.dot_dimension_numbers<[1], [0], [0], [1], [0, 0, 1, 1], [], []>, transpose_lhs_hint = false} : vector<128x32xf32>, vector<32x192xf32>, vector<128x192xf32> -> vector<128x192xf32>
    %add3A = vector.broadcast %get3A_4 : vector<1x192xf32> to vector<128x192xf32>
    %add3A_30 = arith.addf %add3A, %dot_general3A_29 : vector<128x192xf32>
    %slice3A_31 = vector.extract_strided_slice %mul3A_11 {offsets = [0, 32], sizes = [128, 32], strides = [1, 1]} : vector<128x192xf32> to vector<128x32xf32>
    %slice3A_32 = vector.extract_strided_slice %slice3A_12 {offsets = [0, 32], sizes = [128, 32], strides = [1, 1]} : vector<128x192xf32> to vector<128x32xf32>
    %slice3A_33 = vector.extract_strided_slice %slice3A_13 {offsets = [0, 32], sizes = [128, 32], strides = [1, 1]} : vector<128x192xf32> to vector<128x32xf32>
    %dot_general3A_34 = arith.constant dense<0.000000e+00> : vector<128x128xf32>
    %dot_general3A_35 = tpu.matmul %slice3A_31, %slice3A_32, %dot_general3A_34 {dimension_numbers = #tpu.dot_dimension_numbers<[1], [1], [0], [0], [0, 0, 1, 0], [], []>, transpose_lhs_hint = false} : vector<128x32xf32>, vector<128x32xf32>, vector<128x128xf32> -> vector<128x128xf32>
    %min3A_36 = arith.constant 8.000000e+01 : f32
    %min3A_37 = vector.broadcast %min3A_36 : f32 to vector<128x128xf32>
    %min3A_38 = arith.minimumf %dot_general3A_35, %min3A_37 : vector<128x128xf32>
    %exp3A_39 = math.exp %min3A_38 : vector<128x128xf32>
    %dot_general3A_40 = arith.constant dense<0.000000e+00> : vector<128x32xf32>
    %dot_general3A_41 = tpu.matmul %exp3A_39, %slice3A_33, %dot_general3A_40 {dimension_numbers = #tpu.dot_dimension_numbers<[1], [0], [0], [1], [0, 0, 1, 1], [], []>, transpose_lhs_hint = false} : vector<128x128xf32>, vector<128x32xf32>, vector<128x32xf32> -> vector<128x32xf32>
    %reduce_sum3A_42 = arith.constant dense<0.000000e+00> : vector<128xf32>
    %reduce_sum3A_43 = vector.multi_reduction <add>, %exp3A_39, %reduce_sum3A_42 [1] : vector<128x128xf32> to vector<128xf32>
    %broadcast_in_dim3A_44 = vector.shape_cast %reduce_sum3A_43 : vector<128xf32> to vector<128x1xf32>
    %integer_pow3A_45 = arith.constant 1.000000e+00 : f32
    %integer_pow3A_46 = vector.broadcast %integer_pow3A_45 : f32 to vector<128x1xf32>
    %integer_pow3A_47 = arith.divf %integer_pow3A_46, %broadcast_in_dim3A_44 : vector<128x1xf32>
    %mul3A_48 = vector.broadcast %integer_pow3A_47 : vector<128x1xf32> to vector<128x32xf32>
    %mul3A_49 = arith.mulf %dot_general3A_41, %mul3A_48 : vector<128x32xf32>
    %slice3A_50 = vector.extract_strided_slice %get3A_1 {offsets = [32, 0], sizes = [32, 192], strides = [1, 1]} : vector<192x192xf32> to vector<32x192xf32>
    %dot_general3A_51 = arith.constant dense<0.000000e+00> : vector<128x192xf32>
    %dot_general3A_52 = tpu.matmul %mul3A_49, %slice3A_50, %dot_general3A_51 {dimension_numbers = #tpu.dot_dimension_numbers<[1], [0], [0], [1], [0, 0, 1, 1], [], []>, transpose_lhs_hint = false} : vector<128x32xf32>, vector<32x192xf32>, vector<128x192xf32> -> vector<128x192xf32>
    %add3A_53 = arith.addf %add3A_30, %dot_general3A_52 : vector<128x192xf32>
    %slice3A_54 = vector.extract_strided_slice %mul3A_11 {offsets = [0, 64], sizes = [128, 32], strides = [1, 1]} : vector<128x192xf32> to vector<128x32xf32>
    %slice3A_55 = vector.extract_strided_slice %slice3A_12 {offsets = [0, 64], sizes = [128, 32], strides = [1, 1]} : vector<128x192xf32> to vector<128x32xf32>
    %slice3A_56 = vector.extract_strided_slice %slice3A_13 {offsets = [0, 64], sizes = [128, 32], strides = [1, 1]} : vector<128x192xf32> to vector<128x32xf32>
    %dot_general3A_57 = arith.constant dense<0.000000e+00> : vector<128x128xf32>
    %dot_general3A_58 = tpu.matmul %slice3A_54, %slice3A_55, %dot_general3A_57 {dimension_numbers = #tpu.dot_dimension_numbers<[1], [1], [0], [0], [0, 0, 1, 0], [], []>, transpose_lhs_hint = false} : vector<128x32xf32>, vector<128x32xf32>, vector<128x128xf32> -> vector<128x128xf32>
    %min3A_59 = arith.constant 8.000000e+01 : f32
    %min3A_60 = vector.broadcast %min3A_59 : f32 to vector<128x128xf32>
    %min3A_61 = arith.minimumf %dot_general3A_58, %min3A_60 : vector<128x128xf32>
    %exp3A_62 = math.exp %min3A_61 : vector<128x128xf32>
    %dot_general3A_63 = arith.constant dense<0.000000e+00> : vector<128x32xf32>
    %dot_general3A_64 = tpu.matmul %exp3A_62, %slice3A_56, %dot_general3A_63 {dimension_numbers = #tpu.dot_dimension_numbers<[1], [0], [0], [1], [0, 0, 1, 1], [], []>, transpose_lhs_hint = false} : vector<128x128xf32>, vector<128x32xf32>, vector<128x32xf32> -> vector<128x32xf32>
    %reduce_sum3A_65 = arith.constant dense<0.000000e+00> : vector<128xf32>
    %reduce_sum3A_66 = vector.multi_reduction <add>, %exp3A_62, %reduce_sum3A_65 [1] : vector<128x128xf32> to vector<128xf32>
    %broadcast_in_dim3A_67 = vector.shape_cast %reduce_sum3A_66 : vector<128xf32> to vector<128x1xf32>
    %integer_pow3A_68 = arith.constant 1.000000e+00 : f32
    %integer_pow3A_69 = vector.broadcast %integer_pow3A_68 : f32 to vector<128x1xf32>
    %integer_pow3A_70 = arith.divf %integer_pow3A_69, %broadcast_in_dim3A_67 : vector<128x1xf32>
    %mul3A_71 = vector.broadcast %integer_pow3A_70 : vector<128x1xf32> to vector<128x32xf32>
    %mul3A_72 = arith.mulf %dot_general3A_64, %mul3A_71 : vector<128x32xf32>
    %slice3A_73 = vector.extract_strided_slice %get3A_1 {offsets = [64, 0], sizes = [32, 192], strides = [1, 1]} : vector<192x192xf32> to vector<32x192xf32>
    %dot_general3A_74 = arith.constant dense<0.000000e+00> : vector<128x192xf32>
    %dot_general3A_75 = tpu.matmul %mul3A_72, %slice3A_73, %dot_general3A_74 {dimension_numbers = #tpu.dot_dimension_numbers<[1], [0], [0], [1], [0, 0, 1, 1], [], []>, transpose_lhs_hint = false} : vector<128x32xf32>, vector<32x192xf32>, vector<128x192xf32> -> vector<128x192xf32>
    %add3A_76 = arith.addf %add3A_53, %dot_general3A_75 : vector<128x192xf32>
    %slice3A_77 = vector.extract_strided_slice %mul3A_11 {offsets = [0, 96], sizes = [128, 32], strides = [1, 1]} : vector<128x192xf32> to vector<128x32xf32>
    %slice3A_78 = vector.extract_strided_slice %slice3A_12 {offsets = [0, 96], sizes = [128, 32], strides = [1, 1]} : vector<128x192xf32> to vector<128x32xf32>
    %slice3A_79 = vector.extract_strided_slice %slice3A_13 {offsets = [0, 96], sizes = [128, 32], strides = [1, 1]} : vector<128x192xf32> to vector<128x32xf32>
    %dot_general3A_80 = arith.constant dense<0.000000e+00> : vector<128x128xf32>
    %dot_general3A_81 = tpu.matmul %slice3A_77, %slice3A_78, %dot_general3A_80 {dimension_numbers = #tpu.dot_dimension_numbers<[1], [1], [0], [0], [0, 0, 1, 0], [], []>, transpose_lhs_hint = false} : vector<128x32xf32>, vector<128x32xf32>, vector<128x128xf32> -> vector<128x128xf32>
    %min3A_82 = arith.constant 8.000000e+01 : f32
    %min3A_83 = vector.broadcast %min3A_82 : f32 to vector<128x128xf32>
    %min3A_84 = arith.minimumf %dot_general3A_81, %min3A_83 : vector<128x128xf32>
    %exp3A_85 = math.exp %min3A_84 : vector<128x128xf32>
    %dot_general3A_86 = arith.constant dense<0.000000e+00> : vector<128x32xf32>
    %dot_general3A_87 = tpu.matmul %exp3A_85, %slice3A_79, %dot_general3A_86 {dimension_numbers = #tpu.dot_dimension_numbers<[1], [0], [0], [1], [0, 0, 1, 1], [], []>, transpose_lhs_hint = false} : vector<128x128xf32>, vector<128x32xf32>, vector<128x32xf32> -> vector<128x32xf32>
    %reduce_sum3A_88 = arith.constant dense<0.000000e+00> : vector<128xf32>
    %reduce_sum3A_89 = vector.multi_reduction <add>, %exp3A_85, %reduce_sum3A_88 [1] : vector<128x128xf32> to vector<128xf32>
    %broadcast_in_dim3A_90 = vector.shape_cast %reduce_sum3A_89 : vector<128xf32> to vector<128x1xf32>
    %integer_pow3A_91 = arith.constant 1.000000e+00 : f32
    %integer_pow3A_92 = vector.broadcast %integer_pow3A_91 : f32 to vector<128x1xf32>
    %integer_pow3A_93 = arith.divf %integer_pow3A_92, %broadcast_in_dim3A_90 : vector<128x1xf32>
    %mul3A_94 = vector.broadcast %integer_pow3A_93 : vector<128x1xf32> to vector<128x32xf32>
    %mul3A_95 = arith.mulf %dot_general3A_87, %mul3A_94 : vector<128x32xf32>
    %slice3A_96 = vector.extract_strided_slice %get3A_1 {offsets = [96, 0], sizes = [32, 192], strides = [1, 1]} : vector<192x192xf32> to vector<32x192xf32>
    %dot_general3A_97 = arith.constant dense<0.000000e+00> : vector<128x192xf32>
    %dot_general3A_98 = tpu.matmul %mul3A_95, %slice3A_96, %dot_general3A_97 {dimension_numbers = #tpu.dot_dimension_numbers<[1], [0], [0], [1], [0, 0, 1, 1], [], []>, transpose_lhs_hint = false} : vector<128x32xf32>, vector<32x192xf32>, vector<128x192xf32> -> vector<128x192xf32>
    %add3A_99 = arith.addf %add3A_76, %dot_general3A_98 : vector<128x192xf32>
    %slice3A_100 = vector.extract_strided_slice %mul3A_11 {offsets = [0, 128], sizes = [128, 32], strides = [1, 1]} : vector<128x192xf32> to vector<128x32xf32>
    %slice3A_101 = vector.extract_strided_slice %slice3A_12 {offsets = [0, 128], sizes = [128, 32], strides = [1, 1]} : vector<128x192xf32> to vector<128x32xf32>
    %slice3A_102 = vector.extract_strided_slice %slice3A_13 {offsets = [0, 128], sizes = [128, 32], strides = [1, 1]} : vector<128x192xf32> to vector<128x32xf32>
    %dot_general3A_103 = arith.constant dense<0.000000e+00> : vector<128x128xf32>
    %dot_general3A_104 = tpu.matmul %slice3A_100, %slice3A_101, %dot_general3A_103 {dimension_numbers = #tpu.dot_dimension_numbers<[1], [1], [0], [0], [0, 0, 1, 0], [], []>, transpose_lhs_hint = false} : vector<128x32xf32>, vector<128x32xf32>, vector<128x128xf32> -> vector<128x128xf32>
    %min3A_105 = arith.constant 8.000000e+01 : f32
    %min3A_106 = vector.broadcast %min3A_105 : f32 to vector<128x128xf32>
    %min3A_107 = arith.minimumf %dot_general3A_104, %min3A_106 : vector<128x128xf32>
    %exp3A_108 = math.exp %min3A_107 : vector<128x128xf32>
    %dot_general3A_109 = arith.constant dense<0.000000e+00> : vector<128x32xf32>
    %dot_general3A_110 = tpu.matmul %exp3A_108, %slice3A_102, %dot_general3A_109 {dimension_numbers = #tpu.dot_dimension_numbers<[1], [0], [0], [1], [0, 0, 1, 1], [], []>, transpose_lhs_hint = false} : vector<128x128xf32>, vector<128x32xf32>, vector<128x32xf32> -> vector<128x32xf32>
    %reduce_sum3A_111 = arith.constant dense<0.000000e+00> : vector<128xf32>
    %reduce_sum3A_112 = vector.multi_reduction <add>, %exp3A_108, %reduce_sum3A_111 [1] : vector<128x128xf32> to vector<128xf32>
    %broadcast_in_dim3A_113 = vector.shape_cast %reduce_sum3A_112 : vector<128xf32> to vector<128x1xf32>
    %integer_pow3A_114 = arith.constant 1.000000e+00 : f32
    %integer_pow3A_115 = vector.broadcast %integer_pow3A_114 : f32 to vector<128x1xf32>
    %integer_pow3A_116 = arith.divf %integer_pow3A_115, %broadcast_in_dim3A_113 : vector<128x1xf32>
    %mul3A_117 = vector.broadcast %integer_pow3A_116 : vector<128x1xf32> to vector<128x32xf32>
    %mul3A_118 = arith.mulf %dot_general3A_110, %mul3A_117 : vector<128x32xf32>
    %slice3A_119 = vector.extract_strided_slice %get3A_1 {offsets = [128, 0], sizes = [32, 192], strides = [1, 1]} : vector<192x192xf32> to vector<32x192xf32>
    %dot_general3A_120 = arith.constant dense<0.000000e+00> : vector<128x192xf32>
    %dot_general3A_121 = tpu.matmul %mul3A_118, %slice3A_119, %dot_general3A_120 {dimension_numbers = #tpu.dot_dimension_numbers<[1], [0], [0], [1], [0, 0, 1, 1], [], []>, transpose_lhs_hint = false} : vector<128x32xf32>, vector<32x192xf32>, vector<128x192xf32> -> vector<128x192xf32>
    %add3A_122 = arith.addf %add3A_99, %dot_general3A_121 : vector<128x192xf32>
    %slice3A_123 = vector.extract_strided_slice %mul3A_11 {offsets = [0, 160], sizes = [128, 32], strides = [1, 1]} : vector<128x192xf32> to vector<128x32xf32>
    %slice3A_124 = vector.extract_strided_slice %slice3A_12 {offsets = [0, 160], sizes = [128, 32], strides = [1, 1]} : vector<128x192xf32> to vector<128x32xf32>
    %slice3A_125 = vector.extract_strided_slice %slice3A_13 {offsets = [0, 160], sizes = [128, 32], strides = [1, 1]} : vector<128x192xf32> to vector<128x32xf32>
    %dot_general3A_126 = arith.constant dense<0.000000e+00> : vector<128x128xf32>
    %dot_general3A_127 = tpu.matmul %slice3A_123, %slice3A_124, %dot_general3A_126 {dimension_numbers = #tpu.dot_dimension_numbers<[1], [1], [0], [0], [0, 0, 1, 0], [], []>, transpose_lhs_hint = false} : vector<128x32xf32>, vector<128x32xf32>, vector<128x128xf32> -> vector<128x128xf32>
    %min3A_128 = arith.constant 8.000000e+01 : f32
    %min3A_129 = vector.broadcast %min3A_128 : f32 to vector<128x128xf32>
    %min3A_130 = arith.minimumf %dot_general3A_127, %min3A_129 : vector<128x128xf32>
    %exp3A_131 = math.exp %min3A_130 : vector<128x128xf32>
    %dot_general3A_132 = arith.constant dense<0.000000e+00> : vector<128x32xf32>
    %dot_general3A_133 = tpu.matmul %exp3A_131, %slice3A_125, %dot_general3A_132 {dimension_numbers = #tpu.dot_dimension_numbers<[1], [0], [0], [1], [0, 0, 1, 1], [], []>, transpose_lhs_hint = false} : vector<128x128xf32>, vector<128x32xf32>, vector<128x32xf32> -> vector<128x32xf32>
    %reduce_sum3A_134 = arith.constant dense<0.000000e+00> : vector<128xf32>
    %reduce_sum3A_135 = vector.multi_reduction <add>, %exp3A_131, %reduce_sum3A_134 [1] : vector<128x128xf32> to vector<128xf32>
    %broadcast_in_dim3A_136 = vector.shape_cast %reduce_sum3A_135 : vector<128xf32> to vector<128x1xf32>
    %integer_pow3A_137 = arith.constant 1.000000e+00 : f32
    %integer_pow3A_138 = vector.broadcast %integer_pow3A_137 : f32 to vector<128x1xf32>
    %integer_pow3A_139 = arith.divf %integer_pow3A_138, %broadcast_in_dim3A_136 : vector<128x1xf32>
    %mul3A_140 = vector.broadcast %integer_pow3A_139 : vector<128x1xf32> to vector<128x32xf32>
    %mul3A_141 = arith.mulf %dot_general3A_133, %mul3A_140 : vector<128x32xf32>
    %slice3A_142 = vector.extract_strided_slice %get3A_1 {offsets = [160, 0], sizes = [32, 192], strides = [1, 1]} : vector<192x192xf32> to vector<32x192xf32>
    %dot_general3A_143 = arith.constant dense<0.000000e+00> : vector<128x192xf32>
    %dot_general3A_144 = tpu.matmul %mul3A_141, %slice3A_142, %dot_general3A_143 {dimension_numbers = #tpu.dot_dimension_numbers<[1], [0], [0], [1], [0, 0, 1, 1], [], []>, transpose_lhs_hint = false} : vector<128x32xf32>, vector<32x192xf32>, vector<128x192xf32> -> vector<128x192xf32>
    %add3A_145 = arith.addf %add3A_122, %dot_general3A_144 : vector<128x192xf32>
    %swap3A = arith.constant 0 : index
    %swap3A_146 = arith.constant 0 : index
    %swap3A_147 = arith.constant 0 : index
    %swap3A_148 = vector.load %arg4[%swap3A, %swap3A_146, %swap3A_147] : memref<4x128x256xf32, #tpu.memory_space<vmem>>, vector<1x128x192xf32>
    %swap3A_149 = vector.shape_cast %swap3A_148 : vector<1x128x192xf32> to vector<128x192xf32>
    %swap3A_150 = vector.shape_cast %add3A_145 : vector<128x192xf32> to vector<1x128x192xf32>
    tpu.vector_store %arg4[%swap3A, %swap3A_146, %swap3A_147], %swap3A_150 {strides = array<i32>} : memref<4x128x256xf32, #tpu.memory_space<vmem>>, vector<1x128x192xf32>,
    %get3A_151 = arith.constant 1 : index
    %get3A_152 = arith.constant 0 : index
    %get3A_153 = arith.constant 0 : index
    %get3A_154 = vector.load %arg1[%get3A_151, %get3A_152, %get3A_153] : memref<4x128x640xf32, #tpu.memory_space<vmem>>, vector<1x128x640xf32>
    %get3A_155 = vector.shape_cast %get3A_154 : vector<1x128x640xf32> to vector<128x640xf32>
    %slice3A_156 = vector.extract_strided_slice %get3A_155 {offsets = [0, 0], sizes = [128, 192], strides = [1, 1]} : vector<128x640xf32> to vector<128x192xf32>
    %mul3A_157 = arith.constant 0.176776692 : f32
    %mul3A_158 = vector.broadcast %mul3A_157 : f32 to vector<128x192xf32>
    %mul3A_159 = arith.mulf %slice3A_156, %mul3A_158 : vector<128x192xf32>
    %slice3A_160 = vector.extract_strided_slice %get3A_155 {offsets = [0, 192], sizes = [128, 192], strides = [1, 1]} : vector<128x640xf32> to vector<128x192xf32>
    %slice3A_161 = vector.extract_strided_slice %get3A_155 {offsets = [0, 384], sizes = [128, 192], strides = [1, 1]} : vector<128x640xf32> to vector<128x192xf32>
    %slice3A_162 = vector.extract_strided_slice %mul3A_159 {offsets = [0, 0], sizes = [128, 32], strides = [1, 1]} : vector<128x192xf32> to vector<128x32xf32>
    %slice3A_163 = vector.extract_strided_slice %slice3A_160 {offsets = [0, 0], sizes = [128, 32], strides = [1, 1]} : vector<128x192xf32> to vector<128x32xf32>
    %slice3A_164 = vector.extract_strided_slice %slice3A_161 {offsets = [0, 0], sizes = [128, 32], strides = [1, 1]} : vector<128x192xf32> to vector<128x32xf32>
    %dot_general3A_165 = arith.constant dense<0.000000e+00> : vector<128x128xf32>
    %dot_general3A_166 = tpu.matmul %slice3A_162, %slice3A_163, %dot_general3A_165 {dimension_numbers = #tpu.dot_dimension_numbers<[1], [1], [0], [0], [0, 0, 1, 0], [], []>, transpose_lhs_hint = false} : vector<128x32xf32>, vector<128x32xf32>, vector<128x128xf32> -> vector<128x128xf32>
    %min3A_167 = arith.constant 8.000000e+01 : f32
    %min3A_168 = vector.broadcast %min3A_167 : f32 to vector<128x128xf32>
    %min3A_169 = arith.minimumf %dot_general3A_166, %min3A_168 : vector<128x128xf32>
    %exp3A_170 = math.exp %min3A_169 : vector<128x128xf32>
    %dot_general3A_171 = arith.constant dense<0.000000e+00> : vector<128x32xf32>
    %dot_general3A_172 = tpu.matmul %exp3A_170, %slice3A_164, %dot_general3A_171 {dimension_numbers = #tpu.dot_dimension_numbers<[1], [0], [0], [1], [0, 0, 1, 1], [], []>, transpose_lhs_hint = false} : vector<128x128xf32>, vector<128x32xf32>, vector<128x32xf32> -> vector<128x32xf32>
    %reduce_sum3A_173 = arith.constant dense<0.000000e+00> : vector<128xf32>
    %reduce_sum3A_174 = vector.multi_reduction <add>, %exp3A_170, %reduce_sum3A_173 [1] : vector<128x128xf32> to vector<128xf32>
    %broadcast_in_dim3A_175 = vector.shape_cast %reduce_sum3A_174 : vector<128xf32> to vector<128x1xf32>
    %integer_pow3A_176 = arith.constant 1.000000e+00 : f32
    %integer_pow3A_177 = vector.broadcast %integer_pow3A_176 : f32 to vector<128x1xf32>
    %integer_pow3A_178 = arith.divf %integer_pow3A_177, %broadcast_in_dim3A_175 : vector<128x1xf32>
    %mul3A_179 = vector.broadcast %integer_pow3A_178 : vector<128x1xf32> to vector<128x32xf32>
    %mul3A_180 = arith.mulf %dot_general3A_172, %mul3A_179 : vector<128x32xf32>
    %slice3A_181 = vector.extract_strided_slice %get3A_1 {offsets = [0, 0], sizes = [32, 192], strides = [1, 1]} : vector<192x192xf32> to vector<32x192xf32>
    %dot_general3A_182 = arith.constant dense<0.000000e+00> : vector<128x192xf32>
    %dot_general3A_183 = tpu.matmul %mul3A_180, %slice3A_181, %dot_general3A_182 {dimension_numbers = #tpu.dot_dimension_numbers<[1], [0], [0], [1], [0, 0, 1, 1], [], []>, transpose_lhs_hint = false} : vector<128x32xf32>, vector<32x192xf32>, vector<128x192xf32> -> vector<128x192xf32>
    %add3A_184 = vector.broadcast %get3A_4 : vector<1x192xf32> to vector<128x192xf32>
    %add3A_185 = arith.addf %add3A_184, %dot_general3A_183 : vector<128x192xf32>
    %slice3A_186 = vector.extract_strided_slice %mul3A_159 {offsets = [0, 32], sizes = [128, 32], strides = [1, 1]} : vector<128x192xf32> to vector<128x32xf32>
    %slice3A_187 = vector.extract_strided_slice %slice3A_160 {offsets = [0, 32], sizes = [128, 32], strides = [1, 1]} : vector<128x192xf32> to vector<128x32xf32>
    %slice3A_188 = vector.extract_strided_slice %slice3A_161 {offsets = [0, 32], sizes = [128, 32], strides = [1, 1]} : vector<128x192xf32> to vector<128x32xf32>
    %dot_general3A_189 = arith.constant dense<0.000000e+00> : vector<128x128xf32>
    %dot_general3A_190 = tpu.matmul %slice3A_186, %slice3A_187, %dot_general3A_189 {dimension_numbers = #tpu.dot_dimension_numbers<[1], [1], [0], [0], [0, 0, 1, 0], [], []>, transpose_lhs_hint = false} : vector<128x32xf32>, vector<128x32xf32>, vector<128x128xf32> -> vector<128x128xf32>
    %min3A_191 = arith.constant 8.000000e+01 : f32
    %min3A_192 = vector.broadcast %min3A_191 : f32 to vector<128x128xf32>
    %min3A_193 = arith.minimumf %dot_general3A_190, %min3A_192 : vector<128x128xf32>
    %exp3A_194 = math.exp %min3A_193 : vector<128x128xf32>
    %dot_general3A_195 = arith.constant dense<0.000000e+00> : vector<128x32xf32>
    %dot_general3A_196 = tpu.matmul %exp3A_194, %slice3A_188, %dot_general3A_195 {dimension_numbers = #tpu.dot_dimension_numbers<[1], [0], [0], [1], [0, 0, 1, 1], [], []>, transpose_lhs_hint = false} : vector<128x128xf32>, vector<128x32xf32>, vector<128x32xf32> -> vector<128x32xf32>
    %reduce_sum3A_197 = arith.constant dense<0.000000e+00> : vector<128xf32>
    %reduce_sum3A_198 = vector.multi_reduction <add>, %exp3A_194, %reduce_sum3A_197 [1] : vector<128x128xf32> to vector<128xf32>
    %broadcast_in_dim3A_199 = vector.shape_cast %reduce_sum3A_198 : vector<128xf32> to vector<128x1xf32>
    %integer_pow3A_200 = arith.constant 1.000000e+00 : f32
    %integer_pow3A_201 = vector.broadcast %integer_pow3A_200 : f32 to vector<128x1xf32>
    %integer_pow3A_202 = arith.divf %integer_pow3A_201, %broadcast_in_dim3A_199 : vector<128x1xf32>
    %mul3A_203 = vector.broadcast %integer_pow3A_202 : vector<128x1xf32> to vector<128x32xf32>
    %mul3A_204 = arith.mulf %dot_general3A_196, %mul3A_203 : vector<128x32xf32>
    %slice3A_205 = vector.extract_strided_slice %get3A_1 {offsets = [32, 0], sizes = [32, 192], strides = [1, 1]} : vector<192x192xf32> to vector<32x192xf32>
    %dot_general3A_206 = arith.constant dense<0.000000e+00> : vector<128x192xf32>
    %dot_general3A_207 = tpu.matmul %mul3A_204, %slice3A_205, %dot_general3A_206 {dimension_numbers = #tpu.dot_dimension_numbers<[1], [0], [0], [1], [0, 0, 1, 1], [], []>, transpose_lhs_hint = false} : vector<128x32xf32>, vector<32x192xf32>, vector<128x192xf32> -> vector<128x192xf32>
    %add3A_208 = arith.addf %add3A_185, %dot_general3A_207 : vector<128x192xf32>
    %slice3A_209 = vector.extract_strided_slice %mul3A_159 {offsets = [0, 64], sizes = [128, 32], strides = [1, 1]} : vector<128x192xf32> to vector<128x32xf32>
    %slice3A_210 = vector.extract_strided_slice %slice3A_160 {offsets = [0, 64], sizes = [128, 32], strides = [1, 1]} : vector<128x192xf32> to vector<128x32xf32>
    %slice3A_211 = vector.extract_strided_slice %slice3A_161 {offsets = [0, 64], sizes = [128, 32], strides = [1, 1]} : vector<128x192xf32> to vector<128x32xf32>
    %dot_general3A_212 = arith.constant dense<0.000000e+00> : vector<128x128xf32>
    %dot_general3A_213 = tpu.matmul %slice3A_209, %slice3A_210, %dot_general3A_212 {dimension_numbers = #tpu.dot_dimension_numbers<[1], [1], [0], [0], [0, 0, 1, 0], [], []>, transpose_lhs_hint = false} : vector<128x32xf32>, vector<128x32xf32>, vector<128x128xf32> -> vector<128x128xf32>
    %min3A_214 = arith.constant 8.000000e+01 : f32
    %min3A_215 = vector.broadcast %min3A_214 : f32 to vector<128x128xf32>
    %min3A_216 = arith.minimumf %dot_general3A_213, %min3A_215 : vector<128x128xf32>
    %exp3A_217 = math.exp %min3A_216 : vector<128x128xf32>
    %dot_general3A_218 = arith.constant dense<0.000000e+00> : vector<128x32xf32>
    %dot_general3A_219 = tpu.matmul %exp3A_217, %slice3A_211, %dot_general3A_218 {dimension_numbers = #tpu.dot_dimension_numbers<[1], [0], [0], [1], [0, 0, 1, 1], [], []>, transpose_lhs_hint = false} : vector<128x128xf32>, vector<128x32xf32>, vector<128x32xf32> -> vector<128x32xf32>
    %reduce_sum3A_220 = arith.constant dense<0.000000e+00> : vector<128xf32>
    %reduce_sum3A_221 = vector.multi_reduction <add>, %exp3A_217, %reduce_sum3A_220 [1] : vector<128x128xf32> to vector<128xf32>
    %broadcast_in_dim3A_222 = vector.shape_cast %reduce_sum3A_221 : vector<128xf32> to vector<128x1xf32>
    %integer_pow3A_223 = arith.constant 1.000000e+00 : f32
    %integer_pow3A_224 = vector.broadcast %integer_pow3A_223 : f32 to vector<128x1xf32>
    %integer_pow3A_225 = arith.divf %integer_pow3A_224, %broadcast_in_dim3A_222 : vector<128x1xf32>
    %mul3A_226 = vector.broadcast %integer_pow3A_225 : vector<128x1xf32> to vector<128x32xf32>
    %mul3A_227 = arith.mulf %dot_general3A_219, %mul3A_226 : vector<128x32xf32>
    %slice3A_228 = vector.extract_strided_slice %get3A_1 {offsets = [64, 0], sizes = [32, 192], strides = [1, 1]} : vector<192x192xf32> to vector<32x192xf32>
    %dot_general3A_229 = arith.constant dense<0.000000e+00> : vector<128x192xf32>
    %dot_general3A_230 = tpu.matmul %mul3A_227, %slice3A_228, %dot_general3A_229 {dimension_numbers = #tpu.dot_dimension_numbers<[1], [0], [0], [1], [0, 0, 1, 1], [], []>, transpose_lhs_hint = false} : vector<128x32xf32>, vector<32x192xf32>, vector<128x192xf32> -> vector<128x192xf32>
    %add3A_231 = arith.addf %add3A_208, %dot_general3A_230 : vector<128x192xf32>
    %slice3A_232 = vector.extract_strided_slice %mul3A_159 {offsets = [0, 96], sizes = [128, 32], strides = [1, 1]} : vector<128x192xf32> to vector<128x32xf32>
    %slice3A_233 = vector.extract_strided_slice %slice3A_160 {offsets = [0, 96], sizes = [128, 32], strides = [1, 1]} : vector<128x192xf32> to vector<128x32xf32>
    %slice3A_234 = vector.extract_strided_slice %slice3A_161 {offsets = [0, 96], sizes = [128, 32], strides = [1, 1]} : vector<128x192xf32> to vector<128x32xf32>
    %dot_general3A_235 = arith.constant dense<0.000000e+00> : vector<128x128xf32>
    %dot_general3A_236 = tpu.matmul %slice3A_232, %slice3A_233, %dot_general3A_235 {dimension_numbers = #tpu.dot_dimension_numbers<[1], [1], [0], [0], [0, 0, 1, 0], [], []>, transpose_lhs_hint = false} : vector<128x32xf32>, vector<128x32xf32>, vector<128x128xf32> -> vector<128x128xf32>
    %min3A_237 = arith.constant 8.000000e+01 : f32
    %min3A_238 = vector.broadcast %min3A_237 : f32 to vector<128x128xf32>
    %min3A_239 = arith.minimumf %dot_general3A_236, %min3A_238 : vector<128x128xf32>
    %exp3A_240 = math.exp %min3A_239 : vector<128x128xf32>
    %dot_general3A_241 = arith.constant dense<0.000000e+00> : vector<128x32xf32>
    %dot_general3A_242 = tpu.matmul %exp3A_240, %slice3A_234, %dot_general3A_241 {dimension_numbers = #tpu.dot_dimension_numbers<[1], [0], [0], [1], [0, 0, 1, 1], [], []>, transpose_lhs_hint = false} : vector<128x128xf32>, vector<128x32xf32>, vector<128x32xf32> -> vector<128x32xf32>
    %reduce_sum3A_243 = arith.constant dense<0.000000e+00> : vector<128xf32>
    %reduce_sum3A_244 = vector.multi_reduction <add>, %exp3A_240, %reduce_sum3A_243 [1] : vector<128x128xf32> to vector<128xf32>
    %broadcast_in_dim3A_245 = vector.shape_cast %reduce_sum3A_244 : vector<128xf32> to vector<128x1xf32>
    %integer_pow3A_246 = arith.constant 1.000000e+00 : f32
    %integer_pow3A_247 = vector.broadcast %integer_pow3A_246 : f32 to vector<128x1xf32>
    %integer_pow3A_248 = arith.divf %integer_pow3A_247, %broadcast_in_dim3A_245 : vector<128x1xf32>
    %mul3A_249 = vector.broadcast %integer_pow3A_248 : vector<128x1xf32> to vector<128x32xf32>
    %mul3A_250 = arith.mulf %dot_general3A_242, %mul3A_249 : vector<128x32xf32>
    %slice3A_251 = vector.extract_strided_slice %get3A_1 {offsets = [96, 0], sizes = [32, 192], strides = [1, 1]} : vector<192x192xf32> to vector<32x192xf32>
    %dot_general3A_252 = arith.constant dense<0.000000e+00> : vector<128x192xf32>
    %dot_general3A_253 = tpu.matmul %mul3A_250, %slice3A_251, %dot_general3A_252 {dimension_numbers = #tpu.dot_dimension_numbers<[1], [0], [0], [1], [0, 0, 1, 1], [], []>, transpose_lhs_hint = false} : vector<128x32xf32>, vector<32x192xf32>, vector<128x192xf32> -> vector<128x192xf32>
    %add3A_254 = arith.addf %add3A_231, %dot_general3A_253 : vector<128x192xf32>
    %slice3A_255 = vector.extract_strided_slice %mul3A_159 {offsets = [0, 128], sizes = [128, 32], strides = [1, 1]} : vector<128x192xf32> to vector<128x32xf32>
    %slice3A_256 = vector.extract_strided_slice %slice3A_160 {offsets = [0, 128], sizes = [128, 32], strides = [1, 1]} : vector<128x192xf32> to vector<128x32xf32>
    %slice3A_257 = vector.extract_strided_slice %slice3A_161 {offsets = [0, 128], sizes = [128, 32], strides = [1, 1]} : vector<128x192xf32> to vector<128x32xf32>
    %dot_general3A_258 = arith.constant dense<0.000000e+00> : vector<128x128xf32>
    %dot_general3A_259 = tpu.matmul %slice3A_255, %slice3A_256, %dot_general3A_258 {dimension_numbers = #tpu.dot_dimension_numbers<[1], [1], [0], [0], [0, 0, 1, 0], [], []>, transpose_lhs_hint = false} : vector<128x32xf32>, vector<128x32xf32>, vector<128x128xf32> -> vector<128x128xf32>
    %min3A_260 = arith.constant 8.000000e+01 : f32
    %min3A_261 = vector.broadcast %min3A_260 : f32 to vector<128x128xf32>
    %min3A_262 = arith.minimumf %dot_general3A_259, %min3A_261 : vector<128x128xf32>
    %exp3A_263 = math.exp %min3A_262 : vector<128x128xf32>
    %dot_general3A_264 = arith.constant dense<0.000000e+00> : vector<128x32xf32>
    %dot_general3A_265 = tpu.matmul %exp3A_263, %slice3A_257, %dot_general3A_264 {dimension_numbers = #tpu.dot_dimension_numbers<[1], [0], [0], [1], [0, 0, 1, 1], [], []>, transpose_lhs_hint = false} : vector<128x128xf32>, vector<128x32xf32>, vector<128x32xf32> -> vector<128x32xf32>
    %reduce_sum3A_266 = arith.constant dense<0.000000e+00> : vector<128xf32>
    %reduce_sum3A_267 = vector.multi_reduction <add>, %exp3A_263, %reduce_sum3A_266 [1] : vector<128x128xf32> to vector<128xf32>
    %broadcast_in_dim3A_268 = vector.shape_cast %reduce_sum3A_267 : vector<128xf32> to vector<128x1xf32>
    %integer_pow3A_269 = arith.constant 1.000000e+00 : f32
    %integer_pow3A_270 = vector.broadcast %integer_pow3A_269 : f32 to vector<128x1xf32>
    %integer_pow3A_271 = arith.divf %integer_pow3A_270, %broadcast_in_dim3A_268 : vector<128x1xf32>
    %mul3A_272 = vector.broadcast %integer_pow3A_271 : vector<128x1xf32> to vector<128x32xf32>
    %mul3A_273 = arith.mulf %dot_general3A_265, %mul3A_272 : vector<128x32xf32>
    %slice3A_274 = vector.extract_strided_slice %get3A_1 {offsets = [128, 0], sizes = [32, 192], strides = [1, 1]} : vector<192x192xf32> to vector<32x192xf32>
    %dot_general3A_275 = arith.constant dense<0.000000e+00> : vector<128x192xf32>
    %dot_general3A_276 = tpu.matmul %mul3A_273, %slice3A_274, %dot_general3A_275 {dimension_numbers = #tpu.dot_dimension_numbers<[1], [0], [0], [1], [0, 0, 1, 1], [], []>, transpose_lhs_hint = false} : vector<128x32xf32>, vector<32x192xf32>, vector<128x192xf32> -> vector<128x192xf32>
    %add3A_277 = arith.addf %add3A_254, %dot_general3A_276 : vector<128x192xf32>
    %slice3A_278 = vector.extract_strided_slice %mul3A_159 {offsets = [0, 160], sizes = [128, 32], strides = [1, 1]} : vector<128x192xf32> to vector<128x32xf32>
    %slice3A_279 = vector.extract_strided_slice %slice3A_160 {offsets = [0, 160], sizes = [128, 32], strides = [1, 1]} : vector<128x192xf32> to vector<128x32xf32>
    %slice3A_280 = vector.extract_strided_slice %slice3A_161 {offsets = [0, 160], sizes = [128, 32], strides = [1, 1]} : vector<128x192xf32> to vector<128x32xf32>
    %dot_general3A_281 = arith.constant dense<0.000000e+00> : vector<128x128xf32>
    %dot_general3A_282 = tpu.matmul %slice3A_278, %slice3A_279, %dot_general3A_281 {dimension_numbers = #tpu.dot_dimension_numbers<[1], [1], [0], [0], [0, 0, 1, 0], [], []>, transpose_lhs_hint = false} : vector<128x32xf32>, vector<128x32xf32>, vector<128x128xf32> -> vector<128x128xf32>
    %min3A_283 = arith.constant 8.000000e+01 : f32
    %min3A_284 = vector.broadcast %min3A_283 : f32 to vector<128x128xf32>
    %min3A_285 = arith.minimumf %dot_general3A_282, %min3A_284 : vector<128x128xf32>
    %exp3A_286 = math.exp %min3A_285 : vector<128x128xf32>
    %dot_general3A_287 = arith.constant dense<0.000000e+00> : vector<128x32xf32>
    %dot_general3A_288 = tpu.matmul %exp3A_286, %slice3A_280, %dot_general3A_287 {dimension_numbers = #tpu.dot_dimension_numbers<[1], [0], [0], [1], [0, 0, 1, 1], [], []>, transpose_lhs_hint = false} : vector<128x128xf32>, vector<128x32xf32>, vector<128x32xf32> -> vector<128x32xf32>
    %reduce_sum3A_289 = arith.constant dense<0.000000e+00> : vector<128xf32>
    %reduce_sum3A_290 = vector.multi_reduction <add>, %exp3A_286, %reduce_sum3A_289 [1] : vector<128x128xf32> to vector<128xf32>
    %broadcast_in_dim3A_291 = vector.shape_cast %reduce_sum3A_290 : vector<128xf32> to vector<128x1xf32>
    %integer_pow3A_292 = arith.constant 1.000000e+00 : f32
    %integer_pow3A_293 = vector.broadcast %integer_pow3A_292 : f32 to vector<128x1xf32>
    %integer_pow3A_294 = arith.divf %integer_pow3A_293, %broadcast_in_dim3A_291 : vector<128x1xf32>
    %mul3A_295 = vector.broadcast %integer_pow3A_294 : vector<128x1xf32> to vector<128x32xf32>
    %mul3A_296 = arith.mulf %dot_general3A_288, %mul3A_295 : vector<128x32xf32>
    %slice3A_297 = vector.extract_strided_slice %get3A_1 {offsets = [160, 0], sizes = [32, 192], strides = [1, 1]} : vector<192x192xf32> to vector<32x192xf32>
    %dot_general3A_298 = arith.constant dense<0.000000e+00> : vector<128x192xf32>
    %dot_general3A_299 = tpu.matmul %mul3A_296, %slice3A_297, %dot_general3A_298 {dimension_numbers = #tpu.dot_dimension_numbers<[1], [0], [0], [1], [0, 0, 1, 1], [], []>, transpose_lhs_hint = false} : vector<128x32xf32>, vector<32x192xf32>, vector<128x192xf32> -> vector<128x192xf32>
    %add3A_300 = arith.addf %add3A_277, %dot_general3A_299 : vector<128x192xf32>
    %swap3A_301 = arith.constant 1 : index
    %swap3A_302 = arith.constant 0 : index
    %swap3A_303 = arith.constant 0 : index
    %swap3A_304 = vector.load %arg4[%swap3A_301, %swap3A_302, %swap3A_303] : memref<4x128x256xf32, #tpu.memory_space<vmem>>, vector<1x128x192xf32>
    %swap3A_305 = vector.shape_cast %swap3A_304 : vector<1x128x192xf32> to vector<128x192xf32>
    %swap3A_306 = vector.shape_cast %add3A_300 : vector<128x192xf32> to vector<1x128x192xf32>
    tpu.vector_store %arg4[%swap3A_301, %swap3A_302, %swap3A_303], %swap3A_306 {strides = array<i32>} : memref<4x128x256xf32, #tpu.memory_space<vmem>>, vector<1x128x192xf32>,
    %get3A_307 = arith.constant 2 : index
    %get3A_308 = arith.constant 0 : index
    %get3A_309 = arith.constant 0 : index
    %get3A_310 = vector.load %arg1[%get3A_307, %get3A_308, %get3A_309] : memref<4x128x640xf32, #tpu.memory_space<vmem>>, vector<1x128x640xf32>
    %get3A_311 = vector.shape_cast %get3A_310 : vector<1x128x640xf32> to vector<128x640xf32>
    %slice3A_312 = vector.extract_strided_slice %get3A_311 {offsets = [0, 0], sizes = [128, 192], strides = [1, 1]} : vector<128x640xf32> to vector<128x192xf32>
    %mul3A_313 = arith.constant 0.176776692 : f32
    %mul3A_314 = vector.broadcast %mul3A_313 : f32 to vector<128x192xf32>
    %mul3A_315 = arith.mulf %slice3A_312, %mul3A_314 : vector<128x192xf32>
    %slice3A_316 = vector.extract_strided_slice %get3A_311 {offsets = [0, 192], sizes = [128, 192], strides = [1, 1]} : vector<128x640xf32> to vector<128x192xf32>
    %slice3A_317 = vector.extract_strided_slice %get3A_311 {offsets = [0, 384], sizes = [128, 192], strides = [1, 1]} : vector<128x640xf32> to vector<128x192xf32>
    %slice3A_318 = vector.extract_strided_slice %mul3A_315 {offsets = [0, 0], sizes = [128, 32], strides = [1, 1]} : vector<128x192xf32> to vector<128x32xf32>
    %slice3A_319 = vector.extract_strided_slice %slice3A_316 {offsets = [0, 0], sizes = [128, 32], strides = [1, 1]} : vector<128x192xf32> to vector<128x32xf32>
    %slice3A_320 = vector.extract_strided_slice %slice3A_317 {offsets = [0, 0], sizes = [128, 32], strides = [1, 1]} : vector<128x192xf32> to vector<128x32xf32>
    %dot_general3A_321 = arith.constant dense<0.000000e+00> : vector<128x128xf32>
    %dot_general3A_322 = tpu.matmul %slice3A_318, %slice3A_319, %dot_general3A_321 {dimension_numbers = #tpu.dot_dimension_numbers<[1], [1], [0], [0], [0, 0, 1, 0], [], []>, transpose_lhs_hint = false} : vector<128x32xf32>, vector<128x32xf32>, vector<128x128xf32> -> vector<128x128xf32>
    %min3A_323 = arith.constant 8.000000e+01 : f32
    %min3A_324 = vector.broadcast %min3A_323 : f32 to vector<128x128xf32>
    %min3A_325 = arith.minimumf %dot_general3A_322, %min3A_324 : vector<128x128xf32>
    %exp3A_326 = math.exp %min3A_325 : vector<128x128xf32>
    %dot_general3A_327 = arith.constant dense<0.000000e+00> : vector<128x32xf32>
    %dot_general3A_328 = tpu.matmul %exp3A_326, %slice3A_320, %dot_general3A_327 {dimension_numbers = #tpu.dot_dimension_numbers<[1], [0], [0], [1], [0, 0, 1, 1], [], []>, transpose_lhs_hint = false} : vector<128x128xf32>, vector<128x32xf32>, vector<128x32xf32> -> vector<128x32xf32>
    %reduce_sum3A_329 = arith.constant dense<0.000000e+00> : vector<128xf32>
    %reduce_sum3A_330 = vector.multi_reduction <add>, %exp3A_326, %reduce_sum3A_329 [1] : vector<128x128xf32> to vector<128xf32>
    %broadcast_in_dim3A_331 = vector.shape_cast %reduce_sum3A_330 : vector<128xf32> to vector<128x1xf32>
    %integer_pow3A_332 = arith.constant 1.000000e+00 : f32
    %integer_pow3A_333 = vector.broadcast %integer_pow3A_332 : f32 to vector<128x1xf32>
    %integer_pow3A_334 = arith.divf %integer_pow3A_333, %broadcast_in_dim3A_331 : vector<128x1xf32>
    %mul3A_335 = vector.broadcast %integer_pow3A_334 : vector<128x1xf32> to vector<128x32xf32>
    %mul3A_336 = arith.mulf %dot_general3A_328, %mul3A_335 : vector<128x32xf32>
    %slice3A_337 = vector.extract_strided_slice %get3A_1 {offsets = [0, 0], sizes = [32, 192], strides = [1, 1]} : vector<192x192xf32> to vector<32x192xf32>
    %dot_general3A_338 = arith.constant dense<0.000000e+00> : vector<128x192xf32>
    %dot_general3A_339 = tpu.matmul %mul3A_336, %slice3A_337, %dot_general3A_338 {dimension_numbers = #tpu.dot_dimension_numbers<[1], [0], [0], [1], [0, 0, 1, 1], [], []>, transpose_lhs_hint = false} : vector<128x32xf32>, vector<32x192xf32>, vector<128x192xf32> -> vector<128x192xf32>
    %add3A_340 = vector.broadcast %get3A_4 : vector<1x192xf32> to vector<128x192xf32>
    %add3A_341 = arith.addf %add3A_340, %dot_general3A_339 : vector<128x192xf32>
    %slice3A_342 = vector.extract_strided_slice %mul3A_315 {offsets = [0, 32], sizes = [128, 32], strides = [1, 1]} : vector<128x192xf32> to vector<128x32xf32>
    %slice3A_343 = vector.extract_strided_slice %slice3A_316 {offsets = [0, 32], sizes = [128, 32], strides = [1, 1]} : vector<128x192xf32> to vector<128x32xf32>
    %slice3A_344 = vector.extract_strided_slice %slice3A_317 {offsets = [0, 32], sizes = [128, 32], strides = [1, 1]} : vector<128x192xf32> to vector<128x32xf32>
    %dot_general3A_345 = arith.constant dense<0.000000e+00> : vector<128x128xf32>
    %dot_general3A_346 = tpu.matmul %slice3A_342, %slice3A_343, %dot_general3A_345 {dimension_numbers = #tpu.dot_dimension_numbers<[1], [1], [0], [0], [0, 0, 1, 0], [], []>, transpose_lhs_hint = false} : vector<128x32xf32>, vector<128x32xf32>, vector<128x128xf32> -> vector<128x128xf32>
    %min3A_347 = arith.constant 8.000000e+01 : f32
    %min3A_348 = vector.broadcast %min3A_347 : f32 to vector<128x128xf32>
    %min3A_349 = arith.minimumf %dot_general3A_346, %min3A_348 : vector<128x128xf32>
    %exp3A_350 = math.exp %min3A_349 : vector<128x128xf32>
    %dot_general3A_351 = arith.constant dense<0.000000e+00> : vector<128x32xf32>
    %dot_general3A_352 = tpu.matmul %exp3A_350, %slice3A_344, %dot_general3A_351 {dimension_numbers = #tpu.dot_dimension_numbers<[1], [0], [0], [1], [0, 0, 1, 1], [], []>, transpose_lhs_hint = false} : vector<128x128xf32>, vector<128x32xf32>, vector<128x32xf32> -> vector<128x32xf32>
    %reduce_sum3A_353 = arith.constant dense<0.000000e+00> : vector<128xf32>
    %reduce_sum3A_354 = vector.multi_reduction <add>, %exp3A_350, %reduce_sum3A_353 [1] : vector<128x128xf32> to vector<128xf32>
    %broadcast_in_dim3A_355 = vector.shape_cast %reduce_sum3A_354 : vector<128xf32> to vector<128x1xf32>
    %integer_pow3A_356 = arith.constant 1.000000e+00 : f32
    %integer_pow3A_357 = vector.broadcast %integer_pow3A_356 : f32 to vector<128x1xf32>
    %integer_pow3A_358 = arith.divf %integer_pow3A_357, %broadcast_in_dim3A_355 : vector<128x1xf32>
    %mul3A_359 = vector.broadcast %integer_pow3A_358 : vector<128x1xf32> to vector<128x32xf32>
    %mul3A_360 = arith.mulf %dot_general3A_352, %mul3A_359 : vector<128x32xf32>
    %slice3A_361 = vector.extract_strided_slice %get3A_1 {offsets = [32, 0], sizes = [32, 192], strides = [1, 1]} : vector<192x192xf32> to vector<32x192xf32>
    %dot_general3A_362 = arith.constant dense<0.000000e+00> : vector<128x192xf32>
    %dot_general3A_363 = tpu.matmul %mul3A_360, %slice3A_361, %dot_general3A_362 {dimension_numbers = #tpu.dot_dimension_numbers<[1], [0], [0], [1], [0, 0, 1, 1], [], []>, transpose_lhs_hint = false} : vector<128x32xf32>, vector<32x192xf32>, vector<128x192xf32> -> vector<128x192xf32>
    %add3A_364 = arith.addf %add3A_341, %dot_general3A_363 : vector<128x192xf32>
    %slice3A_365 = vector.extract_strided_slice %mul3A_315 {offsets = [0, 64], sizes = [128, 32], strides = [1, 1]} : vector<128x192xf32> to vector<128x32xf32>
    %slice3A_366 = vector.extract_strided_slice %slice3A_316 {offsets = [0, 64], sizes = [128, 32], strides = [1, 1]} : vector<128x192xf32> to vector<128x32xf32>
    %slice3A_367 = vector.extract_strided_slice %slice3A_317 {offsets = [0, 64], sizes = [128, 32], strides = [1, 1]} : vector<128x192xf32> to vector<128x32xf32>
    %dot_general3A_368 = arith.constant dense<0.000000e+00> : vector<128x128xf32>
    %dot_general3A_369 = tpu.matmul %slice3A_365, %slice3A_366, %dot_general3A_368 {dimension_numbers = #tpu.dot_dimension_numbers<[1], [1], [0], [0], [0, 0, 1, 0], [], []>, transpose_lhs_hint = false} : vector<128x32xf32>, vector<128x32xf32>, vector<128x128xf32> -> vector<128x128xf32>
    %min3A_370 = arith.constant 8.000000e+01 : f32
    %min3A_371 = vector.broadcast %min3A_370 : f32 to vector<128x128xf32>
    %min3A_372 = arith.minimumf %dot_general3A_369, %min3A_371 : vector<128x128xf32>
    %exp3A_373 = math.exp %min3A_372 : vector<128x128xf32>
    %dot_general3A_374 = arith.constant dense<0.000000e+00> : vector<128x32xf32>
    %dot_general3A_375 = tpu.matmul %exp3A_373, %slice3A_367, %dot_general3A_374 {dimension_numbers = #tpu.dot_dimension_numbers<[1], [0], [0], [1], [0, 0, 1, 1], [], []>, transpose_lhs_hint = false} : vector<128x128xf32>, vector<128x32xf32>, vector<128x32xf32> -> vector<128x32xf32>
    %reduce_sum3A_376 = arith.constant dense<0.000000e+00> : vector<128xf32>
    %reduce_sum3A_377 = vector.multi_reduction <add>, %exp3A_373, %reduce_sum3A_376 [1] : vector<128x128xf32> to vector<128xf32>
    %broadcast_in_dim3A_378 = vector.shape_cast %reduce_sum3A_377 : vector<128xf32> to vector<128x1xf32>
    %integer_pow3A_379 = arith.constant 1.000000e+00 : f32
    %integer_pow3A_380 = vector.broadcast %integer_pow3A_379 : f32 to vector<128x1xf32>
    %integer_pow3A_381 = arith.divf %integer_pow3A_380, %broadcast_in_dim3A_378 : vector<128x1xf32>
    %mul3A_382 = vector.broadcast %integer_pow3A_381 : vector<128x1xf32> to vector<128x32xf32>
    %mul3A_383 = arith.mulf %dot_general3A_375, %mul3A_382 : vector<128x32xf32>
    %slice3A_384 = vector.extract_strided_slice %get3A_1 {offsets = [64, 0], sizes = [32, 192], strides = [1, 1]} : vector<192x192xf32> to vector<32x192xf32>
    %dot_general3A_385 = arith.constant dense<0.000000e+00> : vector<128x192xf32>
    %dot_general3A_386 = tpu.matmul %mul3A_383, %slice3A_384, %dot_general3A_385 {dimension_numbers = #tpu.dot_dimension_numbers<[1], [0], [0], [1], [0, 0, 1, 1], [], []>, transpose_lhs_hint = false} : vector<128x32xf32>, vector<32x192xf32>, vector<128x192xf32> -> vector<128x192xf32>
    %add3A_387 = arith.addf %add3A_364, %dot_general3A_386 : vector<128x192xf32>
    %slice3A_388 = vector.extract_strided_slice %mul3A_315 {offsets = [0, 96], sizes = [128, 32], strides = [1, 1]} : vector<128x192xf32> to vector<128x32xf32>
    %slice3A_389 = vector.extract_strided_slice %slice3A_316 {offsets = [0, 96], sizes = [128, 32], strides = [1, 1]} : vector<128x192xf32> to vector<128x32xf32>
    %slice3A_390 = vector.extract_strided_slice %slice3A_317 {offsets = [0, 96], sizes = [128, 32], strides = [1, 1]} : vector<128x192xf32> to vector<128x32xf32>
    %dot_general3A_391 = arith.constant dense<0.000000e+00> : vector<128x128xf32>
    %dot_general3A_392 = tpu.matmul %slice3A_388, %slice3A_389, %dot_general3A_391 {dimension_numbers = #tpu.dot_dimension_numbers<[1], [1], [0], [0], [0, 0, 1, 0], [], []>, transpose_lhs_hint = false} : vector<128x32xf32>, vector<128x32xf32>, vector<128x128xf32> -> vector<128x128xf32>
    %min3A_393 = arith.constant 8.000000e+01 : f32
    %min3A_394 = vector.broadcast %min3A_393 : f32 to vector<128x128xf32>
    %min3A_395 = arith.minimumf %dot_general3A_392, %min3A_394 : vector<128x128xf32>
    %exp3A_396 = math.exp %min3A_395 : vector<128x128xf32>
    %dot_general3A_397 = arith.constant dense<0.000000e+00> : vector<128x32xf32>
    %dot_general3A_398 = tpu.matmul %exp3A_396, %slice3A_390, %dot_general3A_397 {dimension_numbers = #tpu.dot_dimension_numbers<[1], [0], [0], [1], [0, 0, 1, 1], [], []>, transpose_lhs_hint = false} : vector<128x128xf32>, vector<128x32xf32>, vector<128x32xf32> -> vector<128x32xf32>
    %reduce_sum3A_399 = arith.constant dense<0.000000e+00> : vector<128xf32>
    %reduce_sum3A_400 = vector.multi_reduction <add>, %exp3A_396, %reduce_sum3A_399 [1] : vector<128x128xf32> to vector<128xf32>
    %broadcast_in_dim3A_401 = vector.shape_cast %reduce_sum3A_400 : vector<128xf32> to vector<128x1xf32>
    %integer_pow3A_402 = arith.constant 1.000000e+00 : f32
    %integer_pow3A_403 = vector.broadcast %integer_pow3A_402 : f32 to vector<128x1xf32>
    %integer_pow3A_404 = arith.divf %integer_pow3A_403, %broadcast_in_dim3A_401 : vector<128x1xf32>
    %mul3A_405 = vector.broadcast %integer_pow3A_404 : vector<128x1xf32> to vector<128x32xf32>
    %mul3A_406 = arith.mulf %dot_general3A_398, %mul3A_405 : vector<128x32xf32>
    %slice3A_407 = vector.extract_strided_slice %get3A_1 {offsets = [96, 0], sizes = [32, 192], strides = [1, 1]} : vector<192x192xf32> to vector<32x192xf32>
    %dot_general3A_408 = arith.constant dense<0.000000e+00> : vector<128x192xf32>
    %dot_general3A_409 = tpu.matmul %mul3A_406, %slice3A_407, %dot_general3A_408 {dimension_numbers = #tpu.dot_dimension_numbers<[1], [0], [0], [1], [0, 0, 1, 1], [], []>, transpose_lhs_hint = false} : vector<128x32xf32>, vector<32x192xf32>, vector<128x192xf32> -> vector<128x192xf32>
    %add3A_410 = arith.addf %add3A_387, %dot_general3A_409 : vector<128x192xf32>
    %slice3A_411 = vector.extract_strided_slice %mul3A_315 {offsets = [0, 128], sizes = [128, 32], strides = [1, 1]} : vector<128x192xf32> to vector<128x32xf32>
    %slice3A_412 = vector.extract_strided_slice %slice3A_316 {offsets = [0, 128], sizes = [128, 32], strides = [1, 1]} : vector<128x192xf32> to vector<128x32xf32>
    %slice3A_413 = vector.extract_strided_slice %slice3A_317 {offsets = [0, 128], sizes = [128, 32], strides = [1, 1]} : vector<128x192xf32> to vector<128x32xf32>
    %dot_general3A_414 = arith.constant dense<0.000000e+00> : vector<128x128xf32>
    %dot_general3A_415 = tpu.matmul %slice3A_411, %slice3A_412, %dot_general3A_414 {dimension_numbers = #tpu.dot_dimension_numbers<[1], [1], [0], [0], [0, 0, 1, 0], [], []>, transpose_lhs_hint = false} : vector<128x32xf32>, vector<128x32xf32>, vector<128x128xf32> -> vector<128x128xf32>
    %min3A_416 = arith.constant 8.000000e+01 : f32
    %min3A_417 = vector.broadcast %min3A_416 : f32 to vector<128x128xf32>
    %min3A_418 = arith.minimumf %dot_general3A_415, %min3A_417 : vector<128x128xf32>
    %exp3A_419 = math.exp %min3A_418 : vector<128x128xf32>
    %dot_general3A_420 = arith.constant dense<0.000000e+00> : vector<128x32xf32>
    %dot_general3A_421 = tpu.matmul %exp3A_419, %slice3A_413, %dot_general3A_420 {dimension_numbers = #tpu.dot_dimension_numbers<[1], [0], [0], [1], [0, 0, 1, 1], [], []>, transpose_lhs_hint = false} : vector<128x128xf32>, vector<128x32xf32>, vector<128x32xf32> -> vector<128x32xf32>
    %reduce_sum3A_422 = arith.constant dense<0.000000e+00> : vector<128xf32>
    %reduce_sum3A_423 = vector.multi_reduction <add>, %exp3A_419, %reduce_sum3A_422 [1] : vector<128x128xf32> to vector<128xf32>
    %broadcast_in_dim3A_424 = vector.shape_cast %reduce_sum3A_423 : vector<128xf32> to vector<128x1xf32>
    %integer_pow3A_425 = arith.constant 1.000000e+00 : f32
    %integer_pow3A_426 = vector.broadcast %integer_pow3A_425 : f32 to vector<128x1xf32>
    %integer_pow3A_427 = arith.divf %integer_pow3A_426, %broadcast_in_dim3A_424 : vector<128x1xf32>
    %mul3A_428 = vector.broadcast %integer_pow3A_427 : vector<128x1xf32> to vector<128x32xf32>
    %mul3A_429 = arith.mulf %dot_general3A_421, %mul3A_428 : vector<128x32xf32>
    %slice3A_430 = vector.extract_strided_slice %get3A_1 {offsets = [128, 0], sizes = [32, 192], strides = [1, 1]} : vector<192x192xf32> to vector<32x192xf32>
    %dot_general3A_431 = arith.constant dense<0.000000e+00> : vector<128x192xf32>
    %dot_general3A_432 = tpu.matmul %mul3A_429, %slice3A_430, %dot_general3A_431 {dimension_numbers = #tpu.dot_dimension_numbers<[1], [0], [0], [1], [0, 0, 1, 1], [], []>, transpose_lhs_hint = false} : vector<128x32xf32>, vector<32x192xf32>, vector<128x192xf32> -> vector<128x192xf32>
    %add3A_433 = arith.addf %add3A_410, %dot_general3A_432 : vector<128x192xf32>
    %slice3A_434 = vector.extract_strided_slice %mul3A_315 {offsets = [0, 160], sizes = [128, 32], strides = [1, 1]} : vector<128x192xf32> to vector<128x32xf32>
    %slice3A_435 = vector.extract_strided_slice %slice3A_316 {offsets = [0, 160], sizes = [128, 32], strides = [1, 1]} : vector<128x192xf32> to vector<128x32xf32>
    %slice3A_436 = vector.extract_strided_slice %slice3A_317 {offsets = [0, 160], sizes = [128, 32], strides = [1, 1]} : vector<128x192xf32> to vector<128x32xf32>
    %dot_general3A_437 = arith.constant dense<0.000000e+00> : vector<128x128xf32>
    %dot_general3A_438 = tpu.matmul %slice3A_434, %slice3A_435, %dot_general3A_437 {dimension_numbers = #tpu.dot_dimension_numbers<[1], [1], [0], [0], [0, 0, 1, 0], [], []>, transpose_lhs_hint = false} : vector<128x32xf32>, vector<128x32xf32>, vector<128x128xf32> -> vector<128x128xf32>
    %min3A_439 = arith.constant 8.000000e+01 : f32
    %min3A_440 = vector.broadcast %min3A_439 : f32 to vector<128x128xf32>
    %min3A_441 = arith.minimumf %dot_general3A_438, %min3A_440 : vector<128x128xf32>
    %exp3A_442 = math.exp %min3A_441 : vector<128x128xf32>
    %dot_general3A_443 = arith.constant dense<0.000000e+00> : vector<128x32xf32>
    %dot_general3A_444 = tpu.matmul %exp3A_442, %slice3A_436, %dot_general3A_443 {dimension_numbers = #tpu.dot_dimension_numbers<[1], [0], [0], [1], [0, 0, 1, 1], [], []>, transpose_lhs_hint = false} : vector<128x128xf32>, vector<128x32xf32>, vector<128x32xf32> -> vector<128x32xf32>
    %reduce_sum3A_445 = arith.constant dense<0.000000e+00> : vector<128xf32>
    %reduce_sum3A_446 = vector.multi_reduction <add>, %exp3A_442, %reduce_sum3A_445 [1] : vector<128x128xf32> to vector<128xf32>
    %broadcast_in_dim3A_447 = vector.shape_cast %reduce_sum3A_446 : vector<128xf32> to vector<128x1xf32>
    %integer_pow3A_448 = arith.constant 1.000000e+00 : f32
    %integer_pow3A_449 = vector.broadcast %integer_pow3A_448 : f32 to vector<128x1xf32>
    %integer_pow3A_450 = arith.divf %integer_pow3A_449, %broadcast_in_dim3A_447 : vector<128x1xf32>
    %mul3A_451 = vector.broadcast %integer_pow3A_450 : vector<128x1xf32> to vector<128x32xf32>
    %mul3A_452 = arith.mulf %dot_general3A_444, %mul3A_451 : vector<128x32xf32>
    %slice3A_453 = vector.extract_strided_slice %get3A_1 {offsets = [160, 0], sizes = [32, 192], strides = [1, 1]} : vector<192x192xf32> to vector<32x192xf32>
    %dot_general3A_454 = arith.constant dense<0.000000e+00> : vector<128x192xf32>
    %dot_general3A_455 = tpu.matmul %mul3A_452, %slice3A_453, %dot_general3A_454 {dimension_numbers = #tpu.dot_dimension_numbers<[1], [0], [0], [1], [0, 0, 1, 1], [], []>, transpose_lhs_hint = false} : vector<128x32xf32>, vector<32x192xf32>, vector<128x192xf32> -> vector<128x192xf32>
    %add3A_456 = arith.addf %add3A_433, %dot_general3A_455 : vector<128x192xf32>
    %swap3A_457 = arith.constant 2 : index
    %swap3A_458 = arith.constant 0 : index
    %swap3A_459 = arith.constant 0 : index
    %swap3A_460 = vector.load %arg4[%swap3A_457, %swap3A_458, %swap3A_459] : memref<4x128x256xf32, #tpu.memory_space<vmem>>, vector<1x128x192xf32>
    %swap3A_461 = vector.shape_cast %swap3A_460 : vector<1x128x192xf32> to vector<128x192xf32>
    %swap3A_462 = vector.shape_cast %add3A_456 : vector<128x192xf32> to vector<1x128x192xf32>
    tpu.vector_store %arg4[%swap3A_457, %swap3A_458, %swap3A_459], %swap3A_462 {strides = array<i32>} : memref<4x128x256xf32, #tpu.memory_space<vmem>>, vector<1x128x192xf32>,
    %get3A_463 = arith.constant 3 : index
    %get3A_464 = arith.constant 0 : index
    %get3A_465 = arith.constant 0 : index
    %get3A_466 = vector.load %arg1[%get3A_463, %get3A_464, %get3A_465] : memref<4x128x640xf32, #tpu.memory_space<vmem>>, vector<1x128x640xf32>
    %get3A_467 = vector.shape_cast %get3A_466 : vector<1x128x640xf32> to vector<128x640xf32>
    %slice3A_468 = vector.extract_strided_slice %get3A_467 {offsets = [0, 0], sizes = [128, 192], strides = [1, 1]} : vector<128x640xf32> to vector<128x192xf32>
    %mul3A_469 = arith.constant 0.176776692 : f32
    %mul3A_470 = vector.broadcast %mul3A_469 : f32 to vector<128x192xf32>
    %mul3A_471 = arith.mulf %slice3A_468, %mul3A_470 : vector<128x192xf32>
    %slice3A_472 = vector.extract_strided_slice %get3A_467 {offsets = [0, 192], sizes = [128, 192], strides = [1, 1]} : vector<128x640xf32> to vector<128x192xf32>
    %slice3A_473 = vector.extract_strided_slice %get3A_467 {offsets = [0, 384], sizes = [128, 192], strides = [1, 1]} : vector<128x640xf32> to vector<128x192xf32>
    %slice3A_474 = vector.extract_strided_slice %mul3A_471 {offsets = [0, 0], sizes = [128, 32], strides = [1, 1]} : vector<128x192xf32> to vector<128x32xf32>
    %slice3A_475 = vector.extract_strided_slice %slice3A_472 {offsets = [0, 0], sizes = [128, 32], strides = [1, 1]} : vector<128x192xf32> to vector<128x32xf32>
    %slice3A_476 = vector.extract_strided_slice %slice3A_473 {offsets = [0, 0], sizes = [128, 32], strides = [1, 1]} : vector<128x192xf32> to vector<128x32xf32>
    %dot_general3A_477 = arith.constant dense<0.000000e+00> : vector<128x128xf32>
    %dot_general3A_478 = tpu.matmul %slice3A_474, %slice3A_475, %dot_general3A_477 {dimension_numbers = #tpu.dot_dimension_numbers<[1], [1], [0], [0], [0, 0, 1, 0], [], []>, transpose_lhs_hint = false} : vector<128x32xf32>, vector<128x32xf32>, vector<128x128xf32> -> vector<128x128xf32>
    %min3A_479 = arith.constant 8.000000e+01 : f32
    %min3A_480 = vector.broadcast %min3A_479 : f32 to vector<128x128xf32>
    %min3A_481 = arith.minimumf %dot_general3A_478, %min3A_480 : vector<128x128xf32>
    %exp3A_482 = math.exp %min3A_481 : vector<128x128xf32>
    %dot_general3A_483 = arith.constant dense<0.000000e+00> : vector<128x32xf32>
    %dot_general3A_484 = tpu.matmul %exp3A_482, %slice3A_476, %dot_general3A_483 {dimension_numbers = #tpu.dot_dimension_numbers<[1], [0], [0], [1], [0, 0, 1, 1], [], []>, transpose_lhs_hint = false} : vector<128x128xf32>, vector<128x32xf32>, vector<128x32xf32> -> vector<128x32xf32>
    %reduce_sum3A_485 = arith.constant dense<0.000000e+00> : vector<128xf32>
    %reduce_sum3A_486 = vector.multi_reduction <add>, %exp3A_482, %reduce_sum3A_485 [1] : vector<128x128xf32> to vector<128xf32>
    %broadcast_in_dim3A_487 = vector.shape_cast %reduce_sum3A_486 : vector<128xf32> to vector<128x1xf32>
    %integer_pow3A_488 = arith.constant 1.000000e+00 : f32
    %integer_pow3A_489 = vector.broadcast %integer_pow3A_488 : f32 to vector<128x1xf32>
    %integer_pow3A_490 = arith.divf %integer_pow3A_489, %broadcast_in_dim3A_487 : vector<128x1xf32>
    %mul3A_491 = vector.broadcast %integer_pow3A_490 : vector<128x1xf32> to vector<128x32xf32>
    %mul3A_492 = arith.mulf %dot_general3A_484, %mul3A_491 : vector<128x32xf32>
    %slice3A_493 = vector.extract_strided_slice %get3A_1 {offsets = [0, 0], sizes = [32, 192], strides = [1, 1]} : vector<192x192xf32> to vector<32x192xf32>
    %dot_general3A_494 = arith.constant dense<0.000000e+00> : vector<128x192xf32>
    %dot_general3A_495 = tpu.matmul %mul3A_492, %slice3A_493, %dot_general3A_494 {dimension_numbers = #tpu.dot_dimension_numbers<[1], [0], [0], [1], [0, 0, 1, 1], [], []>, transpose_lhs_hint = false} : vector<128x32xf32>, vector<32x192xf32>, vector<128x192xf32> -> vector<128x192xf32>
    %add3A_496 = vector.broadcast %get3A_4 : vector<1x192xf32> to vector<128x192xf32>
    %add3A_497 = arith.addf %add3A_496, %dot_general3A_495 : vector<128x192xf32>
    %slice3A_498 = vector.extract_strided_slice %mul3A_471 {offsets = [0, 32], sizes = [128, 32], strides = [1, 1]} : vector<128x192xf32> to vector<128x32xf32>
    %slice3A_499 = vector.extract_strided_slice %slice3A_472 {offsets = [0, 32], sizes = [128, 32], strides = [1, 1]} : vector<128x192xf32> to vector<128x32xf32>
    %slice3A_500 = vector.extract_strided_slice %slice3A_473 {offsets = [0, 32], sizes = [128, 32], strides = [1, 1]} : vector<128x192xf32> to vector<128x32xf32>
    %dot_general3A_501 = arith.constant dense<0.000000e+00> : vector<128x128xf32>
    %dot_general3A_502 = tpu.matmul %slice3A_498, %slice3A_499, %dot_general3A_501 {dimension_numbers = #tpu.dot_dimension_numbers<[1], [1], [0], [0], [0, 0, 1, 0], [], []>, transpose_lhs_hint = false} : vector<128x32xf32>, vector<128x32xf32>, vector<128x128xf32> -> vector<128x128xf32>
    %min3A_503 = arith.constant 8.000000e+01 : f32
    %min3A_504 = vector.broadcast %min3A_503 : f32 to vector<128x128xf32>
    %min3A_505 = arith.minimumf %dot_general3A_502, %min3A_504 : vector<128x128xf32>
    %exp3A_506 = math.exp %min3A_505 : vector<128x128xf32>
    %dot_general3A_507 = arith.constant dense<0.000000e+00> : vector<128x32xf32>
    %dot_general3A_508 = tpu.matmul %exp3A_506, %slice3A_500, %dot_general3A_507 {dimension_numbers = #tpu.dot_dimension_numbers<[1], [0], [0], [1], [0, 0, 1, 1], [], []>, transpose_lhs_hint = false} : vector<128x128xf32>, vector<128x32xf32>, vector<128x32xf32> -> vector<128x32xf32>
    %reduce_sum3A_509 = arith.constant dense<0.000000e+00> : vector<128xf32>
    %reduce_sum3A_510 = vector.multi_reduction <add>, %exp3A_506, %reduce_sum3A_509 [1] : vector<128x128xf32> to vector<128xf32>
    %broadcast_in_dim3A_511 = vector.shape_cast %reduce_sum3A_510 : vector<128xf32> to vector<128x1xf32>
    %integer_pow3A_512 = arith.constant 1.000000e+00 : f32
    %integer_pow3A_513 = vector.broadcast %integer_pow3A_512 : f32 to vector<128x1xf32>
    %integer_pow3A_514 = arith.divf %integer_pow3A_513, %broadcast_in_dim3A_511 : vector<128x1xf32>
    %mul3A_515 = vector.broadcast %integer_pow3A_514 : vector<128x1xf32> to vector<128x32xf32>
    %mul3A_516 = arith.mulf %dot_general3A_508, %mul3A_515 : vector<128x32xf32>
    %slice3A_517 = vector.extract_strided_slice %get3A_1 {offsets = [32, 0], sizes = [32, 192], strides = [1, 1]} : vector<192x192xf32> to vector<32x192xf32>
    %dot_general3A_518 = arith.constant dense<0.000000e+00> : vector<128x192xf32>
    %dot_general3A_519 = tpu.matmul %mul3A_516, %slice3A_517, %dot_general3A_518 {dimension_numbers = #tpu.dot_dimension_numbers<[1], [0], [0], [1], [0, 0, 1, 1], [], []>, transpose_lhs_hint = false} : vector<128x32xf32>, vector<32x192xf32>, vector<128x192xf32> -> vector<128x192xf32>
    %add3A_520 = arith.addf %add3A_497, %dot_general3A_519 : vector<128x192xf32>
    %slice3A_521 = vector.extract_strided_slice %mul3A_471 {offsets = [0, 64], sizes = [128, 32], strides = [1, 1]} : vector<128x192xf32> to vector<128x32xf32>
    %slice3A_522 = vector.extract_strided_slice %slice3A_472 {offsets = [0, 64], sizes = [128, 32], strides = [1, 1]} : vector<128x192xf32> to vector<128x32xf32>
    %slice3A_523 = vector.extract_strided_slice %slice3A_473 {offsets = [0, 64], sizes = [128, 32], strides = [1, 1]} : vector<128x192xf32> to vector<128x32xf32>
    %dot_general3A_524 = arith.constant dense<0.000000e+00> : vector<128x128xf32>
    %dot_general3A_525 = tpu.matmul %slice3A_521, %slice3A_522, %dot_general3A_524 {dimension_numbers = #tpu.dot_dimension_numbers<[1], [1], [0], [0], [0, 0, 1, 0], [], []>, transpose_lhs_hint = false} : vector<128x32xf32>, vector<128x32xf32>, vector<128x128xf32> -> vector<128x128xf32>
    %min3A_526 = arith.constant 8.000000e+01 : f32
    %min3A_527 = vector.broadcast %min3A_526 : f32 to vector<128x128xf32>
    %min3A_528 = arith.minimumf %dot_general3A_525, %min3A_527 : vector<128x128xf32>
    %exp3A_529 = math.exp %min3A_528 : vector<128x128xf32>
    %dot_general3A_530 = arith.constant dense<0.000000e+00> : vector<128x32xf32>
    %dot_general3A_531 = tpu.matmul %exp3A_529, %slice3A_523, %dot_general3A_530 {dimension_numbers = #tpu.dot_dimension_numbers<[1], [0], [0], [1], [0, 0, 1, 1], [], []>, transpose_lhs_hint = false} : vector<128x128xf32>, vector<128x32xf32>, vector<128x32xf32> -> vector<128x32xf32>
    %reduce_sum3A_532 = arith.constant dense<0.000000e+00> : vector<128xf32>
    %reduce_sum3A_533 = vector.multi_reduction <add>, %exp3A_529, %reduce_sum3A_532 [1] : vector<128x128xf32> to vector<128xf32>
    %broadcast_in_dim3A_534 = vector.shape_cast %reduce_sum3A_533 : vector<128xf32> to vector<128x1xf32>
    %integer_pow3A_535 = arith.constant 1.000000e+00 : f32
    %integer_pow3A_536 = vector.broadcast %integer_pow3A_535 : f32 to vector<128x1xf32>
    %integer_pow3A_537 = arith.divf %integer_pow3A_536, %broadcast_in_dim3A_534 : vector<128x1xf32>
    %mul3A_538 = vector.broadcast %integer_pow3A_537 : vector<128x1xf32> to vector<128x32xf32>
    %mul3A_539 = arith.mulf %dot_general3A_531, %mul3A_538 : vector<128x32xf32>
    %slice3A_540 = vector.extract_strided_slice %get3A_1 {offsets = [64, 0], sizes = [32, 192], strides = [1, 1]} : vector<192x192xf32> to vector<32x192xf32>
    %dot_general3A_541 = arith.constant dense<0.000000e+00> : vector<128x192xf32>
    %dot_general3A_542 = tpu.matmul %mul3A_539, %slice3A_540, %dot_general3A_541 {dimension_numbers = #tpu.dot_dimension_numbers<[1], [0], [0], [1], [0, 0, 1, 1], [], []>, transpose_lhs_hint = false} : vector<128x32xf32>, vector<32x192xf32>, vector<128x192xf32> -> vector<128x192xf32>
    %add3A_543 = arith.addf %add3A_520, %dot_general3A_542 : vector<128x192xf32>
    %slice3A_544 = vector.extract_strided_slice %mul3A_471 {offsets = [0, 96], sizes = [128, 32], strides = [1, 1]} : vector<128x192xf32> to vector<128x32xf32>
    %slice3A_545 = vector.extract_strided_slice %slice3A_472 {offsets = [0, 96], sizes = [128, 32], strides = [1, 1]} : vector<128x192xf32> to vector<128x32xf32>
    %slice3A_546 = vector.extract_strided_slice %slice3A_473 {offsets = [0, 96], sizes = [128, 32], strides = [1, 1]} : vector<128x192xf32> to vector<128x32xf32>
    %dot_general3A_547 = arith.constant dense<0.000000e+00> : vector<128x128xf32>
    %dot_general3A_548 = tpu.matmul %slice3A_544, %slice3A_545, %dot_general3A_547 {dimension_numbers = #tpu.dot_dimension_numbers<[1], [1], [0], [0], [0, 0, 1, 0], [], []>, transpose_lhs_hint = false} : vector<128x32xf32>, vector<128x32xf32>, vector<128x128xf32> -> vector<128x128xf32>
    %min3A_549 = arith.constant 8.000000e+01 : f32
    %min3A_550 = vector.broadcast %min3A_549 : f32 to vector<128x128xf32>
    %min3A_551 = arith.minimumf %dot_general3A_548, %min3A_550 : vector<128x128xf32>
    %exp3A_552 = math.exp %min3A_551 : vector<128x128xf32>
    %dot_general3A_553 = arith.constant dense<0.000000e+00> : vector<128x32xf32>
    %dot_general3A_554 = tpu.matmul %exp3A_552, %slice3A_546, %dot_general3A_553 {dimension_numbers = #tpu.dot_dimension_numbers<[1], [0], [0], [1], [0, 0, 1, 1], [], []>, transpose_lhs_hint = false} : vector<128x128xf32>, vector<128x32xf32>, vector<128x32xf32> -> vector<128x32xf32>
    %reduce_sum3A_555 = arith.constant dense<0.000000e+00> : vector<128xf32>
    %reduce_sum3A_556 = vector.multi_reduction <add>, %exp3A_552, %reduce_sum3A_555 [1] : vector<128x128xf32> to vector<128xf32>
    %broadcast_in_dim3A_557 = vector.shape_cast %reduce_sum3A_556 : vector<128xf32> to vector<128x1xf32>
    %integer_pow3A_558 = arith.constant 1.000000e+00 : f32
    %integer_pow3A_559 = vector.broadcast %integer_pow3A_558 : f32 to vector<128x1xf32>
    %integer_pow3A_560 = arith.divf %integer_pow3A_559, %broadcast_in_dim3A_557 : vector<128x1xf32>
    %mul3A_561 = vector.broadcast %integer_pow3A_560 : vector<128x1xf32> to vector<128x32xf32>
    %mul3A_562 = arith.mulf %dot_general3A_554, %mul3A_561 : vector<128x32xf32>
    %slice3A_563 = vector.extract_strided_slice %get3A_1 {offsets = [96, 0], sizes = [32, 192], strides = [1, 1]} : vector<192x192xf32> to vector<32x192xf32>
    %dot_general3A_564 = arith.constant dense<0.000000e+00> : vector<128x192xf32>
    %dot_general3A_565 = tpu.matmul %mul3A_562, %slice3A_563, %dot_general3A_564 {dimension_numbers = #tpu.dot_dimension_numbers<[1], [0], [0], [1], [0, 0, 1, 1], [], []>, transpose_lhs_hint = false} : vector<128x32xf32>, vector<32x192xf32>, vector<128x192xf32> -> vector<128x192xf32>
    %add3A_566 = arith.addf %add3A_543, %dot_general3A_565 : vector<128x192xf32>
    %slice3A_567 = vector.extract_strided_slice %mul3A_471 {offsets = [0, 128], sizes = [128, 32], strides = [1, 1]} : vector<128x192xf32> to vector<128x32xf32>
    %slice3A_568 = vector.extract_strided_slice %slice3A_472 {offsets = [0, 128], sizes = [128, 32], strides = [1, 1]} : vector<128x192xf32> to vector<128x32xf32>
    %slice3A_569 = vector.extract_strided_slice %slice3A_473 {offsets = [0, 128], sizes = [128, 32], strides = [1, 1]} : vector<128x192xf32> to vector<128x32xf32>
    %dot_general3A_570 = arith.constant dense<0.000000e+00> : vector<128x128xf32>
    %dot_general3A_571 = tpu.matmul %slice3A_567, %slice3A_568, %dot_general3A_570 {dimension_numbers = #tpu.dot_dimension_numbers<[1], [1], [0], [0], [0, 0, 1, 0], [], []>, transpose_lhs_hint = false} : vector<128x32xf32>, vector<128x32xf32>, vector<128x128xf32> -> vector<128x128xf32>
    %min3A_572 = arith.constant 8.000000e+01 : f32
    %min3A_573 = vector.broadcast %min3A_572 : f32 to vector<128x128xf32>
    %min3A_574 = arith.minimumf %dot_general3A_571, %min3A_573 : vector<128x128xf32>
    %exp3A_575 = math.exp %min3A_574 : vector<128x128xf32>
    %dot_general3A_576 = arith.constant dense<0.000000e+00> : vector<128x32xf32>
    %dot_general3A_577 = tpu.matmul %exp3A_575, %slice3A_569, %dot_general3A_576 {dimension_numbers = #tpu.dot_dimension_numbers<[1], [0], [0], [1], [0, 0, 1, 1], [], []>, transpose_lhs_hint = false} : vector<128x128xf32>, vector<128x32xf32>, vector<128x32xf32> -> vector<128x32xf32>
    %reduce_sum3A_578 = arith.constant dense<0.000000e+00> : vector<128xf32>
    %reduce_sum3A_579 = vector.multi_reduction <add>, %exp3A_575, %reduce_sum3A_578 [1] : vector<128x128xf32> to vector<128xf32>
    %broadcast_in_dim3A_580 = vector.shape_cast %reduce_sum3A_579 : vector<128xf32> to vector<128x1xf32>
    %integer_pow3A_581 = arith.constant 1.000000e+00 : f32
    %integer_pow3A_582 = vector.broadcast %integer_pow3A_581 : f32 to vector<128x1xf32>
    %integer_pow3A_583 = arith.divf %integer_pow3A_582, %broadcast_in_dim3A_580 : vector<128x1xf32>
    %mul3A_584 = vector.broadcast %integer_pow3A_583 : vector<128x1xf32> to vector<128x32xf32>
    %mul3A_585 = arith.mulf %dot_general3A_577, %mul3A_584 : vector<128x32xf32>
    %slice3A_586 = vector.extract_strided_slice %get3A_1 {offsets = [128, 0], sizes = [32, 192], strides = [1, 1]} : vector<192x192xf32> to vector<32x192xf32>
    %dot_general3A_587 = arith.constant dense<0.000000e+00> : vector<128x192xf32>
    %dot_general3A_588 = tpu.matmul %mul3A_585, %slice3A_586, %dot_general3A_587 {dimension_numbers = #tpu.dot_dimension_numbers<[1], [0], [0], [1], [0, 0, 1, 1], [], []>, transpose_lhs_hint = false} : vector<128x32xf32>, vector<32x192xf32>, vector<128x192xf32> -> vector<128x192xf32>
    %add3A_589 = arith.addf %add3A_566, %dot_general3A_588 : vector<128x192xf32>
    %slice3A_590 = vector.extract_strided_slice %mul3A_471 {offsets = [0, 160], sizes = [128, 32], strides = [1, 1]} : vector<128x192xf32> to vector<128x32xf32>
    %slice3A_591 = vector.extract_strided_slice %slice3A_472 {offsets = [0, 160], sizes = [128, 32], strides = [1, 1]} : vector<128x192xf32> to vector<128x32xf32>
    %slice3A_592 = vector.extract_strided_slice %slice3A_473 {offsets = [0, 160], sizes = [128, 32], strides = [1, 1]} : vector<128x192xf32> to vector<128x32xf32>
    %dot_general3A_593 = arith.constant dense<0.000000e+00> : vector<128x128xf32>
    %dot_general3A_594 = tpu.matmul %slice3A_590, %slice3A_591, %dot_general3A_593 {dimension_numbers = #tpu.dot_dimension_numbers<[1], [1], [0], [0], [0, 0, 1, 0], [], []>, transpose_lhs_hint = false} : vector<128x32xf32>, vector<128x32xf32>, vector<128x128xf32> -> vector<128x128xf32>
    %min3A_595 = arith.constant 8.000000e+01 : f32
    %min3A_596 = vector.broadcast %min3A_595 : f32 to vector<128x128xf32>
    %min3A_597 = arith.minimumf %dot_general3A_594, %min3A_596 : vector<128x128xf32>
    %exp3A_598 = math.exp %min3A_597 : vector<128x128xf32>
    %dot_general3A_599 = arith.constant dense<0.000000e+00> : vector<128x32xf32>
    %dot_general3A_600 = tpu.matmul %exp3A_598, %slice3A_592, %dot_general3A_599 {dimension_numbers = #tpu.dot_dimension_numbers<[1], [0], [0], [1], [0, 0, 1, 1], [], []>, transpose_lhs_hint = false} : vector<128x128xf32>, vector<128x32xf32>, vector<128x32xf32> -> vector<128x32xf32>
    %reduce_sum3A_601 = arith.constant dense<0.000000e+00> : vector<128xf32>
    %reduce_sum3A_602 = vector.multi_reduction <add>, %exp3A_598, %reduce_sum3A_601 [1] : vector<128x128xf32> to vector<128xf32>
    %broadcast_in_dim3A_603 = vector.shape_cast %reduce_sum3A_602 : vector<128xf32> to vector<128x1xf32>
    %integer_pow3A_604 = arith.constant 1.000000e+00 : f32
    %integer_pow3A_605 = vector.broadcast %integer_pow3A_604 : f32 to vector<128x1xf32>
    %integer_pow3A_606 = arith.divf %integer_pow3A_605, %broadcast_in_dim3A_603 : vector<128x1xf32>
    %mul3A_607 = vector.broadcast %integer_pow3A_606 : vector<128x1xf32> to vector<128x32xf32>
    %mul3A_608 = arith.mulf %dot_general3A_600, %mul3A_607 : vector<128x32xf32>
    %slice3A_609 = vector.extract_strided_slice %get3A_1 {offsets = [160, 0], sizes = [32, 192], strides = [1, 1]} : vector<192x192xf32> to vector<32x192xf32>
    %dot_general3A_610 = arith.constant dense<0.000000e+00> : vector<128x192xf32>
    %dot_general3A_611 = tpu.matmul %mul3A_608, %slice3A_609, %dot_general3A_610 {dimension_numbers = #tpu.dot_dimension_numbers<[1], [0], [0], [1], [0, 0, 1, 1], [], []>, transpose_lhs_hint = false} : vector<128x32xf32>, vector<32x192xf32>, vector<128x192xf32> -> vector<128x192xf32>
    %add3A_612 = arith.addf %add3A_589, %dot_general3A_611 : vector<128x192xf32>
    %swap3A_613 = arith.constant 3 : index
    %swap3A_614 = arith.constant 0 : index
    %swap3A_615 = arith.constant 0 : index
    %swap3A_616 = vector.load %arg4[%swap3A_613, %swap3A_614, %swap3A_615] : memref<4x128x256xf32, #tpu.memory_space<vmem>>, vector<1x128x192xf32>
    %swap3A_617 = vector.shape_cast %swap3A_616 : vector<1x128x192xf32> to vector<128x192xf32>
    %swap3A_618 = vector.shape_cast %add3A_612 : vector<128x192xf32> to vector<1x128x192xf32>
    tpu.vector_store %arg4[%swap3A_613, %swap3A_614, %swap3A_615], %swap3A_618 {strides = array<i32>} : memref<4x128x256xf32, #tpu.memory_space<vmem>>, vector<1x128x192xf32>,
    return
  }
  func.func @transform_0(%arg0: i32) -> (i32, i32, i32) {
    %c0_i32 = arith.constant 0 : i32
    %c0_i32_0 = arith.constant 0 : i32
    %c0_i32_1 = arith.constant 0 : i32
    return %arg0, %c0_i32, %c0_i32_0 : i32, i32, i32
  }
  func.func @transform_1(%arg0: i32) -> (i32, i32) {
    %c0_i32 = arith.constant 0 : i32
    %c0_i32_0 = arith.constant 0 : i32
    %c0_i32_1 = arith.constant 0 : i32
    return %c0_i32, %c0_i32_0 : i32, i32
  }
  func.func @transform_2(%arg0: i32) -> (i32, i32) {
    %c0_i32 = arith.constant 0 : i32
    %c0_i32_0 = arith.constant 0 : i32
    %c0_i32_1 = arith.constant 0 : i32
    return %c0_i32, %c0_i32_0 : i32, i32
  }
  func.func @transform_3(%arg0: i32) -> (i32, i32, i32) {
    %c0_i32 = arith.constant 0 : i32
    %c0_i32_0 = arith.constant 0 : i32
    %c0_i32_1 = arith.constant 0 : i32
    return %arg0, %c0_i32, %c0_i32_0 : i32, i32, i32
  }
}

</mosaic_0001>

<sc_bundles>
// kernel: kernel.11.cloned.1.call-start
scs
__scs_entry_jumppad:
0x0: {  	(pc) =	sbr.rel $0x88, $3  }
0x1: {  	(tag) =	ssettag $0x0;
	lr =	simm.s32 $0x1  }
0x2: {  	[smem:$0x3F9D] =	sst lr;
	_ =	strace $0xD0000000  }
0x3: {  	_ = 	snop  }
0x4: {  	_ = 	snop  }
0x5: {  	_ = 	snop  }
0x6: {  	_ = 	snop  }
0x7: {  	_ = 	snop  }
__scs_overlays_trampoline_lowered:
0x8: {  	[smem:$0x3FAC] =	sst s0  }
0x9: {  	[smem:$0x3FAD] =	sst s1  }
0xa: {  	[smem:$0x3FAE] =	sst s2  }
0xb: {  	[smem:$0x3FAF] =	sst s3  }
0xc: {  	[smem:$0x3FB0] =	sst s4  }
0xd: {  	[smem:$0x3FB1] =	sst s5  }
0xe: {  	[smem:$0x3FB2] =	sst s6  }
0xf: {  	[smem:$0x3FB3] =	sst s7  }
0x10: {  	[smem:$0x3FB4] =	sst s8  }
0x11: {  	[smem:$0x3FB5] =	sst s9;
	s0 =	simm.s32 @!p0 $0x0  }
0x12: {  	s1 =	sld [smem:$0x3F9B];
	s0 =	simm.s32 @p0 $0x1  }
0x13: {  	[smem:$0x3FB6] =	sst s0;
	s0 =	simm.s32 @!p1 $0x0  }
0x14: {  	s2 =	sld [smem:$0x3F9A];
	s0 =	simm.s32 @p1 $0x1  }
0x15: {  	[smem:$0x3FB7] =	sst s0;
	s0 =	simm.s32 @!p2 $0x0  }
0x16: {  	s3 =	sld [smem:$0x3FDB];
	s0 =	simm.s32 @p2 $0x1  }
0x17: {  	s4 =	simm.s32 $0x1BF5;
	[smem:$0x3FB9] =	sst s0  }
0x18: {  	s0 =	sld [smem:$0x3F9C];
	_ =	swait.ge [sflag:s4], $0x0  }
0x19: {  	s7 =	sld [smem:$0x3F9D]  }
0x1a: {  	s8 =	sadd.s32 $0xFFFFE003, lr  }
0x1b: {  	s9 =	sadd.s32 $0xFFFFFEF7, lr;
	s5 =	simm.s32 $0xFFFFFFFF;
	p2 =	slt.u32 s8, $0xFFFFF086  }
0x1c: {  	p1 =	slt.u32 s9, $0xF7A;
	s5 =	simm.s32 @!p2 $0x0  }
0x1d: {  	s5 =	simm.s32 @p1 $0x1;
	p0 =	seq.s32 s7, s2  }
0x1e: {  	s7 =	smul.u32 @!p0 $0xF7A, s2;
	p2 =	seq.s32 @!p0 s5, $0x0  }
0x1f: {  	s9 =	smul.u32 $0xF7A, s1;
	s8 =	simm.s32 @!p0 $0x1BF5;
	p2 =	por !p2, p0  }
0x20: {  	[sflag:s8] =	ssyncset.s32 @!p0 $0xFFFFF086;
	s6 =	sadd.s32 @!p0 s3, s7;
	s7 =	simm.s32 @!p0 $0x108  }
0x21: {  	s3 =	sadd.s32 s3, s9;
	s6 =	sadd.s32 @!p0 $0x88, s6;
	s7 =	simm.s32 @p2 $0x1082  }
0x22: {  	[simem:s7], [sflag:s8] =	dma.local @!p0 [hbm:s6], $0xF7A  }
0x23: {  	s9 =	sor.u32 $0xD0000000, s2;
	s6 =	simm.s32 $0x108;
	_ =	swait.ge @!p0 [sflag:s8], $0x0  }
0x24: {  	s3 =	sadd.s32 $0x88, s3;
	s6 =	simm.s32 @!p1 $0x1082;
	[sflag:s4] =	ssyncset.s32 $0xFFFFF086  }
0x25: {  	[simem:s6], [sflag:s4] =	dma.local [hbm:s3], $0xF7A  }
0x26: {  	[smem:$0x3F9D] =	sst s1;
	(tag) =	ssettag s2;
	_ =	strace s9  }
0x27: {  	s1 =	sld [smem:$0x3FAD]  }
0x28: {  	s2 =	sld [smem:$0x3FAE]  }
0x29: {  	s4 =	sld [smem:$0x3FB0]  }
0x2a: {  	p0 =	seq.s32 s5, $0x0;
	s5 =	sld [smem:$0x3FB1]  }
0x2b: {  	s6 =	sld [smem:$0x3FB2]  }
0x2c: {  	s7 =	sld [smem:$0x3FB3]  }
0x2d: {  	s3 =	simm.s32 $0x108;
	s8 =	sld [smem:$0x3FB4]  }
0x2e: {  	s3 =	simm.s32 @!p0 $0x1082;
	s9 =	sld [smem:$0x3FB5]  }
0x2f: {  	lr =	sadd.s32 s0, s3;
	s0 =	sld [smem:$0x3FAC]  }
0x30: {  	s3 =	sld [smem:$0x3FAF]  }
0x31: {  	[smem:$0x3FB8] =	sst s10  }
0x32: {  	s10 =	sld [smem:$0x3FB6];
	_ =	sdelay $0x3  }
0x33: {  	p0 =	seq.s32 s10, $0x1;
	s10 =	sld [smem:$0x3FB8];
	_ =	sdelay $0x3  }
0x34: {  	[smem:$0x3FB8] =	sst s10  }
0x35: {  	s10 =	sld [smem:$0x3FB7];
	_ =	sdelay $0x3  }
0x36: {  	p1 =	seq.s32 s10, $0x1;
	s10 =	sld [smem:$0x3FB8];
	_ =	sdelay $0x3  }
0x37: {  	[smem:$0x3FB8] =	sst s10  }
0x38: {  	s10 =	sld [smem:$0x3FB9]  }
0x39: {  	_ = 	snop;
	(pc) =	sbr.ind lr, $3  }
0x3a: {  	_ = 	snop  }
0x3b: {  	_ = 	snop  }
0x3c: {  	p2 =	seq.s32 s10, $0x1;
	s10 =	sld [smem:$0x3FB8]  }
0x3d: {  	_ =	shalt  }
0x3e: {  	_ =	shalt  }
0x3f: {  	_ =	shalt  }
0x40: {  	_ =	shalt  }
0x41: {  	_ =	shalt  }
0x42: {  	_ =	shalt  }
0x43: {  	_ =	shalt  }
0x44: {  	_ =	shalt  }
0x45: {  	_ =	shalt  }
0x46: {  	_ =	shalt  }
0x47: {  	_ =	shalt  }
0x48: {  	_ =	shalt  }
0x49: {  	_ =	shalt  }
0x4a: {  	_ =	shalt  }
0x4b: {  	_ =	shalt  }
0x4c: {  	_ =	shalt  }
0x4d: {  	_ =	shalt  }
0x4e: {  	_ =	shalt  }
0x4f: {  	_ =	shalt  }
0x50: {  	_ =	shalt  }
0x51: {  	_ =	shalt  }
0x52: {  	_ =	shalt  }
0x53: {  	_ =	shalt  }
0x54: {  	_ =	shalt  }
0x55: {  	_ =	shalt  }
0x56: {  	_ =	shalt  }
0x57: {  	_ =	shalt  }
0x58: {  	_ =	shalt  }
0x59: {  	_ =	shalt  }
0x5a: {  	_ =	shalt  }
0x5b: {  	_ =	shalt  }
0x5c: {  	_ =	shalt  }
0x5d: {  	_ =	shalt  }
0x5e: {  	_ =	shalt  }
0x5f: {  	_ =	shalt  }
0x60: {  	_ =	shalt  }
0x61: {  	_ =	shalt  }
0x62: {  	_ =	shalt  }
0x63: {  	_ =	shalt  }
0x64: {  	_ =	shalt  }
0x65: {  	_ =	shalt  }
0x66: {  	_ =	shalt  }
0x67: {  	_ =	shalt  }
0x68: {  	_ =	shalt  }
0x69: {  	_ =	shalt  }
0x6a: {  	_ =	shalt  }
0x6b: {  	_ =	shalt  }
0x6c: {  	_ =	shalt  }
0x6d: {  	_ =	shalt  }
0x6e: {  	_ =	shalt  }
0x6f: {  	_ =	shalt  }
0x70: {  	_ =	shalt  }
0x71: {  	_ =	shalt  }
0x72: {  	_ =	shalt  }
0x73: {  	_ =	shalt  }
0x74: {  	_ =	shalt  }
0x75: {  	_ =	shalt  }
0x76: {  	_ =	shalt  }
0x77: {  	_ =	shalt  }
0x78: {  	_ =	shalt  }
0x79: {  	_ =	shalt  }
0x7a: {  	_ =	shalt  }
0x7b: {  	_ =	shalt  }
0x7c: {  	_ =	shalt  }
0x7d: {  	_ =	shalt  }
0x7e: {  	_ =	shalt  }
0x7f: {  	_ =	shalt  }
0x80: {  	_ =	shalt  }
0x81: {  	_ =	shalt  }
0x82: {  	_ =	shalt  }
0x83: {  	_ =	shalt  }
0x84: {  	_ =	shalt  }
0x85: {  	_ =	shalt  }
0x86: {  	_ =	shalt  }
0x87: {  	_ =	shalt  }
.Lfunc_end0:
.L_simem_size_0:
called_computation_lowered:
.L_overlay_start_0:
0x88: {  	s2 =	sld [smem:$0x3FD9]  }
0x89: {  	s3 =	sld [smem:$0x3FFE];
	_ =	sdelay $0x1  }
0x8a: {  	s1 =	srdreg.scid  }
0x8b: {  	s0 =	sand.u32 $0x1, s1  }
0x8c: {  	s16 =	sshll.u32 s0, $0xA;
	s2 =	sadd.s32 s3, s2  }
0x8d: {  	s2 =	sadd.s32 s2, s16  }
0x8e: {  	[smem:$0x3FC4] =	sst s2  }
0x8f: {  	_ = 	snop  }
0x90: {  	(tm) =	ssettm $0x1  }
0x91: {  	s17 =	sld [smem:$0x3FFB];
	_ =	sdelay $0x3  }
0x92: {  	_ =	strace s17  }
0x93: {  	s2 =	sld [smem:$0x3FFC];
	_ =	sdelay $0x3  }
0x94: {  	_ =	strace s2  }
0x95: {  	s2 =	sld [smem:$0x3FFD];
	_ =	sdelay $0x3  }
0x96: {  	_ =	strace s2  }
0x97: {  	_ =	strace $0x8FFFFFFF  }
0x98: {  	s18 =	sld [smem:$0x3FDB];
	_ =	sdelay $0x1  }
0x99: {  	s19 =	simm.s32 $_scs_section_size  }
0x9a: {  	s4 =	simm.s32 $_size__tile_overlayer_lowered;
	s5 =	simm.s32 $_tile_overlayer_lowered  }
0x9b: {  	s22 =	simm.s32 $0x1BFF;
	s21 =	sshll.u32 s5, $0x1;
	s2 =	sadd.s32 s19, s18  }
0x9c: {  	s6 =	simm.s32 $0x0;
	s20 =	sshll.u32 s4, $0x1;
	s4 =	sadd.s32 s21, s2  }
0x9d: {  	[timem:s6], [sflag:s22] =	dma.local [hbm:s4], s20  }
0x9e: {  	_ =	swait.ge [sflag:s22], s20  }
0x9f: {  	s3 =	ssub.s32 $0x0, s20;
	[sflag:s22] =	ssyncset.done $0x0  }
0xa0: {  	[sflag:s22] =	ssyncadd.s32 s3;
	_ =	sdelay $0x1  }
0xa1: {  	s23 =	simm.s32 $0x1B8B  }
0xa2: {  	_ =	swait.ge [sflag:s23], $0x1  }
0xa3: {  	[sflag:s23] =	ssyncset.done $0x0  }
0xa4: {  	s25 =	simm.s32 $0x1B8E;
	s24 =	sld [smem:$0x3FFE];
	[sflag:s23] =	ssyncadd.s32 $0xFFFFFFFF  }
0xa5: {  	s26 =	simm.s32 $execute0_lowered;
	[smem:$0x3FD2] =	sst s25  }
0xa6: {  	s4 =	sshll.u32 s26, $0x1;
	_ =	strace $0x80000046;
	[dreg:$0x1] =	wrdreg $0xFFFFFFFF  }
0xa7: {  	s28 =	simm.s32 $_size_execute0_lowered;
	s2 =	sadd.s32 s2, s4;
	[dreg:$0x0] =	wrdreg $0x0  }
0xa8: {  	s4 =	sshll.u32 s28, $0x1;
	[dreg:$0x2] =	wrdreg s2  }
0xa9: {  	[dreg:$0x3] =	wrdreg s4  }
0xaa: {  	[dreg:$0x4] =	wrdreg $0xC0  }
0xab: {  	_ =	task [dreg:s6], $0x5FFFF  }
0xac: {  	[dreg:$0x1] =	wrdreg $0xFFFFFFFF  }
0xad: {  	[dreg:$0x0] =	wrdreg $0x60  }
0xae: {  	[dreg:$0x2] =	wrdreg s24  }
0xaf: {  	[dreg:$0x3] =	wrdreg $0x9  }
0xb0: {  	_ =	task.clear_ibuf [dreg:s6], $0x4FFFF;
	_ =	strace $0x90000046  }
0xb1: {  	s29 =	simm.s32 $0x9;
	_ =	strace $0x80000048  }
0xb2: {  	_ =	swait.ge [sflag:s29], $0x1  }
0xb3: {  	[sflag:s29] =	ssyncadd.s32 $0xFFFFFFFF  }
0xb4: {  	_ =	strace $0x90000048  }
0xb5: {  	_ =	sfence  }
0xb6: {  	s30 =	sld [smem:$0x0];
	_ =	sdelay $0x2  }
0xb7: {  	s31 =	sshll.u32 s1, $0xD;
	s1 =	sshrl.u32 s1, $0x2  }
0xb8: {  	s3 =	sand.u32 $0x4000, s31;
	s1 =	sadd.s32 s1, s30  }
0xb9: {  	s0 =	sor.u32 s3, s0;
	s1 =	sshll.u32 s1, $0x11  }
0xba: {  	s0 =	sor.u32 s1, s0  }
0xbb: {  	s0 =	sadd.s32 $0x8F2B, s0  }
0xbc: {  	[sflag:s0] =	ssyncadd.remote.s32 $0x1  }
0xbd: {  	_ =	sfence.sel $0xFFFF  }
0xbe: {  	[dreg:$0x0] =	wrdreg $0xFFFFFFFF;
	(pc) =	sbr.abs _section_cstart, $3  }
0xbf: {  	[dreg:$0x1] =	wrdreg $0xFFFFFFFF  }
0xc0: {  	_ =	task.clear_ibuf [dreg:s6], $0x2FFFF;
	_ =	strace $0x9FFFFFFF  }
0xc1: {  	(tm) =	ssettm $0x7FFFFFFF  }
tec
execute0_lowered:
.L_overlay_start_1:
0x0: {  	(tag) =	ssettag $0x1  }
0x1: {  	s0 =	rddreg [dreg:$0x0];
	s1 =	srdreg.scid;
	s2 =	simm.s32 $0x0  }
0x2: {  	s3 =	stileid.u32;
	s12 =	simm.s32 $0x2;
	s13 =	simm.s32 $0x3  }
0x3: {  	s14 =	simm.s32 $0x4;
	s10 =	simm.s32 $0x100;
	s28 =	simm.s32 $0x4D00  }
0x4: {  	s29 =	simm.s32 $0x5100;
	s30 =	simm.s32 $0x5900;
	s31 =	simm.s32 $0x6100  }
0x5: {  	s11 =	simm.s32 $0x7500;
	s1 =	sand.u32 $0x1, s1;
	[smem:$0x7FF] =	sst s2  }
0x6: {  	s4 =	sshll.u32 s3, $0x6;
	s3 =	sadd.s32 $0x280400, s0;
	s5 =	sshll.u32 s1, $0x5  }
0x7: {  	s17 =	sadd.s32 $0x280000, s0;
	s1 =	ssub.s32 $0x2, s1;
	s4 =	sor.u32 s5, s4  }
0x8: {  	_ =	strace $0x80000047;
	s7 =	sshrl.u32 s1, $0x1;
	s6 =	smul.u32 $0x280, s4  }
0x9: {  	s8 =	sadd.s32 s17, s4;
	s9 =	sor.u32 $0x8, s4;
	s20 =	sor.u32 $0x10, s4  }
0xa: {  	s4 =	sor.u32 $0x18, s4;
	s1 =	ssub.s32 s1, s7;
	s18 =	smul.u32 $0x280, s9  }
0xb: {  	s7 =	simm.s32 $0x5;
	[dreg:$0x2] =	wrdreg s8;
	s22 =	smul.u32 $0x280, s20  }
0xc: {  	s19 =	sadd.s32 s17, s9;
	s23 =	sadd.s32 s17, s20;
	s25 =	smul.u32 $0x280, s4  }
0xd: {  	s5 =	sadd.s32 s17, s4;
	s4 =	sadd.s32 $0x280500, s0;
	s17 =	simm.s32 $0x900  }
0xe: {  	s20 =	simm.s32 $0x1D00;
	s9 =	simm.s32 $0x6D00;
	[dreg:$0x4] =	wrdreg s19  }
0xf: {  	s8 =	simm.s32 $0x7900;
	s6 =	sadd.s32 s0, s6;
	[dreg:$0x6] =	wrdreg s23  }
0x10: {  	[dreg:$0x8] =	wrdreg s5;
	s5 =	sadd.s32 $0x280600, s0;
	s19 =	simm.s32 $0x1500  }
0x11: {  	s23 =	simm.s32 $0x3100;
	[dreg:$0x3] =	wrdreg s6;
	s21 =	sadd.s32 s0, s18  }
0x12: {  	s24 =	sadd.s32 s0, s22;
	s26 =	sadd.s32 s0, s25;
	[dreg:$0x5] =	wrdreg s21  }
0x13: {  	v2 =	vlaneseq.u32;
	s6 =	smax.u32 s1, $0x1;
	s18 =	simm.s32 $0x1100;
	[dreg:$0x7] =	wrdreg s24  }
0x14: {  	vm0 =	vmmov $0xffff;
	vm1 =	vmmov $0xff;
	v1 =	vshrl.u32 v2, $0x3;
	s22 =	simm.s32 $0x2900;
	s25 =	simm.s32 $0x3D00;
	[dreg:$0x9] =	wrdreg s26  }
0x15: {  	v0 =	vand.u32 $0x7, v2;
	v2 =	vor.u32 $0x8, v2;
	v1 =	vmul.u32 $0x8, v1;
	s21 =	simm.s32 $0x2500;
	s24 =	simm.s32 $0x3900;
	s26 =	simm.s32 $0x4500  }
.LBB2_1:
0x16: {  	s15 =	rddreg [dreg:$0x2]  }
0x17: {  	[tilespmem:s2], [sflag:$0x5] =	stream.linear.gather [hbm4b:s15+s2], $0x40, $0x38;
	[tilespmem:$0x14100] =	vst v63  }
0x18: {  	_ =	swait.ge [sflag:s7], $0x40  }
0x19: {  	[sflag:s7] =	ssyncset.done $0x0  }
0x1a: {  	[sflag:s7] =	ssyncadd.s32 $0xFFFFFFC0  }
0x1b: {  	v3 =	vld [tilespmem:$0x0];
	_ =	sdelay $0x4  }
0x1c: {  	v4 =	vshrl.u32 v3, $0x3  }
0x1d: {  	v4 =	vmul.u32 $0x28, v4  }
0x1e: {  	v3 =	vand.u32 $0x7, v3  }
0x1f: {  	v3 =	vor.u32 v3, v4  }
0x20: {  	v4 =	vperm.xlane v3, v0;
	_ =	sdelay $0x1  }
0x21: {  	v4 =	vadd.s32 v1, v4;
	_ =	sdelay $0x3  }
0x22: {  	v3 =	vperm.xlane v3, v2  }
0x23: {  	[tilespmem:s10], [sflag:$0x1] =	stream.indirect_vreg.gather [hbm4b:s3+s2], $0x80, v4, vm0, $0xb8;
	[tilespmem:$0x14100] =	vst v63  }
0x24: {  	v3 =	vadd.s32 v1, v3  }
0x25: {  	[tilespmem:s17], [sflag:$0x1] =	stream.indirect_vreg.gather [hbm4b:s4+s2], $0x80, v4, vm0, $0xb8;
	[tilespmem:$0x14100] =	vst v63  }
0x26: {  	_ = 	snop  }
0x27: {  	[tilespmem:s18], [sflag:$0x1] =	stream.indirect_vreg.gather [hbm4b:s5+s2], $0x80, v4, vm1, $0xb8;
	[tilespmem:$0x14100] =	vst v63  }
0x28: {  	_ = 	snop  }
0x29: {  	[tilespmem:s19], [sflag:$0x1] =	stream.indirect_vreg.gather [hbm4b:s3+s2], $0x80, v3, vm0, $0xb8;
	[tilespmem:$0x14100] =	vst v63  }
0x2a: {  	_ = 	snop  }
0x2b: {  	[tilespmem:s20], [sflag:$0x1] =	stream.indirect_vreg.gather [hbm4b:s4+s2], $0x80, v3, vm0, $0xb8;
	[tilespmem:$0x14100] =	vst v63  }
0x2c: {  	_ = 	snop  }
0x2d: {  	[tilespmem:s21], [sflag:$0x1] =	stream.indirect_vreg.gather [hbm4b:s5+s2], $0x80, v3, vm1, $0xb8;
	[tilespmem:$0x14100] =	vst v63  }
0x2e: {  	v3 =	vld [tilespmem:$0x10];
	_ =	sdelay $0x4  }
0x2f: {  	v49 =	vshrl.u32 v3, $0x3  }
0x30: {  	v4 =	vmul.u32 $0x28, v49  }
0x31: {  	v3 =	vand.u32 $0x7, v3  }
0x32: {  	v3 =	vor.u32 v3, v4  }
0x33: {  	v4 =	vperm.xlane v3, v0;
	_ =	sdelay $0x1  }
0x34: {  	v4 =	vadd.s32 v1, v4;
	_ =	sdelay $0x3  }
0x35: {  	v3 =	vperm.xlane v3, v2  }
0x36: {  	[tilespmem:s22], [sflag:$0x1] =	stream.indirect_vreg.gather [hbm4b:s3+s2], $0x80, v4, vm0, $0xb8;
	[tilespmem:$0x14100] =	vst v63  }
0x37: {  	v3 =	vadd.s32 v1, v3  }
0x38: {  	[tilespmem:s23], [sflag:$0x1] =	stream.indirect_vreg.gather [hbm4b:s4+s2], $0x80, v4, vm0, $0xb8;
	[tilespmem:$0x14100] =	vst v63  }
0x39: {  	_ = 	snop  }
0x3a: {  	[tilespmem:s24], [sflag:$0x1] =	stream.indirect_vreg.gather [hbm4b:s5+s2], $0x80, v4, vm1, $0xb8;
	[tilespmem:$0x14100] =	vst v63  }
0x3b: {  	_ = 	snop  }
0x3c: {  	[tilespmem:s25], [sflag:$0x1] =	stream.indirect_vreg.gather [hbm4b:s3+s2], $0x80, v3, vm0, $0xb8;
	[tilespmem:$0x14100] =	vst v63  }
0x3d: {  	_ = 	snop  }
0x3e: {  	[tilespmem:s26], [sflag:$0x1] =	stream.indirect_vreg.gather [hbm4b:s4+s2], $0x80, v3, vm0, $0xb8;
	[tilespmem:$0x14100] =	vst v63  }
0x3f: {  	_ = 	snop  }
0x40: {  	[tilespmem:s28], [sflag:$0x1] =	stream.indirect_vreg.gather [hbm4b:s5+s2], $0x80, v3, vm1, $0xb8;
	[tilespmem:$0x14100] =	vst v63  }
0x41: {  	v3 =	vld [tilespmem:$0x20];
	_ =	sdelay $0x4  }
0x42: {  	v50 =	vshrl.u32 v3, $0x3  }
0x43: {  	v4 =	vmul.u32 $0x28, v50  }
0x44: {  	v3 =	vand.u32 $0x7, v3  }
0x45: {  	v3 =	vor.u32 v3, v4  }
0x46: {  	v4 =	vperm.xlane v3, v0;
	_ =	sdelay $0x1  }
0x47: {  	v4 =	vadd.s32 v1, v4;
	_ =	sdelay $0x3  }
0x48: {  	v3 =	vperm.xlane v3, v2  }
0x49: {  	[tilespmem:s29], [sflag:$0x1] =	stream.indirect_vreg.gather [hbm4b:s3+s2], $0x80, v4, vm0, $0xb8;
	[tilespmem:$0x14100] =	vst v63  }
0x4a: {  	v3 =	vadd.s32 v1, v3  }
0x4b: {  	[tilespmem:s30], [sflag:$0x1] =	stream.indirect_vreg.gather [hbm4b:s4+s2], $0x80, v4, vm0, $0xb8;
	[tilespmem:$0x14100] =	vst v63  }
0x4c: {  	_ = 	snop  }
0x4d: {  	[tilespmem:s31], [sflag:$0x1] =	stream.indirect_vreg.gather [hbm4b:s5+s2], $0x80, v4, vm1, $0xb8;
	[tilespmem:$0x14100] =	vst v63  }
0x4e: {  	s0 =	simm.s32 $0x6500  }
0x4f: {  	[tilespmem:s0], [sflag:$0x1] =	stream.indirect_vreg.gather [hbm4b:s3+s2], $0x80, v3, vm0, $0xb8;
	[tilespmem:$0x14100] =	vst v63  }
0x50: {  	_ = 	snop  }
0x51: {  	[tilespmem:s9], [sflag:$0x1] =	stream.indirect_vreg.gather [hbm4b:s4+s2], $0x80, v3, vm0, $0xb8;
	[tilespmem:$0x14100] =	vst v63  }
0x52: {  	_ = 	snop  }
0x53: {  	[tilespmem:s11], [sflag:$0x1] =	stream.indirect_vreg.gather [hbm4b:s5+s2], $0x80, v3, vm1, $0xb8;
	[tilespmem:$0x14100] =	vst v63  }
0x54: {  	v3 =	vld [tilespmem:$0x30];
	_ =	sdelay $0x4  }
0x55: {  	v51 =	vshrl.u32 v3, $0x3  }
0x56: {  	v4 =	vmul.u32 $0x28, v51  }
0x57: {  	v3 =	vand.u32 $0x7, v3  }
0x58: {  	v3 =	vor.u32 v3, v4  }
0x59: {  	v4 =	vperm.xlane v3, v0;
	_ =	sdelay $0x1  }
0x5a: {  	v4 =	vadd.s32 v1, v4;
	_ =	sdelay $0x3  }
0x5b: {  	v3 =	vperm.xlane v3, v2  }
0x5c: {  	[tilespmem:s8], [sflag:$0x1] =	stream.indirect_vreg.gather [hbm4b:s3+s2], $0x80, v4, vm0, $0xb8;
	[tilespmem:$0x14100] =	vst v63  }
0x5d: {  	s1 =	simm.s32 $0x8100;
	v3 =	vadd.s32 v1, v3  }
0x5e: {  	[tilespmem:s1], [sflag:$0x1] =	stream.indirect_vreg.gather [hbm4b:s4+s2], $0x80, v4, vm0, $0xb8;
	[tilespmem:$0x14100] =	vst v63  }
0x5f: {  	s15 =	simm.s32 $0x8900  }
0x60: {  	[tilespmem:s15], [sflag:$0x1] =	stream.indirect_vreg.gather [hbm4b:s5+s2], $0x80, v4, vm1, $0xb8;
	[tilespmem:$0x14100] =	vst v63  }
0x61: {  	s16 =	simm.s32 $0x8D00  }
0x62: {  	[tilespmem:s16], [sflag:$0x1] =	stream.indirect_vreg.gather [hbm4b:s3+s2], $0x80, v3, vm0, $0xb8;
	[tilespmem:$0x14100] =	vst v63  }
0x63: {  	s15 =	simm.s32 $0x9500  }
0x64: {  	[tilespmem:s15], [sflag:$0x1] =	stream.indirect_vreg.gather [hbm4b:s4+s2], $0x80, v3, vm0, $0xb8;
	[tilespmem:$0x14100] =	vst v63  }
0x65: {  	s0 =	simm.s32 $0x1;
	s16 =	simm.s32 $0x9D00  }
0x66: {  	[tilespmem:s16], [sflag:$0x1] =	stream.indirect_vreg.gather [hbm4b:s5+s2], $0x80, v3, vm1, $0xb8;
	[tilespmem:$0x14100] =	vst v63  }
0x67: {  	_ =	swait.ge [sflag:s0], $0xA000  }
0x68: {  	[sflag:s0] =	ssyncset.done $0x0  }
0x69: {  	s15 =	rddreg [dreg:$0x3];
	[sflag:s0] =	ssyncadd.s32 $0xFFFF6000  }
0x6a: {  	[hbm4b:s15+s2] =	stream.linear.scatter [tilespmem:s10], [sflag:$0x3], $0xA000, $0x38;
	[tilespmem:$0x14100] =	vst v63  }
0x6b: {  	s16 =	rddreg [dreg:$0x4];
	s15 =	simm.s32 $0x80  }
0x6c: {  	[tilespmem:s15], [sflag:$0x5] =	stream.linear.gather [hbm4b:s16+s2], $0x40, $0x38;
	[tilespmem:$0x14100] =	vst v63  }
0x6d: {  	_ =	swait.ge [sflag:s7], $0x40  }
0x6e: {  	[sflag:s7] =	ssyncset.done $0x0  }
0x6f: {  	[sflag:s7] =	ssyncadd.s32 $0xFFFFFFC0  }
0x70: {  	v3 =	vld [tilespmem:$0x80];
	_ =	sdelay $0x4  }
0x71: {  	v52 =	vshrl.u32 v3, $0x3  }
0x72: {  	v4 =	vmul.u32 $0x28, v52  }
0x73: {  	v3 =	vand.u32 $0x7, v3  }
0x74: {  	v3 =	vor.u32 v3, v4  }
0x75: {  	v4 =	vperm.xlane v3, v0;
	_ =	sdelay $0x1  }
0x76: {  	v4 =	vadd.s32 v1, v4;
	_ =	sdelay $0x3  }
0x77: {  	s16 =	simm.s32 $0xA100;
	v3 =	vperm.xlane v3, v2  }
0x78: {  	[tilespmem:s16], [sflag:$0x2] =	stream.indirect_vreg.gather [hbm4b:s3+s2], $0x80, v4, vm0, $0xb8;
	[tilespmem:$0x14100] =	vst v63  }
0x79: {  	s15 =	simm.s32 $0xA900;
	v3 =	vadd.s32 v1, v3  }
0x7a: {  	[tilespmem:s15], [sflag:$0x2] =	stream.indirect_vreg.gather [hbm4b:s4+s2], $0x80, v4, vm0, $0xb8;
	[tilespmem:$0x14100] =	vst v63  }
0x7b: {  	s15 =	simm.s32 $0xB100  }
0x7c: {  	[tilespmem:s15], [sflag:$0x2] =	stream.indirect_vreg.gather [hbm4b:s5+s2], $0x80, v4, vm1, $0xb8;
	[tilespmem:$0x14100] =	vst v63  }
0x7d: {  	s15 =	simm.s32 $0xB500  }
0x7e: {  	[tilespmem:s15], [sflag:$0x2] =	stream.indirect_vreg.gather [hbm4b:s3+s2], $0x80, v3, vm0, $0xb8;
	[tilespmem:$0x14100] =	vst v63  }
0x7f: {  	s15 =	simm.s32 $0xBD00  }
0x80: {  	[tilespmem:s15], [sflag:$0x2] =	stream.indirect_vreg.gather [hbm4b:s4+s2], $0x80, v3, vm0, $0xb8;
	[tilespmem:$0x14100] =	vst v63  }
0x81: {  	s15 =	simm.s32 $0xC500  }
0x82: {  	[tilespmem:s15], [sflag:$0x2] =	stream.indirect_vreg.gather [hbm4b:s5+s2], $0x80, v3, vm1, $0xb8;
	[tilespmem:$0x14100] =	vst v63  }
0x83: {  	v3 =	vld [tilespmem:$0x90];
	_ =	sdelay $0x4  }
0x84: {  	v53 =	vshrl.u32 v3, $0x3  }
0x85: {  	v4 =	vmul.u32 $0x28, v53  }
0x86: {  	v3 =	vand.u32 $0x7, v3  }
0x87: {  	v3 =	vor.u32 v3, v4  }
0x88: {  	v4 =	vperm.xlane v3, v0;
	_ =	sdelay $0x1  }
0x89: {  	v4 =	vadd.s32 v1, v4;
	_ =	sdelay $0x3  }
0x8a: {  	s15 =	simm.s32 $0xC900;
	v3 =	vperm.xlane v3, v2  }
0x8b: {  	[tilespmem:s15], [sflag:$0x2] =	stream.indirect_vreg.gather [hbm4b:s3+s2], $0x80, v4, vm0, $0xb8;
	[tilespmem:$0x14100] =	vst v63  }
0x8c: {  	v3 =	vadd.s32 v1, v3;
	s15 =	simm.s32 $0xD100  }
0x8d: {  	[tilespmem:s15], [sflag:$0x2] =	stream.indirect_vreg.gather [hbm4b:s4+s2], $0x80, v4, vm0, $0xb8;
	[tilespmem:$0x14100] =	vst v63  }
0x8e: {  	s15 =	simm.s32 $0xD900  }
0x8f: {  	[tilespmem:s15], [sflag:$0x2] =	stream.indirect_vreg.gather [hbm4b:s5+s2], $0x80, v4, vm1, $0xb8;
	[tilespmem:$0x14100] =	vst v63  }
0x90: {  	s15 =	simm.s32 $0xDD00  }
0x91: {  	[tilespmem:s15], [sflag:$0x2] =	stream.indirect_vreg.gather [hbm4b:s3+s2], $0x80, v3, vm0, $0xb8;
	[tilespmem:$0x14100] =	vst v63  }
0x92: {  	s15 =	simm.s32 $0xE500  }
0x93: {  	[tilespmem:s15], [sflag:$0x2] =	stream.indirect_vreg.gather [hbm4b:s4+s2], $0x80, v3, vm0, $0xb8;
	[tilespmem:$0x14100] =	vst v63  }
0x94: {  	s15 =	simm.s32 $0xED00  }
0x95: {  	[tilespmem:s15], [sflag:$0x2] =	stream.indirect_vreg.gather [hbm4b:s5+s2], $0x80, v3, vm1, $0xb8;
	[tilespmem:$0x14100] =	vst v63  }
0x96: {  	v3 =	vld [tilespmem:$0xA0];
	_ =	sdelay $0x4  }
0x97: {  	v54 =	vshrl.u32 v3, $0x3  }
0x98: {  	v4 =	vmul.u32 $0x28, v54  }
0x99: {  	v3 =	vand.u32 $0x7, v3  }
0x9a: {  	v3 =	vor.u32 v3, v4  }
0x9b: {  	v4 =	vperm.xlane v3, v0;
	_ =	sdelay $0x1  }
0x9c: {  	v4 =	vadd.s32 v1, v4;
	_ =	sdelay $0x3  }
0x9d: {  	s15 =	simm.s32 $0xF100;
	v3 =	vperm.xlane v3, v2  }
0x9e: {  	[tilespmem:s15], [sflag:$0x2] =	stream.indirect_vreg.gather [hbm4b:s3+s2], $0x80, v4, vm0, $0xb8;
	[tilespmem:$0x14100] =	vst v63  }
0x9f: {  	v3 =	vadd.s32 v1, v3;
	s15 =	simm.s32 $0xF900  }
0xa0: {  	[tilespmem:s15], [sflag:$0x2] =	stream.indirect_vreg.gather [hbm4b:s4+s2], $0x80, v4, vm0, $0xb8;
	[tilespmem:$0x14100] =	vst v63  }
0xa1: {  	s15 =	simm.s32 $0x10100  }
0xa2: {  	[tilespmem:s15], [sflag:$0x2] =	stream.indirect_vreg.gather [hbm4b:s5+s2], $0x80, v4, vm1, $0xb8;
	[tilespmem:$0x14100] =	vst v63  }
0xa3: {  	s15 =	simm.s32 $0x10500  }
0xa4: {  	[tilespmem:s15], [sflag:$0x2] =	stream.indirect_vreg.gather [hbm4b:s3+s2], $0x80, v3, vm0, $0xb8;
	[tilespmem:$0x14100] =	vst v63  }
0xa5: {  	s15 =	simm.s32 $0x10D00  }
0xa6: {  	[tilespmem:s15], [sflag:$0x2] =	stream.indirect_vreg.gather [hbm4b:s4+s2], $0x80, v3, vm0, $0xb8;
	[tilespmem:$0x14100] =	vst v63  }
0xa7: {  	s15 =	simm.s32 $0x11500  }
0xa8: {  	[tilespmem:s15], [sflag:$0x2] =	stream.indirect_vreg.gather [hbm4b:s5+s2], $0x80, v3, vm1, $0xb8;
	[tilespmem:$0x14100] =	vst v63  }
0xa9: {  	v3 =	vld [tilespmem:$0xB0];
	_ =	sdelay $0x4  }
0xaa: {  	v55 =	vshrl.u32 v3, $0x3  }
0xab: {  	v4 =	vmul.u32 $0x28, v55  }
0xac: {  	v3 =	vand.u32 $0x7, v3  }
0xad: {  	v3 =	vor.u32 v3, v4  }
0xae: {  	v4 =	vperm.xlane v3, v0;
	_ =	sdelay $0x1  }
0xaf: {  	v4 =	vadd.s32 v1, v4;
	_ =	sdelay $0x3  }
0xb0: {  	s15 =	simm.s32 $0x11900;
	v3 =	vperm.xlane v3, v2  }
0xb1: {  	[tilespmem:s15], [sflag:$0x2] =	stream.indirect_vreg.gather [hbm4b:s3+s2], $0x80, v4, vm0, $0xb8;
	[tilespmem:$0x14100] =	vst v63  }
0xb2: {  	v3 =	vadd.s32 v1, v3;
	s15 =	simm.s32 $0x12100  }
0xb3: {  	[tilespmem:s15], [sflag:$0x2] =	stream.indirect_vreg.gather [hbm4b:s4+s2], $0x80, v4, vm0, $0xb8;
	[tilespmem:$0x14100] =	vst v63  }
0xb4: {  	s15 =	simm.s32 $0x12900  }
0xb5: {  	[tilespmem:s15], [sflag:$0x2] =	stream.indirect_vreg.gather [hbm4b:s5+s2], $0x80, v4, vm1, $0xb8;
	[tilespmem:$0x14100] =	vst v63  }
0xb6: {  	s15 =	simm.s32 $0x12D00  }
0xb7: {  	[tilespmem:s15], [sflag:$0x2] =	stream.indirect_vreg.gather [hbm4b:s3+s2], $0x80, v3, vm0, $0xb8;
	[tilespmem:$0x14100] =	vst v63  }
0xb8: {  	s15 =	simm.s32 $0x13500  }
0xb9: {  	[tilespmem:s15], [sflag:$0x2] =	stream.indirect_vreg.gather [hbm4b:s4+s2], $0x80, v3, vm0, $0xb8;
	[tilespmem:$0x14100] =	vst v63  }
0xba: {  	s15 =	simm.s32 $0x13D00  }
0xbb: {  	[tilespmem:s15], [sflag:$0x2] =	stream.indirect_vreg.gather [hbm4b:s5+s2], $0x80, v3, vm1, $0xb8;
	[tilespmem:$0x14100] =	vst v63  }
0xbc: {  	_ =	swait.ge [sflag:s12], $0xA000  }
0xbd: {  	[sflag:s12] =	ssyncset.done $0x0  }
0xbe: {  	s15 =	rddreg [dreg:$0x5];
	[sflag:s12] =	ssyncadd.s32 $0xFFFF6000  }
0xbf: {  	[hbm4b:s15+s2] =	stream.linear.scatter [tilespmem:s16], [sflag:$0x4], $0xA000, $0x38;
	[tilespmem:$0x14100] =	vst v63  }
0xc0: {  	_ =	swait.ge [sflag:s13], $0xA000  }
0xc1: {  	[sflag:s13] =	ssyncset.done $0x0  }
0xc2: {  	s15 =	rddreg [dreg:$0x6];
	[sflag:s13] =	ssyncadd.s32 $0xFFFF6000  }
0xc3: {  	[tilespmem:s2], [sflag:$0x5] =	stream.linear.gather [hbm4b:s15+s2], $0x40, $0x38;
	[tilespmem:$0x14100] =	vst v63  }
0xc4: {  	_ =	swait.ge [sflag:s7], $0x40  }
0xc5: {  	[sflag:s7] =	ssyncset.done $0x0  }
0xc6: {  	[sflag:s7] =	ssyncadd.s32 $0xFFFFFFC0  }
0xc7: {  	v3 =	vld [tilespmem:$0x0];
	_ =	sdelay $0x4  }
0xc8: {  	v56 =	vshrl.u32 v3, $0x3  }
0xc9: {  	v4 =	vmul.u32 $0x28, v56  }
0xca: {  	v3 =	vand.u32 $0x7, v3  }
0xcb: {  	v3 =	vor.u32 v3, v4  }
0xcc: {  	v4 =	vperm.xlane v3, v0;
	_ =	sdelay $0x1  }
0xcd: {  	v4 =	vadd.s32 v1, v4;
	_ =	sdelay $0x3  }
0xce: {  	v3 =	vperm.xlane v3, v2  }
0xcf: {  	[tilespmem:s10], [sflag:$0x1] =	stream.indirect_vreg.gather [hbm4b:s3+s2], $0x80, v4, vm0, $0xb8;
	[tilespmem:$0x14100] =	vst v63  }
0xd0: {  	v3 =	vadd.s32 v1, v3  }
0xd1: {  	[tilespmem:s17], [sflag:$0x1] =	stream.indirect_vreg.gather [hbm4b:s4+s2], $0x80, v4, vm0, $0xb8;
	[tilespmem:$0x14100] =	vst v63  }
0xd2: {  	_ = 	snop  }
0xd3: {  	[tilespmem:s18], [sflag:$0x1] =	stream.indirect_vreg.gather [hbm4b:s5+s2], $0x80, v4, vm1, $0xb8;
	[tilespmem:$0x14100] =	vst v63  }
0xd4: {  	_ = 	snop  }
0xd5: {  	[tilespmem:s19], [sflag:$0x1] =	stream.indirect_vreg.gather [hbm4b:s3+s2], $0x80, v3, vm0, $0xb8;
	[tilespmem:$0x14100] =	vst v63  }
0xd6: {  	_ = 	snop  }
0xd7: {  	[tilespmem:s20], [sflag:$0x1] =	stream.indirect_vreg.gather [hbm4b:s4+s2], $0x80, v3, vm0, $0xb8;
	[tilespmem:$0x14100] =	vst v63  }
0xd8: {  	_ = 	snop  }
0xd9: {  	[tilespmem:s21], [sflag:$0x1] =	stream.indirect_vreg.gather [hbm4b:s5+s2], $0x80, v3, vm1, $0xb8;
	[tilespmem:$0x14100] =	vst v63  }
0xda: {  	v3 =	vld [tilespmem:$0x10];
	_ =	sdelay $0x4  }
0xdb: {  	v57 =	vshrl.u32 v3, $0x3  }
0xdc: {  	v4 =	vmul.u32 $0x28, v57  }
0xdd: {  	v3 =	vand.u32 $0x7, v3  }
0xde: {  	v3 =	vor.u32 v3, v4  }
0xdf: {  	v4 =	vperm.xlane v3, v0;
	_ =	sdelay $0x1  }
0xe0: {  	v4 =	vadd.s32 v1, v4;
	_ =	sdelay $0x3  }
0xe1: {  	v3 =	vperm.xlane v3, v2  }
0xe2: {  	[tilespmem:s22], [sflag:$0x1] =	stream.indirect_vreg.gather [hbm4b:s3+s2], $0x80, v4, vm0, $0xb8;
	[tilespmem:$0x14100] =	vst v63  }
0xe3: {  	v3 =	vadd.s32 v1, v3  }
0xe4: {  	[tilespmem:s23], [sflag:$0x1] =	stream.indirect_vreg.gather [hbm4b:s4+s2], $0x80, v4, vm0, $0xb8;
	[tilespmem:$0x14100] =	vst v63  }
0xe5: {  	_ = 	snop  }
0xe6: {  	[tilespmem:s24], [sflag:$0x1] =	stream.indirect_vreg.gather [hbm4b:s5+s2], $0x80, v4, vm1, $0xb8;
	[tilespmem:$0x14100] =	vst v63  }
0xe7: {  	_ = 	snop  }
0xe8: {  	[tilespmem:s25], [sflag:$0x1] =	stream.indirect_vreg.gather [hbm4b:s3+s2], $0x80, v3, vm0, $0xb8;
	[tilespmem:$0x14100] =	vst v63  }
0xe9: {  	_ = 	snop  }
0xea: {  	[tilespmem:s26], [sflag:$0x1] =	stream.indirect_vreg.gather [hbm4b:s4+s2], $0x80, v3, vm0, $0xb8;
	[tilespmem:$0x14100] =	vst v63  }
0xeb: {  	_ = 	snop  }
0xec: {  	[tilespmem:s28], [sflag:$0x1] =	stream.indirect_vreg.gather [hbm4b:s5+s2], $0x80, v3, vm1, $0xb8;
	[tilespmem:$0x14100] =	vst v63  }
0xed: {  	v3 =	vld [tilespmem:$0x20];
	_ =	sdelay $0x4  }
0xee: {  	v58 =	vshrl.u32 v3, $0x3  }
0xef: {  	v4 =	vmul.u32 $0x28, v58  }
0xf0: {  	v3 =	vand.u32 $0x7, v3  }
0xf1: {  	v3 =	vor.u32 v3, v4  }
0xf2: {  	v4 =	vperm.xlane v3, v0;
	_ =	sdelay $0x1  }
0xf3: {  	v4 =	vadd.s32 v1, v4;
	_ =	sdelay $0x3  }
0xf4: {  	v3 =	vperm.xlane v3, v2  }
0xf5: {  	[tilespmem:s29], [sflag:$0x1] =	stream.indirect_vreg.gather [hbm4b:s3+s2], $0x80, v4, vm0, $0xb8;
	[tilespmem:$0x14100] =	vst v63  }
0xf6: {  	v3 =	vadd.s32 v1, v3  }
0xf7: {  	[tilespmem:s30], [sflag:$0x1] =	stream.indirect_vreg.gather [hbm4b:s4+s2], $0x80, v4, vm0, $0xb8;
	[tilespmem:$0x14100] =	vst v63  }
0xf8: {  	_ = 	snop  }
0xf9: {  	[tilespmem:s31], [sflag:$0x1] =	stream.indirect_vreg.gather [hbm4b:s5+s2], $0x80, v4, vm1, $0xb8;
	[tilespmem:$0x14100] =	vst v63  }
0xfa: {  	s15 =	simm.s32 $0x6500  }
0xfb: {  	[tilespmem:s15], [sflag:$0x1] =	stream.indirect_vreg.gather [hbm4b:s3+s2], $0x80, v3, vm0, $0xb8;
	[tilespmem:$0x14100] =	vst v63  }
0xfc: {  	_ = 	snop  }
0xfd: {  	[tilespmem:s9], [sflag:$0x1] =	stream.indirect_vreg.gather [hbm4b:s4+s2], $0x80, v3, vm0, $0xb8;
	[tilespmem:$0x14100] =	vst v63  }
0xfe: {  	_ = 	snop  }
0xff: {  	[tilespmem:s11], [sflag:$0x1] =	stream.indirect_vreg.gather [hbm4b:s5+s2], $0x80, v3, vm1, $0xb8;
	[tilespmem:$0x14100] =	vst v63  }
0x100: {  	v3 =	vld [tilespmem:$0x30];
	_ =	sdelay $0x4  }
0x101: {  	v59 =	vshrl.u32 v3, $0x3  }
0x102: {  	v4 =	vmul.u32 $0x28, v59  }
0x103: {  	v3 =	vand.u32 $0x7, v3  }
0x104: {  	v3 =	vor.u32 v3, v4  }
0x105: {  	v4 =	vperm.xlane v3, v0;
	_ =	sdelay $0x1  }
0x106: {  	v4 =	vadd.s32 v1, v4;
	_ =	sdelay $0x3  }
0x107: {  	v3 =	vperm.xlane v3, v2  }
0x108: {  	[tilespmem:s8], [sflag:$0x1] =	stream.indirect_vreg.gather [hbm4b:s3+s2], $0x80, v4, vm0, $0xb8;
	[tilespmem:$0x14100] =	vst v63  }
0x109: {  	v3 =	vadd.s32 v1, v3  }
0x10a: {  	[tilespmem:s1], [sflag:$0x1] =	stream.indirect_vreg.gather [hbm4b:s4+s2], $0x80, v4, vm0, $0xb8;
	[tilespmem:$0x14100] =	vst v63  }
0x10b: {  	s15 =	simm.s32 $0x8900  }
0x10c: {  	[tilespmem:s15], [sflag:$0x1] =	stream.indirect_vreg.gather [hbm4b:s5+s2], $0x80, v4, vm1, $0xb8;
	[tilespmem:$0x14100] =	vst v63  }
0x10d: {  	s15 =	simm.s32 $0x8D00  }
0x10e: {  	[tilespmem:s15], [sflag:$0x1] =	stream.indirect_vreg.gather [hbm4b:s3+s2], $0x80, v3, vm0, $0xb8;
	[tilespmem:$0x14100] =	vst v63  }
0x10f: {  	s15 =	simm.s32 $0x9500  }
0x110: {  	[tilespmem:s15], [sflag:$0x1] =	stream.indirect_vreg.gather [hbm4b:s4+s2], $0x80, v3, vm0, $0xb8;
	[tilespmem:$0x14100] =	vst v63  }
0x111: {  	s15 =	simm.s32 $0x9D00  }
0x112: {  	[tilespmem:s15], [sflag:$0x1] =	stream.indirect_vreg.gather [hbm4b:s5+s2], $0x80, v3, vm1, $0xb8;
	[tilespmem:$0x14100] =	vst v63  }
0x113: {  	_ =	swait.ge [sflag:s0], $0xA000  }
0x114: {  	[sflag:s0] =	ssyncset.done $0x0  }
0x115: {  	s1 =	rddreg [dreg:$0x7];
	[sflag:s0] =	ssyncadd.s32 $0xFFFF6000  }
0x116: {  	[hbm4b:s1+s2] =	stream.linear.scatter [tilespmem:s10], [sflag:$0x3], $0xA000, $0x38;
	[tilespmem:$0x14100] =	vst v63  }
0x117: {  	_ =	swait.ge [sflag:s14], $0xA000  }
0x118: {  	[sflag:s14] =	ssyncset.done $0x0  }
0x119: {  	s1 =	simm.s32 $0x80;
	s0 =	rddreg [dreg:$0x8];
	[sflag:s14] =	ssyncadd.s32 $0xFFFF6000  }
0x11a: {  	[tilespmem:s1], [sflag:$0x5] =	stream.linear.gather [hbm4b:s0+s2], $0x40, $0x38;
	[tilespmem:$0x14100] =	vst v63  }
0x11b: {  	_ =	swait.ge [sflag:s7], $0x40  }
0x11c: {  	[sflag:s7] =	ssyncset.done $0x0  }
0x11d: {  	[sflag:s7] =	ssyncadd.s32 $0xFFFFFFC0  }
0x11e: {  	v3 =	vld [tilespmem:$0x80];
	_ =	sdelay $0x4  }
0x11f: {  	v60 =	vshrl.u32 v3, $0x3  }
0x120: {  	v4 =	vmul.u32 $0x28, v60  }
0x121: {  	v3 =	vand.u32 $0x7, v3  }
0x122: {  	v3 =	vor.u32 v3, v4  }
0x123: {  	v4 =	vperm.xlane v3, v0;
	_ =	sdelay $0x1  }
0x124: {  	v4 =	vadd.s32 v1, v4;
	_ =	sdelay $0x3  }
0x125: {  	v3 =	vperm.xlane v3, v2  }
0x126: {  	[tilespmem:s16], [sflag:$0x2] =	stream.indirect_vreg.gather [hbm4b:s3+s2], $0x80, v4, vm0, $0xb8;
	[tilespmem:$0x14100] =	vst v63  }
0x127: {  	s15 =	simm.s32 $0xA900;
	v3 =	vadd.s32 v1, v3  }
0x128: {  	[tilespmem:s15], [sflag:$0x2] =	stream.indirect_vreg.gather [hbm4b:s4+s2], $0x80, v4, vm0, $0xb8;
	[tilespmem:$0x14100] =	vst v63  }
0x129: {  	s1 =	simm.s32 $0xB100  }
0x12a: {  	[tilespmem:s1], [sflag:$0x2] =	stream.indirect_vreg.gather [hbm4b:s5+s2], $0x80, v4, vm1, $0xb8;
	[tilespmem:$0x14100] =	vst v63  }
0x12b: {  	s15 =	simm.s32 $0xB500  }
0x12c: {  	[tilespmem:s15], [sflag:$0x2] =	stream.indirect_vreg.gather [hbm4b:s3+s2], $0x80, v3, vm0, $0xb8;
	[tilespmem:$0x14100] =	vst v63  }
0x12d: {  	s1 =	simm.s32 $0xBD00  }
0x12e: {  	[tilespmem:s1], [sflag:$0x2] =	stream.indirect_vreg.gather [hbm4b:s4+s2], $0x80, v3, vm0, $0xb8;
	[tilespmem:$0x14100] =	vst v63  }
0x12f: {  	s15 =	simm.s32 $0xC500  }
0x130: {  	[tilespmem:s15], [sflag:$0x2] =	stream.indirect_vreg.gather [hbm4b:s5+s2], $0x80, v3, vm1, $0xb8;
	[tilespmem:$0x14100] =	vst v63  }
0x131: {  	v3 =	vld [tilespmem:$0x90];
	_ =	sdelay $0x4  }
0x132: {  	v61 =	vshrl.u32 v3, $0x3  }
0x133: {  	v4 =	vmul.u32 $0x28, v61  }
0x134: {  	v3 =	vand.u32 $0x7, v3  }
0x135: {  	v3 =	vor.u32 v3, v4  }
0x136: {  	v4 =	vperm.xlane v3, v0;
	_ =	sdelay $0x1  }
0x137: {  	v4 =	vadd.s32 v1, v4;
	_ =	sdelay $0x3  }
0x138: {  	s1 =	simm.s32 $0xC900;
	v3 =	vperm.xlane v3, v2  }
0x139: {  	[tilespmem:s1], [sflag:$0x2] =	stream.indirect_vreg.gather [hbm4b:s3+s2], $0x80, v4, vm0, $0xb8;
	[tilespmem:$0x14100] =	vst v63  }
0x13a: {  	s15 =	simm.s32 $0xD100;
	v3 =	vadd.s32 v1, v3  }
0x13b: {  	[tilespmem:s15], [sflag:$0x2] =	stream.indirect_vreg.gather [hbm4b:s4+s2], $0x80, v4, vm0, $0xb8;
	[tilespmem:$0x14100] =	vst v63  }
0x13c: {  	s1 =	simm.s32 $0xD900  }
0x13d: {  	[tilespmem:s1], [sflag:$0x2] =	stream.indirect_vreg.gather [hbm4b:s5+s2], $0x80, v4, vm1, $0xb8;
	[tilespmem:$0x14100] =	vst v63  }
0x13e: {  	s15 =	simm.s32 $0xDD00  }
0x13f: {  	[tilespmem:s15], [sflag:$0x2] =	stream.indirect_vreg.gather [hbm4b:s3+s2], $0x80, v3, vm0, $0xb8;
	[tilespmem:$0x14100] =	vst v63  }
0x140: {  	s1 =	simm.s32 $0xE500  }
0x141: {  	[tilespmem:s1], [sflag:$0x2] =	stream.indirect_vreg.gather [hbm4b:s4+s2], $0x80, v3, vm0, $0xb8;
	[tilespmem:$0x14100] =	vst v63  }
0x142: {  	s15 =	simm.s32 $0xED00  }
0x143: {  	[tilespmem:s15], [sflag:$0x2] =	stream.indirect_vreg.gather [hbm4b:s5+s2], $0x80, v3, vm1, $0xb8;
	[tilespmem:$0x14100] =	vst v63  }
0x144: {  	v3 =	vld [tilespmem:$0xA0];
	_ =	sdelay $0x4  }
0x145: {  	v62 =	vshrl.u32 v3, $0x3  }
0x146: {  	v4 =	vmul.u32 $0x28, v62  }
0x147: {  	v3 =	vand.u32 $0x7, v3  }
0x148: {  	v3 =	vor.u32 v3, v4  }
0x149: {  	v4 =	vperm.xlane v3, v0;
	_ =	sdelay $0x1  }
0x14a: {  	v4 =	vadd.s32 v1, v4;
	_ =	sdelay $0x3  }
0x14b: {  	s1 =	simm.s32 $0xF100;
	v3 =	vperm.xlane v3, v2  }
0x14c: {  	[tilespmem:s1], [sflag:$0x2] =	stream.indirect_vreg.gather [hbm4b:s3+s2], $0x80, v4, vm0, $0xb8;
	[tilespmem:$0x14100] =	vst v63  }
0x14d: {  	s15 =	simm.s32 $0xF900;
	v3 =	vadd.s32 v1, v3  }
0x14e: {  	[tilespmem:s15], [sflag:$0x2] =	stream.indirect_vreg.gather [hbm4b:s4+s2], $0x80, v4, vm0, $0xb8;
	[tilespmem:$0x14100] =	vst v63  }
0x14f: {  	s1 =	simm.s32 $0x10100  }
0x150: {  	[tilespmem:s1], [sflag:$0x2] =	stream.indirect_vreg.gather [hbm4b:s5+s2], $0x80, v4, vm1, $0xb8;
	[tilespmem:$0x14100] =	vst v63  }
0x151: {  	s15 =	simm.s32 $0x10500  }
0x152: {  	[tilespmem:s15], [sflag:$0x2] =	stream.indirect_vreg.gather [hbm4b:s3+s2], $0x80, v3, vm0, $0xb8;
	[tilespmem:$0x14100] =	vst v63  }
0x153: {  	s1 =	simm.s32 $0x10D00  }
0x154: {  	[tilespmem:s1], [sflag:$0x2] =	stream.indirect_vreg.gather [hbm4b:s4+s2], $0x80, v3, vm0, $0xb8;
	[tilespmem:$0x14100] =	vst v63  }
0x155: {  	s15 =	simm.s32 $0x11500  }
0x156: {  	[tilespmem:s15], [sflag:$0x2] =	stream.indirect_vreg.gather [hbm4b:s5+s2], $0x80, v3, vm1, $0xb8;
	[tilespmem:$0x14100] =	vst v63  }
0x157: {  	v3 =	vld [tilespmem:$0xB0];
	_ =	sdelay $0x4  }
0x158: {  	v63 =	vshrl.u32 v3, $0x3  }
0x159: {  	v4 =	vmul.u32 $0x28, v63  }
0x15a: {  	v3 =	vand.u32 $0x7, v3  }
0x15b: {  	v3 =	vor.u32 v3, v4  }
0x15c: {  	v4 =	vperm.xlane v3, v0;
	_ =	sdelay $0x1  }
0x15d: {  	v4 =	vadd.s32 v1, v4;
	_ =	sdelay $0x3  }
0x15e: {  	s1 =	simm.s32 $0x11900;
	v3 =	vperm.xlane v3, v2  }
0x15f: {  	[tilespmem:s1], [sflag:$0x2] =	stream.indirect_vreg.gather [hbm4b:s3+s2], $0x80, v4, vm0, $0xb8;
	[tilespmem:$0x14100] =	vst v63  }
0x160: {  	s15 =	simm.s32 $0x12100;
	v3 =	vadd.s32 v1, v3  }
0x161: {  	[tilespmem:s15], [sflag:$0x2] =	stream.indirect_vreg.gather [hbm4b:s4+s2], $0x80, v4, vm0, $0xb8;
	[tilespmem:$0x14100] =	vst v63  }
0x162: {  	s1 =	simm.s32 $0x12900  }
0x163: {  	[tilespmem:s1], [sflag:$0x2] =	stream.indirect_vreg.gather [hbm4b:s5+s2], $0x80, v4, vm1, $0xb8;
	[tilespmem:$0x14100] =	vst v63  }
0x164: {  	s15 =	simm.s32 $0x12D00  }
0x165: {  	[tilespmem:s15], [sflag:$0x2] =	stream.indirect_vreg.gather [hbm4b:s3+s2], $0x80, v3, vm0, $0xb8;
	[tilespmem:$0x14100] =	vst v63  }
0x166: {  	s1 =	simm.s32 $0x13500  }
0x167: {  	[tilespmem:s1], [sflag:$0x2] =	stream.indirect_vreg.gather [hbm4b:s4+s2], $0x80, v3, vm0, $0xb8;
	[tilespmem:$0x14100] =	vst v63  }
0x168: {  	s15 =	simm.s32 $0x13D00  }
0x169: {  	[tilespmem:s15], [sflag:$0x2] =	stream.indirect_vreg.gather [hbm4b:s5+s2], $0x80, v3, vm1, $0xb8;
	[tilespmem:$0x14100] =	vst v63  }
0x16a: {  	_ =	swait.ge [sflag:s12], $0xA000  }
0x16b: {  	[sflag:s12] =	ssyncset.done $0x0  }
0x16c: {  	s1 =	rddreg [dreg:$0x9];
	[sflag:s12] =	ssyncadd.s32 $0xFFFF6000  }
0x16d: {  	[hbm4b:s1+s2] =	stream.linear.scatter [tilespmem:s16], [sflag:$0x4], $0xA000, $0x38;
	[tilespmem:$0x14100] =	vst v63  }
0x16e: {  	p0 =	sne.s32 s6, $0x1;
	_ =	swait.ge [sflag:s13], $0xA000  }
.Ltmp0:
0x16f: {  	[sflag:s13] =	ssyncset.done $0x0;
	(pc) =	sbr.rel @p0 .LBB2_1-.Ltmp0, $4  }
0x170: {  	[sflag:s13] =	ssyncadd.s32 $0xFFFF6000  }
0x171: {  	_ =	swait.ge [sflag:s14], $0xA000  }
0x172: {  	[sflag:s14] =	ssyncset.done $0x0  }
0x173: {  	s6 =	sadd.s32 $0xFFFFFFFF, s6;
	[sflag:s14] =	ssyncadd.s32 $0xFFFF6000  }
0x174: {  	_ =	sfence.sel $0x180000  }
0x175: {  	[bflag:$0x0] =	sbarrier.arrive $0xFFFF  }
0x176: {  	_ =	strace $0x90000047  }
0x177: {  	s0 =	stileid.u32;
	[bflag:$0x2] =	sbarrier.arrive $0xFFFF  }
0x178: {  	p0 =	sne.s32 s0, $0x0;
	s0 =	rddreg [dreg:$0x1]  }
0x179: {  	s0 =	sadd.s32 @!p0 $0x100000, s0  }
0x17a: {  	[sflag:s0] =	ssyncadd.tile.s32 @!p0 $0x1;
	_ =	shalt  }
.Lfunc_end2:
_tile_overlayer_lowered:
.L_overlay_start_2:
0x17b: {  	(tag) =	ssettag $0x2  }
0x17c: {  	s0 =	rddreg [dreg:$0x0];
	s2 =	stileid.u32  }
0x17d: {  	s1 =	rddreg [dreg:$0x1];
	p0 =	sne.s32 s2, $0x0  }
0x17e: {  	s3 =	rddreg [dreg:$0x2];
	[bflag:$0x3] =	sbarrier.arrive $0xFFFF;
	s2 =	simm.s32 @!p0 $0x1C05  }
0x17f: {  	[timem:s3], [sflag:s2] =	dma.local @!p0 [hbm:s0], s1  }
0x180: {  	s0 =	simm.s32 @!p0 $0x5  }
0x181: {  	_ =	swait.ge @!p0 [sflag:s0], s1  }
0x182: {  	s1 =	ssub.s32 @!p0 $0x0, s1;
	[sflag:s0] =	ssyncset.done @!p0 $0x0  }
0x183: {  	[sflag:s0] =	ssyncadd.s32 @!p0 s1  }
0x184: {  	[bflag:$0x3] =	sbarrier.arrive $0xFFFF  }
0x185: {  	_ =	shalt  }

// kernel: kernel.14.cloned.1.call-start
scs
__scs_entry_jumppad:
0x0: {  	(pc) =	sbr.rel $0x88, $3  }
0x1: {  	(tag) =	ssettag $0x0;
	lr =	simm.s32 $0x1  }
0x2: {  	[smem:$0x3F9D] =	sst lr;
	_ =	strace $0xD0000000  }
0x3: {  	_ = 	snop  }
0x4: {  	_ = 	snop  }
0x5: {  	_ = 	snop  }
0x6: {  	_ = 	snop  }
0x7: {  	_ = 	snop  }
__scs_overlays_trampoline_lowered:
0x8: {  	[smem:$0x3FAC] =	sst s0  }
0x9: {  	[smem:$0x3FAD] =	sst s1  }
0xa: {  	[smem:$0x3FAE] =	sst s2  }
0xb: {  	[smem:$0x3FAF] =	sst s3  }
0xc: {  	[smem:$0x3FB0] =	sst s4  }
0xd: {  	[smem:$0x3FB1] =	sst s5  }
0xe: {  	[smem:$0x3FB2] =	sst s6  }
0xf: {  	[smem:$0x3FB3] =	sst s7  }
0x10: {  	[smem:$0x3FB4] =	sst s8  }
0x11: {  	[smem:$0x3FB5] =	sst s9;
	s0 =	simm.s32 @!p0 $0x0  }
0x12: {  	s1 =	sld [smem:$0x3F9B];
	s0 =	simm.s32 @p0 $0x1  }
0x13: {  	[smem:$0x3FB6] =	sst s0;
	s0 =	simm.s32 @!p1 $0x0  }
0x14: {  	s2 =	sld [smem:$0x3F9A];
	s0 =	simm.s32 @p1 $0x1  }
0x15: {  	[smem:$0x3FB7] =	sst s0;
	s0 =	simm.s32 @!p2 $0x0  }
0x16: {  	s3 =	sld [smem:$0x3FDB];
	s0 =	simm.s32 @p2 $0x1  }
0x17: {  	s4 =	simm.s32 $0x1BF5;
	[smem:$0x3FB9] =	sst s0  }
0x18: {  	s0 =	sld [smem:$0x3F9C];
	_ =	swait.ge [sflag:s4], $0x0  }
0x19: {  	s7 =	sld [smem:$0x3F9D]  }
0x1a: {  	s8 =	sadd.s32 $0xFFFFE003, lr  }
0x1b: {  	s9 =	sadd.s32 $0xFFFFFEF7, lr;
	s5 =	simm.s32 $0xFFFFFFFF;
	p2 =	slt.u32 s8, $0xFFFFF086  }
0x1c: {  	p1 =	slt.u32 s9, $0xF7A;
	s5 =	simm.s32 @!p2 $0x0  }
0x1d: {  	s5 =	simm.s32 @p1 $0x1;
	p0 =	seq.s32 s7, s2  }
0x1e: {  	s7 =	smul.u32 @!p0 $0xF7A, s2;
	p2 =	seq.s32 @!p0 s5, $0x0  }
0x1f: {  	s9 =	smul.u32 $0xF7A, s1;
	s8 =	simm.s32 @!p0 $0x1BF5;
	p2 =	por !p2, p0  }
0x20: {  	[sflag:s8] =	ssyncset.s32 @!p0 $0xFFFFF086;
	s6 =	sadd.s32 @!p0 s3, s7;
	s7 =	simm.s32 @!p0 $0x108  }
0x21: {  	s3 =	sadd.s32 s3, s9;
	s6 =	sadd.s32 @!p0 $0x88, s6;
	s7 =	simm.s32 @p2 $0x1082  }
0x22: {  	[simem:s7], [sflag:s8] =	dma.local @!p0 [hbm:s6], $0xF7A  }
0x23: {  	s9 =	sor.u32 $0xD0000000, s2;
	s6 =	simm.s32 $0x108;
	_ =	swait.ge @!p0 [sflag:s8], $0x0  }
0x24: {  	s3 =	sadd.s32 $0x88, s3;
	s6 =	simm.s32 @!p1 $0x1082;
	[sflag:s4] =	ssyncset.s32 $0xFFFFF086  }
0x25: {  	[simem:s6], [sflag:s4] =	dma.local [hbm:s3], $0xF7A  }
0x26: {  	[smem:$0x3F9D] =	sst s1;
	(tag) =	ssettag s2;
	_ =	strace s9  }
0x27: {  	s1 =	sld [smem:$0x3FAD]  }
0x28: {  	s2 =	sld [smem:$0x3FAE]  }
0x29: {  	s4 =	sld [smem:$0x3FB0]  }
0x2a: {  	p0 =	seq.s32 s5, $0x0;
	s5 =	sld [smem:$0x3FB1]  }
0x2b: {  	s6 =	sld [smem:$0x3FB2]  }
0x2c: {  	s7 =	sld [smem:$0x3FB3]  }
0x2d: {  	s3 =	simm.s32 $0x108;
	s8 =	sld [smem:$0x3FB4]  }
0x2e: {  	s3 =	simm.s32 @!p0 $0x1082;
	s9 =	sld [smem:$0x3FB5]  }
0x2f: {  	lr =	sadd.s32 s0, s3;
	s0 =	sld [smem:$0x3FAC]  }
0x30: {  	s3 =	sld [smem:$0x3FAF]  }
0x31: {  	[smem:$0x3FB8] =	sst s10  }
0x32: {  	s10 =	sld [smem:$0x3FB6];
	_ =	sdelay $0x3  }
0x33: {  	p0 =	seq.s32 s10, $0x1;
	s10 =	sld [smem:$0x3FB8];
	_ =	sdelay $0x3  }
0x34: {  	[smem:$0x3FB8] =	sst s10  }
0x35: {  	s10 =	sld [smem:$0x3FB7];
	_ =	sdelay $0x3  }
0x36: {  	p1 =	seq.s32 s10, $0x1;
	s10 =	sld [smem:$0x3FB8];
	_ =	sdelay $0x3  }
0x37: {  	[smem:$0x3FB8] =	sst s10  }
0x38: {  	s10 =	sld [smem:$0x3FB9]  }
0x39: {  	_ = 	snop;
	(pc) =	sbr.ind lr, $3  }
0x3a: {  	_ = 	snop  }
0x3b: {  	_ = 	snop  }
0x3c: {  	p2 =	seq.s32 s10, $0x1;
	s10 =	sld [smem:$0x3FB8]  }
0x3d: {  	_ =	shalt  }
0x3e: {  	_ =	shalt  }
0x3f: {  	_ =	shalt  }
0x40: {  	_ =	shalt  }
0x41: {  	_ =	shalt  }
0x42: {  	_ =	shalt  }
0x43: {  	_ =	shalt  }
0x44: {  	_ =	shalt  }
0x45: {  	_ =	shalt  }
0x46: {  	_ =	shalt  }
0x47: {  	_ =	shalt  }
0x48: {  	_ =	shalt  }
0x49: {  	_ =	shalt  }
0x4a: {  	_ =	shalt  }
0x4b: {  	_ =	shalt  }
0x4c: {  	_ =	shalt  }
0x4d: {  	_ =	shalt  }
0x4e: {  	_ =	shalt  }
0x4f: {  	_ =	shalt  }
0x50: {  	_ =	shalt  }
0x51: {  	_ =	shalt  }
0x52: {  	_ =	shalt  }
0x53: {  	_ =	shalt  }
0x54: {  	_ =	shalt  }
0x55: {  	_ =	shalt  }
0x56: {  	_ =	shalt  }
0x57: {  	_ =	shalt  }
0x58: {  	_ =	shalt  }
0x59: {  	_ =	shalt  }
0x5a: {  	_ =	shalt  }
0x5b: {  	_ =	shalt  }
0x5c: {  	_ =	shalt  }
0x5d: {  	_ =	shalt  }
0x5e: {  	_ =	shalt  }
0x5f: {  	_ =	shalt  }
0x60: {  	_ =	shalt  }
0x61: {  	_ =	shalt  }
0x62: {  	_ =	shalt  }
0x63: {  	_ =	shalt  }
0x64: {  	_ =	shalt  }
0x65: {  	_ =	shalt  }
0x66: {  	_ =	shalt  }
0x67: {  	_ =	shalt  }
0x68: {  	_ =	shalt  }
0x69: {  	_ =	shalt  }
0x6a: {  	_ =	shalt  }
0x6b: {  	_ =	shalt  }
0x6c: {  	_ =	shalt  }
0x6d: {  	_ =	shalt  }
0x6e: {  	_ =	shalt  }
0x6f: {  	_ =	shalt  }
0x70: {  	_ =	shalt  }
0x71: {  	_ =	shalt  }
0x72: {  	_ =	shalt  }
0x73: {  	_ =	shalt  }
0x74: {  	_ =	shalt  }
0x75: {  	_ =	shalt  }
0x76: {  	_ =	shalt  }
0x77: {  	_ =	shalt  }
0x78: {  	_ =	shalt  }
0x79: {  	_ =	shalt  }
0x7a: {  	_ =	shalt  }
0x7b: {  	_ =	shalt  }
0x7c: {  	_ =	shalt  }
0x7d: {  	_ =	shalt  }
0x7e: {  	_ =	shalt  }
0x7f: {  	_ =	shalt  }
0x80: {  	_ =	shalt  }
0x81: {  	_ =	shalt  }
0x82: {  	_ =	shalt  }
0x83: {  	_ =	shalt  }
0x84: {  	_ =	shalt  }
0x85: {  	_ =	shalt  }
0x86: {  	_ =	shalt  }
0x87: {  	_ =	shalt  }
.Lfunc_end0:
.L_simem_size_0:
called_computation.1_lowered:
.L_overlay_start_0:
0x88: {  	s2 =	sld [smem:$0x3FD9]  }
0x89: {  	s3 =	sld [smem:$0x3FFE];
	_ =	sdelay $0x1  }
0x8a: {  	s1 =	srdreg.scid  }
0x8b: {  	s0 =	sand.u32 $0x1, s1  }
0x8c: {  	s17 =	sshll.u32 s0, $0xA;
	s2 =	sadd.s32 s3, s2  }
0x8d: {  	s2 =	sadd.s32 s2, s17  }
0x8e: {  	[smem:$0x3FC4] =	sst s2  }
0x8f: {  	_ = 	snop  }
0x90: {  	(tm) =	ssettm $0x1  }
0x91: {  	s18 =	sld [smem:$0x3FFB];
	_ =	sdelay $0x3  }
0x92: {  	_ =	strace s18  }
0x93: {  	s2 =	sld [smem:$0x3FFC];
	_ =	sdelay $0x3  }
0x94: {  	_ =	strace s2  }
0x95: {  	s2 =	sld [smem:$0x3FFD];
	_ =	sdelay $0x3  }
0x96: {  	_ =	strace s2  }
0x97: {  	_ =	strace $0x8FFFFFFF  }
0x98: {  	s19 =	sld [smem:$0x3FDB];
	_ =	sdelay $0x1  }
0x99: {  	s20 =	simm.s32 $_scs_section_size  }
0x9a: {  	s4 =	simm.s32 $_size__tile_overlayer_lowered;
	s5 =	simm.s32 $_tile_overlayer_lowered  }
0x9b: {  	s6 =	simm.s32 $0x1BFF;
	s21 =	sshll.u32 s5, $0x1;
	s3 =	sadd.s32 s20, s19  }
0x9c: {  	s22 =	simm.s32 $0x0;
	s4 =	sshll.u32 s4, $0x1;
	s5 =	sadd.s32 s21, s3  }
0x9d: {  	[timem:s22], [sflag:s6] =	dma.local [hbm:s5], s4  }
0x9e: {  	_ =	swait.ge [sflag:s6], s4  }
0x9f: {  	s4 =	ssub.s32 $0x0, s4;
	[sflag:s6] =	ssyncset.done $0x0  }
0xa0: {  	[sflag:s6] =	ssyncadd.s32 s4;
	_ =	sdelay $0x1  }
0xa1: {  	s23 =	simm.s32 $0x1B8B  }
0xa2: {  	_ =	swait.ge [sflag:s23], $0x1  }
0xa3: {  	[sflag:s23] =	ssyncset.done $0x0  }
0xa4: {  	[sflag:s23] =	ssyncadd.s32 $0xFFFFFFFF  }
0xa5: {  	s4 =	sld [smem:$0x0]  }
0xa6: {  	s5 =	sand.u32 $0xFFFFFFFE, s1  }
0xa7: {  	p0 =	sne.s32 s1, s5  }
0xa8: {  	s5 =	sshll.u32 @p0 s5, $0xE  }
0xa9: {  	s5 =	sadd.s32 @p0 $0x11B8D, s5;
	s6 =	sshll.u32 @p0 s4, $0x11  }
0xaa: {  	s5 =	sor.u32 @p0 s6, s5  }
0xab: {  	[sflag:s5] =	ssyncadd.remote.s32 @p0 $0x1;
	_ =	sdelay $0x1  }
0xac: {  	s5 =	simm.s32 @p0 $0x1B8D  }
0xad: {  	_ =	swait.eq @p0 [sflag:s5], $0x1  }
0xae: {  	[sflag:s5] =	ssyncadd.s32 @p0 $0xFFFFFFFF  }
0xaf: {  	s6 =	sshll.u32 @!p0 s1, $0xE  }
0xb0: {  	s6 =	sor.u32 @!p0 $0x4000, s6;
	s5 =	simm.s32 @!p0 $0x1B8D  }
0xb1: {  	s4 =	sshll.u32 @!p0 s4, $0x11;
	s6 =	sadd.s32 @!p0 $0x11B8D, s6;
	_ =	swait.eq @!p0 [sflag:s5], $0x1  }
0xb2: {  	s4 =	sor.u32 @!p0 s4, s6;
	[sflag:s5] =	ssyncadd.s32 @!p0 $0xFFFFFFFF  }
0xb3: {  	s25 =	simm.s32 $0x1B8E;
	s24 =	sld [smem:$0x3FFE];
	[sflag:s4] =	ssyncadd.remote.s32 @!p0 $0x1  }
0xb4: {  	s26 =	simm.s32 $execute0_lowered;
	[smem:$0x3FD2] =	sst s25  }
0xb5: {  	s5 =	sshll.u32 s26, $0x1;
	_ =	strace $0x80000049;
	[dreg:$0x1] =	wrdreg $0xFFFFFFFF  }
0xb6: {  	s28 =	simm.s32 $_size_execute0_lowered;
	s3 =	sadd.s32 s3, s5;
	[dreg:$0x0] =	wrdreg $0x0  }
0xb7: {  	s5 =	sshll.u32 s28, $0x1;
	[dreg:$0x2] =	wrdreg s3  }
0xb8: {  	[dreg:$0x3] =	wrdreg s5  }
0xb9: {  	[dreg:$0x4] =	wrdreg $0xC0  }
0xba: {  	_ =	task [dreg:s22], $0x5FFFF  }
0xbb: {  	[dreg:$0x1] =	wrdreg $0xFFFFFFFF  }
0xbc: {  	[dreg:$0x0] =	wrdreg $0x60  }
0xbd: {  	[dreg:$0x2] =	wrdreg s24  }
0xbe: {  	[dreg:$0x3] =	wrdreg $0xA  }
0xbf: {  	_ =	task.clear_ibuf [dreg:s22], $0x4FFFF;
	_ =	strace $0x90000049  }
0xc0: {  	s29 =	simm.s32 $0xA;
	_ =	strace $0x8000004B  }
0xc1: {  	_ =	swait.ge [sflag:s29], $0x1  }
0xc2: {  	[sflag:s29] =	ssyncadd.s32 $0xFFFFFFFF  }
0xc3: {  	_ =	strace $0x9000004B  }
0xc4: {  	_ =	sfence  }
0xc5: {  	s30 =	sld [smem:$0x0];
	_ =	sdelay $0x2  }
0xc6: {  	s31 =	sshll.u32 s1, $0xD;
	s1 =	sshrl.u32 s1, $0x2  }
0xc7: {  	s4 =	sand.u32 $0x4000, s31;
	s1 =	sadd.s32 s1, s30  }
0xc8: {  	s0 =	sor.u32 s4, s0;
	s1 =	sshll.u32 s1, $0x11  }
0xc9: {  	s0 =	sor.u32 s1, s0  }
0xca: {  	s0 =	sadd.s32 $0x8F2B, s0  }
0xcb: {  	[sflag:s0] =	ssyncadd.remote.s32 $0x1  }
0xcc: {  	_ =	sfence.sel $0xFFFF  }
0xcd: {  	[dreg:$0x0] =	wrdreg $0xFFFFFFFF;
	(pc) =	sbr.abs _section_cstart, $3  }
0xce: {  	[dreg:$0x1] =	wrdreg $0xFFFFFFFF  }
0xcf: {  	_ =	task.clear_ibuf [dreg:s22], $0x2FFFF;
	_ =	strace $0x9FFFFFFF  }
0xd0: {  	(tm) =	ssettm $0x7FFFFFFF  }
0xd1: {  	_ =	shalt  }
tec
execute0_lowered:
.L_overlay_start_1:
0x0: {  	(tag) =	ssettag $0x1  }
0x1: {  	s0 =	rddreg [dreg:$0x0]  }
0x2: {  	s2 =	simm.s32 $0x0;
	s1 =	srdreg.scid;
	s3 =	stileid.u32  }
0x3: {  	s12 =	simm.s32 $0x2;
	s13 =	simm.s32 $0x3;
	s14 =	simm.s32 $0x4  }
0x4: {  	s28 =	simm.s32 $0x4D00;
	s29 =	simm.s32 $0x5100;
	s30 =	simm.s32 $0x5900  }
0x5: {  	s31 =	simm.s32 $0x6100;
	s11 =	simm.s32 $0x7500;
	[smem:$0x7FF] =	sst s2  }
0x6: {  	s1 =	sand.u32 $0x1, s1;
	s4 =	sshll.u32 s3, $0x6;
	s3 =	sadd.s32 $0x280400, s0  }
0x7: {  	s6 =	sadd.s32 $0xA1000, s0;
	s17 =	sadd.s32 $0xA1C00, s0;
	s5 =	sshll.u32 s1, $0x5  }
0x8: {  	_ =	strace $0x8000004A;
	s1 =	ssub.s32 $0x2, s1;
	s4 =	sor.u32 s5, s4  }
0x9: {  	s8 =	sshrl.u32 s1, $0x1;
	s5 =	sadd.s32 $0x280600, s0;
	s7 =	smul.u32 $0x280, s4  }
0xa: {  	s9 =	sadd.s32 s6, s4;
	s10 =	sor.u32 $0x8, s4;
	s20 =	sor.u32 $0x10, s4  }
0xb: {  	s4 =	sor.u32 $0x18, s4;
	s1 =	ssub.s32 s1, s8;
	s18 =	smul.u32 $0x280, s10  }
0xc: {  	s8 =	simm.s32 $0x7900;
	[dreg:$0x2] =	wrdreg s9;
	s22 =	smul.u32 $0x280, s20  }
0xd: {  	s19 =	sadd.s32 s6, s10;
	s23 =	sadd.s32 s6, s20;
	s25 =	smul.u32 $0x280, s4  }
0xe: {  	s6 =	sadd.s32 s6, s4;
	s4 =	sadd.s32 $0x280500, s0;
	[dreg:$0x4] =	wrdreg s19  }
0xf: {  	s10 =	simm.s32 $0x100;
	s20 =	simm.s32 $0x1D00;
	[dreg:$0x6] =	wrdreg s23  }
0x10: {  	s9 =	simm.s32 $0x6D00;
	s7 =	sadd.s32 s17, s7;
	[dreg:$0x8] =	wrdreg s6  }
0x11: {  	s6 =	smax.u32 s1, $0x1;
	s19 =	simm.s32 $0x1500;
	s23 =	simm.s32 $0x3100  }
0x12: {  	[dreg:$0x3] =	wrdreg s7;
	s21 =	sadd.s32 s17, s18;
	s24 =	sadd.s32 s17, s22  }
0x13: {  	s26 =	sadd.s32 s17, s25;
	s7 =	simm.s32 $0x5;
	[dreg:$0x5] =	wrdreg s21  }
0x14: {  	v2 =	vlaneseq.u32;
	s17 =	simm.s32 $0x900;
	s18 =	simm.s32 $0x1100;
	[dreg:$0x7] =	wrdreg s24  }
0x15: {  	vm0 =	vmmov $0xffff;
	vm1 =	vmmov $0xff;
	v1 =	vshrl.u32 v2, $0x3;
	s22 =	simm.s32 $0x2900;
	s25 =	simm.s32 $0x3D00;
	[dreg:$0x9] =	wrdreg s26  }
0x16: {  	v0 =	vand.u32 $0x7, v2;
	v2 =	vor.u32 $0x8, v2;
	v1 =	vmul.u32 $0x8, v1;
	s21 =	simm.s32 $0x2500;
	s24 =	simm.s32 $0x3900;
	s26 =	simm.s32 $0x4500  }
.LBB2_1:
0x17: {  	s15 =	rddreg [dreg:$0x2]  }
0x18: {  	[tilespmem:s2], [sflag:$0x5] =	stream.linear.gather [hbm4b:s15+s2], $0x40, $0x38;
	[tilespmem:$0x14100] =	vst v63  }
0x19: {  	_ =	swait.ge [sflag:s7], $0x40  }
0x1a: {  	[sflag:s7] =	ssyncset.done $0x0  }
0x1b: {  	[sflag:s7] =	ssyncadd.s32 $0xFFFFFFC0  }
0x1c: {  	v3 =	vld [tilespmem:$0x0];
	_ =	sdelay $0x4  }
0x1d: {  	v4 =	vshrl.u32 v3, $0x3  }
0x1e: {  	v4 =	vmul.u32 $0x28, v4  }
0x1f: {  	v3 =	vand.u32 $0x7, v3  }
0x20: {  	v3 =	vor.u32 v3, v4  }
0x21: {  	v4 =	vperm.xlane v3, v0;
	_ =	sdelay $0x1  }
0x22: {  	v4 =	vadd.s32 v1, v4;
	_ =	sdelay $0x3  }
0x23: {  	v3 =	vperm.xlane v3, v2  }
0x24: {  	[tilespmem:s10], [sflag:$0x1] =	stream.indirect_vreg.gather [hbm4b:s3+s2], $0x80, v4, vm0, $0xb8;
	[tilespmem:$0x14100] =	vst v63  }
0x25: {  	v3 =	vadd.s32 v1, v3  }
0x26: {  	[tilespmem:s17], [sflag:$0x1] =	stream.indirect_vreg.gather [hbm4b:s4+s2], $0x80, v4, vm0, $0xb8;
	[tilespmem:$0x14100] =	vst v63  }
0x27: {  	_ = 	snop  }
0x28: {  	[tilespmem:s18], [sflag:$0x1] =	stream.indirect_vreg.gather [hbm4b:s5+s2], $0x80, v4, vm1, $0xb8;
	[tilespmem:$0x14100] =	vst v63  }
0x29: {  	_ = 	snop  }
0x2a: {  	[tilespmem:s19], [sflag:$0x1] =	stream.indirect_vreg.gather [hbm4b:s3+s2], $0x80, v3, vm0, $0xb8;
	[tilespmem:$0x14100] =	vst v63  }
0x2b: {  	_ = 	snop  }
0x2c: {  	[tilespmem:s20], [sflag:$0x1] =	stream.indirect_vreg.gather [hbm4b:s4+s2], $0x80, v3, vm0, $0xb8;
	[tilespmem:$0x14100] =	vst v63  }
0x2d: {  	_ = 	snop  }
0x2e: {  	[tilespmem:s21], [sflag:$0x1] =	stream.indirect_vreg.gather [hbm4b:s5+s2], $0x80, v3, vm1, $0xb8;
	[tilespmem:$0x14100] =	vst v63  }
0x2f: {  	v3 =	vld [tilespmem:$0x10];
	_ =	sdelay $0x4  }
0x30: {  	v49 =	vshrl.u32 v3, $0x3  }
0x31: {  	v4 =	vmul.u32 $0x28, v49  }
0x32: {  	v3 =	vand.u32 $0x7, v3  }
0x33: {  	v3 =	vor.u32 v3, v4  }
0x34: {  	v4 =	vperm.xlane v3, v0;
	_ =	sdelay $0x1  }
0x35: {  	v4 =	vadd.s32 v1, v4;
	_ =	sdelay $0x3  }
0x36: {  	v3 =	vperm.xlane v3, v2  }
0x37: {  	[tilespmem:s22], [sflag:$0x1] =	stream.indirect_vreg.gather [hbm4b:s3+s2], $0x80, v4, vm0, $0xb8;
	[tilespmem:$0x14100] =	vst v63  }
0x38: {  	v3 =	vadd.s32 v1, v3  }
0x39: {  	[tilespmem:s23], [sflag:$0x1] =	stream.indirect_vreg.gather [hbm4b:s4+s2], $0x80, v4, vm0, $0xb8;
	[tilespmem:$0x14100] =	vst v63  }
0x3a: {  	_ = 	snop  }
0x3b: {  	[tilespmem:s24], [sflag:$0x1] =	stream.indirect_vreg.gather [hbm4b:s5+s2], $0x80, v4, vm1, $0xb8;
	[tilespmem:$0x14100] =	vst v63  }
0x3c: {  	_ = 	snop  }
0x3d: {  	[tilespmem:s25], [sflag:$0x1] =	stream.indirect_vreg.gather [hbm4b:s3+s2], $0x80, v3, vm0, $0xb8;
	[tilespmem:$0x14100] =	vst v63  }
0x3e: {  	_ = 	snop  }
0x3f: {  	[tilespmem:s26], [sflag:$0x1] =	stream.indirect_vreg.gather [hbm4b:s4+s2], $0x80, v3, vm0, $0xb8;
	[tilespmem:$0x14100] =	vst v63  }
0x40: {  	_ = 	snop  }
0x41: {  	[tilespmem:s28], [sflag:$0x1] =	stream.indirect_vreg.gather [hbm4b:s5+s2], $0x80, v3, vm1, $0xb8;
	[tilespmem:$0x14100] =	vst v63  }
0x42: {  	v3 =	vld [tilespmem:$0x20];
	_ =	sdelay $0x4  }
0x43: {  	v50 =	vshrl.u32 v3, $0x3  }
0x44: {  	v4 =	vmul.u32 $0x28, v50  }
0x45: {  	v3 =	vand.u32 $0x7, v3  }
0x46: {  	v3 =	vor.u32 v3, v4  }
0x47: {  	v4 =	vperm.xlane v3, v0;
	_ =	sdelay $0x1  }
0x48: {  	v4 =	vadd.s32 v1, v4;
	_ =	sdelay $0x3  }
0x49: {  	v3 =	vperm.xlane v3, v2  }
0x4a: {  	[tilespmem:s29], [sflag:$0x1] =	stream.indirect_vreg.gather [hbm4b:s3+s2], $0x80, v4, vm0, $0xb8;
	[tilespmem:$0x14100] =	vst v63  }
0x4b: {  	v3 =	vadd.s32 v1, v3  }
0x4c: {  	[tilespmem:s30], [sflag:$0x1] =	stream.indirect_vreg.gather [hbm4b:s4+s2], $0x80, v4, vm0, $0xb8;
	[tilespmem:$0x14100] =	vst v63  }
0x4d: {  	_ = 	snop  }
0x4e: {  	[tilespmem:s31], [sflag:$0x1] =	stream.indirect_vreg.gather [hbm4b:s5+s2], $0x80, v4, vm1, $0xb8;
	[tilespmem:$0x14100] =	vst v63  }
0x4f: {  	s0 =	simm.s32 $0x6500  }
0x50: {  	[tilespmem:s0], [sflag:$0x1] =	stream.indirect_vreg.gather [hbm4b:s3+s2], $0x80, v3, vm0, $0xb8;
	[tilespmem:$0x14100] =	vst v63  }
0x51: {  	_ = 	snop  }
0x52: {  	[tilespmem:s9], [sflag:$0x1] =	stream.indirect_vreg.gather [hbm4b:s4+s2], $0x80, v3, vm0, $0xb8;
	[tilespmem:$0x14100] =	vst v63  }
0x53: {  	_ = 	snop  }
0x54: {  	[tilespmem:s11], [sflag:$0x1] =	stream.indirect_vreg.gather [hbm4b:s5+s2], $0x80, v3, vm1, $0xb8;
	[tilespmem:$0x14100] =	vst v63  }
0x55: {  	v3 =	vld [tilespmem:$0x30];
	_ =	sdelay $0x4  }
0x56: {  	v51 =	vshrl.u32 v3, $0x3  }
0x57: {  	v4 =	vmul.u32 $0x28, v51  }
0x58: {  	v3 =	vand.u32 $0x7, v3  }
0x59: {  	v3 =	vor.u32 v3, v4  }
0x5a: {  	v4 =	vperm.xlane v3, v0;
	_ =	sdelay $0x1  }
0x5b: {  	v4 =	vadd.s32 v1, v4;
	_ =	sdelay $0x3  }
0x5c: {  	v3 =	vperm.xlane v3, v2  }
0x5d: {  	[tilespmem:s8], [sflag:$0x1] =	stream.indirect_vreg.gather [hbm4b:s3+s2], $0x80, v4, vm0, $0xb8;
	[tilespmem:$0x14100] =	vst v63  }
0x5e: {  	s1 =	simm.s32 $0x8100;
	v3 =	vadd.s32 v1, v3  }
0x5f: {  	[tilespmem:s1], [sflag:$0x1] =	stream.indirect_vreg.gather [hbm4b:s4+s2], $0x80, v4, vm0, $0xb8;
	[tilespmem:$0x14100] =	vst v63  }
0x60: {  	s15 =	simm.s32 $0x8900  }
0x61: {  	[tilespmem:s15], [sflag:$0x1] =	stream.indirect_vreg.gather [hbm4b:s5+s2], $0x80, v4, vm1, $0xb8;
	[tilespmem:$0x14100] =	vst v63  }
0x62: {  	s16 =	simm.s32 $0x8D00  }
0x63: {  	[tilespmem:s16], [sflag:$0x1] =	stream.indirect_vreg.gather [hbm4b:s3+s2], $0x80, v3, vm0, $0xb8;
	[tilespmem:$0x14100] =	vst v63  }
0x64: {  	s15 =	simm.s32 $0x9500  }
0x65: {  	[tilespmem:s15], [sflag:$0x1] =	stream.indirect_vreg.gather [hbm4b:s4+s2], $0x80, v3, vm0, $0xb8;
	[tilespmem:$0x14100] =	vst v63  }
0x66: {  	s0 =	simm.s32 $0x1;
	s16 =	simm.s32 $0x9D00  }
0x67: {  	[tilespmem:s16], [sflag:$0x1] =	stream.indirect_vreg.gather [hbm4b:s5+s2], $0x80, v3, vm1, $0xb8;
	[tilespmem:$0x14100] =	vst v63  }
0x68: {  	_ =	swait.ge [sflag:s0], $0xA000  }
0x69: {  	[sflag:s0] =	ssyncset.done $0x0  }
0x6a: {  	s15 =	rddreg [dreg:$0x3];
	[sflag:s0] =	ssyncadd.s32 $0xFFFF6000  }
0x6b: {  	[hbm4b:s15+s2] =	stream.linear.scatter [tilespmem:s10], [sflag:$0x3], $0xA000, $0x38;
	[tilespmem:$0x14100] =	vst v63  }
0x6c: {  	s16 =	rddreg [dreg:$0x4];
	s15 =	simm.s32 $0x80  }
0x6d: {  	[tilespmem:s15], [sflag:$0x5] =	stream.linear.gather [hbm4b:s16+s2], $0x40, $0x38;
	[tilespmem:$0x14100] =	vst v63  }
0x6e: {  	_ =	swait.ge [sflag:s7], $0x40  }
0x6f: {  	[sflag:s7] =	ssyncset.done $0x0  }
0x70: {  	[sflag:s7] =	ssyncadd.s32 $0xFFFFFFC0  }
0x71: {  	v3 =	vld [tilespmem:$0x80];
	_ =	sdelay $0x4  }
0x72: {  	v52 =	vshrl.u32 v3, $0x3  }
0x73: {  	v4 =	vmul.u32 $0x28, v52  }
0x74: {  	v3 =	vand.u32 $0x7, v3  }
0x75: {  	v3 =	vor.u32 v3, v4  }
0x76: {  	v4 =	vperm.xlane v3, v0;
	_ =	sdelay $0x1  }
0x77: {  	v4 =	vadd.s32 v1, v4;
	_ =	sdelay $0x3  }
0x78: {  	s16 =	simm.s32 $0xA100;
	v3 =	vperm.xlane v3, v2  }
0x79: {  	[tilespmem:s16], [sflag:$0x2] =	stream.indirect_vreg.gather [hbm4b:s3+s2], $0x80, v4, vm0, $0xb8;
	[tilespmem:$0x14100] =	vst v63  }
0x7a: {  	s15 =	simm.s32 $0xA900;
	v3 =	vadd.s32 v1, v3  }
0x7b: {  	[tilespmem:s15], [sflag:$0x2] =	stream.indirect_vreg.gather [hbm4b:s4+s2], $0x80, v4, vm0, $0xb8;
	[tilespmem:$0x14100] =	vst v63  }
0x7c: {  	s15 =	simm.s32 $0xB100  }
0x7d: {  	[tilespmem:s15], [sflag:$0x2] =	stream.indirect_vreg.gather [hbm4b:s5+s2], $0x80, v4, vm1, $0xb8;
	[tilespmem:$0x14100] =	vst v63  }
0x7e: {  	s15 =	simm.s32 $0xB500  }
0x7f: {  	[tilespmem:s15], [sflag:$0x2] =	stream.indirect_vreg.gather [hbm4b:s3+s2], $0x80, v3, vm0, $0xb8;
	[tilespmem:$0x14100] =	vst v63  }
0x80: {  	s15 =	simm.s32 $0xBD00  }
0x81: {  	[tilespmem:s15], [sflag:$0x2] =	stream.indirect_vreg.gather [hbm4b:s4+s2], $0x80, v3, vm0, $0xb8;
	[tilespmem:$0x14100] =	vst v63  }
0x82: {  	s15 =	simm.s32 $0xC500  }
0x83: {  	[tilespmem:s15], [sflag:$0x2] =	stream.indirect_vreg.gather [hbm4b:s5+s2], $0x80, v3, vm1, $0xb8;
	[tilespmem:$0x14100] =	vst v63  }
0x84: {  	v3 =	vld [tilespmem:$0x90];
	_ =	sdelay $0x4  }
0x85: {  	v53 =	vshrl.u32 v3, $0x3  }
0x86: {  	v4 =	vmul.u32 $0x28, v53  }
0x87: {  	v3 =	vand.u32 $0x7, v3  }
0x88: {  	v3 =	vor.u32 v3, v4  }
0x89: {  	v4 =	vperm.xlane v3, v0;
	_ =	sdelay $0x1  }
0x8a: {  	v4 =	vadd.s32 v1, v4;
	_ =	sdelay $0x3  }
0x8b: {  	s15 =	simm.s32 $0xC900;
	v3 =	vperm.xlane v3, v2  }
0x8c: {  	[tilespmem:s15], [sflag:$0x2] =	stream.indirect_vreg.gather [hbm4b:s3+s2], $0x80, v4, vm0, $0xb8;
	[tilespmem:$0x14100] =	vst v63  }
0x8d: {  	v3 =	vadd.s32 v1, v3;
	s15 =	simm.s32 $0xD100  }
0x8e: {  	[tilespmem:s15], [sflag:$0x2] =	stream.indirect_vreg.gather [hbm4b:s4+s2], $0x80, v4, vm0, $0xb8;
	[tilespmem:$0x14100] =	vst v63  }
0x8f: {  	s15 =	simm.s32 $0xD900  }
0x90: {  	[tilespmem:s15], [sflag:$0x2] =	stream.indirect_vreg.gather [hbm4b:s5+s2], $0x80, v4, vm1, $0xb8;
	[tilespmem:$0x14100] =	vst v63  }
0x91: {  	s15 =	simm.s32 $0xDD00  }
0x92: {  	[tilespmem:s15], [sflag:$0x2] =	stream.indirect_vreg.gather [hbm4b:s3+s2], $0x80, v3, vm0, $0xb8;
	[tilespmem:$0x14100] =	vst v63  }
0x93: {  	s15 =	simm.s32 $0xE500  }
0x94: {  	[tilespmem:s15], [sflag:$0x2] =	stream.indirect_vreg.gather [hbm4b:s4+s2], $0x80, v3, vm0, $0xb8;
	[tilespmem:$0x14100] =	vst v63  }
0x95: {  	s15 =	simm.s32 $0xED00  }
0x96: {  	[tilespmem:s15], [sflag:$0x2] =	stream.indirect_vreg.gather [hbm4b:s5+s2], $0x80, v3, vm1, $0xb8;
	[tilespmem:$0x14100] =	vst v63  }
0x97: {  	v3 =	vld [tilespmem:$0xA0];
	_ =	sdelay $0x4  }
0x98: {  	v54 =	vshrl.u32 v3, $0x3  }
0x99: {  	v4 =	vmul.u32 $0x28, v54  }
0x9a: {  	v3 =	vand.u32 $0x7, v3  }
0x9b: {  	v3 =	vor.u32 v3, v4  }
0x9c: {  	v4 =	vperm.xlane v3, v0;
	_ =	sdelay $0x1  }
0x9d: {  	v4 =	vadd.s32 v1, v4;
	_ =	sdelay $0x3  }
0x9e: {  	s15 =	simm.s32 $0xF100;
	v3 =	vperm.xlane v3, v2  }
0x9f: {  	[tilespmem:s15], [sflag:$0x2] =	stream.indirect_vreg.gather [hbm4b:s3+s2], $0x80, v4, vm0, $0xb8;
	[tilespmem:$0x14100] =	vst v63  }
0xa0: {  	v3 =	vadd.s32 v1, v3;
	s15 =	simm.s32 $0xF900  }
0xa1: {  	[tilespmem:s15], [sflag:$0x2] =	stream.indirect_vreg.gather [hbm4b:s4+s2], $0x80, v4, vm0, $0xb8;
	[tilespmem:$0x14100] =	vst v63  }
0xa2: {  	s15 =	simm.s32 $0x10100  }
0xa3: {  	[tilespmem:s15], [sflag:$0x2] =	stream.indirect_vreg.gather [hbm4b:s5+s2], $0x80, v4, vm1, $0xb8;
	[tilespmem:$0x14100] =	vst v63  }
0xa4: {  	s15 =	simm.s32 $0x10500  }
0xa5: {  	[tilespmem:s15], [sflag:$0x2] =	stream.indirect_vreg.gather [hbm4b:s3+s2], $0x80, v3, vm0, $0xb8;
	[tilespmem:$0x14100] =	vst v63  }
0xa6: {  	s15 =	simm.s32 $0x10D00  }
0xa7: {  	[tilespmem:s15], [sflag:$0x2] =	stream.indirect_vreg.gather [hbm4b:s4+s2], $0x80, v3, vm0, $0xb8;
	[tilespmem:$0x14100] =	vst v63  }
0xa8: {  	s15 =	simm.s32 $0x11500  }
0xa9: {  	[tilespmem:s15], [sflag:$0x2] =	stream.indirect_vreg.gather [hbm4b:s5+s2], $0x80, v3, vm1, $0xb8;
	[tilespmem:$0x14100] =	vst v63  }
0xaa: {  	v3 =	vld [tilespmem:$0xB0];
	_ =	sdelay $0x4  }
0xab: {  	v55 =	vshrl.u32 v3, $0x3  }
0xac: {  	v4 =	vmul.u32 $0x28, v55  }
0xad: {  	v3 =	vand.u32 $0x7, v3  }
0xae: {  	v3 =	vor.u32 v3, v4  }
0xaf: {  	v4 =	vperm.xlane v3, v0;
	_ =	sdelay $0x1  }
0xb0: {  	v4 =	vadd.s32 v1, v4;
	_ =	sdelay $0x3  }
0xb1: {  	s15 =	simm.s32 $0x11900;
	v3 =	vperm.xlane v3, v2  }
0xb2: {  	[tilespmem:s15], [sflag:$0x2] =	stream.indirect_vreg.gather [hbm4b:s3+s2], $0x80, v4, vm0, $0xb8;
	[tilespmem:$0x14100] =	vst v63  }
0xb3: {  	v3 =	vadd.s32 v1, v3;
	s15 =	simm.s32 $0x12100  }
0xb4: {  	[tilespmem:s15], [sflag:$0x2] =	stream.indirect_vreg.gather [hbm4b:s4+s2], $0x80, v4, vm0, $0xb8;
	[tilespmem:$0x14100] =	vst v63  }
0xb5: {  	s15 =	simm.s32 $0x12900  }
0xb6: {  	[tilespmem:s15], [sflag:$0x2] =	stream.indirect_vreg.gather [hbm4b:s5+s2], $0x80, v4, vm1, $0xb8;
	[tilespmem:$0x14100] =	vst v63  }
0xb7: {  	s15 =	simm.s32 $0x12D00  }
0xb8: {  	[tilespmem:s15], [sflag:$0x2] =	stream.indirect_vreg.gather [hbm4b:s3+s2], $0x80, v3, vm0, $0xb8;
	[tilespmem:$0x14100] =	vst v63  }
0xb9: {  	s15 =	simm.s32 $0x13500  }
0xba: {  	[tilespmem:s15], [sflag:$0x2] =	stream.indirect_vreg.gather [hbm4b:s4+s2], $0x80, v3, vm0, $0xb8;
	[tilespmem:$0x14100] =	vst v63  }
0xbb: {  	s15 =	simm.s32 $0x13D00  }
0xbc: {  	[tilespmem:s15], [sflag:$0x2] =	stream.indirect_vreg.gather [hbm4b:s5+s2], $0x80, v3, vm1, $0xb8;
	[tilespmem:$0x14100] =	vst v63  }
0xbd: {  	_ =	swait.ge [sflag:s12], $0xA000  }
0xbe: {  	[sflag:s12] =	ssyncset.done $0x0  }
0xbf: {  	s15 =	rddreg [dreg:$0x5];
	[sflag:s12] =	ssyncadd.s32 $0xFFFF6000  }
0xc0: {  	[hbm4b:s15+s2] =	stream.linear.scatter [tilespmem:s16], [sflag:$0x4], $0xA000, $0x38;
	[tilespmem:$0x14100] =	vst v63  }
0xc1: {  	_ =	swait.ge [sflag:s13], $0xA000  }
0xc2: {  	[sflag:s13] =	ssyncset.done $0x0  }
0xc3: {  	s15 =	rddreg [dreg:$0x6];
	[sflag:s13] =	ssyncadd.s32 $0xFFFF6000  }
0xc4: {  	[tilespmem:s2], [sflag:$0x5] =	stream.linear.gather [hbm4b:s15+s2], $0x40, $0x38;
	[tilespmem:$0x14100] =	vst v63  }
0xc5: {  	_ =	swait.ge [sflag:s7], $0x40  }
0xc6: {  	[sflag:s7] =	ssyncset.done $0x0  }
0xc7: {  	[sflag:s7] =	ssyncadd.s32 $0xFFFFFFC0  }
0xc8: {  	v3 =	vld [tilespmem:$0x0];
	_ =	sdelay $0x4  }
0xc9: {  	v56 =	vshrl.u32 v3, $0x3  }
0xca: {  	v4 =	vmul.u32 $0x28, v56  }
0xcb: {  	v3 =	vand.u32 $0x7, v3  }
0xcc: {  	v3 =	vor.u32 v3, v4  }
0xcd: {  	v4 =	vperm.xlane v3, v0;
	_ =	sdelay $0x1  }
0xce: {  	v4 =	vadd.s32 v1, v4;
	_ =	sdelay $0x3  }
0xcf: {  	v3 =	vperm.xlane v3, v2  }
0xd0: {  	[tilespmem:s10], [sflag:$0x1] =	stream.indirect_vreg.gather [hbm4b:s3+s2], $0x80, v4, vm0, $0xb8;
	[tilespmem:$0x14100] =	vst v63  }
0xd1: {  	v3 =	vadd.s32 v1, v3  }
0xd2: {  	[tilespmem:s17], [sflag:$0x1] =	stream.indirect_vreg.gather [hbm4b:s4+s2], $0x80, v4, vm0, $0xb8;
	[tilespmem:$0x14100] =	vst v63  }
0xd3: {  	_ = 	snop  }
0xd4: {  	[tilespmem:s18], [sflag:$0x1] =	stream.indirect_vreg.gather [hbm4b:s5+s2], $0x80, v4, vm1, $0xb8;
	[tilespmem:$0x14100] =	vst v63  }
0xd5: {  	_ = 	snop  }
0xd6: {  	[tilespmem:s19], [sflag:$0x1] =	stream.indirect_vreg.gather [hbm4b:s3+s2], $0x80, v3, vm0, $0xb8;
	[tilespmem:$0x14100] =	vst v63  }
0xd7: {  	_ = 	snop  }
0xd8: {  	[tilespmem:s20], [sflag:$0x1] =	stream.indirect_vreg.gather [hbm4b:s4+s2], $0x80, v3, vm0, $0xb8;
	[tilespmem:$0x14100] =	vst v63  }
0xd9: {  	_ = 	snop  }
0xda: {  	[tilespmem:s21], [sflag:$0x1] =	stream.indirect_vreg.gather [hbm4b:s5+s2], $0x80, v3, vm1, $0xb8;
	[tilespmem:$0x14100] =	vst v63  }
0xdb: {  	v3 =	vld [tilespmem:$0x10];
	_ =	sdelay $0x4  }
0xdc: {  	v57 =	vshrl.u32 v3, $0x3  }
0xdd: {  	v4 =	vmul.u32 $0x28, v57  }
0xde: {  	v3 =	vand.u32 $0x7, v3  }
0xdf: {  	v3 =	vor.u32 v3, v4  }
0xe0: {  	v4 =	vperm.xlane v3, v0;
	_ =	sdelay $0x1  }
0xe1: {  	v4 =	vadd.s32 v1, v4;
	_ =	sdelay $0x3  }
0xe2: {  	v3 =	vperm.xlane v3, v2  }
0xe3: {  	[tilespmem:s22], [sflag:$0x1] =	stream.indirect_vreg.gather [hbm4b:s3+s2], $0x80, v4, vm0, $0xb8;
	[tilespmem:$0x14100] =	vst v63  }
0xe4: {  	v3 =	vadd.s32 v1, v3  }
0xe5: {  	[tilespmem:s23], [sflag:$0x1] =	stream.indirect_vreg.gather [hbm4b:s4+s2], $0x80, v4, vm0, $0xb8;
	[tilespmem:$0x14100] =	vst v63  }
0xe6: {  	_ = 	snop  }
0xe7: {  	[tilespmem:s24], [sflag:$0x1] =	stream.indirect_vreg.gather [hbm4b:s5+s2], $0x80, v4, vm1, $0xb8;
	[tilespmem:$0x14100] =	vst v63  }
0xe8: {  	_ = 	snop  }
0xe9: {  	[tilespmem:s25], [sflag:$0x1] =	stream.indirect_vreg.gather [hbm4b:s3+s2], $0x80, v3, vm0, $0xb8;
	[tilespmem:$0x14100] =	vst v63  }
0xea: {  	_ = 	snop  }
0xeb: {  	[tilespmem:s26], [sflag:$0x1] =	stream.indirect_vreg.gather [hbm4b:s4+s2], $0x80, v3, vm0, $0xb8;
	[tilespmem:$0x14100] =	vst v63  }
0xec: {  	_ = 	snop  }
0xed: {  	[tilespmem:s28], [sflag:$0x1] =	stream.indirect_vreg.gather [hbm4b:s5+s2], $0x80, v3, vm1, $0xb8;
	[tilespmem:$0x14100] =	vst v63  }
0xee: {  	v3 =	vld [tilespmem:$0x20];
	_ =	sdelay $0x4  }
0xef: {  	v58 =	vshrl.u32 v3, $0x3  }
0xf0: {  	v4 =	vmul.u32 $0x28, v58  }
0xf1: {  	v3 =	vand.u32 $0x7, v3  }
0xf2: {  	v3 =	vor.u32 v3, v4  }
0xf3: {  	v4 =	vperm.xlane v3, v0;
	_ =	sdelay $0x1  }
0xf4: {  	v4 =	vadd.s32 v1, v4;
	_ =	sdelay $0x3  }
0xf5: {  	v3 =	vperm.xlane v3, v2  }
0xf6: {  	[tilespmem:s29], [sflag:$0x1] =	stream.indirect_vreg.gather [hbm4b:s3+s2], $0x80, v4, vm0, $0xb8;
	[tilespmem:$0x14100] =	vst v63  }
0xf7: {  	v3 =	vadd.s32 v1, v3  }
0xf8: {  	[tilespmem:s30], [sflag:$0x1] =	stream.indirect_vreg.gather [hbm4b:s4+s2], $0x80, v4, vm0, $0xb8;
	[tilespmem:$0x14100] =	vst v63  }
0xf9: {  	_ = 	snop  }
0xfa: {  	[tilespmem:s31], [sflag:$0x1] =	stream.indirect_vreg.gather [hbm4b:s5+s2], $0x80, v4, vm1, $0xb8;
	[tilespmem:$0x14100] =	vst v63  }
0xfb: {  	s15 =	simm.s32 $0x6500  }
0xfc: {  	[tilespmem:s15], [sflag:$0x1] =	stream.indirect_vreg.gather [hbm4b:s3+s2], $0x80, v3, vm0, $0xb8;
	[tilespmem:$0x14100] =	vst v63  }
0xfd: {  	_ = 	snop  }
0xfe: {  	[tilespmem:s9], [sflag:$0x1] =	stream.indirect_vreg.gather [hbm4b:s4+s2], $0x80, v3, vm0, $0xb8;
	[tilespmem:$0x14100] =	vst v63  }
0xff: {  	_ = 	snop  }
0x100: {  	[tilespmem:s11], [sflag:$0x1] =	stream.indirect_vreg.gather [hbm4b:s5+s2], $0x80, v3, vm1, $0xb8;
	[tilespmem:$0x14100] =	vst v63  }
0x101: {  	v3 =	vld [tilespmem:$0x30];
	_ =	sdelay $0x4  }
0x102: {  	v59 =	vshrl.u32 v3, $0x3  }
0x103: {  	v4 =	vmul.u32 $0x28, v59  }
0x104: {  	v3 =	vand.u32 $0x7, v3  }
0x105: {  	v3 =	vor.u32 v3, v4  }
0x106: {  	v4 =	vperm.xlane v3, v0;
	_ =	sdelay $0x1  }
0x107: {  	v4 =	vadd.s32 v1, v4;
	_ =	sdelay $0x3  }
0x108: {  	v3 =	vperm.xlane v3, v2  }
0x109: {  	[tilespmem:s8], [sflag:$0x1] =	stream.indirect_vreg.gather [hbm4b:s3+s2], $0x80, v4, vm0, $0xb8;
	[tilespmem:$0x14100] =	vst v63  }
0x10a: {  	v3 =	vadd.s32 v1, v3  }
0x10b: {  	[tilespmem:s1], [sflag:$0x1] =	stream.indirect_vreg.gather [hbm4b:s4+s2], $0x80, v4, vm0, $0xb8;
	[tilespmem:$0x14100] =	vst v63  }
0x10c: {  	s15 =	simm.s32 $0x8900  }
0x10d: {  	[tilespmem:s15], [sflag:$0x1] =	stream.indirect_vreg.gather [hbm4b:s5+s2], $0x80, v4, vm1, $0xb8;
	[tilespmem:$0x14100] =	vst v63  }
0x10e: {  	s15 =	simm.s32 $0x8D00  }
0x10f: {  	[tilespmem:s15], [sflag:$0x1] =	stream.indirect_vreg.gather [hbm4b:s3+s2], $0x80, v3, vm0, $0xb8;
	[tilespmem:$0x14100] =	vst v63  }
0x110: {  	s15 =	simm.s32 $0x9500  }
0x111: {  	[tilespmem:s15], [sflag:$0x1] =	stream.indirect_vreg.gather [hbm4b:s4+s2], $0x80, v3, vm0, $0xb8;
	[tilespmem:$0x14100] =	vst v63  }
0x112: {  	s15 =	simm.s32 $0x9D00  }
0x113: {  	[tilespmem:s15], [sflag:$0x1] =	stream.indirect_vreg.gather [hbm4b:s5+s2], $0x80, v3, vm1, $0xb8;
	[tilespmem:$0x14100] =	vst v63  }
0x114: {  	_ =	swait.ge [sflag:s0], $0xA000  }
0x115: {  	[sflag:s0] =	ssyncset.done $0x0  }
0x116: {  	s1 =	rddreg [dreg:$0x7];
	[sflag:s0] =	ssyncadd.s32 $0xFFFF6000  }
0x117: {  	[hbm4b:s1+s2] =	stream.linear.scatter [tilespmem:s10], [sflag:$0x3], $0xA000, $0x38;
	[tilespmem:$0x14100] =	vst v63  }
0x118: {  	_ =	swait.ge [sflag:s14], $0xA000  }
0x119: {  	[sflag:s14] =	ssyncset.done $0x0  }
0x11a: {  	s1 =	simm.s32 $0x80;
	s0 =	rddreg [dreg:$0x8];
	[sflag:s14] =	ssyncadd.s32 $0xFFFF6000  }
0x11b: {  	[tilespmem:s1], [sflag:$0x5] =	stream.linear.gather [hbm4b:s0+s2], $0x40, $0x38;
	[tilespmem:$0x14100] =	vst v63  }
0x11c: {  	_ =	swait.ge [sflag:s7], $0x40  }
0x11d: {  	[sflag:s7] =	ssyncset.done $0x0  }
0x11e: {  	[sflag:s7] =	ssyncadd.s32 $0xFFFFFFC0  }
0x11f: {  	v3 =	vld [tilespmem:$0x80];
	_ =	sdelay $0x4  }
0x120: {  	v60 =	vshrl.u32 v3, $0x3  }
0x121: {  	v4 =	vmul.u32 $0x28, v60  }
0x122: {  	v3 =	vand.u32 $0x7, v3  }
0x123: {  	v3 =	vor.u32 v3, v4  }
0x124: {  	v4 =	vperm.xlane v3, v0;
	_ =	sdelay $0x1  }
0x125: {  	v4 =	vadd.s32 v1, v4;
	_ =	sdelay $0x3  }
0x126: {  	v3 =	vperm.xlane v3, v2  }
0x127: {  	[tilespmem:s16], [sflag:$0x2] =	stream.indirect_vreg.gather [hbm4b:s3+s2], $0x80, v4, vm0, $0xb8;
	[tilespmem:$0x14100] =	vst v63  }
0x128: {  	s15 =	simm.s32 $0xA900;
	v3 =	vadd.s32 v1, v3  }
0x129: {  	[tilespmem:s15], [sflag:$0x2] =	stream.indirect_vreg.gather [hbm4b:s4+s2], $0x80, v4, vm0, $0xb8;
	[tilespmem:$0x14100] =	vst v63  }
0x12a: {  	s1 =	simm.s32 $0xB100  }
0x12b: {  	[tilespmem:s1], [sflag:$0x2] =	stream.indirect_vreg.gather [hbm4b:s5+s2], $0x80, v4, vm1, $0xb8;
	[tilespmem:$0x14100] =	vst v63  }
0x12c: {  	s15 =	simm.s32 $0xB500  }
0x12d: {  	[tilespmem:s15], [sflag:$0x2] =	stream.indirect_vreg.gather [hbm4b:s3+s2], $0x80, v3, vm0, $0xb8;
	[tilespmem:$0x14100] =	vst v63  }
0x12e: {  	s1 =	simm.s32 $0xBD00  }
0x12f: {  	[tilespmem:s1], [sflag:$0x2] =	stream.indirect_vreg.gather [hbm4b:s4+s2], $0x80, v3, vm0, $0xb8;
	[tilespmem:$0x14100] =	vst v63  }
0x130: {  	s15 =	simm.s32 $0xC500  }
0x131: {  	[tilespmem:s15], [sflag:$0x2] =	stream.indirect_vreg.gather [hbm4b:s5+s2], $0x80, v3, vm1, $0xb8;
	[tilespmem:$0x14100] =	vst v63  }
0x132: {  	v3 =	vld [tilespmem:$0x90];
	_ =	sdelay $0x4  }
0x133: {  	v61 =	vshrl.u32 v3, $0x3  }
0x134: {  	v4 =	vmul.u32 $0x28, v61  }
0x135: {  	v3 =	vand.u32 $0x7, v3  }
0x136: {  	v3 =	vor.u32 v3, v4  }
0x137: {  	v4 =	vperm.xlane v3, v0;
	_ =	sdelay $0x1  }
0x138: {  	v4 =	vadd.s32 v1, v4;
	_ =	sdelay $0x3  }
0x139: {  	s1 =	simm.s32 $0xC900;
	v3 =	vperm.xlane v3, v2  }
0x13a: {  	[tilespmem:s1], [sflag:$0x2] =	stream.indirect_vreg.gather [hbm4b:s3+s2], $0x80, v4, vm0, $0xb8;
	[tilespmem:$0x14100] =	vst v63  }
0x13b: {  	s15 =	simm.s32 $0xD100;
	v3 =	vadd.s32 v1, v3  }
0x13c: {  	[tilespmem:s15], [sflag:$0x2] =	stream.indirect_vreg.gather [hbm4b:s4+s2], $0x80, v4, vm0, $0xb8;
	[tilespmem:$0x14100] =	vst v63  }
0x13d: {  	s1 =	simm.s32 $0xD900  }
0x13e: {  	[tilespmem:s1], [sflag:$0x2] =	stream.indirect_vreg.gather [hbm4b:s5+s2], $0x80, v4, vm1, $0xb8;
	[tilespmem:$0x14100] =	vst v63  }
0x13f: {  	s15 =	simm.s32 $0xDD00  }
0x140: {  	[tilespmem:s15], [sflag:$0x2] =	stream.indirect_vreg.gather [hbm4b:s3+s2], $0x80, v3, vm0, $0xb8;
	[tilespmem:$0x14100] =	vst v63  }
0x141: {  	s1 =	simm.s32 $0xE500  }
0x142: {  	[tilespmem:s1], [sflag:$0x2] =	stream.indirect_vreg.gather [hbm4b:s4+s2], $0x80, v3, vm0, $0xb8;
	[tilespmem:$0x14100] =	vst v63  }
0x143: {  	s15 =	simm.s32 $0xED00  }
0x144: {  	[tilespmem:s15], [sflag:$0x2] =	stream.indirect_vreg.gather [hbm4b:s5+s2], $0x80, v3, vm1, $0xb8;
	[tilespmem:$0x14100] =	vst v63  }
0x145: {  	v3 =	vld [tilespmem:$0xA0];
	_ =	sdelay $0x4  }
0x146: {  	v62 =	vshrl.u32 v3, $0x3  }
0x147: {  	v4 =	vmul.u32 $0x28, v62  }
0x148: {  	v3 =	vand.u32 $0x7, v3  }
0x149: {  	v3 =	vor.u32 v3, v4  }
0x14a: {  	v4 =	vperm.xlane v3, v0;
	_ =	sdelay $0x1  }
0x14b: {  	v4 =	vadd.s32 v1, v4;
	_ =	sdelay $0x3  }
0x14c: {  	s1 =	simm.s32 $0xF100;
	v3 =	vperm.xlane v3, v2  }
0x14d: {  	[tilespmem:s1], [sflag:$0x2] =	stream.indirect_vreg.gather [hbm4b:s3+s2], $0x80, v4, vm0, $0xb8;
	[tilespmem:$0x14100] =	vst v63  }
0x14e: {  	s15 =	simm.s32 $0xF900;
	v3 =	vadd.s32 v1, v3  }
0x14f: {  	[tilespmem:s15], [sflag:$0x2] =	stream.indirect_vreg.gather [hbm4b:s4+s2], $0x80, v4, vm0, $0xb8;
	[tilespmem:$0x14100] =	vst v63  }
0x150: {  	s1 =	simm.s32 $0x10100  }
0x151: {  	[tilespmem:s1], [sflag:$0x2] =	stream.indirect_vreg.gather [hbm4b:s5+s2], $0x80, v4, vm1, $0xb8;
	[tilespmem:$0x14100] =	vst v63  }
0x152: {  	s15 =	simm.s32 $0x10500  }
0x153: {  	[tilespmem:s15], [sflag:$0x2] =	stream.indirect_vreg.gather [hbm4b:s3+s2], $0x80, v3, vm0, $0xb8;
	[tilespmem:$0x14100] =	vst v63  }
0x154: {  	s1 =	simm.s32 $0x10D00  }
0x155: {  	[tilespmem:s1], [sflag:$0x2] =	stream.indirect_vreg.gather [hbm4b:s4+s2], $0x80, v3, vm0, $0xb8;
	[tilespmem:$0x14100] =	vst v63  }
0x156: {  	s15 =	simm.s32 $0x11500  }
0x157: {  	[tilespmem:s15], [sflag:$0x2] =	stream.indirect_vreg.gather [hbm4b:s5+s2], $0x80, v3, vm1, $0xb8;
	[tilespmem:$0x14100] =	vst v63  }
0x158: {  	v3 =	vld [tilespmem:$0xB0];
	_ =	sdelay $0x4  }
0x159: {  	v63 =	vshrl.u32 v3, $0x3  }
0x15a: {  	v4 =	vmul.u32 $0x28, v63  }
0x15b: {  	v3 =	vand.u32 $0x7, v3  }
0x15c: {  	v3 =	vor.u32 v3, v4  }
0x15d: {  	v4 =	vperm.xlane v3, v0;
	_ =	sdelay $0x1  }
0x15e: {  	v4 =	vadd.s32 v1, v4;
	_ =	sdelay $0x3  }
0x15f: {  	s1 =	simm.s32 $0x11900;
	v3 =	vperm.xlane v3, v2  }
0x160: {  	[tilespmem:s1], [sflag:$0x2] =	stream.indirect_vreg.gather [hbm4b:s3+s2], $0x80, v4, vm0, $0xb8;
	[tilespmem:$0x14100] =	vst v63  }
0x161: {  	s15 =	simm.s32 $0x12100;
	v3 =	vadd.s32 v1, v3  }
0x162: {  	[tilespmem:s15], [sflag:$0x2] =	stream.indirect_vreg.gather [hbm4b:s4+s2], $0x80, v4, vm0, $0xb8;
	[tilespmem:$0x14100] =	vst v63  }
0x163: {  	s1 =	simm.s32 $0x12900  }
0x164: {  	[tilespmem:s1], [sflag:$0x2] =	stream.indirect_vreg.gather [hbm4b:s5+s2], $0x80, v4, vm1, $0xb8;
	[tilespmem:$0x14100] =	vst v63  }
0x165: {  	s15 =	simm.s32 $0x12D00  }
0x166: {  	[tilespmem:s15], [sflag:$0x2] =	stream.indirect_vreg.gather [hbm4b:s3+s2], $0x80, v3, vm0, $0xb8;
	[tilespmem:$0x14100] =	vst v63  }
0x167: {  	s1 =	simm.s32 $0x13500  }
0x168: {  	[tilespmem:s1], [sflag:$0x2] =	stream.indirect_vreg.gather [hbm4b:s4+s2], $0x80, v3, vm0, $0xb8;
	[tilespmem:$0x14100] =	vst v63  }
0x169: {  	s15 =	simm.s32 $0x13D00  }
0x16a: {  	[tilespmem:s15], [sflag:$0x2] =	stream.indirect_vreg.gather [hbm4b:s5+s2], $0x80, v3, vm1, $0xb8;
	[tilespmem:$0x14100] =	vst v63  }
0x16b: {  	_ =	swait.ge [sflag:s12], $0xA000  }
0x16c: {  	[sflag:s12] =	ssyncset.done $0x0  }
0x16d: {  	s1 =	rddreg [dreg:$0x9];
	[sflag:s12] =	ssyncadd.s32 $0xFFFF6000  }
0x16e: {  	[hbm4b:s1+s2] =	stream.linear.scatter [tilespmem:s16], [sflag:$0x4], $0xA000, $0x38;
	[tilespmem:$0x14100] =	vst v63  }
0x16f: {  	p0 =	sne.s32 s6, $0x1;
	_ =	swait.ge [sflag:s13], $0xA000  }
.Ltmp0:
0x170: {  	[sflag:s13] =	ssyncset.done $0x0;
	(pc) =	sbr.rel @p0 .LBB2_1-.Ltmp0, $4  }
0x171: {  	[sflag:s13] =	ssyncadd.s32 $0xFFFF6000  }
0x172: {  	_ =	swait.ge [sflag:s14], $0xA000  }
0x173: {  	[sflag:s14] =	ssyncset.done $0x0  }
0x174: {  	s6 =	sadd.s32 $0xFFFFFFFF, s6;
	[sflag:s14] =	ssyncadd.s32 $0xFFFF6000  }
0x175: {  	_ =	sfence.sel $0x180000  }
0x176: {  	[bflag:$0x0] =	sbarrier.arrive $0xFFFF  }
0x177: {  	_ =	strace $0x9000004A  }
0x178: {  	s0 =	stileid.u32;
	[bflag:$0x2] =	sbarrier.arrive $0xFFFF  }
0x179: {  	p0 =	sne.s32 s0, $0x0;
	s0 =	rddreg [dreg:$0x1]  }
0x17a: {  	s0 =	sadd.s32 @!p0 $0x100000, s0  }
0x17b: {  	[sflag:s0] =	ssyncadd.tile.s32 @!p0 $0x1;
	_ =	shalt  }
.Lfunc_end2:
_tile_overlayer_lowered:
.L_overlay_start_2:
0x17c: {  	(tag) =	ssettag $0x2  }
0x17d: {  	s0 =	rddreg [dreg:$0x0];
	s2 =	stileid.u32  }
0x17e: {  	s1 =	rddreg [dreg:$0x1];
	p0 =	sne.s32 s2, $0x0  }
0x17f: {  	s3 =	rddreg [dreg:$0x2];
	[bflag:$0x3] =	sbarrier.arrive $0xFFFF;
	s2 =	simm.s32 @!p0 $0x1C05  }
0x180: {  	[timem:s3], [sflag:s2] =	dma.local @!p0 [hbm:s0], s1  }
0x181: {  	s0 =	simm.s32 @!p0 $0x5  }
0x182: {  	_ =	swait.ge @!p0 [sflag:s0], s1  }
0x183: {  	s1 =	ssub.s32 @!p0 $0x0, s1;
	[sflag:s0] =	ssyncset.done @!p0 $0x0  }
0x184: {  	[sflag:s0] =	ssyncadd.s32 @!p0 s1  }
0x185: {  	[bflag:$0x3] =	sbarrier.arrive $0xFFFF  }
0x186: {  	_ =	shalt  }

// kernel: kernel.17.cloned.1.call-start
scs
__scs_entry_jumppad:
0x0: {  	(pc) =	sbr.rel $0x88, $3  }
0x1: {  	(tag) =	ssettag $0x0;
	lr =	simm.s32 $0x1  }
0x2: {  	[smem:$0x3F9D] =	sst lr;
	_ =	strace $0xD0000000  }
0x3: {  	_ = 	snop  }
0x4: {  	_ = 	snop  }
0x5: {  	_ = 	snop  }
0x6: {  	_ = 	snop  }
0x7: {  	_ = 	snop  }
__scs_overlays_trampoline_lowered:
0x8: {  	[smem:$0x3FAC] =	sst s0  }
0x9: {  	[smem:$0x3FAD] =	sst s1  }
0xa: {  	[smem:$0x3FAE] =	sst s2  }
0xb: {  	[smem:$0x3FAF] =	sst s3  }
0xc: {  	[smem:$0x3FB0] =	sst s4  }
0xd: {  	[smem:$0x3FB1] =	sst s5  }
0xe: {  	[smem:$0x3FB2] =	sst s6  }
0xf: {  	[smem:$0x3FB3] =	sst s7  }
0x10: {  	[smem:$0x3FB4] =	sst s8  }
0x11: {  	[smem:$0x3FB5] =	sst s9;
	s0 =	simm.s32 @!p0 $0x0  }
0x12: {  	s1 =	sld [smem:$0x3F9B];
	s0 =	simm.s32 @p0 $0x1  }
0x13: {  	[smem:$0x3FB6] =	sst s0;
	s0 =	simm.s32 @!p1 $0x0  }
0x14: {  	s2 =	sld [smem:$0x3F9A];
	s0 =	simm.s32 @p1 $0x1  }
0x15: {  	[smem:$0x3FB7] =	sst s0;
	s0 =	simm.s32 @!p2 $0x0  }
0x16: {  	s3 =	sld [smem:$0x3FDB];
	s0 =	simm.s32 @p2 $0x1  }
0x17: {  	s4 =	simm.s32 $0x1BF5;
	[smem:$0x3FB9] =	sst s0  }
0x18: {  	s0 =	sld [smem:$0x3F9C];
	_ =	swait.ge [sflag:s4], $0x0  }
0x19: {  	s7 =	sld [smem:$0x3F9D]  }
0x1a: {  	s8 =	sadd.s32 $0xFFFFE003, lr  }
0x1b: {  	s9 =	sadd.s32 $0xFFFFFEF7, lr;
	s5 =	simm.s32 $0xFFFFFFFF;
	p2 =	slt.u32 s8, $0xFFFFF086  }
0x1c: {  	p1 =	slt.u32 s9, $0xF7A;
	s5 =	simm.s32 @!p2 $0x0  }
0x1d: {  	s5 =	simm.s32 @p1 $0x1;
	p0 =	seq.s32 s7, s2  }
0x1e: {  	s7 =	smul.u32 @!p0 $0xF7A, s2;
	p2 =	seq.s32 @!p0 s5, $0x0  }
0x1f: {  	s9 =	smul.u32 $0xF7A, s1;
	s8 =	simm.s32 @!p0 $0x1BF5;
	p2 =	por !p2, p0  }
0x20: {  	[sflag:s8] =	ssyncset.s32 @!p0 $0xFFFFF086;
	s6 =	sadd.s32 @!p0 s3, s7;
	s7 =	simm.s32 @!p0 $0x108  }
0x21: {  	s3 =	sadd.s32 s3, s9;
	s6 =	sadd.s32 @!p0 $0x88, s6;
	s7 =	simm.s32 @p2 $0x1082  }
0x22: {  	[simem:s7], [sflag:s8] =	dma.local @!p0 [hbm:s6], $0xF7A  }
0x23: {  	s9 =	sor.u32 $0xD0000000, s2;
	s6 =	simm.s32 $0x108;
	_ =	swait.ge @!p0 [sflag:s8], $0x0  }
0x24: {  	s3 =	sadd.s32 $0x88, s3;
	s6 =	simm.s32 @!p1 $0x1082;
	[sflag:s4] =	ssyncset.s32 $0xFFFFF086  }
0x25: {  	[simem:s6], [sflag:s4] =	dma.local [hbm:s3], $0xF7A  }
0x26: {  	[smem:$0x3F9D] =	sst s1;
	(tag) =	ssettag s2;
	_ =	strace s9  }
0x27: {  	s1 =	sld [smem:$0x3FAD]  }
0x28: {  	s2 =	sld [smem:$0x3FAE]  }
0x29: {  	s4 =	sld [smem:$0x3FB0]  }
0x2a: {  	p0 =	seq.s32 s5, $0x0;
	s5 =	sld [smem:$0x3FB1]  }
0x2b: {  	s6 =	sld [smem:$0x3FB2]  }
0x2c: {  	s7 =	sld [smem:$0x3FB3]  }
0x2d: {  	s3 =	simm.s32 $0x108;
	s8 =	sld [smem:$0x3FB4]  }
0x2e: {  	s3 =	simm.s32 @!p0 $0x1082;
	s9 =	sld [smem:$0x3FB5]  }
0x2f: {  	lr =	sadd.s32 s0, s3;
	s0 =	sld [smem:$0x3FAC]  }
0x30: {  	s3 =	sld [smem:$0x3FAF]  }
0x31: {  	[smem:$0x3FB8] =	sst s10  }
0x32: {  	s10 =	sld [smem:$0x3FB6];
	_ =	sdelay $0x3  }
0x33: {  	p0 =	seq.s32 s10, $0x1;
	s10 =	sld [smem:$0x3FB8];
	_ =	sdelay $0x3  }
0x34: {  	[smem:$0x3FB8] =	sst s10  }
0x35: {  	s10 =	sld [smem:$0x3FB7];
	_ =	sdelay $0x3  }
0x36: {  	p1 =	seq.s32 s10, $0x1;
	s10 =	sld [smem:$0x3FB8];
	_ =	sdelay $0x3  }
0x37: {  	[smem:$0x3FB8] =	sst s10  }
0x38: {  	s10 =	sld [smem:$0x3FB9]  }
0x39: {  	_ = 	snop;
	(pc) =	sbr.ind lr, $3  }
0x3a: {  	_ = 	snop  }
0x3b: {  	_ = 	snop  }
0x3c: {  	p2 =	seq.s32 s10, $0x1;
	s10 =	sld [smem:$0x3FB8]  }
0x3d: {  	_ =	shalt  }
0x3e: {  	_ =	shalt  }
0x3f: {  	_ =	shalt  }
0x40: {  	_ =	shalt  }
0x41: {  	_ =	shalt  }
0x42: {  	_ =	shalt  }
0x43: {  	_ =	shalt  }
0x44: {  	_ =	shalt  }
0x45: {  	_ =	shalt  }
0x46: {  	_ =	shalt  }
0x47: {  	_ =	shalt  }
0x48: {  	_ =	shalt  }
0x49: {  	_ =	shalt  }
0x4a: {  	_ =	shalt  }
0x4b: {  	_ =	shalt  }
0x4c: {  	_ =	shalt  }
0x4d: {  	_ =	shalt  }
0x4e: {  	_ =	shalt  }
0x4f: {  	_ =	shalt  }
0x50: {  	_ =	shalt  }
0x51: {  	_ =	shalt  }
0x52: {  	_ =	shalt  }
0x53: {  	_ =	shalt  }
0x54: {  	_ =	shalt  }
0x55: {  	_ =	shalt  }
0x56: {  	_ =	shalt  }
0x57: {  	_ =	shalt  }
0x58: {  	_ =	shalt  }
0x59: {  	_ =	shalt  }
0x5a: {  	_ =	shalt  }
0x5b: {  	_ =	shalt  }
0x5c: {  	_ =	shalt  }
0x5d: {  	_ =	shalt  }
0x5e: {  	_ =	shalt  }
0x5f: {  	_ =	shalt  }
0x60: {  	_ =	shalt  }
0x61: {  	_ =	shalt  }
0x62: {  	_ =	shalt  }
0x63: {  	_ =	shalt  }
0x64: {  	_ =	shalt  }
0x65: {  	_ =	shalt  }
0x66: {  	_ =	shalt  }
0x67: {  	_ =	shalt  }
0x68: {  	_ =	shalt  }
0x69: {  	_ =	shalt  }
0x6a: {  	_ =	shalt  }
0x6b: {  	_ =	shalt  }
0x6c: {  	_ =	shalt  }
0x6d: {  	_ =	shalt  }
0x6e: {  	_ =	shalt  }
0x6f: {  	_ =	shalt  }
0x70: {  	_ =	shalt  }
0x71: {  	_ =	shalt  }
0x72: {  	_ =	shalt  }
0x73: {  	_ =	shalt  }
0x74: {  	_ =	shalt  }
0x75: {  	_ =	shalt  }
0x76: {  	_ =	shalt  }
0x77: {  	_ =	shalt  }
0x78: {  	_ =	shalt  }
0x79: {  	_ =	shalt  }
0x7a: {  	_ =	shalt  }
0x7b: {  	_ =	shalt  }
0x7c: {  	_ =	shalt  }
0x7d: {  	_ =	shalt  }
0x7e: {  	_ =	shalt  }
0x7f: {  	_ =	shalt  }
0x80: {  	_ =	shalt  }
0x81: {  	_ =	shalt  }
0x82: {  	_ =	shalt  }
0x83: {  	_ =	shalt  }
0x84: {  	_ =	shalt  }
0x85: {  	_ =	shalt  }
0x86: {  	_ =	shalt  }
0x87: {  	_ =	shalt  }
.Lfunc_end0:
.L_simem_size_0:
called_computation.2_lowered:
.L_overlay_start_0:
0x88: {  	s2 =	sld [smem:$0x3FD9]  }
0x89: {  	s3 =	sld [smem:$0x3FFE];
	_ =	sdelay $0x1  }
0x8a: {  	s1 =	srdreg.scid  }
0x8b: {  	s0 =	sand.u32 $0x1, s1  }
0x8c: {  	s17 =	sshll.u32 s0, $0xA;
	s2 =	sadd.s32 s3, s2  }
0x8d: {  	s2 =	sadd.s32 s2, s17  }
0x8e: {  	[smem:$0x3FC4] =	sst s2  }
0x8f: {  	_ = 	snop  }
0x90: {  	(tm) =	ssettm $0x1  }
0x91: {  	s18 =	sld [smem:$0x3FFB];
	_ =	sdelay $0x3  }
0x92: {  	_ =	strace s18  }
0x93: {  	s2 =	sld [smem:$0x3FFC];
	_ =	sdelay $0x3  }
0x94: {  	_ =	strace s2  }
0x95: {  	s2 =	sld [smem:$0x3FFD];
	_ =	sdelay $0x3  }
0x96: {  	_ =	strace s2  }
0x97: {  	_ =	strace $0x8FFFFFFF  }
0x98: {  	s19 =	sld [smem:$0x3FDB];
	_ =	sdelay $0x1  }
0x99: {  	s20 =	simm.s32 $_scs_section_size  }
0x9a: {  	s4 =	simm.s32 $_size__tile_overlayer_lowered;
	s5 =	simm.s32 $_tile_overlayer_lowered  }
0x9b: {  	s6 =	simm.s32 $0x1BFF;
	s21 =	sshll.u32 s5, $0x1;
	s3 =	sadd.s32 s20, s19  }
0x9c: {  	s22 =	simm.s32 $0x0;
	s4 =	sshll.u32 s4, $0x1;
	s5 =	sadd.s32 s21, s3  }
0x9d: {  	[timem:s22], [sflag:s6] =	dma.local [hbm:s5], s4  }
0x9e: {  	_ =	swait.ge [sflag:s6], s4  }
0x9f: {  	s4 =	ssub.s32 $0x0, s4;
	[sflag:s6] =	ssyncset.done $0x0  }
0xa0: {  	[sflag:s6] =	ssyncadd.s32 s4;
	_ =	sdelay $0x1  }
0xa1: {  	s23 =	simm.s32 $0x1B8B  }
0xa2: {  	_ =	swait.ge [sflag:s23], $0x1  }
0xa3: {  	[sflag:s23] =	ssyncset.done $0x0  }
0xa4: {  	[sflag:s23] =	ssyncadd.s32 $0xFFFFFFFF  }
0xa5: {  	s4 =	sld [smem:$0x0]  }
0xa6: {  	s5 =	sand.u32 $0xFFFFFFFE, s1  }
0xa7: {  	p0 =	sne.s32 s1, s5  }
0xa8: {  	s5 =	sshll.u32 @p0 s5, $0xE  }
0xa9: {  	s5 =	sadd.s32 @p0 $0x11B8D, s5;
	s6 =	sshll.u32 @p0 s4, $0x11  }
0xaa: {  	s5 =	sor.u32 @p0 s6, s5  }
0xab: {  	[sflag:s5] =	ssyncadd.remote.s32 @p0 $0x1;
	_ =	sdelay $0x1  }
0xac: {  	s5 =	simm.s32 @p0 $0x1B8D  }
0xad: {  	_ =	swait.eq @p0 [sflag:s5], $0x1  }
0xae: {  	[sflag:s5] =	ssyncadd.s32 @p0 $0xFFFFFFFF  }
0xaf: {  	s6 =	sshll.u32 @!p0 s1, $0xE  }
0xb0: {  	s6 =	sor.u32 @!p0 $0x4000, s6;
	s5 =	simm.s32 @!p0 $0x1B8D  }
0xb1: {  	s4 =	sshll.u32 @!p0 s4, $0x11;
	s6 =	sadd.s32 @!p0 $0x11B8D, s6;
	_ =	swait.eq @!p0 [sflag:s5], $0x1  }
0xb2: {  	s4 =	sor.u32 @!p0 s4, s6;
	[sflag:s5] =	ssyncadd.s32 @!p0 $0xFFFFFFFF  }
0xb3: {  	s25 =	simm.s32 $0x1B8E;
	s24 =	sld [smem:$0x3FFE];
	[sflag:s4] =	ssyncadd.remote.s32 @!p0 $0x1  }
0xb4: {  	s26 =	simm.s32 $execute0_lowered;
	[smem:$0x3FD2] =	sst s25  }
0xb5: {  	s5 =	sshll.u32 s26, $0x1;
	_ =	strace $0x8000004C;
	[dreg:$0x1] =	wrdreg $0xFFFFFFFF  }
0xb6: {  	s28 =	simm.s32 $_size_execute0_lowered;
	s3 =	sadd.s32 s3, s5;
	[dreg:$0x0] =	wrdreg $0x0  }
0xb7: {  	s5 =	sshll.u32 s28, $0x1;
	[dreg:$0x2] =	wrdreg s3  }
0xb8: {  	[dreg:$0x3] =	wrdreg s5  }
0xb9: {  	[dreg:$0x4] =	wrdreg $0xC0  }
0xba: {  	_ =	task [dreg:s22], $0x5FFFF  }
0xbb: {  	[dreg:$0x1] =	wrdreg $0xFFFFFFFF  }
0xbc: {  	[dreg:$0x0] =	wrdreg $0x60  }
0xbd: {  	[dreg:$0x2] =	wrdreg s24  }
0xbe: {  	[dreg:$0x3] =	wrdreg $0xB  }
0xbf: {  	_ =	task.clear_ibuf [dreg:s22], $0x4FFFF;
	_ =	strace $0x9000004C  }
0xc0: {  	s29 =	simm.s32 $0xB;
	_ =	strace $0x8000004E  }
0xc1: {  	_ =	swait.ge [sflag:s29], $0x1  }
0xc2: {  	[sflag:s29] =	ssyncadd.s32 $0xFFFFFFFF  }
0xc3: {  	_ =	strace $0x9000004E  }
0xc4: {  	_ =	sfence  }
0xc5: {  	s30 =	sld [smem:$0x0];
	_ =	sdelay $0x2  }
0xc6: {  	s31 =	sshll.u32 s1, $0xD;
	s1 =	sshrl.u32 s1, $0x2  }
0xc7: {  	s4 =	sand.u32 $0x4000, s31;
	s1 =	sadd.s32 s1, s30  }
0xc8: {  	s0 =	sor.u32 s4, s0;
	s1 =	sshll.u32 s1, $0x11  }
0xc9: {  	s0 =	sor.u32 s1, s0  }
0xca: {  	s0 =	sadd.s32 $0x8F2B, s0  }
0xcb: {  	[sflag:s0] =	ssyncadd.remote.s32 $0x1  }
0xcc: {  	_ =	sfence.sel $0xFFFF  }
0xcd: {  	[dreg:$0x0] =	wrdreg $0xFFFFFFFF;
	(pc) =	sbr.abs _section_cstart, $3  }
0xce: {  	[dreg:$0x1] =	wrdreg $0xFFFFFFFF  }
0xcf: {  	_ =	task.clear_ibuf [dreg:s22], $0x2FFFF;
	_ =	strace $0x9FFFFFFF  }
0xd0: {  	(tm) =	ssettm $0x7FFFFFFF  }
0xd1: {  	_ =	shalt  }
tec
execute0_lowered:
.L_overlay_start_1:
0x0: {  	(tag) =	ssettag $0x1  }
0x1: {  	s0 =	rddreg [dreg:$0x0]  }
0x2: {  	s2 =	simm.s32 $0x0;
	s1 =	srdreg.scid;
	s3 =	stileid.u32  }
0x3: {  	s12 =	simm.s32 $0x2;
	s13 =	simm.s32 $0x3;
	s14 =	simm.s32 $0x4  }
0x4: {  	s28 =	simm.s32 $0x4D00;
	s29 =	simm.s32 $0x5100;
	s30 =	simm.s32 $0x5900  }
0x5: {  	s31 =	simm.s32 $0x6100;
	s11 =	simm.s32 $0x7500;
	[smem:$0x7FF] =	sst s2  }
0x6: {  	s1 =	sand.u32 $0x1, s1;
	s4 =	sshll.u32 s3, $0x6;
	s3 =	sadd.s32 $0x280400, s0  }
0x7: {  	s6 =	sadd.s32 $0xA1400, s0;
	s17 =	sadd.s32 $0x141C00, s0;
	s5 =	sshll.u32 s1, $0x5  }
0x8: {  	_ =	strace $0x8000004D;
	s1 =	ssub.s32 $0x2, s1;
	s4 =	sor.u32 s5, s4  }
0x9: {  	s8 =	sshrl.u32 s1, $0x1;
	s5 =	sadd.s32 $0x280600, s0;
	s7 =	smul.u32 $0x280, s4  }
0xa: {  	s9 =	sadd.s32 s6, s4;
	s10 =	sor.u32 $0x8, s4;
	s20 =	sor.u32 $0x10, s4  }
0xb: {  	s4 =	sor.u32 $0x18, s4;
	s1 =	ssub.s32 s1, s8;
	s18 =	smul.u32 $0x280, s10  }
0xc: {  	s8 =	simm.s32 $0x7900;
	[dreg:$0x2] =	wrdreg s9;
	s22 =	smul.u32 $0x280, s20  }
0xd: {  	s19 =	sadd.s32 s6, s10;
	s23 =	sadd.s32 s6, s20;
	s25 =	smul.u32 $0x280, s4  }
0xe: {  	s6 =	sadd.s32 s6, s4;
	s4 =	sadd.s32 $0x280500, s0;
	[dreg:$0x4] =	wrdreg s19  }
0xf: {  	s10 =	simm.s32 $0x100;
	s20 =	simm.s32 $0x1D00;
	[dreg:$0x6] =	wrdreg s23  }
0x10: {  	s9 =	simm.s32 $0x6D00;
	s7 =	sadd.s32 s17, s7;
	[dreg:$0x8] =	wrdreg s6  }
0x11: {  	s6 =	smax.u32 s1, $0x1;
	s19 =	simm.s32 $0x1500;
	s23 =	simm.s32 $0x3100  }
0x12: {  	[dreg:$0x3] =	wrdreg s7;
	s21 =	sadd.s32 s17, s18;
	s24 =	sadd.s32 s17, s22  }
0x13: {  	s26 =	sadd.s32 s17, s25;
	s7 =	simm.s32 $0x5;
	[dreg:$0x5] =	wrdreg s21  }
0x14: {  	v2 =	vlaneseq.u32;
	s17 =	simm.s32 $0x900;
	s18 =	simm.s32 $0x1100;
	[dreg:$0x7] =	wrdreg s24  }
0x15: {  	vm0 =	vmmov $0xffff;
	vm1 =	vmmov $0xff;
	v1 =	vshrl.u32 v2, $0x3;
	s22 =	simm.s32 $0x2900;
	s25 =	simm.s32 $0x3D00;
	[dreg:$0x9] =	wrdreg s26  }
0x16: {  	v0 =	vand.u32 $0x7, v2;
	v2 =	vor.u32 $0x8, v2;
	v1 =	vmul.u32 $0x8, v1;
	s21 =	simm.s32 $0x2500;
	s24 =	simm.s32 $0x3900;
	s26 =	simm.s32 $0x4500  }
.LBB2_1:
0x17: {  	s15 =	rddreg [dreg:$0x2]  }
0x18: {  	[tilespmem:s2], [sflag:$0x5] =	stream.linear.gather [hbm4b:s15+s2], $0x40, $0x38;
	[tilespmem:$0x14100] =	vst v63  }
0x19: {  	_ =	swait.ge [sflag:s7], $0x40  }
0x1a: {  	[sflag:s7] =	ssyncset.done $0x0  }
0x1b: {  	[sflag:s7] =	ssyncadd.s32 $0xFFFFFFC0  }
0x1c: {  	v3 =	vld [tilespmem:$0x0];
	_ =	sdelay $0x4  }
0x1d: {  	v4 =	vshrl.u32 v3, $0x3  }
0x1e: {  	v4 =	vmul.u32 $0x28, v4  }
0x1f: {  	v3 =	vand.u32 $0x7, v3  }
0x20: {  	v3 =	vor.u32 v3, v4  }
0x21: {  	v4 =	vperm.xlane v3, v0;
	_ =	sdelay $0x1  }
0x22: {  	v4 =	vadd.s32 v1, v4;
	_ =	sdelay $0x3  }
0x23: {  	v3 =	vperm.xlane v3, v2  }
0x24: {  	[tilespmem:s10], [sflag:$0x1] =	stream.indirect_vreg.gather [hbm4b:s3+s2], $0x80, v4, vm0, $0xb8;
	[tilespmem:$0x14100] =	vst v63  }
0x25: {  	v3 =	vadd.s32 v1, v3  }
0x26: {  	[tilespmem:s17], [sflag:$0x1] =	stream.indirect_vreg.gather [hbm4b:s4+s2], $0x80, v4, vm0, $0xb8;
	[tilespmem:$0x14100] =	vst v63  }
0x27: {  	_ = 	snop  }
0x28: {  	[tilespmem:s18], [sflag:$0x1] =	stream.indirect_vreg.gather [hbm4b:s5+s2], $0x80, v4, vm1, $0xb8;
	[tilespmem:$0x14100] =	vst v63  }
0x29: {  	_ = 	snop  }
0x2a: {  	[tilespmem:s19], [sflag:$0x1] =	stream.indirect_vreg.gather [hbm4b:s3+s2], $0x80, v3, vm0, $0xb8;
	[tilespmem:$0x14100] =	vst v63  }
0x2b: {  	_ = 	snop  }
0x2c: {  	[tilespmem:s20], [sflag:$0x1] =	stream.indirect_vreg.gather [hbm4b:s4+s2], $0x80, v3, vm0, $0xb8;
	[tilespmem:$0x14100] =	vst v63  }
0x2d: {  	_ = 	snop  }
0x2e: {  	[tilespmem:s21], [sflag:$0x1] =	stream.indirect_vreg.gather [hbm4b:s5+s2], $0x80, v3, vm1, $0xb8;
	[tilespmem:$0x14100] =	vst v63  }
0x2f: {  	v3 =	vld [tilespmem:$0x10];
	_ =	sdelay $0x4  }
0x30: {  	v49 =	vshrl.u32 v3, $0x3  }
0x31: {  	v4 =	vmul.u32 $0x28, v49  }
0x32: {  	v3 =	vand.u32 $0x7, v3  }
0x33: {  	v3 =	vor.u32 v3, v4  }
0x34: {  	v4 =	vperm.xlane v3, v0;
	_ =	sdelay $0x1  }
0x35: {  	v4 =	vadd.s32 v1, v4;
	_ =	sdelay $0x3  }
0x36: {  	v3 =	vperm.xlane v3, v2  }
0x37: {  	[tilespmem:s22], [sflag:$0x1] =	stream.indirect_vreg.gather [hbm4b:s3+s2], $0x80, v4, vm0, $0xb8;
	[tilespmem:$0x14100] =	vst v63  }
0x38: {  	v3 =	vadd.s32 v1, v3  }
0x39: {  	[tilespmem:s23], [sflag:$0x1] =	stream.indirect_vreg.gather [hbm4b:s4+s2], $0x80, v4, vm0, $0xb8;
	[tilespmem:$0x14100] =	vst v63  }
0x3a: {  	_ = 	snop  }
0x3b: {  	[tilespmem:s24], [sflag:$0x1] =	stream.indirect_vreg.gather [hbm4b:s5+s2], $0x80, v4, vm1, $0xb8;
	[tilespmem:$0x14100] =	vst v63  }
0x3c: {  	_ = 	snop  }
0x3d: {  	[tilespmem:s25], [sflag:$0x1] =	stream.indirect_vreg.gather [hbm4b:s3+s2], $0x80, v3, vm0, $0xb8;
	[tilespmem:$0x14100] =	vst v63  }
0x3e: {  	_ = 	snop  }
0x3f: {  	[tilespmem:s26], [sflag:$0x1] =	stream.indirect_vreg.gather [hbm4b:s4+s2], $0x80, v3, vm0, $0xb8;
	[tilespmem:$0x14100] =	vst v63  }
0x40: {  	_ = 	snop  }
0x41: {  	[tilespmem:s28], [sflag:$0x1] =	stream.indirect_vreg.gather [hbm4b:s5+s2], $0x80, v3, vm1, $0xb8;
	[tilespmem:$0x14100] =	vst v63  }
0x42: {  	v3 =	vld [tilespmem:$0x20];
	_ =	sdelay $0x4  }
0x43: {  	v50 =	vshrl.u32 v3, $0x3  }
0x44: {  	v4 =	vmul.u32 $0x28, v50  }
0x45: {  	v3 =	vand.u32 $0x7, v3  }
0x46: {  	v3 =	vor.u32 v3, v4  }
0x47: {  	v4 =	vperm.xlane v3, v0;
	_ =	sdelay $0x1  }
0x48: {  	v4 =	vadd.s32 v1, v4;
	_ =	sdelay $0x3  }
0x49: {  	v3 =	vperm.xlane v3, v2  }
0x4a: {  	[tilespmem:s29], [sflag:$0x1] =	stream.indirect_vreg.gather [hbm4b:s3+s2], $0x80, v4, vm0, $0xb8;
	[tilespmem:$0x14100] =	vst v63  }
0x4b: {  	v3 =	vadd.s32 v1, v3  }
0x4c: {  	[tilespmem:s30], [sflag:$0x1] =	stream.indirect_vreg.gather [hbm4b:s4+s2], $0x80, v4, vm0, $0xb8;
	[tilespmem:$0x14100] =	vst v63  }
0x4d: {  	_ = 	snop  }
0x4e: {  	[tilespmem:s31], [sflag:$0x1] =	stream.indirect_vreg.gather [hbm4b:s5+s2], $0x80, v4, vm1, $0xb8;
	[tilespmem:$0x14100] =	vst v63  }
0x4f: {  	s0 =	simm.s32 $0x6500  }
0x50: {  	[tilespmem:s0], [sflag:$0x1] =	stream.indirect_vreg.gather [hbm4b:s3+s2], $0x80, v3, vm0, $0xb8;
	[tilespmem:$0x14100] =	vst v63  }
0x51: {  	_ = 	snop  }
0x52: {  	[tilespmem:s9], [sflag:$0x1] =	stream.indirect_vreg.gather [hbm4b:s4+s2], $0x80, v3, vm0, $0xb8;
	[tilespmem:$0x14100] =	vst v63  }
0x53: {  	_ = 	snop  }
0x54: {  	[tilespmem:s11], [sflag:$0x1] =	stream.indirect_vreg.gather [hbm4b:s5+s2], $0x80, v3, vm1, $0xb8;
	[tilespmem:$0x14100] =	vst v63  }
0x55: {  	v3 =	vld [tilespmem:$0x30];
	_ =	sdelay $0x4  }
0x56: {  	v51 =	vshrl.u32 v3, $0x3  }
0x57: {  	v4 =	vmul.u32 $0x28, v51  }
0x58: {  	v3 =	vand.u32 $0x7, v3  }
0x59: {  	v3 =	vor.u32 v3, v4  }
0x5a: {  	v4 =	vperm.xlane v3, v0;
	_ =	sdelay $0x1  }
0x5b: {  	v4 =	vadd.s32 v1, v4;
	_ =	sdelay $0x3  }
0x5c: {  	v3 =	vperm.xlane v3, v2  }
0x5d: {  	[tilespmem:s8], [sflag:$0x1] =	stream.indirect_vreg.gather [hbm4b:s3+s2], $0x80, v4, vm0, $0xb8;
	[tilespmem:$0x14100] =	vst v63  }
0x5e: {  	s1 =	simm.s32 $0x8100;
	v3 =	vadd.s32 v1, v3  }
0x5f: {  	[tilespmem:s1], [sflag:$0x1] =	stream.indirect_vreg.gather [hbm4b:s4+s2], $0x80, v4, vm0, $0xb8;
	[tilespmem:$0x14100] =	vst v63  }
0x60: {  	s15 =	simm.s32 $0x8900  }
0x61: {  	[tilespmem:s15], [sflag:$0x1] =	stream.indirect_vreg.gather [hbm4b:s5+s2], $0x80, v4, vm1, $0xb8;
	[tilespmem:$0x14100] =	vst v63  }
0x62: {  	s16 =	simm.s32 $0x8D00  }
0x63: {  	[tilespmem:s16], [sflag:$0x1] =	stream.indirect_vreg.gather [hbm4b:s3+s2], $0x80, v3, vm0, $0xb8;
	[tilespmem:$0x14100] =	vst v63  }
0x64: {  	s15 =	simm.s32 $0x9500  }
0x65: {  	[tilespmem:s15], [sflag:$0x1] =	stream.indirect_vreg.gather [hbm4b:s4+s2], $0x80, v3, vm0, $0xb8;
	[tilespmem:$0x14100] =	vst v63  }
0x66: {  	s0 =	simm.s32 $0x1;
	s16 =	simm.s32 $0x9D00  }
0x67: {  	[tilespmem:s16], [sflag:$0x1] =	stream.indirect_vreg.gather [hbm4b:s5+s2], $0x80, v3, vm1, $0xb8;
	[tilespmem:$0x14100] =	vst v63  }
0x68: {  	_ =	swait.ge [sflag:s0], $0xA000  }
0x69: {  	[sflag:s0] =	ssyncset.done $0x0  }
0x6a: {  	s15 =	rddreg [dreg:$0x3];
	[sflag:s0] =	ssyncadd.s32 $0xFFFF6000  }
0x6b: {  	[hbm4b:s15+s2] =	stream.linear.scatter [tilespmem:s10], [sflag:$0x3], $0xA000, $0x38;
	[tilespmem:$0x14100] =	vst v63  }
0x6c: {  	s16 =	rddreg [dreg:$0x4];
	s15 =	simm.s32 $0x80  }
0x6d: {  	[tilespmem:s15], [sflag:$0x5] =	stream.linear.gather [hbm4b:s16+s2], $0x40, $0x38;
	[tilespmem:$0x14100] =	vst v63  }
0x6e: {  	_ =	swait.ge [sflag:s7], $0x40  }
0x6f: {  	[sflag:s7] =	ssyncset.done $0x0  }
0x70: {  	[sflag:s7] =	ssyncadd.s32 $0xFFFFFFC0  }
0x71: {  	v3 =	vld [tilespmem:$0x80];
	_ =	sdelay $0x4  }
0x72: {  	v52 =	vshrl.u32 v3, $0x3  }
0x73: {  	v4 =	vmul.u32 $0x28, v52  }
0x74: {  	v3 =	vand.u32 $0x7, v3  }
0x75: {  	v3 =	vor.u32 v3, v4  }
0x76: {  	v4 =	vperm.xlane v3, v0;
	_ =	sdelay $0x1  }
0x77: {  	v4 =	vadd.s32 v1, v4;
	_ =	sdelay $0x3  }
0x78: {  	s16 =	simm.s32 $0xA100;
	v3 =	vperm.xlane v3, v2  }
0x79: {  	[tilespmem:s16], [sflag:$0x2] =	stream.indirect_vreg.gather [hbm4b:s3+s2], $0x80, v4, vm0, $0xb8;
	[tilespmem:$0x14100] =	vst v63  }
0x7a: {  	s15 =	simm.s32 $0xA900;
	v3 =	vadd.s32 v1, v3  }
0x7b: {  	[tilespmem:s15], [sflag:$0x2] =	stream.indirect_vreg.gather [hbm4b:s4+s2], $0x80, v4, vm0, $0xb8;
	[tilespmem:$0x14100] =	vst v63  }
0x7c: {  	s15 =	simm.s32 $0xB100  }
0x7d: {  	[tilespmem:s15], [sflag:$0x2] =	stream.indirect_vreg.gather [hbm4b:s5+s2], $0x80, v4, vm1, $0xb8;
	[tilespmem:$0x14100] =	vst v63  }
0x7e: {  	s15 =	simm.s32 $0xB500  }
0x7f: {  	[tilespmem:s15], [sflag:$0x2] =	stream.indirect_vreg.gather [hbm4b:s3+s2], $0x80, v3, vm0, $0xb8;
	[tilespmem:$0x14100] =	vst v63  }
0x80: {  	s15 =	simm.s32 $0xBD00  }
0x81: {  	[tilespmem:s15], [sflag:$0x2] =	stream.indirect_vreg.gather [hbm4b:s4+s2], $0x80, v3, vm0, $0xb8;
	[tilespmem:$0x14100] =	vst v63  }
0x82: {  	s15 =	simm.s32 $0xC500  }
0x83: {  	[tilespmem:s15], [sflag:$0x2] =	stream.indirect_vreg.gather [hbm4b:s5+s2], $0x80, v3, vm1, $0xb8;
	[tilespmem:$0x14100] =	vst v63  }
0x84: {  	v3 =	vld [tilespmem:$0x90];
	_ =	sdelay $0x4  }
0x85: {  	v53 =	vshrl.u32 v3, $0x3  }
0x86: {  	v4 =	vmul.u32 $0x28, v53  }
0x87: {  	v3 =	vand.u32 $0x7, v3  }
0x88: {  	v3 =	vor.u32 v3, v4  }
0x89: {  	v4 =	vperm.xlane v3, v0;
	_ =	sdelay $0x1  }
0x8a: {  	v4 =	vadd.s32 v1, v4;
	_ =	sdelay $0x3  }
0x8b: {  	s15 =	simm.s32 $0xC900;
	v3 =	vperm.xlane v3, v2  }
0x8c: {  	[tilespmem:s15], [sflag:$0x2] =	stream.indirect_vreg.gather [hbm4b:s3+s2], $0x80, v4, vm0, $0xb8;
	[tilespmem:$0x14100] =	vst v63  }
0x8d: {  	v3 =	vadd.s32 v1, v3;
	s15 =	simm.s32 $0xD100  }
0x8e: {  	[tilespmem:s15], [sflag:$0x2] =	stream.indirect_vreg.gather [hbm4b:s4+s2], $0x80, v4, vm0, $0xb8;
	[tilespmem:$0x14100] =	vst v63  }
0x8f: {  	s15 =	simm.s32 $0xD900  }
0x90: {  	[tilespmem:s15], [sflag:$0x2] =	stream.indirect_vreg.gather [hbm4b:s5+s2], $0x80, v4, vm1, $0xb8;
	[tilespmem:$0x14100] =	vst v63  }
0x91: {  	s15 =	simm.s32 $0xDD00  }
0x92: {  	[tilespmem:s15], [sflag:$0x2] =	stream.indirect_vreg.gather [hbm4b:s3+s2], $0x80, v3, vm0, $0xb8;
	[tilespmem:$0x14100] =	vst v63  }
0x93: {  	s15 =	simm.s32 $0xE500  }
0x94: {  	[tilespmem:s15], [sflag:$0x2] =	stream.indirect_vreg.gather [hbm4b:s4+s2], $0x80, v3, vm0, $0xb8;
	[tilespmem:$0x14100] =	vst v63  }
0x95: {  	s15 =	simm.s32 $0xED00  }
0x96: {  	[tilespmem:s15], [sflag:$0x2] =	stream.indirect_vreg.gather [hbm4b:s5+s2], $0x80, v3, vm1, $0xb8;
	[tilespmem:$0x14100] =	vst v63  }
0x97: {  	v3 =	vld [tilespmem:$0xA0];
	_ =	sdelay $0x4  }
0x98: {  	v54 =	vshrl.u32 v3, $0x3  }
0x99: {  	v4 =	vmul.u32 $0x28, v54  }
0x9a: {  	v3 =	vand.u32 $0x7, v3  }
0x9b: {  	v3 =	vor.u32 v3, v4  }
0x9c: {  	v4 =	vperm.xlane v3, v0;
	_ =	sdelay $0x1  }
0x9d: {  	v4 =	vadd.s32 v1, v4;
	_ =	sdelay $0x3  }
0x9e: {  	s15 =	simm.s32 $0xF100;
	v3 =	vperm.xlane v3, v2  }
0x9f: {  	[tilespmem:s15], [sflag:$0x2] =	stream.indirect_vreg.gather [hbm4b:s3+s2], $0x80, v4, vm0, $0xb8;
	[tilespmem:$0x14100] =	vst v63  }
0xa0: {  	v3 =	vadd.s32 v1, v3;
	s15 =	simm.s32 $0xF900  }
0xa1: {  	[tilespmem:s15], [sflag:$0x2] =	stream.indirect_vreg.gather [hbm4b:s4+s2], $0x80, v4, vm0, $0xb8;
	[tilespmem:$0x14100] =	vst v63  }
0xa2: {  	s15 =	simm.s32 $0x10100  }
0xa3: {  	[tilespmem:s15], [sflag:$0x2] =	stream.indirect_vreg.gather [hbm4b:s5+s2], $0x80, v4, vm1, $0xb8;
	[tilespmem:$0x14100] =	vst v63  }
0xa4: {  	s15 =	simm.s32 $0x10500  }
0xa5: {  	[tilespmem:s15], [sflag:$0x2] =	stream.indirect_vreg.gather [hbm4b:s3+s2], $0x80, v3, vm0, $0xb8;
	[tilespmem:$0x14100] =	vst v63  }
0xa6: {  	s15 =	simm.s32 $0x10D00  }
0xa7: {  	[tilespmem:s15], [sflag:$0x2] =	stream.indirect_vreg.gather [hbm4b:s4+s2], $0x80, v3, vm0, $0xb8;
	[tilespmem:$0x14100] =	vst v63  }
0xa8: {  	s15 =	simm.s32 $0x11500  }
0xa9: {  	[tilespmem:s15], [sflag:$0x2] =	stream.indirect_vreg.gather [hbm4b:s5+s2], $0x80, v3, vm1, $0xb8;
	[tilespmem:$0x14100] =	vst v63  }
0xaa: {  	v3 =	vld [tilespmem:$0xB0];
	_ =	sdelay $0x4  }
0xab: {  	v55 =	vshrl.u32 v3, $0x3  }
0xac: {  	v4 =	vmul.u32 $0x28, v55  }
0xad: {  	v3 =	vand.u32 $0x7, v3  }
0xae: {  	v3 =	vor.u32 v3, v4  }
0xaf: {  	v4 =	vperm.xlane v3, v0;
	_ =	sdelay $0x1  }
0xb0: {  	v4 =	vadd.s32 v1, v4;
	_ =	sdelay $0x3  }
0xb1: {  	s15 =	simm.s32 $0x11900;
	v3 =	vperm.xlane v3, v2  }
0xb2: {  	[tilespmem:s15], [sflag:$0x2] =	stream.indirect_vreg.gather [hbm4b:s3+s2], $0x80, v4, vm0, $0xb8;
	[tilespmem:$0x14100] =	vst v63  }
0xb3: {  	v3 =	vadd.s32 v1, v3;
	s15 =	simm.s32 $0x12100  }
0xb4: {  	[tilespmem:s15], [sflag:$0x2] =	stream.indirect_vreg.gather [hbm4b:s4+s2], $0x80, v4, vm0, $0xb8;
	[tilespmem:$0x14100] =	vst v63  }
0xb5: {  	s15 =	simm.s32 $0x12900  }
0xb6: {  	[tilespmem:s15], [sflag:$0x2] =	stream.indirect_vreg.gather [hbm4b:s5+s2], $0x80, v4, vm1, $0xb8;
	[tilespmem:$0x14100] =	vst v63  }
0xb7: {  	s15 =	simm.s32 $0x12D00  }
0xb8: {  	[tilespmem:s15], [sflag:$0x2] =	stream.indirect_vreg.gather [hbm4b:s3+s2], $0x80, v3, vm0, $0xb8;
	[tilespmem:$0x14100] =	vst v63  }
0xb9: {  	s15 =	simm.s32 $0x13500  }
0xba: {  	[tilespmem:s15], [sflag:$0x2] =	stream.indirect_vreg.gather [hbm4b:s4+s2], $0x80, v3, vm0, $0xb8;
	[tilespmem:$0x14100] =	vst v63  }
0xbb: {  	s15 =	simm.s32 $0x13D00  }
0xbc: {  	[tilespmem:s15], [sflag:$0x2] =	stream.indirect_vreg.gather [hbm4b:s5+s2], $0x80, v3, vm1, $0xb8;
	[tilespmem:$0x14100] =	vst v63  }
0xbd: {  	_ =	swait.ge [sflag:s12], $0xA000  }
0xbe: {  	[sflag:s12] =	ssyncset.done $0x0  }
0xbf: {  	s15 =	rddreg [dreg:$0x5];
	[sflag:s12] =	ssyncadd.s32 $0xFFFF6000  }
0xc0: {  	[hbm4b:s15+s2] =	stream.linear.scatter [tilespmem:s16], [sflag:$0x4], $0xA000, $0x38;
	[tilespmem:$0x14100] =	vst v63  }
0xc1: {  	_ =	swait.ge [sflag:s13], $0xA000  }
0xc2: {  	[sflag:s13] =	ssyncset.done $0x0  }
0xc3: {  	s15 =	rddreg [dreg:$0x6];
	[sflag:s13] =	ssyncadd.s32 $0xFFFF6000  }
0xc4: {  	[tilespmem:s2], [sflag:$0x5] =	stream.linear.gather [hbm4b:s15+s2], $0x40, $0x38;
	[tilespmem:$0x14100] =	vst v63  }
0xc5: {  	_ =	swait.ge [sflag:s7], $0x40  }
0xc6: {  	[sflag:s7] =	ssyncset.done $0x0  }
0xc7: {  	[sflag:s7] =	ssyncadd.s32 $0xFFFFFFC0  }
0xc8: {  	v3 =	vld [tilespmem:$0x0];
	_ =	sdelay $0x4  }
0xc9: {  	v56 =	vshrl.u32 v3, $0x3  }
0xca: {  	v4 =	vmul.u32 $0x28, v56  }
0xcb: {  	v3 =	vand.u32 $0x7, v3  }
0xcc: {  	v3 =	vor.u32 v3, v4  }
0xcd: {  	v4 =	vperm.xlane v3, v0;
	_ =	sdelay $0x1  }
0xce: {  	v4 =	vadd.s32 v1, v4;
	_ =	sdelay $0x3  }
0xcf: {  	v3 =	vperm.xlane v3, v2  }
0xd0: {  	[tilespmem:s10], [sflag:$0x1] =	stream.indirect_vreg.gather [hbm4b:s3+s2], $0x80, v4, vm0, $0xb8;
	[tilespmem:$0x14100] =	vst v63  }
0xd1: {  	v3 =	vadd.s32 v1, v3  }
0xd2: {  	[tilespmem:s17], [sflag:$0x1] =	stream.indirect_vreg.gather [hbm4b:s4+s2], $0x80, v4, vm0, $0xb8;
	[tilespmem:$0x14100] =	vst v63  }
0xd3: {  	_ = 	snop  }
0xd4: {  	[tilespmem:s18], [sflag:$0x1] =	stream.indirect_vreg.gather [hbm4b:s5+s2], $0x80, v4, vm1, $0xb8;
	[tilespmem:$0x14100] =	vst v63  }
0xd5: {  	_ = 	snop  }
0xd6: {  	[tilespmem:s19], [sflag:$0x1] =	stream.indirect_vreg.gather [hbm4b:s3+s2], $0x80, v3, vm0, $0xb8;
	[tilespmem:$0x14100] =	vst v63  }
0xd7: {  	_ = 	snop  }
0xd8: {  	[tilespmem:s20], [sflag:$0x1] =	stream.indirect_vreg.gather [hbm4b:s4+s2], $0x80, v3, vm0, $0xb8;
	[tilespmem:$0x14100] =	vst v63  }
0xd9: {  	_ = 	snop  }
0xda: {  	[tilespmem:s21], [sflag:$0x1] =	stream.indirect_vreg.gather [hbm4b:s5+s2], $0x80, v3, vm1, $0xb8;
	[tilespmem:$0x14100] =	vst v63  }
0xdb: {  	v3 =	vld [tilespmem:$0x10];
	_ =	sdelay $0x4  }
0xdc: {  	v57 =	vshrl.u32 v3, $0x3  }
0xdd: {  	v4 =	vmul.u32 $0x28, v57  }
0xde: {  	v3 =	vand.u32 $0x7, v3  }
0xdf: {  	v3 =	vor.u32 v3, v4  }
0xe0: {  	v4 =	vperm.xlane v3, v0;
	_ =	sdelay $0x1  }
0xe1: {  	v4 =	vadd.s32 v1, v4;
	_ =	sdelay $0x3  }
0xe2: {  	v3 =	vperm.xlane v3, v2  }
0xe3: {  	[tilespmem:s22], [sflag:$0x1] =	stream.indirect_vreg.gather [hbm4b:s3+s2], $0x80, v4, vm0, $0xb8;
	[tilespmem:$0x14100] =	vst v63  }
0xe4: {  	v3 =	vadd.s32 v1, v3  }
0xe5: {  	[tilespmem:s23], [sflag:$0x1] =	stream.indirect_vreg.gather [hbm4b:s4+s2], $0x80, v4, vm0, $0xb8;
	[tilespmem:$0x14100] =	vst v63  }
0xe6: {  	_ = 	snop  }
0xe7: {  	[tilespmem:s24], [sflag:$0x1] =	stream.indirect_vreg.gather [hbm4b:s5+s2], $0x80, v4, vm1, $0xb8;
	[tilespmem:$0x14100] =	vst v63  }
0xe8: {  	_ = 	snop  }
0xe9: {  	[tilespmem:s25], [sflag:$0x1] =	stream.indirect_vreg.gather [hbm4b:s3+s2], $0x80, v3, vm0, $0xb8;
	[tilespmem:$0x14100] =	vst v63  }
0xea: {  	_ = 	snop  }
0xeb: {  	[tilespmem:s26], [sflag:$0x1] =	stream.indirect_vreg.gather [hbm4b:s4+s2], $0x80, v3, vm0, $0xb8;
	[tilespmem:$0x14100] =	vst v63  }
0xec: {  	_ = 	snop  }
0xed: {  	[tilespmem:s28], [sflag:$0x1] =	stream.indirect_vreg.gather [hbm4b:s5+s2], $0x80, v3, vm1, $0xb8;
	[tilespmem:$0x14100] =	vst v63  }
0xee: {  	v3 =	vld [tilespmem:$0x20];
	_ =	sdelay $0x4  }
0xef: {  	v58 =	vshrl.u32 v3, $0x3  }
0xf0: {  	v4 =	vmul.u32 $0x28, v58  }
0xf1: {  	v3 =	vand.u32 $0x7, v3  }
0xf2: {  	v3 =	vor.u32 v3, v4  }
0xf3: {  	v4 =	vperm.xlane v3, v0;
	_ =	sdelay $0x1  }
0xf4: {  	v4 =	vadd.s32 v1, v4;
	_ =	sdelay $0x3  }
0xf5: {  	v3 =	vperm.xlane v3, v2  }
0xf6: {  	[tilespmem:s29], [sflag:$0x1] =	stream.indirect_vreg.gather [hbm4b:s3+s2], $0x80, v4, vm0, $0xb8;
	[tilespmem:$0x14100] =	vst v63  }
0xf7: {  	v3 =	vadd.s32 v1, v3  }
0xf8: {  	[tilespmem:s30], [sflag:$0x1] =	stream.indirect_vreg.gather [hbm4b:s4+s2], $0x80, v4, vm0, $0xb8;
	[tilespmem:$0x14100] =	vst v63  }
0xf9: {  	_ = 	snop  }
0xfa: {  	[tilespmem:s31], [sflag:$0x1] =	stream.indirect_vreg.gather [hbm4b:s5+s2], $0x80, v4, vm1, $0xb8;
	[tilespmem:$0x14100] =	vst v63  }
0xfb: {  	s15 =	simm.s32 $0x6500  }
0xfc: {  	[tilespmem:s15], [sflag:$0x1] =	stream.indirect_vreg.gather [hbm4b:s3+s2], $0x80, v3, vm0, $0xb8;
	[tilespmem:$0x14100] =	vst v63  }
0xfd: {  	_ = 	snop  }
0xfe: {  	[tilespmem:s9], [sflag:$0x1] =	stream.indirect_vreg.gather [hbm4b:s4+s2], $0x80, v3, vm0, $0xb8;
	[tilespmem:$0x14100] =	vst v63  }
0xff: {  	_ = 	snop  }
0x100: {  	[tilespmem:s11], [sflag:$0x1] =	stream.indirect_vreg.gather [hbm4b:s5+s2], $0x80, v3, vm1, $0xb8;
	[tilespmem:$0x14100] =	vst v63  }
0x101: {  	v3 =	vld [tilespmem:$0x30];
	_ =	sdelay $0x4  }
0x102: {  	v59 =	vshrl.u32 v3, $0x3  }
0x103: {  	v4 =	vmul.u32 $0x28, v59  }
0x104: {  	v3 =	vand.u32 $0x7, v3  }
0x105: {  	v3 =	vor.u32 v3, v4  }
0x106: {  	v4 =	vperm.xlane v3, v0;
	_ =	sdelay $0x1  }
0x107: {  	v4 =	vadd.s32 v1, v4;
	_ =	sdelay $0x3  }
0x108: {  	v3 =	vperm.xlane v3, v2  }
0x109: {  	[tilespmem:s8], [sflag:$0x1] =	stream.indirect_vreg.gather [hbm4b:s3+s2], $0x80, v4, vm0, $0xb8;
	[tilespmem:$0x14100] =	vst v63  }
0x10a: {  	v3 =	vadd.s32 v1, v3  }
0x10b: {  	[tilespmem:s1], [sflag:$0x1] =	stream.indirect_vreg.gather [hbm4b:s4+s2], $0x80, v4, vm0, $0xb8;
	[tilespmem:$0x14100] =	vst v63  }
0x10c: {  	s15 =	simm.s32 $0x8900  }
0x10d: {  	[tilespmem:s15], [sflag:$0x1] =	stream.indirect_vreg.gather [hbm4b:s5+s2], $0x80, v4, vm1, $0xb8;
	[tilespmem:$0x14100] =	vst v63  }
0x10e: {  	s15 =	simm.s32 $0x8D00  }
0x10f: {  	[tilespmem:s15], [sflag:$0x1] =	stream.indirect_vreg.gather [hbm4b:s3+s2], $0x80, v3, vm0, $0xb8;
	[tilespmem:$0x14100] =	vst v63  }
0x110: {  	s15 =	simm.s32 $0x9500  }
0x111: {  	[tilespmem:s15], [sflag:$0x1] =	stream.indirect_vreg.gather [hbm4b:s4+s2], $0x80, v3, vm0, $0xb8;
	[tilespmem:$0x14100] =	vst v63  }
0x112: {  	s15 =	simm.s32 $0x9D00  }
0x113: {  	[tilespmem:s15], [sflag:$0x1] =	stream.indirect_vreg.gather [hbm4b:s5+s2], $0x80, v3, vm1, $0xb8;
	[tilespmem:$0x14100] =	vst v63  }
0x114: {  	_ =	swait.ge [sflag:s0], $0xA000  }
0x115: {  	[sflag:s0] =	ssyncset.done $0x0  }
0x116: {  	s1 =	rddreg [dreg:$0x7];
	[sflag:s0] =	ssyncadd.s32 $0xFFFF6000  }
0x117: {  	[hbm4b:s1+s2] =	stream.linear.scatter [tilespmem:s10], [sflag:$0x3], $0xA000, $0x38;
	[tilespmem:$0x14100] =	vst v63  }
0x118: {  	_ =	swait.ge [sflag:s14], $0xA000  }
0x119: {  	[sflag:s14] =	ssyncset.done $0x0  }
0x11a: {  	s1 =	simm.s32 $0x80;
	s0 =	rddreg [dreg:$0x8];
	[sflag:s14] =	ssyncadd.s32 $0xFFFF6000  }
0x11b: {  	[tilespmem:s1], [sflag:$0x5] =	stream.linear.gather [hbm4b:s0+s2], $0x40, $0x38;
	[tilespmem:$0x14100] =	vst v63  }
0x11c: {  	_ =	swait.ge [sflag:s7], $0x40  }
0x11d: {  	[sflag:s7] =	ssyncset.done $0x0  }
0x11e: {  	[sflag:s7] =	ssyncadd.s32 $0xFFFFFFC0  }
0x11f: {  	v3 =	vld [tilespmem:$0x80];
	_ =	sdelay $0x4  }
0x120: {  	v60 =	vshrl.u32 v3, $0x3  }
0x121: {  	v4 =	vmul.u32 $0x28, v60  }
0x122: {  	v3 =	vand.u32 $0x7, v3  }
0x123: {  	v3 =	vor.u32 v3, v4  }
0x124: {  	v4 =	vperm.xlane v3, v0;
	_ =	sdelay $0x1  }
0x125: {  	v4 =	vadd.s32 v1, v4;
	_ =	sdelay $0x3  }
0x126: {  	v3 =	vperm.xlane v3, v2  }
0x127: {  	[tilespmem:s16], [sflag:$0x2] =	stream.indirect_vreg.gather [hbm4b:s3+s2], $0x80, v4, vm0, $0xb8;
	[tilespmem:$0x14100] =	vst v63  }
0x128: {  	s15 =	simm.s32 $0xA900;
	v3 =	vadd.s32 v1, v3  }
0x129: {  	[tilespmem:s15], [sflag:$0x2] =	stream.indirect_vreg.gather [hbm4b:s4+s2], $0x80, v4, vm0, $0xb8;
	[tilespmem:$0x14100] =	vst v63  }
0x12a: {  	s1 =	simm.s32 $0xB100  }
0x12b: {  	[tilespmem:s1], [sflag:$0x2] =	stream.indirect_vreg.gather [hbm4b:s5+s2], $0x80, v4, vm1, $0xb8;
	[tilespmem:$0x14100] =	vst v63  }
0x12c: {  	s15 =	simm.s32 $0xB500  }
0x12d: {  	[tilespmem:s15], [sflag:$0x2] =	stream.indirect_vreg.gather [hbm4b:s3+s2], $0x80, v3, vm0, $0xb8;
	[tilespmem:$0x14100] =	vst v63  }
0x12e: {  	s1 =	simm.s32 $0xBD00  }
0x12f: {  	[tilespmem:s1], [sflag:$0x2] =	stream.indirect_vreg.gather [hbm4b:s4+s2], $0x80, v3, vm0, $0xb8;
	[tilespmem:$0x14100] =	vst v63  }
0x130: {  	s15 =	simm.s32 $0xC500  }
0x131: {  	[tilespmem:s15], [sflag:$0x2] =	stream.indirect_vreg.gather [hbm4b:s5+s2], $0x80, v3, vm1, $0xb8;
	[tilespmem:$0x14100] =	vst v63  }
0x132: {  	v3 =	vld [tilespmem:$0x90];
	_ =	sdelay $0x4  }
0x133: {  	v61 =	vshrl.u32 v3, $0x3  }
0x134: {  	v4 =	vmul.u32 $0x28, v61  }
0x135: {  	v3 =	vand.u32 $0x7, v3  }
0x136: {  	v3 =	vor.u32 v3, v4  }
0x137: {  	v4 =	vperm.xlane v3, v0;
	_ =	sdelay $0x1  }
0x138: {  	v4 =	vadd.s32 v1, v4;
	_ =	sdelay $0x3  }
0x139: {  	s1 =	simm.s32 $0xC900;
	v3 =	vperm.xlane v3, v2  }
0x13a: {  	[tilespmem:s1], [sflag:$0x2] =	stream.indirect_vreg.gather [hbm4b:s3+s2], $0x80, v4, vm0, $0xb8;
	[tilespmem:$0x14100] =	vst v63  }
0x13b: {  	s15 =	simm.s32 $0xD100;
	v3 =	vadd.s32 v1, v3  }
0x13c: {  	[tilespmem:s15], [sflag:$0x2] =	stream.indirect_vreg.gather [hbm4b:s4+s2], $0x80, v4, vm0, $0xb8;
	[tilespmem:$0x14100] =	vst v63  }
0x13d: {  	s1 =	simm.s32 $0xD900  }
0x13e: {  	[tilespmem:s1], [sflag:$0x2] =	stream.indirect_vreg.gather [hbm4b:s5+s2], $0x80, v4, vm1, $0xb8;
	[tilespmem:$0x14100] =	vst v63  }
0x13f: {  	s15 =	simm.s32 $0xDD00  }
0x140: {  	[tilespmem:s15], [sflag:$0x2] =	stream.indirect_vreg.gather [hbm4b:s3+s2], $0x80, v3, vm0, $0xb8;
	[tilespmem:$0x14100] =	vst v63  }
0x141: {  	s1 =	simm.s32 $0xE500  }
0x142: {  	[tilespmem:s1], [sflag:$0x2] =	stream.indirect_vreg.gather [hbm4b:s4+s2], $0x80, v3, vm0, $0xb8;
	[tilespmem:$0x14100] =	vst v63  }
0x143: {  	s15 =	simm.s32 $0xED00  }
0x144: {  	[tilespmem:s15], [sflag:$0x2] =	stream.indirect_vreg.gather [hbm4b:s5+s2], $0x80, v3, vm1, $0xb8;
	[tilespmem:$0x14100] =	vst v63  }
0x145: {  	v3 =	vld [tilespmem:$0xA0];
	_ =	sdelay $0x4  }
0x146: {  	v62 =	vshrl.u32 v3, $0x3  }
0x147: {  	v4 =	vmul.u32 $0x28, v62  }
0x148: {  	v3 =	vand.u32 $0x7, v3  }
0x149: {  	v3 =	vor.u32 v3, v4  }
0x14a: {  	v4 =	vperm.xlane v3, v0;
	_ =	sdelay $0x1  }
0x14b: {  	v4 =	vadd.s32 v1, v4;
	_ =	sdelay $0x3  }
0x14c: {  	s1 =	simm.s32 $0xF100;
	v3 =	vperm.xlane v3, v2  }
0x14d: {  	[tilespmem:s1], [sflag:$0x2] =	stream.indirect_vreg.gather [hbm4b:s3+s2], $0x80, v4, vm0, $0xb8;
	[tilespmem:$0x14100] =	vst v63  }
0x14e: {  	s15 =	simm.s32 $0xF900;
	v3 =	vadd.s32 v1, v3  }
0x14f: {  	[tilespmem:s15], [sflag:$0x2] =	stream.indirect_vreg.gather [hbm4b:s4+s2], $0x80, v4, vm0, $0xb8;
	[tilespmem:$0x14100] =	vst v63  }
0x150: {  	s1 =	simm.s32 $0x10100  }
0x151: {  	[tilespmem:s1], [sflag:$0x2] =	stream.indirect_vreg.gather [hbm4b:s5+s2], $0x80, v4, vm1, $0xb8;
	[tilespmem:$0x14100] =	vst v63  }
0x152: {  	s15 =	simm.s32 $0x10500  }
0x153: {  	[tilespmem:s15], [sflag:$0x2] =	stream.indirect_vreg.gather [hbm4b:s3+s2], $0x80, v3, vm0, $0xb8;
	[tilespmem:$0x14100] =	vst v63  }
0x154: {  	s1 =	simm.s32 $0x10D00  }
0x155: {  	[tilespmem:s1], [sflag:$0x2] =	stream.indirect_vreg.gather [hbm4b:s4+s2], $0x80, v3, vm0, $0xb8;
	[tilespmem:$0x14100] =	vst v63  }
0x156: {  	s15 =	simm.s32 $0x11500  }
0x157: {  	[tilespmem:s15], [sflag:$0x2] =	stream.indirect_vreg.gather [hbm4b:s5+s2], $0x80, v3, vm1, $0xb8;
	[tilespmem:$0x14100] =	vst v63  }
0x158: {  	v3 =	vld [tilespmem:$0xB0];
	_ =	sdelay $0x4  }
0x159: {  	v63 =	vshrl.u32 v3, $0x3  }
0x15a: {  	v4 =	vmul.u32 $0x28, v63  }
0x15b: {  	v3 =	vand.u32 $0x7, v3  }
0x15c: {  	v3 =	vor.u32 v3, v4  }
0x15d: {  	v4 =	vperm.xlane v3, v0;
	_ =	sdelay $0x1  }
0x15e: {  	v4 =	vadd.s32 v1, v4;
	_ =	sdelay $0x3  }
0x15f: {  	s1 =	simm.s32 $0x11900;
	v3 =	vperm.xlane v3, v2  }
0x160: {  	[tilespmem:s1], [sflag:$0x2] =	stream.indirect_vreg.gather [hbm4b:s3+s2], $0x80, v4, vm0, $0xb8;
	[tilespmem:$0x14100] =	vst v63  }
0x161: {  	s15 =	simm.s32 $0x12100;
	v3 =	vadd.s32 v1, v3  }
0x162: {  	[tilespmem:s15], [sflag:$0x2] =	stream.indirect_vreg.gather [hbm4b:s4+s2], $0x80, v4, vm0, $0xb8;
	[tilespmem:$0x14100] =	vst v63  }
0x163: {  	s1 =	simm.s32 $0x12900  }
0x164: {  	[tilespmem:s1], [sflag:$0x2] =	stream.indirect_vreg.gather [hbm4b:s5+s2], $0x80, v4, vm1, $0xb8;
	[tilespmem:$0x14100] =	vst v63  }
0x165: {  	s15 =	simm.s32 $0x12D00  }
0x166: {  	[tilespmem:s15], [sflag:$0x2] =	stream.indirect_vreg.gather [hbm4b:s3+s2], $0x80, v3, vm0, $0xb8;
	[tilespmem:$0x14100] =	vst v63  }
0x167: {  	s1 =	simm.s32 $0x13500  }
0x168: {  	[tilespmem:s1], [sflag:$0x2] =	stream.indirect_vreg.gather [hbm4b:s4+s2], $0x80, v3, vm0, $0xb8;
	[tilespmem:$0x14100] =	vst v63  }
0x169: {  	s15 =	simm.s32 $0x13D00  }
0x16a: {  	[tilespmem:s15], [sflag:$0x2] =	stream.indirect_vreg.gather [hbm4b:s5+s2], $0x80, v3, vm1, $0xb8;
	[tilespmem:$0x14100] =	vst v63  }
0x16b: {  	_ =	swait.ge [sflag:s12], $0xA000  }
0x16c: {  	[sflag:s12] =	ssyncset.done $0x0  }
0x16d: {  	s1 =	rddreg [dreg:$0x9];
	[sflag:s12] =	ssyncadd.s32 $0xFFFF6000  }
0x16e: {  	[hbm4b:s1+s2] =	stream.linear.scatter [tilespmem:s16], [sflag:$0x4], $0xA000, $0x38;
	[tilespmem:$0x14100] =	vst v63  }
0x16f: {  	p0 =	sne.s32 s6, $0x1;
	_ =	swait.ge [sflag:s13], $0xA000  }
.Ltmp0:
0x170: {  	[sflag:s13] =	ssyncset.done $0x0;
	(pc) =	sbr.rel @p0 .LBB2_1-.Ltmp0, $4  }
0x171: {  	[sflag:s13] =	ssyncadd.s32 $0xFFFF6000  }
0x172: {  	_ =	swait.ge [sflag:s14], $0xA000  }
0x173: {  	[sflag:s14] =	ssyncset.done $0x0  }
0x174: {  	s6 =	sadd.s32 $0xFFFFFFFF, s6;
	[sflag:s14] =	ssyncadd.s32 $0xFFFF6000  }
0x175: {  	_ =	sfence.sel $0x180000  }
0x176: {  	[bflag:$0x0] =	sbarrier.arrive $0xFFFF  }
0x177: {  	_ =	strace $0x9000004D  }
0x178: {  	s0 =	stileid.u32;
	[bflag:$0x2] =	sbarrier.arrive $0xFFFF  }
0x179: {  	p0 =	sne.s32 s0, $0x0;
	s0 =	rddreg [dreg:$0x1]  }
0x17a: {  	s0 =	sadd.s32 @!p0 $0x100000, s0  }
0x17b: {  	[sflag:s0] =	ssyncadd.tile.s32 @!p0 $0x1;
	_ =	shalt  }
.Lfunc_end2:
_tile_overlayer_lowered:
.L_overlay_start_2:
0x17c: {  	(tag) =	ssettag $0x2  }
0x17d: {  	s0 =	rddreg [dreg:$0x0];
	s2 =	stileid.u32  }
0x17e: {  	s1 =	rddreg [dreg:$0x1];
	p0 =	sne.s32 s2, $0x0  }
0x17f: {  	s3 =	rddreg [dreg:$0x2];
	[bflag:$0x3] =	sbarrier.arrive $0xFFFF;
	s2 =	simm.s32 @!p0 $0x1C05  }
0x180: {  	[timem:s3], [sflag:s2] =	dma.local @!p0 [hbm:s0], s1  }
0x181: {  	s0 =	simm.s32 @!p0 $0x5  }
0x182: {  	_ =	swait.ge @!p0 [sflag:s0], s1  }
0x183: {  	s1 =	ssub.s32 @!p0 $0x0, s1;
	[sflag:s0] =	ssyncset.done @!p0 $0x0  }
0x184: {  	[sflag:s0] =	ssyncadd.s32 @!p0 s1  }
0x185: {  	[bflag:$0x3] =	sbarrier.arrive $0xFFFF  }
0x186: {  	_ =	shalt  }

// kernel: kernel.20.cloned.1.call-start
scs
__scs_entry_jumppad:
0x0: {  	(pc) =	sbr.rel $0x88, $3  }
0x1: {  	(tag) =	ssettag $0x0;
	lr =	simm.s32 $0x1  }
0x2: {  	[smem:$0x3F9D] =	sst lr;
	_ =	strace $0xD0000000  }
0x3: {  	_ = 	snop  }
0x4: {  	_ = 	snop  }
0x5: {  	_ = 	snop  }
0x6: {  	_ = 	snop  }
0x7: {  	_ = 	snop  }
__scs_overlays_trampoline_lowered:
0x8: {  	[smem:$0x3FAC] =	sst s0  }
0x9: {  	[smem:$0x3FAD] =	sst s1  }
0xa: {  	[smem:$0x3FAE] =	sst s2  }
0xb: {  	[smem:$0x3FAF] =	sst s3  }
0xc: {  	[smem:$0x3FB0] =	sst s4  }
0xd: {  	[smem:$0x3FB1] =	sst s5  }
0xe: {  	[smem:$0x3FB2] =	sst s6  }
0xf: {  	[smem:$0x3FB3] =	sst s7  }
0x10: {  	[smem:$0x3FB4] =	sst s8  }
0x11: {  	[smem:$0x3FB5] =	sst s9;
	s0 =	simm.s32 @!p0 $0x0  }
0x12: {  	s1 =	sld [smem:$0x3F9B];
	s0 =	simm.s32 @p0 $0x1  }
0x13: {  	[smem:$0x3FB6] =	sst s0;
	s0 =	simm.s32 @!p1 $0x0  }
0x14: {  	s2 =	sld [smem:$0x3F9A];
	s0 =	simm.s32 @p1 $0x1  }
0x15: {  	[smem:$0x3FB7] =	sst s0;
	s0 =	simm.s32 @!p2 $0x0  }
0x16: {  	s3 =	sld [smem:$0x3FDB];
	s0 =	simm.s32 @p2 $0x1  }
0x17: {  	s4 =	simm.s32 $0x1BF5;
	[smem:$0x3FB9] =	sst s0  }
0x18: {  	s0 =	sld [smem:$0x3F9C];
	_ =	swait.ge [sflag:s4], $0x0  }
0x19: {  	s7 =	sld [smem:$0x3F9D]  }
0x1a: {  	s8 =	sadd.s32 $0xFFFFE003, lr  }
0x1b: {  	s9 =	sadd.s32 $0xFFFFFEF7, lr;
	s5 =	simm.s32 $0xFFFFFFFF;
	p2 =	slt.u32 s8, $0xFFFFF086  }
0x1c: {  	p1 =	slt.u32 s9, $0xF7A;
	s5 =	simm.s32 @!p2 $0x0  }
0x1d: {  	s5 =	simm.s32 @p1 $0x1;
	p0 =	seq.s32 s7, s2  }
0x1e: {  	s7 =	smul.u32 @!p0 $0xF7A, s2;
	p2 =	seq.s32 @!p0 s5, $0x0  }
0x1f: {  	s9 =	smul.u32 $0xF7A, s1;
	s8 =	simm.s32 @!p0 $0x1BF5;
	p2 =	por !p2, p0  }
0x20: {  	[sflag:s8] =	ssyncset.s32 @!p0 $0xFFFFF086;
	s6 =	sadd.s32 @!p0 s3, s7;
	s7 =	simm.s32 @!p0 $0x108  }
0x21: {  	s3 =	sadd.s32 s3, s9;
	s6 =	sadd.s32 @!p0 $0x88, s6;
	s7 =	simm.s32 @p2 $0x1082  }
0x22: {  	[simem:s7], [sflag:s8] =	dma.local @!p0 [hbm:s6], $0xF7A  }
0x23: {  	s9 =	sor.u32 $0xD0000000, s2;
	s6 =	simm.s32 $0x108;
	_ =	swait.ge @!p0 [sflag:s8], $0x0  }
0x24: {  	s3 =	sadd.s32 $0x88, s3;
	s6 =	simm.s32 @!p1 $0x1082;
	[sflag:s4] =	ssyncset.s32 $0xFFFFF086  }
0x25: {  	[simem:s6], [sflag:s4] =	dma.local [hbm:s3], $0xF7A  }
0x26: {  	[smem:$0x3F9D] =	sst s1;
	(tag) =	ssettag s2;
	_ =	strace s9  }
0x27: {  	s1 =	sld [smem:$0x3FAD]  }
0x28: {  	s2 =	sld [smem:$0x3FAE]  }
0x29: {  	s4 =	sld [smem:$0x3FB0]  }
0x2a: {  	p0 =	seq.s32 s5, $0x0;
	s5 =	sld [smem:$0x3FB1]  }
0x2b: {  	s6 =	sld [smem:$0x3FB2]  }
0x2c: {  	s7 =	sld [smem:$0x3FB3]  }
0x2d: {  	s3 =	simm.s32 $0x108;
	s8 =	sld [smem:$0x3FB4]  }
0x2e: {  	s3 =	simm.s32 @!p0 $0x1082;
	s9 =	sld [smem:$0x3FB5]  }
0x2f: {  	lr =	sadd.s32 s0, s3;
	s0 =	sld [smem:$0x3FAC]  }
0x30: {  	s3 =	sld [smem:$0x3FAF]  }
0x31: {  	[smem:$0x3FB8] =	sst s10  }
0x32: {  	s10 =	sld [smem:$0x3FB6];
	_ =	sdelay $0x3  }
0x33: {  	p0 =	seq.s32 s10, $0x1;
	s10 =	sld [smem:$0x3FB8];
	_ =	sdelay $0x3  }
0x34: {  	[smem:$0x3FB8] =	sst s10  }
0x35: {  	s10 =	sld [smem:$0x3FB7];
	_ =	sdelay $0x3  }
0x36: {  	p1 =	seq.s32 s10, $0x1;
	s10 =	sld [smem:$0x3FB8];
	_ =	sdelay $0x3  }
0x37: {  	[smem:$0x3FB8] =	sst s10  }
0x38: {  	s10 =	sld [smem:$0x3FB9]  }
0x39: {  	_ = 	snop;
	(pc) =	sbr.ind lr, $3  }
0x3a: {  	_ = 	snop  }
0x3b: {  	_ = 	snop  }
0x3c: {  	p2 =	seq.s32 s10, $0x1;
	s10 =	sld [smem:$0x3FB8]  }
0x3d: {  	_ =	shalt  }
0x3e: {  	_ =	shalt  }
0x3f: {  	_ =	shalt  }
0x40: {  	_ =	shalt  }
0x41: {  	_ =	shalt  }
0x42: {  	_ =	shalt  }
0x43: {  	_ =	shalt  }
0x44: {  	_ =	shalt  }
0x45: {  	_ =	shalt  }
0x46: {  	_ =	shalt  }
0x47: {  	_ =	shalt  }
0x48: {  	_ =	shalt  }
0x49: {  	_ =	shalt  }
0x4a: {  	_ =	shalt  }
0x4b: {  	_ =	shalt  }
0x4c: {  	_ =	shalt  }
0x4d: {  	_ =	shalt  }
0x4e: {  	_ =	shalt  }
0x4f: {  	_ =	shalt  }
0x50: {  	_ =	shalt  }
0x51: {  	_ =	shalt  }
0x52: {  	_ =	shalt  }
0x53: {  	_ =	shalt  }
0x54: {  	_ =	shalt  }
0x55: {  	_ =	shalt  }
0x56: {  	_ =	shalt  }
0x57: {  	_ =	shalt  }
0x58: {  	_ =	shalt  }
0x59: {  	_ =	shalt  }
0x5a: {  	_ =	shalt  }
0x5b: {  	_ =	shalt  }
0x5c: {  	_ =	shalt  }
0x5d: {  	_ =	shalt  }
0x5e: {  	_ =	shalt  }
0x5f: {  	_ =	shalt  }
0x60: {  	_ =	shalt  }
0x61: {  	_ =	shalt  }
0x62: {  	_ =	shalt  }
0x63: {  	_ =	shalt  }
0x64: {  	_ =	shalt  }
0x65: {  	_ =	shalt  }
0x66: {  	_ =	shalt  }
0x67: {  	_ =	shalt  }
0x68: {  	_ =	shalt  }
0x69: {  	_ =	shalt  }
0x6a: {  	_ =	shalt  }
0x6b: {  	_ =	shalt  }
0x6c: {  	_ =	shalt  }
0x6d: {  	_ =	shalt  }
0x6e: {  	_ =	shalt  }
0x6f: {  	_ =	shalt  }
0x70: {  	_ =	shalt  }
0x71: {  	_ =	shalt  }
0x72: {  	_ =	shalt  }
0x73: {  	_ =	shalt  }
0x74: {  	_ =	shalt  }
0x75: {  	_ =	shalt  }
0x76: {  	_ =	shalt  }
0x77: {  	_ =	shalt  }
0x78: {  	_ =	shalt  }
0x79: {  	_ =	shalt  }
0x7a: {  	_ =	shalt  }
0x7b: {  	_ =	shalt  }
0x7c: {  	_ =	shalt  }
0x7d: {  	_ =	shalt  }
0x7e: {  	_ =	shalt  }
0x7f: {  	_ =	shalt  }
0x80: {  	_ =	shalt  }
0x81: {  	_ =	shalt  }
0x82: {  	_ =	shalt  }
0x83: {  	_ =	shalt  }
0x84: {  	_ =	shalt  }
0x85: {  	_ =	shalt  }
0x86: {  	_ =	shalt  }
0x87: {  	_ =	shalt  }
.Lfunc_end0:
.L_simem_size_0:
called_computation.3_lowered:
.L_overlay_start_0:
0x88: {  	s2 =	sld [smem:$0x3FD9]  }
0x89: {  	s3 =	sld [smem:$0x3FFE];
	_ =	sdelay $0x1  }
0x8a: {  	s1 =	srdreg.scid  }
0x8b: {  	s0 =	sand.u32 $0x1, s1  }
0x8c: {  	s17 =	sshll.u32 s0, $0xA;
	s2 =	sadd.s32 s3, s2  }
0x8d: {  	s2 =	sadd.s32 s2, s17  }
0x8e: {  	[smem:$0x3FC4] =	sst s2  }
0x8f: {  	_ = 	snop  }
0x90: {  	s18 =	sld [smem:$0x3FD0];
	(tm) =	ssettm $0x1  }
0x91: {  	s19 =	sld [smem:$0x3FFB];
	_ =	sdelay $0x3  }
0x92: {  	_ =	strace s19  }
0x93: {  	s2 =	sld [smem:$0x3FFC];
	_ =	sdelay $0x3  }
0x94: {  	_ =	strace s2  }
0x95: {  	s2 =	sld [smem:$0x3FFD];
	_ =	sdelay $0x3  }
0x96: {  	_ =	strace s2  }
0x97: {  	_ =	strace $0x8FFFFFFF  }
0x98: {  	s20 =	sld [smem:$0x3FDB];
	_ =	sdelay $0x1  }
0x99: {  	s4 =	simm.s32 $_scs_section_size  }
0x9a: {  	s5 =	simm.s32 $_size__tile_overlayer_lowered;
	s6 =	simm.s32 $_tile_overlayer_lowered  }
0x9b: {  	s7 =	simm.s32 $0x1BFF;
	s21 =	sshll.u32 s6, $0x1;
	s4 =	sadd.s32 s4, s20  }
0x9c: {  	s22 =	simm.s32 $0x0;
	s5 =	sshll.u32 s5, $0x1;
	s6 =	sadd.s32 s21, s4  }
0x9d: {  	[timem:s22], [sflag:s7] =	dma.local [hbm:s6], s5  }
0x9e: {  	_ =	swait.ge [sflag:s7], s5  }
0x9f: {  	s5 =	ssub.s32 $0x0, s5;
	[sflag:s7] =	ssyncset.done $0x0  }
0xa0: {  	[sflag:s7] =	ssyncadd.s32 s5;
	_ =	sdelay $0x1  }
0xa1: {  	s23 =	simm.s32 $0x1B8B  }
0xa2: {  	_ =	swait.ge [sflag:s23], $0x1  }
0xa3: {  	[sflag:s23] =	ssyncset.done $0x0  }
0xa4: {  	[sflag:s23] =	ssyncadd.s32 $0xFFFFFFFF  }
0xa5: {  	s5 =	sld [smem:$0x0]  }
0xa6: {  	s6 =	sand.u32 $0xFFFFFFFE, s1  }
0xa7: {  	p0 =	sne.s32 s1, s6  }
0xa8: {  	s6 =	sshll.u32 @p0 s6, $0xE  }
0xa9: {  	s6 =	sadd.s32 @p0 $0x11B8D, s6;
	s7 =	sshll.u32 @p0 s5, $0x11  }
0xaa: {  	s6 =	sor.u32 @p0 s7, s6  }
0xab: {  	[sflag:s6] =	ssyncadd.remote.s32 @p0 $0x1;
	_ =	sdelay $0x1  }
0xac: {  	s6 =	simm.s32 @p0 $0x1B8D  }
0xad: {  	_ =	swait.eq @p0 [sflag:s6], $0x1  }
0xae: {  	[sflag:s6] =	ssyncadd.s32 @p0 $0xFFFFFFFF  }
0xaf: {  	s7 =	sshll.u32 @!p0 s1, $0xE  }
0xb0: {  	s7 =	sor.u32 @!p0 $0x4000, s7;
	s6 =	simm.s32 @!p0 $0x1B8D  }
0xb1: {  	s5 =	sshll.u32 @!p0 s5, $0x11;
	s7 =	sadd.s32 @!p0 $0x11B8D, s7;
	_ =	swait.eq @!p0 [sflag:s6], $0x1  }
0xb2: {  	s5 =	sor.u32 @!p0 s5, s7;
	[sflag:s6] =	ssyncadd.s32 @!p0 $0xFFFFFFFF  }
0xb3: {  	s25 =	simm.s32 $0x1B8E;
	s24 =	sld [smem:$0x3FFE];
	[sflag:s5] =	ssyncadd.remote.s32 @!p0 $0x1  }
0xb4: {  	s26 =	simm.s32 $execute0_lowered;
	[smem:$0x3FD2] =	sst s25  }
0xb5: {  	s6 =	sshll.u32 s26, $0x1;
	_ =	strace $0x8000004F;
	[dreg:$0x1] =	wrdreg $0xFFFFFFFF  }
0xb6: {  	s28 =	simm.s32 $_size_execute0_lowered;
	s4 =	sadd.s32 s4, s6;
	[dreg:$0x0] =	wrdreg $0x0  }
0xb7: {  	s6 =	sshll.u32 s28, $0x1;
	[dreg:$0x2] =	wrdreg s4  }
0xb8: {  	[dreg:$0x3] =	wrdreg s6  }
0xb9: {  	[dreg:$0x4] =	wrdreg $0xC0  }
0xba: {  	_ =	task [dreg:s22], $0x5FFFF  }
0xbb: {  	[dreg:$0x1] =	wrdreg $0xFFFFFFFF  }
0xbc: {  	[dreg:$0x0] =	wrdreg $0x60  }
0xbd: {  	[dreg:$0x2] =	wrdreg s24  }
0xbe: {  	[dreg:$0x3] =	wrdreg s18  }
0xbf: {  	[dreg:$0x4] =	wrdreg $0xC  }
0xc0: {  	_ =	task.clear_ibuf [dreg:s22], $0x5FFFF;
	_ =	strace $0x9000004F  }
0xc1: {  	s29 =	simm.s32 $0xC;
	_ =	strace $0x80000051  }
0xc2: {  	_ =	swait.ge [sflag:s29], $0x1  }
0xc3: {  	[sflag:s29] =	ssyncadd.s32 $0xFFFFFFFF  }
0xc4: {  	_ =	strace $0x90000051  }
0xc5: {  	_ =	sfence  }
0xc6: {  	s30 =	sld [smem:$0x0];
	_ =	sdelay $0x2  }
0xc7: {  	s31 =	sshll.u32 s1, $0xD;
	s1 =	sshrl.u32 s1, $0x2  }
0xc8: {  	s4 =	sand.u32 $0x4000, s31;
	s1 =	sadd.s32 s1, s30  }
0xc9: {  	s0 =	sor.u32 s4, s0;
	s1 =	sshll.u32 s1, $0x11  }
0xca: {  	s0 =	sor.u32 s1, s0  }
0xcb: {  	s0 =	sadd.s32 $0x8F2B, s0  }
0xcc: {  	[sflag:s0] =	ssyncadd.remote.s32 $0x1  }
0xcd: {  	_ =	sfence.sel $0xFFFF  }
0xce: {  	[dreg:$0x0] =	wrdreg $0xFFFFFFFF;
	(pc) =	sbr.abs _section_cstart, $3  }
0xcf: {  	[dreg:$0x1] =	wrdreg $0xFFFFFFFF  }
0xd0: {  	_ =	task.clear_ibuf [dreg:s22], $0x2FFFF;
	_ =	strace $0x9FFFFFFF  }
0xd1: {  	(tm) =	ssettm $0x7FFFFFFF  }
tec
execute0_lowered:
.L_overlay_start_1:
0x0: {  	(tag) =	ssettag $0x1  }
0x1: {  	s0 =	rddreg [dreg:$0x0]  }
0x2: {  	s1 =	rddreg [dreg:$0x1];
	s3 =	srdreg.scid;
	s2 =	simm.s32 $0x0  }
0x3: {  	s5 =	stileid.u32;
	s12 =	simm.s32 $0x2;
	s13 =	simm.s32 $0x3  }
0x4: {  	s14 =	simm.s32 $0x4;
	s17 =	simm.s32 $0x900;
	s28 =	simm.s32 $0x4D00  }
0x5: {  	s29 =	simm.s32 $0x5100;
	s30 =	simm.s32 $0x5900;
	s31 =	simm.s32 $0x6100  }
0x6: {  	s11 =	simm.s32 $0x7500;
	s4 =	sand.u32 $0x1, s3;
	[smem:$0x7FF] =	sst s2  }
0x7: {  	s5 =	sshll.u32 s5, $0x6;
	s3 =	sadd.s32 $0x280400, s0;
	s6 =	sshll.u32 s4, $0x5  }
0x8: {  	s18 =	sadd.s32 $0xA1800, s0;
	s4 =	ssub.s32 $0x2, s4;
	s5 =	sor.u32 s6, s5  }
0x9: {  	_ =	strace $0x80000050;
	s8 =	sshrl.u32 s4, $0x1;
	s7 =	smul.u32 $0x280, s5  }
0xa: {  	s9 =	sadd.s32 s18, s5;
	s10 =	sor.u32 $0x8, s5;
	s21 =	sor.u32 $0x10, s5  }
0xb: {  	s5 =	sor.u32 $0x18, s5;
	s8 =	ssub.s32 s4, s8;
	s19 =	smul.u32 $0x280, s10  }
0xc: {  	s4 =	sadd.s32 $0x280500, s0;
	[dreg:$0x3] =	wrdreg s9;
	s23 =	smul.u32 $0x280, s21  }
0xd: {  	s20 =	sadd.s32 s18, s10;
	s24 =	sadd.s32 s18, s21;
	s26 =	smul.u32 $0x280, s5  }
0xe: {  	s5 =	sadd.s32 s18, s5;
	s6 =	smax.u32 s8, $0x1;
	s10 =	simm.s32 $0x100  }
0xf: {  	s18 =	simm.s32 $0x1100;
	s21 =	simm.s32 $0x2500;
	[dreg:$0x5] =	wrdreg s20  }
0x10: {  	s9 =	simm.s32 $0x6D00;
	s8 =	simm.s32 $0x7900;
	[dreg:$0x7] =	wrdreg s24  }
0x11: {  	s7 =	sadd.s32 s1, s7;
	[dreg:$0x9] =	wrdreg s5;
	s5 =	sadd.s32 $0x280600, s0  }
0x12: {  	s20 =	simm.s32 $0x1D00;
	s24 =	simm.s32 $0x3900;
	[dreg:$0x4] =	wrdreg s7  }
0x13: {  	s22 =	sadd.s32 s1, s19;
	s25 =	sadd.s32 s1, s23;
	s1 =	sadd.s32 s1, s26  }
0x14: {  	v2 =	vlaneseq.u32;
	s7 =	simm.s32 $0x5;
	s19 =	simm.s32 $0x1500;
	[dreg:$0x6] =	wrdreg s22  }
0x15: {  	vm0 =	vmmov $0xffff;
	vm1 =	vmmov $0xff;
	v1 =	vshrl.u32 v2, $0x3;
	s23 =	simm.s32 $0x3100;
	s26 =	simm.s32 $0x4500;
	[dreg:$0x8] =	wrdreg s25  }
0x16: {  	v0 =	vand.u32 $0x7, v2;
	v2 =	vor.u32 $0x8, v2;
	v1 =	vmul.u32 $0x8, v1;
	[dreg:$0xa] =	wrdreg s1;
	s22 =	simm.s32 $0x2900;
	s25 =	simm.s32 $0x3D00  }
.LBB2_1:
0x17: {  	s15 =	rddreg [dreg:$0x3]  }
0x18: {  	[tilespmem:s2], [sflag:$0x5] =	stream.linear.gather [hbm4b:s15+s2], $0x40, $0x38;
	[tilespmem:$0x14100] =	vst v63  }
0x19: {  	_ =	swait.ge [sflag:s7], $0x40  }
0x1a: {  	[sflag:s7] =	ssyncset.done $0x0  }
0x1b: {  	[sflag:s7] =	ssyncadd.s32 $0xFFFFFFC0  }
0x1c: {  	v3 =	vld [tilespmem:$0x0];
	_ =	sdelay $0x4  }
0x1d: {  	v4 =	vshrl.u32 v3, $0x3  }
0x1e: {  	v4 =	vmul.u32 $0x28, v4  }
0x1f: {  	v3 =	vand.u32 $0x7, v3  }
0x20: {  	v3 =	vor.u32 v3, v4  }
0x21: {  	v4 =	vperm.xlane v3, v0;
	_ =	sdelay $0x1  }
0x22: {  	v4 =	vadd.s32 v1, v4;
	_ =	sdelay $0x3  }
0x23: {  	v3 =	vperm.xlane v3, v2  }
0x24: {  	[tilespmem:s10], [sflag:$0x1] =	stream.indirect_vreg.gather [hbm4b:s3+s2], $0x80, v4, vm0, $0xb8;
	[tilespmem:$0x14100] =	vst v63  }
0x25: {  	v3 =	vadd.s32 v1, v3  }
0x26: {  	[tilespmem:s17], [sflag:$0x1] =	stream.indirect_vreg.gather [hbm4b:s4+s2], $0x80, v4, vm0, $0xb8;
	[tilespmem:$0x14100] =	vst v63  }
0x27: {  	_ = 	snop  }
0x28: {  	[tilespmem:s18], [sflag:$0x1] =	stream.indirect_vreg.gather [hbm4b:s5+s2], $0x80, v4, vm1, $0xb8;
	[tilespmem:$0x14100] =	vst v63  }
0x29: {  	_ = 	snop  }
0x2a: {  	[tilespmem:s19], [sflag:$0x1] =	stream.indirect_vreg.gather [hbm4b:s3+s2], $0x80, v3, vm0, $0xb8;
	[tilespmem:$0x14100] =	vst v63  }
0x2b: {  	_ = 	snop  }
0x2c: {  	[tilespmem:s20], [sflag:$0x1] =	stream.indirect_vreg.gather [hbm4b:s4+s2], $0x80, v3, vm0, $0xb8;
	[tilespmem:$0x14100] =	vst v63  }
0x2d: {  	_ = 	snop  }
0x2e: {  	[tilespmem:s21], [sflag:$0x1] =	stream.indirect_vreg.gather [hbm4b:s5+s2], $0x80, v3, vm1, $0xb8;
	[tilespmem:$0x14100] =	vst v63  }
0x2f: {  	v3 =	vld [tilespmem:$0x10];
	_ =	sdelay $0x4  }
0x30: {  	v49 =	vshrl.u32 v3, $0x3  }
0x31: {  	v4 =	vmul.u32 $0x28, v49  }
0x32: {  	v3 =	vand.u32 $0x7, v3  }
0x33: {  	v3 =	vor.u32 v3, v4  }
0x34: {  	v4 =	vperm.xlane v3, v0;
	_ =	sdelay $0x1  }
0x35: {  	v4 =	vadd.s32 v1, v4;
	_ =	sdelay $0x3  }
0x36: {  	v3 =	vperm.xlane v3, v2  }
0x37: {  	[tilespmem:s22], [sflag:$0x1] =	stream.indirect_vreg.gather [hbm4b:s3+s2], $0x80, v4, vm0, $0xb8;
	[tilespmem:$0x14100] =	vst v63  }
0x38: {  	v3 =	vadd.s32 v1, v3  }
0x39: {  	[tilespmem:s23], [sflag:$0x1] =	stream.indirect_vreg.gather [hbm4b:s4+s2], $0x80, v4, vm0, $0xb8;
	[tilespmem:$0x14100] =	vst v63  }
0x3a: {  	_ = 	snop  }
0x3b: {  	[tilespmem:s24], [sflag:$0x1] =	stream.indirect_vreg.gather [hbm4b:s5+s2], $0x80, v4, vm1, $0xb8;
	[tilespmem:$0x14100] =	vst v63  }
0x3c: {  	_ = 	snop  }
0x3d: {  	[tilespmem:s25], [sflag:$0x1] =	stream.indirect_vreg.gather [hbm4b:s3+s2], $0x80, v3, vm0, $0xb8;
	[tilespmem:$0x14100] =	vst v63  }
0x3e: {  	_ = 	snop  }
0x3f: {  	[tilespmem:s26], [sflag:$0x1] =	stream.indirect_vreg.gather [hbm4b:s4+s2], $0x80, v3, vm0, $0xb8;
	[tilespmem:$0x14100] =	vst v63  }
0x40: {  	_ = 	snop  }
0x41: {  	[tilespmem:s28], [sflag:$0x1] =	stream.indirect_vreg.gather [hbm4b:s5+s2], $0x80, v3, vm1, $0xb8;
	[tilespmem:$0x14100] =	vst v63  }
0x42: {  	v3 =	vld [tilespmem:$0x20];
	_ =	sdelay $0x4  }
0x43: {  	v50 =	vshrl.u32 v3, $0x3  }
0x44: {  	v4 =	vmul.u32 $0x28, v50  }
0x45: {  	v3 =	vand.u32 $0x7, v3  }
0x46: {  	v3 =	vor.u32 v3, v4  }
0x47: {  	v4 =	vperm.xlane v3, v0;
	_ =	sdelay $0x1  }
0x48: {  	v4 =	vadd.s32 v1, v4;
	_ =	sdelay $0x3  }
0x49: {  	v3 =	vperm.xlane v3, v2  }
0x4a: {  	[tilespmem:s29], [sflag:$0x1] =	stream.indirect_vreg.gather [hbm4b:s3+s2], $0x80, v4, vm0, $0xb8;
	[tilespmem:$0x14100] =	vst v63  }
0x4b: {  	v3 =	vadd.s32 v1, v3  }
0x4c: {  	[tilespmem:s30], [sflag:$0x1] =	stream.indirect_vreg.gather [hbm4b:s4+s2], $0x80, v4, vm0, $0xb8;
	[tilespmem:$0x14100] =	vst v63  }
0x4d: {  	_ = 	snop  }
0x4e: {  	[tilespmem:s31], [sflag:$0x1] =	stream.indirect_vreg.gather [hbm4b:s5+s2], $0x80, v4, vm1, $0xb8;
	[tilespmem:$0x14100] =	vst v63  }
0x4f: {  	s0 =	simm.s32 $0x6500  }
0x50: {  	[tilespmem:s0], [sflag:$0x1] =	stream.indirect_vreg.gather [hbm4b:s3+s2], $0x80, v3, vm0, $0xb8;
	[tilespmem:$0x14100] =	vst v63  }
0x51: {  	_ = 	snop  }
0x52: {  	[tilespmem:s9], [sflag:$0x1] =	stream.indirect_vreg.gather [hbm4b:s4+s2], $0x80, v3, vm0, $0xb8;
	[tilespmem:$0x14100] =	vst v63  }
0x53: {  	_ = 	snop  }
0x54: {  	[tilespmem:s11], [sflag:$0x1] =	stream.indirect_vreg.gather [hbm4b:s5+s2], $0x80, v3, vm1, $0xb8;
	[tilespmem:$0x14100] =	vst v63  }
0x55: {  	v3 =	vld [tilespmem:$0x30];
	_ =	sdelay $0x4  }
0x56: {  	v51 =	vshrl.u32 v3, $0x3  }
0x57: {  	v4 =	vmul.u32 $0x28, v51  }
0x58: {  	v3 =	vand.u32 $0x7, v3  }
0x59: {  	v3 =	vor.u32 v3, v4  }
0x5a: {  	v4 =	vperm.xlane v3, v0;
	_ =	sdelay $0x1  }
0x5b: {  	v4 =	vadd.s32 v1, v4;
	_ =	sdelay $0x3  }
0x5c: {  	v3 =	vperm.xlane v3, v2  }
0x5d: {  	[tilespmem:s8], [sflag:$0x1] =	stream.indirect_vreg.gather [hbm4b:s3+s2], $0x80, v4, vm0, $0xb8;
	[tilespmem:$0x14100] =	vst v63  }
0x5e: {  	s1 =	simm.s32 $0x8100;
	v3 =	vadd.s32 v1, v3  }
0x5f: {  	[tilespmem:s1], [sflag:$0x1] =	stream.indirect_vreg.gather [hbm4b:s4+s2], $0x80, v4, vm0, $0xb8;
	[tilespmem:$0x14100] =	vst v63  }
0x60: {  	s15 =	simm.s32 $0x8900  }
0x61: {  	[tilespmem:s15], [sflag:$0x1] =	stream.indirect_vreg.gather [hbm4b:s5+s2], $0x80, v4, vm1, $0xb8;
	[tilespmem:$0x14100] =	vst v63  }
0x62: {  	s16 =	simm.s32 $0x8D00  }
0x63: {  	[tilespmem:s16], [sflag:$0x1] =	stream.indirect_vreg.gather [hbm4b:s3+s2], $0x80, v3, vm0, $0xb8;
	[tilespmem:$0x14100] =	vst v63  }
0x64: {  	s15 =	simm.s32 $0x9500  }
0x65: {  	[tilespmem:s15], [sflag:$0x1] =	stream.indirect_vreg.gather [hbm4b:s4+s2], $0x80, v3, vm0, $0xb8;
	[tilespmem:$0x14100] =	vst v63  }
0x66: {  	s0 =	simm.s32 $0x1;
	s16 =	simm.s32 $0x9D00  }
0x67: {  	[tilespmem:s16], [sflag:$0x1] =	stream.indirect_vreg.gather [hbm4b:s5+s2], $0x80, v3, vm1, $0xb8;
	[tilespmem:$0x14100] =	vst v63  }
0x68: {  	_ =	swait.ge [sflag:s0], $0xA000  }
0x69: {  	[sflag:s0] =	ssyncset.done $0x0  }
0x6a: {  	s15 =	rddreg [dreg:$0x4];
	[sflag:s0] =	ssyncadd.s32 $0xFFFF6000  }
0x6b: {  	[hbm4b:s15+s2] =	stream.linear.scatter [tilespmem:s10], [sflag:$0x3], $0xA000, $0x38;
	[tilespmem:$0x14100] =	vst v63  }
0x6c: {  	s16 =	rddreg [dreg:$0x5];
	s15 =	simm.s32 $0x80  }
0x6d: {  	[tilespmem:s15], [sflag:$0x5] =	stream.linear.gather [hbm4b:s16+s2], $0x40, $0x38;
	[tilespmem:$0x14100] =	vst v63  }
0x6e: {  	_ =	swait.ge [sflag:s7], $0x40  }
0x6f: {  	[sflag:s7] =	ssyncset.done $0x0  }
0x70: {  	[sflag:s7] =	ssyncadd.s32 $0xFFFFFFC0  }
0x71: {  	v3 =	vld [tilespmem:$0x80];
	_ =	sdelay $0x4  }
0x72: {  	v52 =	vshrl.u32 v3, $0x3  }
0x73: {  	v4 =	vmul.u32 $0x28, v52  }
0x74: {  	v3 =	vand.u32 $0x7, v3  }
0x75: {  	v3 =	vor.u32 v3, v4  }
0x76: {  	v4 =	vperm.xlane v3, v0;
	_ =	sdelay $0x1  }
0x77: {  	v4 =	vadd.s32 v1, v4;
	_ =	sdelay $0x3  }
0x78: {  	s16 =	simm.s32 $0xA100;
	v3 =	vperm.xlane v3, v2  }
0x79: {  	[tilespmem:s16], [sflag:$0x2] =	stream.indirect_vreg.gather [hbm4b:s3+s2], $0x80, v4, vm0, $0xb8;
	[tilespmem:$0x14100] =	vst v63  }
0x7a: {  	s15 =	simm.s32 $0xA900;
	v3 =	vadd.s32 v1, v3  }
0x7b: {  	[tilespmem:s15], [sflag:$0x2] =	stream.indirect_vreg.gather [hbm4b:s4+s2], $0x80, v4, vm0, $0xb8;
	[tilespmem:$0x14100] =	vst v63  }
0x7c: {  	s15 =	simm.s32 $0xB100  }
0x7d: {  	[tilespmem:s15], [sflag:$0x2] =	stream.indirect_vreg.gather [hbm4b:s5+s2], $0x80, v4, vm1, $0xb8;
	[tilespmem:$0x14100] =	vst v63  }
0x7e: {  	s15 =	simm.s32 $0xB500  }
0x7f: {  	[tilespmem:s15], [sflag:$0x2] =	stream.indirect_vreg.gather [hbm4b:s3+s2], $0x80, v3, vm0, $0xb8;
	[tilespmem:$0x14100] =	vst v63  }
0x80: {  	s15 =	simm.s32 $0xBD00  }
0x81: {  	[tilespmem:s15], [sflag:$0x2] =	stream.indirect_vreg.gather [hbm4b:s4+s2], $0x80, v3, vm0, $0xb8;
	[tilespmem:$0x14100] =	vst v63  }
0x82: {  	s15 =	simm.s32 $0xC500  }
0x83: {  	[tilespmem:s15], [sflag:$0x2] =	stream.indirect_vreg.gather [hbm4b:s5+s2], $0x80, v3, vm1, $0xb8;
	[tilespmem:$0x14100] =	vst v63  }
0x84: {  	v3 =	vld [tilespmem:$0x90];
	_ =	sdelay $0x4  }
0x85: {  	v53 =	vshrl.u32 v3, $0x3  }
0x86: {  	v4 =	vmul.u32 $0x28, v53  }
0x87: {  	v3 =	vand.u32 $0x7, v3  }
0x88: {  	v3 =	vor.u32 v3, v4  }
0x89: {  	v4 =	vperm.xlane v3, v0;
	_ =	sdelay $0x1  }
0x8a: {  	v4 =	vadd.s32 v1, v4;
	_ =	sdelay $0x3  }
0x8b: {  	s15 =	simm.s32 $0xC900;
	v3 =	vperm.xlane v3, v2  }
0x8c: {  	[tilespmem:s15], [sflag:$0x2] =	stream.indirect_vreg.gather [hbm4b:s3+s2], $0x80, v4, vm0, $0xb8;
	[tilespmem:$0x14100] =	vst v63  }
0x8d: {  	v3 =	vadd.s32 v1, v3;
	s15 =	simm.s32 $0xD100  }
0x8e: {  	[tilespmem:s15], [sflag:$0x2] =	stream.indirect_vreg.gather [hbm4b:s4+s2], $0x80, v4, vm0, $0xb8;
	[tilespmem:$0x14100] =	vst v63  }
0x8f: {  	s15 =	simm.s32 $0xD900  }
0x90: {  	[tilespmem:s15], [sflag:$0x2] =	stream.indirect_vreg.gather [hbm4b:s5+s2], $0x80, v4, vm1, $0xb8;
	[tilespmem:$0x14100] =	vst v63  }
0x91: {  	s15 =	simm.s32 $0xDD00  }
0x92: {  	[tilespmem:s15], [sflag:$0x2] =	stream.indirect_vreg.gather [hbm4b:s3+s2], $0x80, v3, vm0, $0xb8;
	[tilespmem:$0x14100] =	vst v63  }
0x93: {  	s15 =	simm.s32 $0xE500  }
0x94: {  	[tilespmem:s15], [sflag:$0x2] =	stream.indirect_vreg.gather [hbm4b:s4+s2], $0x80, v3, vm0, $0xb8;
	[tilespmem:$0x14100] =	vst v63  }
0x95: {  	s15 =	simm.s32 $0xED00  }
0x96: {  	[tilespmem:s15], [sflag:$0x2] =	stream.indirect_vreg.gather [hbm4b:s5+s2], $0x80, v3, vm1, $0xb8;
	[tilespmem:$0x14100] =	vst v63  }
0x97: {  	v3 =	vld [tilespmem:$0xA0];
	_ =	sdelay $0x4  }
0x98: {  	v54 =	vshrl.u32 v3, $0x3  }
0x99: {  	v4 =	vmul.u32 $0x28, v54  }
0x9a: {  	v3 =	vand.u32 $0x7, v3  }
0x9b: {  	v3 =	vor.u32 v3, v4  }
0x9c: {  	v4 =	vperm.xlane v3, v0;
	_ =	sdelay $0x1  }
0x9d: {  	v4 =	vadd.s32 v1, v4;
	_ =	sdelay $0x3  }
0x9e: {  	s15 =	simm.s32 $0xF100;
	v3 =	vperm.xlane v3, v2  }
0x9f: {  	[tilespmem:s15], [sflag:$0x2] =	stream.indirect_vreg.gather [hbm4b:s3+s2], $0x80, v4, vm0, $0xb8;
	[tilespmem:$0x14100] =	vst v63  }
0xa0: {  	v3 =	vadd.s32 v1, v3;
	s15 =	simm.s32 $0xF900  }
0xa1: {  	[tilespmem:s15], [sflag:$0x2] =	stream.indirect_vreg.gather [hbm4b:s4+s2], $0x80, v4, vm0, $0xb8;
	[tilespmem:$0x14100] =	vst v63  }
0xa2: {  	s15 =	simm.s32 $0x10100  }
0xa3: {  	[tilespmem:s15], [sflag:$0x2] =	stream.indirect_vreg.gather [hbm4b:s5+s2], $0x80, v4, vm1, $0xb8;
	[tilespmem:$0x14100] =	vst v63  }
0xa4: {  	s15 =	simm.s32 $0x10500  }
0xa5: {  	[tilespmem:s15], [sflag:$0x2] =	stream.indirect_vreg.gather [hbm4b:s3+s2], $0x80, v3, vm0, $0xb8;
	[tilespmem:$0x14100] =	vst v63  }
0xa6: {  	s15 =	simm.s32 $0x10D00  }
0xa7: {  	[tilespmem:s15], [sflag:$0x2] =	stream.indirect_vreg.gather [hbm4b:s4+s2], $0x80, v3, vm0, $0xb8;
	[tilespmem:$0x14100] =	vst v63  }
0xa8: {  	s15 =	simm.s32 $0x11500  }
0xa9: {  	[tilespmem:s15], [sflag:$0x2] =	stream.indirect_vreg.gather [hbm4b:s5+s2], $0x80, v3, vm1, $0xb8;
	[tilespmem:$0x14100] =	vst v63  }
0xaa: {  	v3 =	vld [tilespmem:$0xB0];
	_ =	sdelay $0x4  }
0xab: {  	v55 =	vshrl.u32 v3, $0x3  }
0xac: {  	v4 =	vmul.u32 $0x28, v55  }
0xad: {  	v3 =	vand.u32 $0x7, v3  }
0xae: {  	v3 =	vor.u32 v3, v4  }
0xaf: {  	v4 =	vperm.xlane v3, v0;
	_ =	sdelay $0x1  }
0xb0: {  	v4 =	vadd.s32 v1, v4;
	_ =	sdelay $0x3  }
0xb1: {  	s15 =	simm.s32 $0x11900;
	v3 =	vperm.xlane v3, v2  }
0xb2: {  	[tilespmem:s15], [sflag:$0x2] =	stream.indirect_vreg.gather [hbm4b:s3+s2], $0x80, v4, vm0, $0xb8;
	[tilespmem:$0x14100] =	vst v63  }
0xb3: {  	v3 =	vadd.s32 v1, v3;
	s15 =	simm.s32 $0x12100  }
0xb4: {  	[tilespmem:s15], [sflag:$0x2] =	stream.indirect_vreg.gather [hbm4b:s4+s2], $0x80, v4, vm0, $0xb8;
	[tilespmem:$0x14100] =	vst v63  }
0xb5: {  	s15 =	simm.s32 $0x12900  }
0xb6: {  	[tilespmem:s15], [sflag:$0x2] =	stream.indirect_vreg.gather [hbm4b:s5+s2], $0x80, v4, vm1, $0xb8;
	[tilespmem:$0x14100] =	vst v63  }
0xb7: {  	s15 =	simm.s32 $0x12D00  }
0xb8: {  	[tilespmem:s15], [sflag:$0x2] =	stream.indirect_vreg.gather [hbm4b:s3+s2], $0x80, v3, vm0, $0xb8;
	[tilespmem:$0x14100] =	vst v63  }
0xb9: {  	s15 =	simm.s32 $0x13500  }
0xba: {  	[tilespmem:s15], [sflag:$0x2] =	stream.indirect_vreg.gather [hbm4b:s4+s2], $0x80, v3, vm0, $0xb8;
	[tilespmem:$0x14100] =	vst v63  }
0xbb: {  	s15 =	simm.s32 $0x13D00  }
0xbc: {  	[tilespmem:s15], [sflag:$0x2] =	stream.indirect_vreg.gather [hbm4b:s5+s2], $0x80, v3, vm1, $0xb8;
	[tilespmem:$0x14100] =	vst v63  }
0xbd: {  	_ =	swait.ge [sflag:s12], $0xA000  }
0xbe: {  	[sflag:s12] =	ssyncset.done $0x0  }
0xbf: {  	s15 =	rddreg [dreg:$0x6];
	[sflag:s12] =	ssyncadd.s32 $0xFFFF6000  }
0xc0: {  	[hbm4b:s15+s2] =	stream.linear.scatter [tilespmem:s16], [sflag:$0x4], $0xA000, $0x38;
	[tilespmem:$0x14100] =	vst v63  }
0xc1: {  	_ =	swait.ge [sflag:s13], $0xA000  }
0xc2: {  	[sflag:s13] =	ssyncset.done $0x0  }
0xc3: {  	s15 =	rddreg [dreg:$0x7];
	[sflag:s13] =	ssyncadd.s32 $0xFFFF6000  }
0xc4: {  	[tilespmem:s2], [sflag:$0x5] =	stream.linear.gather [hbm4b:s15+s2], $0x40, $0x38;
	[tilespmem:$0x14100] =	vst v63  }
0xc5: {  	_ =	swait.ge [sflag:s7], $0x40  }
0xc6: {  	[sflag:s7] =	ssyncset.done $0x0  }
0xc7: {  	[sflag:s7] =	ssyncadd.s32 $0xFFFFFFC0  }
0xc8: {  	v3 =	vld [tilespmem:$0x0];
	_ =	sdelay $0x4  }
0xc9: {  	v56 =	vshrl.u32 v3, $0x3  }
0xca: {  	v4 =	vmul.u32 $0x28, v56  }
0xcb: {  	v3 =	vand.u32 $0x7, v3  }
0xcc: {  	v3 =	vor.u32 v3, v4  }
0xcd: {  	v4 =	vperm.xlane v3, v0;
	_ =	sdelay $0x1  }
0xce: {  	v4 =	vadd.s32 v1, v4;
	_ =	sdelay $0x3  }
0xcf: {  	v3 =	vperm.xlane v3, v2  }
0xd0: {  	[tilespmem:s10], [sflag:$0x1] =	stream.indirect_vreg.gather [hbm4b:s3+s2], $0x80, v4, vm0, $0xb8;
	[tilespmem:$0x14100] =	vst v63  }
0xd1: {  	v3 =	vadd.s32 v1, v3  }
0xd2: {  	[tilespmem:s17], [sflag:$0x1] =	stream.indirect_vreg.gather [hbm4b:s4+s2], $0x80, v4, vm0, $0xb8;
	[tilespmem:$0x14100] =	vst v63  }
0xd3: {  	_ = 	snop  }
0xd4: {  	[tilespmem:s18], [sflag:$0x1] =	stream.indirect_vreg.gather [hbm4b:s5+s2], $0x80, v4, vm1, $0xb8;
	[tilespmem:$0x14100] =	vst v63  }
0xd5: {  	_ = 	snop  }
0xd6: {  	[tilespmem:s19], [sflag:$0x1] =	stream.indirect_vreg.gather [hbm4b:s3+s2], $0x80, v3, vm0, $0xb8;
	[tilespmem:$0x14100] =	vst v63  }
0xd7: {  	_ = 	snop  }
0xd8: {  	[tilespmem:s20], [sflag:$0x1] =	stream.indirect_vreg.gather [hbm4b:s4+s2], $0x80, v3, vm0, $0xb8;
	[tilespmem:$0x14100] =	vst v63  }
0xd9: {  	_ = 	snop  }
0xda: {  	[tilespmem:s21], [sflag:$0x1] =	stream.indirect_vreg.gather [hbm4b:s5+s2], $0x80, v3, vm1, $0xb8;
	[tilespmem:$0x14100] =	vst v63  }
0xdb: {  	v3 =	vld [tilespmem:$0x10];
	_ =	sdelay $0x4  }
0xdc: {  	v57 =	vshrl.u32 v3, $0x3  }
0xdd: {  	v4 =	vmul.u32 $0x28, v57  }
0xde: {  	v3 =	vand.u32 $0x7, v3  }
0xdf: {  	v3 =	vor.u32 v3, v4  }
0xe0: {  	v4 =	vperm.xlane v3, v0;
	_ =	sdelay $0x1  }
0xe1: {  	v4 =	vadd.s32 v1, v4;
	_ =	sdelay $0x3  }
0xe2: {  	v3 =	vperm.xlane v3, v2  }
0xe3: {  	[tilespmem:s22], [sflag:$0x1] =	stream.indirect_vreg.gather [hbm4b:s3+s2], $0x80, v4, vm0, $0xb8;
	[tilespmem:$0x14100] =	vst v63  }
0xe4: {  	v3 =	vadd.s32 v1, v3  }
0xe5: {  	[tilespmem:s23], [sflag:$0x1] =	stream.indirect_vreg.gather [hbm4b:s4+s2], $0x80, v4, vm0, $0xb8;
	[tilespmem:$0x14100] =	vst v63  }
0xe6: {  	_ = 	snop  }
0xe7: {  	[tilespmem:s24], [sflag:$0x1] =	stream.indirect_vreg.gather [hbm4b:s5+s2], $0x80, v4, vm1, $0xb8;
	[tilespmem:$0x14100] =	vst v63  }
0xe8: {  	_ = 	snop  }
0xe9: {  	[tilespmem:s25], [sflag:$0x1] =	stream.indirect_vreg.gather [hbm4b:s3+s2], $0x80, v3, vm0, $0xb8;
	[tilespmem:$0x14100] =	vst v63  }
0xea: {  	_ = 	snop  }
0xeb: {  	[tilespmem:s26], [sflag:$0x1] =	stream.indirect_vreg.gather [hbm4b:s4+s2], $0x80, v3, vm0, $0xb8;
	[tilespmem:$0x14100] =	vst v63  }
0xec: {  	_ = 	snop  }
0xed: {  	[tilespmem:s28], [sflag:$0x1] =	stream.indirect_vreg.gather [hbm4b:s5+s2], $0x80, v3, vm1, $0xb8;
	[tilespmem:$0x14100] =	vst v63  }
0xee: {  	v3 =	vld [tilespmem:$0x20];
	_ =	sdelay $0x4  }
0xef: {  	v58 =	vshrl.u32 v3, $0x3  }
0xf0: {  	v4 =	vmul.u32 $0x28, v58  }
0xf1: {  	v3 =	vand.u32 $0x7, v3  }
0xf2: {  	v3 =	vor.u32 v3, v4  }
0xf3: {  	v4 =	vperm.xlane v3, v0;
	_ =	sdelay $0x1  }
0xf4: {  	v4 =	vadd.s32 v1, v4;
	_ =	sdelay $0x3  }
0xf5: {  	v3 =	vperm.xlane v3, v2  }
0xf6: {  	[tilespmem:s29], [sflag:$0x1] =	stream.indirect_vreg.gather [hbm4b:s3+s2], $0x80, v4, vm0, $0xb8;
	[tilespmem:$0x14100] =	vst v63  }
0xf7: {  	v3 =	vadd.s32 v1, v3  }
0xf8: {  	[tilespmem:s30], [sflag:$0x1] =	stream.indirect_vreg.gather [hbm4b:s4+s2], $0x80, v4, vm0, $0xb8;
	[tilespmem:$0x14100] =	vst v63  }
0xf9: {  	_ = 	snop  }
0xfa: {  	[tilespmem:s31], [sflag:$0x1] =	stream.indirect_vreg.gather [hbm4b:s5+s2], $0x80, v4, vm1, $0xb8;
	[tilespmem:$0x14100] =	vst v63  }
0xfb: {  	s15 =	simm.s32 $0x6500  }
0xfc: {  	[tilespmem:s15], [sflag:$0x1] =	stream.indirect_vreg.gather [hbm4b:s3+s2], $0x80, v3, vm0, $0xb8;
	[tilespmem:$0x14100] =	vst v63  }
0xfd: {  	_ = 	snop  }
0xfe: {  	[tilespmem:s9], [sflag:$0x1] =	stream.indirect_vreg.gather [hbm4b:s4+s2], $0x80, v3, vm0, $0xb8;
	[tilespmem:$0x14100] =	vst v63  }
0xff: {  	_ = 	snop  }
0x100: {  	[tilespmem:s11], [sflag:$0x1] =	stream.indirect_vreg.gather [hbm4b:s5+s2], $0x80, v3, vm1, $0xb8;
	[tilespmem:$0x14100] =	vst v63  }
0x101: {  	v3 =	vld [tilespmem:$0x30];
	_ =	sdelay $0x4  }
0x102: {  	v59 =	vshrl.u32 v3, $0x3  }
0x103: {  	v4 =	vmul.u32 $0x28, v59  }
0x104: {  	v3 =	vand.u32 $0x7, v3  }
0x105: {  	v3 =	vor.u32 v3, v4  }
0x106: {  	v4 =	vperm.xlane v3, v0;
	_ =	sdelay $0x1  }
0x107: {  	v4 =	vadd.s32 v1, v4;
	_ =	sdelay $0x3  }
0x108: {  	v3 =	vperm.xlane v3, v2  }
0x109: {  	[tilespmem:s8], [sflag:$0x1] =	stream.indirect_vreg.gather [hbm4b:s3+s2], $0x80, v4, vm0, $0xb8;
	[tilespmem:$0x14100] =	vst v63  }
0x10a: {  	v3 =	vadd.s32 v1, v3  }
0x10b: {  	[tilespmem:s1], [sflag:$0x1] =	stream.indirect_vreg.gather [hbm4b:s4+s2], $0x80, v4, vm0, $0xb8;
	[tilespmem:$0x14100] =	vst v63  }
0x10c: {  	s15 =	simm.s32 $0x8900  }
0x10d: {  	[tilespmem:s15], [sflag:$0x1] =	stream.indirect_vreg.gather [hbm4b:s5+s2], $0x80, v4, vm1, $0xb8;
	[tilespmem:$0x14100] =	vst v63  }
0x10e: {  	s15 =	simm.s32 $0x8D00  }
0x10f: {  	[tilespmem:s15], [sflag:$0x1] =	stream.indirect_vreg.gather [hbm4b:s3+s2], $0x80, v3, vm0, $0xb8;
	[tilespmem:$0x14100] =	vst v63  }
0x110: {  	s15 =	simm.s32 $0x9500  }
0x111: {  	[tilespmem:s15], [sflag:$0x1] =	stream.indirect_vreg.gather [hbm4b:s4+s2], $0x80, v3, vm0, $0xb8;
	[tilespmem:$0x14100] =	vst v63  }
0x112: {  	s15 =	simm.s32 $0x9D00  }
0x113: {  	[tilespmem:s15], [sflag:$0x1] =	stream.indirect_vreg.gather [hbm4b:s5+s2], $0x80, v3, vm1, $0xb8;
	[tilespmem:$0x14100] =	vst v63  }
0x114: {  	_ =	swait.ge [sflag:s0], $0xA000  }
0x115: {  	[sflag:s0] =	ssyncset.done $0x0  }
0x116: {  	s1 =	rddreg [dreg:$0x8];
	[sflag:s0] =	ssyncadd.s32 $0xFFFF6000  }
0x117: {  	[hbm4b:s1+s2] =	stream.linear.scatter [tilespmem:s10], [sflag:$0x3], $0xA000, $0x38;
	[tilespmem:$0x14100] =	vst v63  }
0x118: {  	_ =	swait.ge [sflag:s14], $0xA000  }
0x119: {  	[sflag:s14] =	ssyncset.done $0x0  }
0x11a: {  	s1 =	simm.s32 $0x80;
	s0 =	rddreg [dreg:$0x9];
	[sflag:s14] =	ssyncadd.s32 $0xFFFF6000  }
0x11b: {  	[tilespmem:s1], [sflag:$0x5] =	stream.linear.gather [hbm4b:s0+s2], $0x40, $0x38;
	[tilespmem:$0x14100] =	vst v63  }
0x11c: {  	_ =	swait.ge [sflag:s7], $0x40  }
0x11d: {  	[sflag:s7] =	ssyncset.done $0x0  }
0x11e: {  	[sflag:s7] =	ssyncadd.s32 $0xFFFFFFC0  }
0x11f: {  	v3 =	vld [tilespmem:$0x80];
	_ =	sdelay $0x4  }
0x120: {  	v60 =	vshrl.u32 v3, $0x3  }
0x121: {  	v4 =	vmul.u32 $0x28, v60  }
0x122: {  	v3 =	vand.u32 $0x7, v3  }
0x123: {  	v3 =	vor.u32 v3, v4  }
0x124: {  	v4 =	vperm.xlane v3, v0;
	_ =	sdelay $0x1  }
0x125: {  	v4 =	vadd.s32 v1, v4;
	_ =	sdelay $0x3  }
0x126: {  	v3 =	vperm.xlane v3, v2  }
0x127: {  	[tilespmem:s16], [sflag:$0x2] =	stream.indirect_vreg.gather [hbm4b:s3+s2], $0x80, v4, vm0, $0xb8;
	[tilespmem:$0x14100] =	vst v63  }
0x128: {  	s15 =	simm.s32 $0xA900;
	v3 =	vadd.s32 v1, v3  }
0x129: {  	[tilespmem:s15], [sflag:$0x2] =	stream.indirect_vreg.gather [hbm4b:s4+s2], $0x80, v4, vm0, $0xb8;
	[tilespmem:$0x14100] =	vst v63  }
0x12a: {  	s1 =	simm.s32 $0xB100  }
0x12b: {  	[tilespmem:s1], [sflag:$0x2] =	stream.indirect_vreg.gather [hbm4b:s5+s2], $0x80, v4, vm1, $0xb8;
	[tilespmem:$0x14100] =	vst v63  }
0x12c: {  	s15 =	simm.s32 $0xB500  }
0x12d: {  	[tilespmem:s15], [sflag:$0x2] =	stream.indirect_vreg.gather [hbm4b:s3+s2], $0x80, v3, vm0, $0xb8;
	[tilespmem:$0x14100] =	vst v63  }
0x12e: {  	s1 =	simm.s32 $0xBD00  }
0x12f: {  	[tilespmem:s1], [sflag:$0x2] =	stream.indirect_vreg.gather [hbm4b:s4+s2], $0x80, v3, vm0, $0xb8;
	[tilespmem:$0x14100] =	vst v63  }
0x130: {  	s15 =	simm.s32 $0xC500  }
0x131: {  	[tilespmem:s15], [sflag:$0x2] =	stream.indirect_vreg.gather [hbm4b:s5+s2], $0x80, v3, vm1, $0xb8;
	[tilespmem:$0x14100] =	vst v63  }
0x132: {  	v3 =	vld [tilespmem:$0x90];
	_ =	sdelay $0x4  }
0x133: {  	v61 =	vshrl.u32 v3, $0x3  }
0x134: {  	v4 =	vmul.u32 $0x28, v61  }
0x135: {  	v3 =	vand.u32 $0x7, v3  }
0x136: {  	v3 =	vor.u32 v3, v4  }
0x137: {  	v4 =	vperm.xlane v3, v0;
	_ =	sdelay $0x1  }
0x138: {  	v4 =	vadd.s32 v1, v4;
	_ =	sdelay $0x3  }
0x139: {  	s1 =	simm.s32 $0xC900;
	v3 =	vperm.xlane v3, v2  }
0x13a: {  	[tilespmem:s1], [sflag:$0x2] =	stream.indirect_vreg.gather [hbm4b:s3+s2], $0x80, v4, vm0, $0xb8;
	[tilespmem:$0x14100] =	vst v63  }
0x13b: {  	s15 =	simm.s32 $0xD100;
	v3 =	vadd.s32 v1, v3  }
0x13c: {  	[tilespmem:s15], [sflag:$0x2] =	stream.indirect_vreg.gather [hbm4b:s4+s2], $0x80, v4, vm0, $0xb8;
	[tilespmem:$0x14100] =	vst v63  }
0x13d: {  	s1 =	simm.s32 $0xD900  }
0x13e: {  	[tilespmem:s1], [sflag:$0x2] =	stream.indirect_vreg.gather [hbm4b:s5+s2], $0x80, v4, vm1, $0xb8;
	[tilespmem:$0x14100] =	vst v63  }
0x13f: {  	s15 =	simm.s32 $0xDD00  }
0x140: {  	[tilespmem:s15], [sflag:$0x2] =	stream.indirect_vreg.gather [hbm4b:s3+s2], $0x80, v3, vm0, $0xb8;
	[tilespmem:$0x14100] =	vst v63  }
0x141: {  	s1 =	simm.s32 $0xE500  }
0x142: {  	[tilespmem:s1], [sflag:$0x2] =	stream.indirect_vreg.gather [hbm4b:s4+s2], $0x80, v3, vm0, $0xb8;
	[tilespmem:$0x14100] =	vst v63  }
0x143: {  	s15 =	simm.s32 $0xED00  }
0x144: {  	[tilespmem:s15], [sflag:$0x2] =	stream.indirect_vreg.gather [hbm4b:s5+s2], $0x80, v3, vm1, $0xb8;
	[tilespmem:$0x14100] =	vst v63  }
0x145: {  	v3 =	vld [tilespmem:$0xA0];
	_ =	sdelay $0x4  }
0x146: {  	v62 =	vshrl.u32 v3, $0x3  }
0x147: {  	v4 =	vmul.u32 $0x28, v62  }
0x148: {  	v3 =	vand.u32 $0x7, v3  }
0x149: {  	v3 =	vor.u32 v3, v4  }
0x14a: {  	v4 =	vperm.xlane v3, v0;
	_ =	sdelay $0x1  }
0x14b: {  	v4 =	vadd.s32 v1, v4;
	_ =	sdelay $0x3  }
0x14c: {  	s1 =	simm.s32 $0xF100;
	v3 =	vperm.xlane v3, v2  }
0x14d: {  	[tilespmem:s1], [sflag:$0x2] =	stream.indirect_vreg.gather [hbm4b:s3+s2], $0x80, v4, vm0, $0xb8;
	[tilespmem:$0x14100] =	vst v63  }
0x14e: {  	s15 =	simm.s32 $0xF900;
	v3 =	vadd.s32 v1, v3  }
0x14f: {  	[tilespmem:s15], [sflag:$0x2] =	stream.indirect_vreg.gather [hbm4b:s4+s2], $0x80, v4, vm0, $0xb8;
	[tilespmem:$0x14100] =	vst v63  }
0x150: {  	s1 =	simm.s32 $0x10100  }
0x151: {  	[tilespmem:s1], [sflag:$0x2] =	stream.indirect_vreg.gather [hbm4b:s5+s2], $0x80, v4, vm1, $0xb8;
	[tilespmem:$0x14100] =	vst v63  }
0x152: {  	s15 =	simm.s32 $0x10500  }
0x153: {  	[tilespmem:s15], [sflag:$0x2] =	stream.indirect_vreg.gather [hbm4b:s3+s2], $0x80, v3, vm0, $0xb8;
	[tilespmem:$0x14100] =	vst v63  }
0x154: {  	s1 =	simm.s32 $0x10D00  }
0x155: {  	[tilespmem:s1], [sflag:$0x2] =	stream.indirect_vreg.gather [hbm4b:s4+s2], $0x80, v3, vm0, $0xb8;
	[tilespmem:$0x14100] =	vst v63  }
0x156: {  	s15 =	simm.s32 $0x11500  }
0x157: {  	[tilespmem:s15], [sflag:$0x2] =	stream.indirect_vreg.gather [hbm4b:s5+s2], $0x80, v3, vm1, $0xb8;
	[tilespmem:$0x14100] =	vst v63  }
0x158: {  	v3 =	vld [tilespmem:$0xB0];
	_ =	sdelay $0x4  }
0x159: {  	v63 =	vshrl.u32 v3, $0x3  }
0x15a: {  	v4 =	vmul.u32 $0x28, v63  }
0x15b: {  	v3 =	vand.u32 $0x7, v3  }
0x15c: {  	v3 =	vor.u32 v3, v4  }
0x15d: {  	v4 =	vperm.xlane v3, v0;
	_ =	sdelay $0x1  }
0x15e: {  	v4 =	vadd.s32 v1, v4;
	_ =	sdelay $0x3  }
0x15f: {  	s1 =	simm.s32 $0x11900;
	v3 =	vperm.xlane v3, v2  }
0x160: {  	[tilespmem:s1], [sflag:$0x2] =	stream.indirect_vreg.gather [hbm4b:s3+s2], $0x80, v4, vm0, $0xb8;
	[tilespmem:$0x14100] =	vst v63  }
0x161: {  	s15 =	simm.s32 $0x12100;
	v3 =	vadd.s32 v1, v3  }
0x162: {  	[tilespmem:s15], [sflag:$0x2] =	stream.indirect_vreg.gather [hbm4b:s4+s2], $0x80, v4, vm0, $0xb8;
	[tilespmem:$0x14100] =	vst v63  }
0x163: {  	s1 =	simm.s32 $0x12900  }
0x164: {  	[tilespmem:s1], [sflag:$0x2] =	stream.indirect_vreg.gather [hbm4b:s5+s2], $0x80, v4, vm1, $0xb8;
	[tilespmem:$0x14100] =	vst v63  }
0x165: {  	s15 =	simm.s32 $0x12D00  }
0x166: {  	[tilespmem:s15], [sflag:$0x2] =	stream.indirect_vreg.gather [hbm4b:s3+s2], $0x80, v3, vm0, $0xb8;
	[tilespmem:$0x14100] =	vst v63  }
0x167: {  	s1 =	simm.s32 $0x13500  }
0x168: {  	[tilespmem:s1], [sflag:$0x2] =	stream.indirect_vreg.gather [hbm4b:s4+s2], $0x80, v3, vm0, $0xb8;
	[tilespmem:$0x14100] =	vst v63  }
0x169: {  	s15 =	simm.s32 $0x13D00  }
0x16a: {  	[tilespmem:s15], [sflag:$0x2] =	stream.indirect_vreg.gather [hbm4b:s5+s2], $0x80, v3, vm1, $0xb8;
	[tilespmem:$0x14100] =	vst v63  }
0x16b: {  	_ =	swait.ge [sflag:s12], $0xA000  }
0x16c: {  	[sflag:s12] =	ssyncset.done $0x0  }
0x16d: {  	s1 =	rddreg [dreg:$0xa];
	[sflag:s12] =	ssyncadd.s32 $0xFFFF6000  }
0x16e: {  	[hbm4b:s1+s2] =	stream.linear.scatter [tilespmem:s16], [sflag:$0x4], $0xA000, $0x38;
	[tilespmem:$0x14100] =	vst v63  }
0x16f: {  	p0 =	sne.s32 s6, $0x1;
	_ =	swait.ge [sflag:s13], $0xA000  }
.Ltmp0:
0x170: {  	[sflag:s13] =	ssyncset.done $0x0;
	(pc) =	sbr.rel @p0 .LBB2_1-.Ltmp0, $4  }
0x171: {  	[sflag:s13] =	ssyncadd.s32 $0xFFFF6000  }
0x172: {  	_ =	swait.ge [sflag:s14], $0xA000  }
0x173: {  	[sflag:s14] =	ssyncset.done $0x0  }
0x174: {  	s6 =	sadd.s32 $0xFFFFFFFF, s6;
	[sflag:s14] =	ssyncadd.s32 $0xFFFF6000  }
0x175: {  	_ =	sfence.sel $0x180000  }
0x176: {  	[bflag:$0x0] =	sbarrier.arrive $0xFFFF  }
0x177: {  	_ =	strace $0x90000050  }
0x178: {  	s0 =	stileid.u32;
	[bflag:$0x2] =	sbarrier.arrive $0xFFFF  }
0x179: {  	p0 =	sne.s32 s0, $0x0;
	s0 =	rddreg [dreg:$0x2]  }
0x17a: {  	s0 =	sadd.s32 @!p0 $0x100000, s0  }
0x17b: {  	[sflag:s0] =	ssyncadd.tile.s32 @!p0 $0x1;
	_ =	shalt  }
.Lfunc_end2:
_tile_overlayer_lowered:
.L_overlay_start_2:
0x17c: {  	(tag) =	ssettag $0x2  }
0x17d: {  	s0 =	rddreg [dreg:$0x0];
	s2 =	stileid.u32  }
0x17e: {  	s1 =	rddreg [dreg:$0x1];
	p0 =	sne.s32 s2, $0x0  }
0x17f: {  	s3 =	rddreg [dreg:$0x2];
	[bflag:$0x3] =	sbarrier.arrive $0xFFFF;
	s2 =	simm.s32 @!p0 $0x1C05  }
0x180: {  	[timem:s3], [sflag:s2] =	dma.local @!p0 [hbm:s0], s1  }
0x181: {  	s0 =	simm.s32 @!p0 $0x5  }
0x182: {  	_ =	swait.ge @!p0 [sflag:s0], s1  }
0x183: {  	s1 =	ssub.s32 @!p0 $0x0, s1;
	[sflag:s0] =	ssyncset.done @!p0 $0x0  }
0x184: {  	[sflag:s0] =	ssyncadd.s32 @!p0 s1  }
0x185: {  	[bflag:$0x3] =	sbarrier.arrive $0xFFFF  }
0x186: {  	_ =	shalt  }

// kernel: kernel.23.cloned.1.call-start
scs
__scs_entry_jumppad:
0x0: {  	(pc) =	sbr.rel $0x88, $3  }
0x1: {  	(tag) =	ssettag $0x0;
	lr =	simm.s32 $0x1  }
0x2: {  	[smem:$0x3F9D] =	sst lr;
	_ =	strace $0xD0000000  }
0x3: {  	_ = 	snop  }
0x4: {  	_ = 	snop  }
0x5: {  	_ = 	snop  }
0x6: {  	_ = 	snop  }
0x7: {  	_ = 	snop  }
__scs_overlays_trampoline_lowered:
0x8: {  	[smem:$0x3FAC] =	sst s0  }
0x9: {  	[smem:$0x3FAD] =	sst s1  }
0xa: {  	[smem:$0x3FAE] =	sst s2  }
0xb: {  	[smem:$0x3FAF] =	sst s3  }
0xc: {  	[smem:$0x3FB0] =	sst s4  }
0xd: {  	[smem:$0x3FB1] =	sst s5  }
0xe: {  	[smem:$0x3FB2] =	sst s6  }
0xf: {  	[smem:$0x3FB3] =	sst s7  }
0x10: {  	[smem:$0x3FB4] =	sst s8  }
0x11: {  	[smem:$0x3FB5] =	sst s9;
	s0 =	simm.s32 @!p0 $0x0  }
0x12: {  	s1 =	sld [smem:$0x3F9B];
	s0 =	simm.s32 @p0 $0x1  }
0x13: {  	[smem:$0x3FB6] =	sst s0;
	s0 =	simm.s32 @!p1 $0x0  }
0x14: {  	s2 =	sld [smem:$0x3F9A];
	s0 =	simm.s32 @p1 $0x1  }
0x15: {  	[smem:$0x3FB7] =	sst s0;
	s0 =	simm.s32 @!p2 $0x0  }
0x16: {  	s3 =	sld [smem:$0x3FDB];
	s0 =	simm.s32 @p2 $0x1  }
0x17: {  	s4 =	simm.s32 $0x1BF5;
	[smem:$0x3FB9] =	sst s0  }
0x18: {  	s0 =	sld [smem:$0x3F9C];
	_ =	swait.ge [sflag:s4], $0x0  }
0x19: {  	s7 =	sld [smem:$0x3F9D]  }
0x1a: {  	s8 =	sadd.s32 $0xFFFFE003, lr  }
0x1b: {  	s9 =	sadd.s32 $0xFFFFFEF7, lr;
	s5 =	simm.s32 $0xFFFFFFFF;
	p2 =	slt.u32 s8, $0xFFFFF086  }
0x1c: {  	p1 =	slt.u32 s9, $0xF7A;
	s5 =	simm.s32 @!p2 $0x0  }
0x1d: {  	s5 =	simm.s32 @p1 $0x1;
	p0 =	seq.s32 s7, s2  }
0x1e: {  	s7 =	smul.u32 @!p0 $0xF7A, s2;
	p2 =	seq.s32 @!p0 s5, $0x0  }
0x1f: {  	s9 =	smul.u32 $0xF7A, s1;
	s8 =	simm.s32 @!p0 $0x1BF5;
	p2 =	por !p2, p0  }
0x20: {  	[sflag:s8] =	ssyncset.s32 @!p0 $0xFFFFF086;
	s6 =	sadd.s32 @!p0 s3, s7;
	s7 =	simm.s32 @!p0 $0x108  }
0x21: {  	s3 =	sadd.s32 s3, s9;
	s6 =	sadd.s32 @!p0 $0x88, s6;
	s7 =	simm.s32 @p2 $0x1082  }
0x22: {  	[simem:s7], [sflag:s8] =	dma.local @!p0 [hbm:s6], $0xF7A  }
0x23: {  	s9 =	sor.u32 $0xD0000000, s2;
	s6 =	simm.s32 $0x108;
	_ =	swait.ge @!p0 [sflag:s8], $0x0  }
0x24: {  	s3 =	sadd.s32 $0x88, s3;
	s6 =	simm.s32 @!p1 $0x1082;
	[sflag:s4] =	ssyncset.s32 $0xFFFFF086  }
0x25: {  	[simem:s6], [sflag:s4] =	dma.local [hbm:s3], $0xF7A  }
0x26: {  	[smem:$0x3F9D] =	sst s1;
	(tag) =	ssettag s2;
	_ =	strace s9  }
0x27: {  	s1 =	sld [smem:$0x3FAD]  }
0x28: {  	s2 =	sld [smem:$0x3FAE]  }
0x29: {  	s4 =	sld [smem:$0x3FB0]  }
0x2a: {  	p0 =	seq.s32 s5, $0x0;
	s5 =	sld [smem:$0x3FB1]  }
0x2b: {  	s6 =	sld [smem:$0x3FB2]  }
0x2c: {  	s7 =	sld [smem:$0x3FB3]  }
0x2d: {  	s3 =	simm.s32 $0x108;
	s8 =	sld [smem:$0x3FB4]  }
0x2e: {  	s3 =	simm.s32 @!p0 $0x1082;
	s9 =	sld [smem:$0x3FB5]  }
0x2f: {  	lr =	sadd.s32 s0, s3;
	s0 =	sld [smem:$0x3FAC]  }
0x30: {  	s3 =	sld [smem:$0x3FAF]  }
0x31: {  	[smem:$0x3FB8] =	sst s10  }
0x32: {  	s10 =	sld [smem:$0x3FB6];
	_ =	sdelay $0x3  }
0x33: {  	p0 =	seq.s32 s10, $0x1;
	s10 =	sld [smem:$0x3FB8];
	_ =	sdelay $0x3  }
0x34: {  	[smem:$0x3FB8] =	sst s10  }
0x35: {  	s10 =	sld [smem:$0x3FB7];
	_ =	sdelay $0x3  }
0x36: {  	p1 =	seq.s32 s10, $0x1;
	s10 =	sld [smem:$0x3FB8];
	_ =	sdelay $0x3  }
0x37: {  	[smem:$0x3FB8] =	sst s10  }
0x38: {  	s10 =	sld [smem:$0x3FB9]  }
0x39: {  	_ = 	snop;
	(pc) =	sbr.ind lr, $3  }
0x3a: {  	_ = 	snop  }
0x3b: {  	_ = 	snop  }
0x3c: {  	p2 =	seq.s32 s10, $0x1;
	s10 =	sld [smem:$0x3FB8]  }
0x3d: {  	_ =	shalt  }
0x3e: {  	_ =	shalt  }
0x3f: {  	_ =	shalt  }
0x40: {  	_ =	shalt  }
0x41: {  	_ =	shalt  }
0x42: {  	_ =	shalt  }
0x43: {  	_ =	shalt  }
0x44: {  	_ =	shalt  }
0x45: {  	_ =	shalt  }
0x46: {  	_ =	shalt  }
0x47: {  	_ =	shalt  }
0x48: {  	_ =	shalt  }
0x49: {  	_ =	shalt  }
0x4a: {  	_ =	shalt  }
0x4b: {  	_ =	shalt  }
0x4c: {  	_ =	shalt  }
0x4d: {  	_ =	shalt  }
0x4e: {  	_ =	shalt  }
0x4f: {  	_ =	shalt  }
0x50: {  	_ =	shalt  }
0x51: {  	_ =	shalt  }
0x52: {  	_ =	shalt  }
0x53: {  	_ =	shalt  }
0x54: {  	_ =	shalt  }
0x55: {  	_ =	shalt  }
0x56: {  	_ =	shalt  }
0x57: {  	_ =	shalt  }
0x58: {  	_ =	shalt  }
0x59: {  	_ =	shalt  }
0x5a: {  	_ =	shalt  }
0x5b: {  	_ =	shalt  }
0x5c: {  	_ =	shalt  }
0x5d: {  	_ =	shalt  }
0x5e: {  	_ =	shalt  }
0x5f: {  	_ =	shalt  }
0x60: {  	_ =	shalt  }
0x61: {  	_ =	shalt  }
0x62: {  	_ =	shalt  }
0x63: {  	_ =	shalt  }
0x64: {  	_ =	shalt  }
0x65: {  	_ =	shalt  }
0x66: {  	_ =	shalt  }
0x67: {  	_ =	shalt  }
0x68: {  	_ =	shalt  }
0x69: {  	_ =	shalt  }
0x6a: {  	_ =	shalt  }
0x6b: {  	_ =	shalt  }
0x6c: {  	_ =	shalt  }
0x6d: {  	_ =	shalt  }
0x6e: {  	_ =	shalt  }
0x6f: {  	_ =	shalt  }
0x70: {  	_ =	shalt  }
0x71: {  	_ =	shalt  }
0x72: {  	_ =	shalt  }
0x73: {  	_ =	shalt  }
0x74: {  	_ =	shalt  }
0x75: {  	_ =	shalt  }
0x76: {  	_ =	shalt  }
0x77: {  	_ =	shalt  }
0x78: {  	_ =	shalt  }
0x79: {  	_ =	shalt  }
0x7a: {  	_ =	shalt  }
0x7b: {  	_ =	shalt  }
0x7c: {  	_ =	shalt  }
0x7d: {  	_ =	shalt  }
0x7e: {  	_ =	shalt  }
0x7f: {  	_ =	shalt  }
0x80: {  	_ =	shalt  }
0x81: {  	_ =	shalt  }
0x82: {  	_ =	shalt  }
0x83: {  	_ =	shalt  }
0x84: {  	_ =	shalt  }
0x85: {  	_ =	shalt  }
0x86: {  	_ =	shalt  }
0x87: {  	_ =	shalt  }
.Lfunc_end0:
.L_simem_size_0:
called_computation.4_lowered:
.L_overlay_start_0:
0x88: {  	s2 =	sld [smem:$0x3FD9]  }
0x89: {  	s3 =	sld [smem:$0x3FFE];
	_ =	sdelay $0x1  }
0x8a: {  	s1 =	srdreg.scid  }
0x8b: {  	s0 =	sand.u32 $0x1, s1  }
0x8c: {  	s17 =	sshll.u32 s0, $0xA;
	s2 =	sadd.s32 s3, s2  }
0x8d: {  	s2 =	sadd.s32 s2, s17  }
0x8e: {  	[smem:$0x3FC4] =	sst s2  }
0x8f: {  	_ = 	snop  }
0x90: {  	s2 =	sld [smem:$0x3FD0];
	(tm) =	ssettm $0x1  }
0x91: {  	s18 =	sld [smem:$0x3FFB];
	_ =	sdelay $0x3  }
0x92: {  	_ =	strace s18  }
0x93: {  	s3 =	sld [smem:$0x3FFC];
	_ =	sdelay $0x3  }
0x94: {  	_ =	strace s3  }
0x95: {  	s3 =	sld [smem:$0x3FFD];
	_ =	sdelay $0x3  }
0x96: {  	_ =	strace s3  }
0x97: {  	_ =	strace $0x8FFFFFFF  }
0x98: {  	s19 =	sld [smem:$0x3FDB];
	_ =	sdelay $0x1  }
0x99: {  	s4 =	simm.s32 $_scs_section_size  }
0x9a: {  	s5 =	simm.s32 $_size__tile_overlayer_lowered;
	s6 =	simm.s32 $_tile_overlayer_lowered  }
0x9b: {  	s22 =	simm.s32 $0x1BFF;
	s21 =	sshll.u32 s6, $0x1;
	s3 =	sadd.s32 s4, s19  }
0x9c: {  	s7 =	simm.s32 $0x0;
	s20 =	sshll.u32 s5, $0x1;
	s5 =	sadd.s32 s21, s3  }
0x9d: {  	[timem:s7], [sflag:s22] =	dma.local [hbm:s5], s20  }
0x9e: {  	_ =	swait.ge [sflag:s22], s20  }
0x9f: {  	s4 =	ssub.s32 $0x0, s20;
	[sflag:s22] =	ssyncset.done $0x0  }
0xa0: {  	[sflag:s22] =	ssyncadd.s32 s4;
	_ =	sdelay $0x1  }
0xa1: {  	s23 =	simm.s32 $0x1B8B  }
0xa2: {  	_ =	swait.ge [sflag:s23], $0x1  }
0xa3: {  	[sflag:s23] =	ssyncset.done $0x0  }
0xa4: {  	s25 =	simm.s32 $0x1B8E;
	s24 =	sld [smem:$0x3FFE];
	[sflag:s23] =	ssyncadd.s32 $0xFFFFFFFF  }
0xa5: {  	s26 =	simm.s32 $execute0_lowered;
	[smem:$0x3FD2] =	sst s25  }
0xa6: {  	s5 =	sshll.u32 s26, $0x1;
	_ =	strace $0x80000052;
	[dreg:$0x1] =	wrdreg $0xFFFFFFFF  }
0xa7: {  	s28 =	simm.s32 $_size_execute0_lowered;
	s3 =	sadd.s32 s3, s5;
	[dreg:$0x0] =	wrdreg $0x0  }
0xa8: {  	s5 =	sshll.u32 s28, $0x1;
	[dreg:$0x2] =	wrdreg s3  }
0xa9: {  	[dreg:$0x3] =	wrdreg s5  }
0xaa: {  	[dreg:$0x4] =	wrdreg $0xC0  }
0xab: {  	_ =	task [dreg:s7], $0x5FFFF  }
0xac: {  	[dreg:$0x1] =	wrdreg $0xFFFFFFFF  }
0xad: {  	[dreg:$0x0] =	wrdreg $0x60  }
0xae: {  	[dreg:$0x2] =	wrdreg s24  }
0xaf: {  	[dreg:$0x3] =	wrdreg s2  }
0xb0: {  	[dreg:$0x4] =	wrdreg $0x9  }
0xb1: {  	_ =	task.clear_ibuf [dreg:s7], $0x5FFFF;
	_ =	strace $0x90000052  }
0xb2: {  	s29 =	simm.s32 $0x9;
	_ =	strace $0x80000054  }
0xb3: {  	_ =	swait.ge [sflag:s29], $0x1  }
0xb4: {  	[sflag:s29] =	ssyncadd.s32 $0xFFFFFFFF  }
0xb5: {  	_ =	strace $0x90000054  }
0xb6: {  	_ =	sfence  }
0xb7: {  	s30 =	sld [smem:$0x0];
	_ =	sdelay $0x2  }
0xb8: {  	s31 =	sshll.u32 s1, $0xD;
	s1 =	sshrl.u32 s1, $0x2  }
0xb9: {  	s3 =	sand.u32 $0x4000, s31;
	s1 =	sadd.s32 s1, s30  }
0xba: {  	s0 =	sor.u32 s3, s0;
	s1 =	sshll.u32 s1, $0x11  }
0xbb: {  	s0 =	sor.u32 s1, s0  }
0xbc: {  	s0 =	sadd.s32 $0x8F2B, s0  }
0xbd: {  	[sflag:s0] =	ssyncadd.remote.s32 $0x1  }
0xbe: {  	_ =	sfence.sel $0xFFFF  }
0xbf: {  	[dreg:$0x0] =	wrdreg $0xFFFFFFFF;
	(pc) =	sbr.abs _section_cstart, $3  }
0xc0: {  	[dreg:$0x1] =	wrdreg $0xFFFFFFFF  }
0xc1: {  	_ =	task.clear_ibuf [dreg:s7], $0x2FFFF;
	_ =	strace $0x9FFFFFFF  }
0xc2: {  	(tm) =	ssettm $0x7FFFFFFF  }
0xc3: {  	_ =	shalt  }
tec
execute0_lowered:
.L_overlay_start_1:
0x0: {  	(tag) =	ssettag $0x1  }
0x1: {  	s3 =	srdreg.scid  }
0x2: {  	s4 =	stileid.u32;
	s3 =	sand.u32 $0x1, s3  }
0x3: {  	s0 =	rddreg [dreg:$0x0];
	s4 =	sshll.u32 s4, $0x9;
	s5 =	sshll.u32 s3, $0x8  }
0x4: {  	s1 =	rddreg [dreg:$0x1];
	s2 =	simm.s32 $0x0;
	s4 =	sor.u32 s5, s4  }
0x5: {  	[smem:$0x7FF] =	sst s2;
	s6 =	sadd.s32 $0x1E1C00, s0;
	s7 =	sshll.u32 s4, $0x5  }
0x6: {  	s12 =	sadd.s32 $0xA0000, s0;
	s16 =	sadd.s32 $0x221C00, s0;
	s9 =	sadd.s32 s6, s7  }
0x7: {  	_ =	strace $0x80000053;
	s18 =	sadd.s32 s16, s7;
	[dreg:$0x3] =	wrdreg s9  }
0x8: {  	s8 =	sor.u32 $0x80, s4;
	s22 =	sadd.s32 s0, s7;
	[dreg:$0x7] =	wrdreg s18  }
0x9: {  	s4 =	sshrl.u32 s4, $0x3;
	s26 =	sadd.s32 s1, s7;
	[dreg:$0xb] =	wrdreg s22  }
0xa: {  	s10 =	sshrl.u32 s8, $0x3;
	s14 =	sadd.s32 s12, s4;
	[dreg:$0xf] =	wrdreg s26  }
0xb: {  	s8 =	sshll.u32 s8, $0x5;
	s13 =	sadd.s32 s12, s10;
	[dreg:$0x12] =	wrdreg s14  }
0xc: {  	s30 =	simm.s32 $0x100;
	s15 =	sadd.s32 s6, s8;
	[dreg:$0x4] =	wrdreg s13  }
0xd: {  	s3 =	ssub.s32 $0x2, s3;
	s17 =	sadd.s32 $0x400, s14;
	[dreg:$0x5] =	wrdreg s15  }
0xe: {  	s29 =	sshrl.u32 s3, $0x1;
	s19 =	sadd.s32 $0x410, s14;
	[dreg:$0x6] =	wrdreg s17  }
0xf: {  	s31 =	ssub.s32 s3, s29;
	s20 =	sadd.s32 s16, s8;
	[dreg:$0x8] =	wrdreg s19  }
0x10: {  	s4 =	sadd.s32 $0xA1000, s0;
	s21 =	sadd.s32 $0x800, s14;
	[dreg:$0x9] =	wrdreg s20  }
0x11: {  	s5 =	smax.u32 s31, $0x1;
	s23 =	sadd.s32 $0x810, s14;
	[dreg:$0xa] =	wrdreg s21  }
0x12: {  	s24 =	sadd.s32 s0, s8;
	s25 =	sadd.s32 $0xC00, s14;
	[dreg:$0xc] =	wrdreg s23  }
0x13: {  	s28 =	sadd.s32 $0xC10, s14;
	s1 =	sadd.s32 s1, s8;
	[dreg:$0xd] =	wrdreg s24  }
0x14: {  	v2 =	vlaneseq.u32;
	s6 =	simm.s32 $0x5;
	s8 =	simm.s32 $0x1;
	[dreg:$0xe] =	wrdreg s25  }
0x15: {  	vm0 =	vmmov $0xffff;
	v1 =	vshrl.u32 v2, $0x3;
	s26 =	simm.s32 $0x2;
	s18 =	simm.s32 $0x4;
	[dreg:$0x10] =	wrdreg s28  }
0x16: {  	v0 =	vand.u32 $0x7, v2;
	v2 =	vor.u32 $0x8, v2;
	v1 =	vmul.u32 $0x8, v1;
	[dreg:$0x11] =	wrdreg s1;
	s25 =	simm.s32 $0x8100;
	s17 =	simm.s32 $0x3  }
.LBB2_1:
0x17: {  	s19 =	rddreg [dreg:$0x12]  }
0x18: {  	[tilespmem:s2], [sflag:$0x5] =	stream.linear.gather [hbm4b:s19+s2], $0x80, $0x38;
	[tilespmem:$0x10100] =	vst v63  }
0x19: {  	_ =	swait.ge [sflag:s6], $0x80  }
0x1a: {  	[sflag:s6] =	ssyncset.done $0x0  }
0x1b: {  	s7 =	rddreg [dreg:$0x3];
	[sflag:s6] =	ssyncadd.s32 $0xFFFFFF80  }
0x1c: {  	[tilespmem:s30], [sflag:$0x1] =	stream.linear.gather [hbm4b:s7+s2], $0x8000, $0x38;
	[tilespmem:$0x10100] =	vst v63  }
0x1d: {  	_ =	swait.ge [sflag:s8], $0x8000  }
0x1e: {  	[sflag:s8] =	ssyncset.done $0x0  }
0x1f: {  	[sflag:s8] =	ssyncadd.s32 $0xFFFF8000  }
0x20: {  	v3 =	vld [tilespmem:$0x0];
	_ =	sdelay $0x4  }
0x21: {  	v4 =	vshll.u32 v3, $0x1  }
0x22: {  	v3 =	vand.u32 $0x7, v3;
	v4 =	vand.u32 $0xFFFFFFF0, v4  }
0x23: {  	v3 =	vor.u32 v3, v4  }
0x24: {  	v4 =	vperm.xlane v3, v0;
	_ =	sdelay $0x1  }
0x25: {  	v3 =	vperm.xlane v3, v2;
	v4 =	vadd.s32 v1, v4;
	_ =	sdelay $0x1  }
0x26: {  	v3 =	vadd.s32 v1, v3;
	_ =	sdelay $0x2  }
0x27: {  	[hbm4b:s4+s2] =	stream.indirect_vreg.scatter [tilespmem:s30], [sflag:$0x3], $0x80, v4, vm0, $0xb8;
	[tilespmem:$0x10100] =	vst v63  }
0x28: {  	s0 =	simm.s32 $0x900  }
0x29: {  	[hbm4b:s4+s2] =	stream.indirect_vreg.scatter [tilespmem:s0], [sflag:$0x3], $0x80, v3, vm0, $0xb8;
	[tilespmem:$0x10100] =	vst v63  }
0x2a: {  	v3 =	vld [tilespmem:$0x10];
	_ =	sdelay $0x4  }
0x2b: {  	v57 =	vshll.u32 v3, $0x1  }
0x2c: {  	v3 =	vand.u32 $0x7, v3;
	v4 =	vand.u32 $0xFFFFFFF0, v57  }
0x2d: {  	v3 =	vor.u32 v3, v4  }
0x2e: {  	v4 =	vperm.xlane v3, v0;
	_ =	sdelay $0x1  }
0x2f: {  	v3 =	vperm.xlane v3, v2;
	v4 =	vadd.s32 v1, v4;
	_ =	sdelay $0x1  }
0x30: {  	v3 =	vadd.s32 v1, v3;
	_ =	sdelay $0x1  }
0x31: {  	s9 =	simm.s32 $0x1100  }
0x32: {  	[hbm4b:s4+s2] =	stream.indirect_vreg.scatter [tilespmem:s9], [sflag:$0x3], $0x80, v4, vm0, $0xb8;
	[tilespmem:$0x10100] =	vst v63  }
0x33: {  	s11 =	simm.s32 $0x1900  }
0x34: {  	[hbm4b:s4+s2] =	stream.indirect_vreg.scatter [tilespmem:s11], [sflag:$0x3], $0x80, v3, vm0, $0xb8;
	[tilespmem:$0x10100] =	vst v63  }
0x35: {  	v3 =	vld [tilespmem:$0x20];
	_ =	sdelay $0x4  }
0x36: {  	v58 =	vshll.u32 v3, $0x1  }
0x37: {  	v3 =	vand.u32 $0x7, v3;
	v4 =	vand.u32 $0xFFFFFFF0, v58  }
0x38: {  	v3 =	vor.u32 v3, v4  }
0x39: {  	v4 =	vperm.xlane v3, v0;
	_ =	sdelay $0x1  }
0x3a: {  	v3 =	vperm.xlane v3, v2;
	v4 =	vadd.s32 v1, v4;
	_ =	sdelay $0x1  }
0x3b: {  	v3 =	vadd.s32 v1, v3;
	_ =	sdelay $0x1  }
0x3c: {  	s12 =	simm.s32 $0x2100  }
0x3d: {  	[hbm4b:s4+s2] =	stream.indirect_vreg.scatter [tilespmem:s12], [sflag:$0x3], $0x80, v4, vm0, $0xb8;
	[tilespmem:$0x10100] =	vst v63  }
0x3e: {  	s13 =	simm.s32 $0x2900  }
0x3f: {  	[hbm4b:s4+s2] =	stream.indirect_vreg.scatter [tilespmem:s13], [sflag:$0x3], $0x80, v3, vm0, $0xb8;
	[tilespmem:$0x10100] =	vst v63  }
0x40: {  	v3 =	vld [tilespmem:$0x30];
	_ =	sdelay $0x4  }
0x41: {  	v59 =	vshll.u32 v3, $0x1  }
0x42: {  	v3 =	vand.u32 $0x7, v3;
	v4 =	vand.u32 $0xFFFFFFF0, v59  }
0x43: {  	v3 =	vor.u32 v3, v4  }
0x44: {  	v4 =	vperm.xlane v3, v0;
	_ =	sdelay $0x1  }
0x45: {  	v3 =	vperm.xlane v3, v2;
	v4 =	vadd.s32 v1, v4;
	_ =	sdelay $0x1  }
0x46: {  	v3 =	vadd.s32 v1, v3;
	_ =	sdelay $0x1  }
0x47: {  	s14 =	simm.s32 $0x3100  }
0x48: {  	[hbm4b:s4+s2] =	stream.indirect_vreg.scatter [tilespmem:s14], [sflag:$0x3], $0x80, v4, vm0, $0xb8;
	[tilespmem:$0x10100] =	vst v63  }
0x49: {  	s15 =	simm.s32 $0x3900  }
0x4a: {  	[hbm4b:s4+s2] =	stream.indirect_vreg.scatter [tilespmem:s15], [sflag:$0x3], $0x80, v3, vm0, $0xb8;
	[tilespmem:$0x10100] =	vst v63  }
0x4b: {  	v3 =	vld [tilespmem:$0x40];
	_ =	sdelay $0x4  }
0x4c: {  	v60 =	vshll.u32 v3, $0x1  }
0x4d: {  	v3 =	vand.u32 $0x7, v3;
	v4 =	vand.u32 $0xFFFFFFF0, v60  }
0x4e: {  	v3 =	vor.u32 v3, v4  }
0x4f: {  	v4 =	vperm.xlane v3, v0;
	_ =	sdelay $0x1  }
0x50: {  	v3 =	vperm.xlane v3, v2;
	v4 =	vadd.s32 v1, v4;
	_ =	sdelay $0x1  }
0x51: {  	v3 =	vadd.s32 v1, v3;
	_ =	sdelay $0x1  }
0x52: {  	s16 =	simm.s32 $0x4100  }
0x53: {  	[hbm4b:s4+s2] =	stream.indirect_vreg.scatter [tilespmem:s16], [sflag:$0x3], $0x80, v4, vm0, $0xb8;
	[tilespmem:$0x10100] =	vst v63  }
0x54: {  	s19 =	simm.s32 $0x4900  }
0x55: {  	[hbm4b:s4+s2] =	stream.indirect_vreg.scatter [tilespmem:s19], [sflag:$0x3], $0x80, v3, vm0, $0xb8;
	[tilespmem:$0x10100] =	vst v63  }
0x56: {  	v3 =	vld [tilespmem:$0x50];
	_ =	sdelay $0x4  }
0x57: {  	v61 =	vshll.u32 v3, $0x1  }
0x58: {  	v3 =	vand.u32 $0x7, v3;
	v4 =	vand.u32 $0xFFFFFFF0, v61  }
0x59: {  	v3 =	vor.u32 v3, v4  }
0x5a: {  	v4 =	vperm.xlane v3, v0;
	_ =	sdelay $0x1  }
0x5b: {  	v3 =	vperm.xlane v3, v2;
	v4 =	vadd.s32 v1, v4;
	_ =	sdelay $0x1  }
0x5c: {  	v3 =	vadd.s32 v1, v3;
	_ =	sdelay $0x1  }
0x5d: {  	s20 =	simm.s32 $0x5100  }
0x5e: {  	[hbm4b:s4+s2] =	stream.indirect_vreg.scatter [tilespmem:s20], [sflag:$0x3], $0x80, v4, vm0, $0xb8;
	[tilespmem:$0x10100] =	vst v63  }
0x5f: {  	s21 =	simm.s32 $0x5900  }
0x60: {  	[hbm4b:s4+s2] =	stream.indirect_vreg.scatter [tilespmem:s21], [sflag:$0x3], $0x80, v3, vm0, $0xb8;
	[tilespmem:$0x10100] =	vst v63  }
0x61: {  	v3 =	vld [tilespmem:$0x60];
	_ =	sdelay $0x4  }
0x62: {  	v62 =	vshll.u32 v3, $0x1  }
0x63: {  	v3 =	vand.u32 $0x7, v3;
	v4 =	vand.u32 $0xFFFFFFF0, v62  }
0x64: {  	v3 =	vor.u32 v3, v4  }
0x65: {  	v4 =	vperm.xlane v3, v0;
	_ =	sdelay $0x1  }
0x66: {  	v3 =	vperm.xlane v3, v2;
	v4 =	vadd.s32 v1, v4;
	_ =	sdelay $0x1  }
0x67: {  	v3 =	vadd.s32 v1, v3;
	_ =	sdelay $0x1  }
0x68: {  	s22 =	simm.s32 $0x6100  }
0x69: {  	[hbm4b:s4+s2] =	stream.indirect_vreg.scatter [tilespmem:s22], [sflag:$0x3], $0x80, v4, vm0, $0xb8;
	[tilespmem:$0x10100] =	vst v63  }
0x6a: {  	s23 =	simm.s32 $0x6900  }
0x6b: {  	[hbm4b:s4+s2] =	stream.indirect_vreg.scatter [tilespmem:s23], [sflag:$0x3], $0x80, v3, vm0, $0xb8;
	[tilespmem:$0x10100] =	vst v63  }
0x6c: {  	v3 =	vld [tilespmem:$0x70];
	_ =	sdelay $0x4  }
0x6d: {  	v63 =	vshll.u32 v3, $0x1  }
0x6e: {  	v3 =	vand.u32 $0x7, v3;
	v4 =	vand.u32 $0xFFFFFFF0, v63  }
0x6f: {  	v3 =	vor.u32 v3, v4  }
0x70: {  	v4 =	vperm.xlane v3, v0;
	_ =	sdelay $0x1  }
0x71: {  	v3 =	vperm.xlane v3, v2;
	v4 =	vadd.s32 v1, v4;
	_ =	sdelay $0x1  }
0x72: {  	v3 =	vadd.s32 v1, v3;
	_ =	sdelay $0x1  }
0x73: {  	s24 =	simm.s32 $0x7100  }
0x74: {  	[hbm4b:s4+s2] =	stream.indirect_vreg.scatter [tilespmem:s24], [sflag:$0x3], $0x80, v4, vm0, $0xb8;
	[tilespmem:$0x10100] =	vst v63  }
0x75: {  	s29 =	simm.s32 $0x7900  }
0x76: {  	[hbm4b:s4+s2] =	stream.indirect_vreg.scatter [tilespmem:s29], [sflag:$0x3], $0x80, v3, vm0, $0xb8;
	[tilespmem:$0x10100] =	vst v63  }
0x77: {  	s31 =	simm.s32 $0x80;
	s28 =	rddreg [dreg:$0x4]  }
0x78: {  	[tilespmem:s31], [sflag:$0x5] =	stream.linear.gather [hbm4b:s28+s2], $0x80, $0x38;
	[tilespmem:$0x10100] =	vst v63  }
0x79: {  	_ =	swait.ge [sflag:s6], $0x80  }
0x7a: {  	[sflag:s6] =	ssyncset.done $0x0  }
0x7b: {  	s13 =	rddreg [dreg:$0x5];
	[sflag:s6] =	ssyncadd.s32 $0xFFFFFF80  }
0x7c: {  	[tilespmem:s25], [sflag:$0x2] =	stream.linear.gather [hbm4b:s13+s2], $0x8000, $0x38;
	[tilespmem:$0x10100] =	vst v63  }
0x7d: {  	_ =	swait.ge [sflag:s26], $0x8000  }
0x7e: {  	[sflag:s26] =	ssyncset.done $0x0  }
0x7f: {  	[sflag:s26] =	ssyncadd.s32 $0xFFFF8000  }
0x80: {  	v3 =	vld [tilespmem:$0x80];
	_ =	sdelay $0x4  }
0x81: {  	v8 =	vshll.u32 v3, $0x1  }
0x82: {  	v3 =	vand.u32 $0x7, v3;
	v4 =	vand.u32 $0xFFFFFFF0, v8  }
0x83: {  	v3 =	vor.u32 v3, v4  }
0x84: {  	v4 =	vperm.xlane v3, v0;
	_ =	sdelay $0x1  }
0x85: {  	v3 =	vperm.xlane v3, v2;
	v4 =	vadd.s32 v1, v4;
	_ =	sdelay $0x1  }
0x86: {  	v3 =	vadd.s32 v1, v3;
	_ =	sdelay $0x2  }
0x87: {  	[hbm4b:s4+s2] =	stream.indirect_vreg.scatter [tilespmem:s25], [sflag:$0x4], $0x80, v4, vm0, $0xb8;
	[tilespmem:$0x10100] =	vst v63  }
0x88: {  	s14 =	simm.s32 $0x8900  }
0x89: {  	[hbm4b:s4+s2] =	stream.indirect_vreg.scatter [tilespmem:s14], [sflag:$0x4], $0x80, v3, vm0, $0xb8;
	[tilespmem:$0x10100] =	vst v63  }
0x8a: {  	v3 =	vld [tilespmem:$0x90];
	_ =	sdelay $0x4  }
0x8b: {  	v9 =	vshll.u32 v3, $0x1  }
0x8c: {  	v3 =	vand.u32 $0x7, v3;
	v4 =	vand.u32 $0xFFFFFFF0, v9  }
0x8d: {  	v3 =	vor.u32 v3, v4  }
0x8e: {  	v4 =	vperm.xlane v3, v0;
	_ =	sdelay $0x1  }
0x8f: {  	v3 =	vperm.xlane v3, v2;
	v4 =	vadd.s32 v1, v4;
	_ =	sdelay $0x1  }
0x90: {  	v3 =	vadd.s32 v1, v3;
	_ =	sdelay $0x1  }
0x91: {  	s15 =	simm.s32 $0x9100  }
0x92: {  	[hbm4b:s4+s2] =	stream.indirect_vreg.scatter [tilespmem:s15], [sflag:$0x4], $0x80, v4, vm0, $0xb8;
	[tilespmem:$0x10100] =	vst v63  }
0x93: {  	s16 =	simm.s32 $0x9900  }
0x94: {  	[hbm4b:s4+s2] =	stream.indirect_vreg.scatter [tilespmem:s16], [sflag:$0x4], $0x80, v3, vm0, $0xb8;
	[tilespmem:$0x10100] =	vst v63  }
0x95: {  	v3 =	vld [tilespmem:$0xA0];
	_ =	sdelay $0x4  }
0x96: {  	v10 =	vshll.u32 v3, $0x1  }
0x97: {  	v3 =	vand.u32 $0x7, v3;
	v4 =	vand.u32 $0xFFFFFFF0, v10  }
0x98: {  	v3 =	vor.u32 v3, v4  }
0x99: {  	v4 =	vperm.xlane v3, v0;
	_ =	sdelay $0x1  }
0x9a: {  	v3 =	vperm.xlane v3, v2;
	v4 =	vadd.s32 v1, v4;
	_ =	sdelay $0x1  }
0x9b: {  	v3 =	vadd.s32 v1, v3;
	_ =	sdelay $0x1  }
0x9c: {  	s19 =	simm.s32 $0xA100  }
0x9d: {  	[hbm4b:s4+s2] =	stream.indirect_vreg.scatter [tilespmem:s19], [sflag:$0x4], $0x80, v4, vm0, $0xb8;
	[tilespmem:$0x10100] =	vst v63  }
0x9e: {  	s20 =	simm.s32 $0xA900  }
0x9f: {  	[hbm4b:s4+s2] =	stream.indirect_vreg.scatter [tilespmem:s20], [sflag:$0x4], $0x80, v3, vm0, $0xb8;
	[tilespmem:$0x10100] =	vst v63  }
0xa0: {  	v3 =	vld [tilespmem:$0xB0];
	_ =	sdelay $0x4  }
0xa1: {  	v11 =	vshll.u32 v3, $0x1  }
0xa2: {  	v3 =	vand.u32 $0x7, v3;
	v4 =	vand.u32 $0xFFFFFFF0, v11  }
0xa3: {  	v3 =	vor.u32 v3, v4  }
0xa4: {  	v4 =	vperm.xlane v3, v0;
	_ =	sdelay $0x1  }
0xa5: {  	v3 =	vperm.xlane v3, v2;
	v4 =	vadd.s32 v1, v4;
	_ =	sdelay $0x1  }
0xa6: {  	v3 =	vadd.s32 v1, v3;
	_ =	sdelay $0x1  }
0xa7: {  	s21 =	simm.s32 $0xB100  }
0xa8: {  	[hbm4b:s4+s2] =	stream.indirect_vreg.scatter [tilespmem:s21], [sflag:$0x4], $0x80, v4, vm0, $0xb8;
	[tilespmem:$0x10100] =	vst v63  }
0xa9: {  	s23 =	simm.s32 $0xB900  }
0xaa: {  	[hbm4b:s4+s2] =	stream.indirect_vreg.scatter [tilespmem:s23], [sflag:$0x4], $0x80, v3, vm0, $0xb8;
	[tilespmem:$0x10100] =	vst v63  }
0xab: {  	v3 =	vld [tilespmem:$0xC0];
	_ =	sdelay $0x4  }
0xac: {  	v12 =	vshll.u32 v3, $0x1  }
0xad: {  	v3 =	vand.u32 $0x7, v3;
	v4 =	vand.u32 $0xFFFFFFF0, v12  }
0xae: {  	v3 =	vor.u32 v3, v4  }
0xaf: {  	v4 =	vperm.xlane v3, v0;
	_ =	sdelay $0x1  }
0xb0: {  	v3 =	vperm.xlane v3, v2;
	v4 =	vadd.s32 v1, v4;
	_ =	sdelay $0x1  }
0xb1: {  	v3 =	vadd.s32 v1, v3;
	_ =	sdelay $0x1  }
0xb2: {  	s28 =	simm.s32 $0xC100  }
0xb3: {  	[hbm4b:s4+s2] =	stream.indirect_vreg.scatter [tilespmem:s28], [sflag:$0x4], $0x80, v4, vm0, $0xb8;
	[tilespmem:$0x10100] =	vst v63  }
0xb4: {  	s31 =	simm.s32 $0xC900  }
0xb5: {  	[hbm4b:s4+s2] =	stream.indirect_vreg.scatter [tilespmem:s31], [sflag:$0x4], $0x80, v3, vm0, $0xb8;
	[tilespmem:$0x10100] =	vst v63  }
0xb6: {  	v3 =	vld [tilespmem:$0xD0];
	_ =	sdelay $0x4  }
0xb7: {  	v13 =	vshll.u32 v3, $0x1  }
0xb8: {  	v3 =	vand.u32 $0x7, v3;
	v4 =	vand.u32 $0xFFFFFFF0, v13  }
0xb9: {  	v3 =	vor.u32 v3, v4  }
0xba: {  	v4 =	vperm.xlane v3, v0;
	_ =	sdelay $0x1  }
0xbb: {  	v3 =	vperm.xlane v3, v2;
	v4 =	vadd.s32 v1, v4;
	_ =	sdelay $0x1  }
0xbc: {  	v3 =	vadd.s32 v1, v3;
	_ =	sdelay $0x1  }
0xbd: {  	s0 =	simm.s32 $0xD100  }
0xbe: {  	[hbm4b:s4+s2] =	stream.indirect_vreg.scatter [tilespmem:s0], [sflag:$0x4], $0x80, v4, vm0, $0xb8;
	[tilespmem:$0x10100] =	vst v63  }
0xbf: {  	s13 =	simm.s32 $0xD900  }
0xc0: {  	[hbm4b:s4+s2] =	stream.indirect_vreg.scatter [tilespmem:s13], [sflag:$0x4], $0x80, v3, vm0, $0xb8;
	[tilespmem:$0x10100] =	vst v63  }
0xc1: {  	v3 =	vld [tilespmem:$0xE0];
	_ =	sdelay $0x4  }
0xc2: {  	v14 =	vshll.u32 v3, $0x1  }
0xc3: {  	v3 =	vand.u32 $0x7, v3;
	v4 =	vand.u32 $0xFFFFFFF0, v14  }
0xc4: {  	v3 =	vor.u32 v3, v4  }
0xc5: {  	v4 =	vperm.xlane v3, v0;
	_ =	sdelay $0x1  }
0xc6: {  	v3 =	vperm.xlane v3, v2;
	v4 =	vadd.s32 v1, v4;
	_ =	sdelay $0x1  }
0xc7: {  	v3 =	vadd.s32 v1, v3;
	_ =	sdelay $0x1  }
0xc8: {  	s14 =	simm.s32 $0xE100  }
0xc9: {  	[hbm4b:s4+s2] =	stream.indirect_vreg.scatter [tilespmem:s14], [sflag:$0x4], $0x80, v4, vm0, $0xb8;
	[tilespmem:$0x10100] =	vst v63  }
0xca: {  	s20 =	simm.s32 $0xE900  }
0xcb: {  	[hbm4b:s4+s2] =	stream.indirect_vreg.scatter [tilespmem:s20], [sflag:$0x4], $0x80, v3, vm0, $0xb8;
	[tilespmem:$0x10100] =	vst v63  }
0xcc: {  	v3 =	vld [tilespmem:$0xF0];
	_ =	sdelay $0x4  }
0xcd: {  	v15 =	vshll.u32 v3, $0x1  }
0xce: {  	v3 =	vand.u32 $0x7, v3;
	v4 =	vand.u32 $0xFFFFFFF0, v15  }
0xcf: {  	v3 =	vor.u32 v3, v4  }
0xd0: {  	v4 =	vperm.xlane v3, v0;
	_ =	sdelay $0x1  }
0xd1: {  	v3 =	vperm.xlane v3, v2;
	v4 =	vadd.s32 v1, v4;
	_ =	sdelay $0x1  }
0xd2: {  	v3 =	vadd.s32 v1, v3;
	_ =	sdelay $0x1  }
0xd3: {  	s21 =	simm.s32 $0xF100  }
0xd4: {  	[hbm4b:s4+s2] =	stream.indirect_vreg.scatter [tilespmem:s21], [sflag:$0x4], $0x80, v4, vm0, $0xb8;
	[tilespmem:$0x10100] =	vst v63  }
0xd5: {  	s28 =	simm.s32 $0xF900  }
0xd6: {  	[hbm4b:s4+s2] =	stream.indirect_vreg.scatter [tilespmem:s28], [sflag:$0x4], $0x80, v3, vm0, $0xb8;
	[tilespmem:$0x10100] =	vst v63  }
0xd7: {  	_ =	swait.ge [sflag:s17], $0x8000  }
0xd8: {  	[sflag:s17] =	ssyncset.done $0x0  }
0xd9: {  	s31 =	rddreg [dreg:$0x6];
	[sflag:s17] =	ssyncadd.s32 $0xFFFF8000  }
0xda: {  	[tilespmem:s2], [sflag:$0x5] =	stream.linear.gather [hbm4b:s31+s2], $0x80, $0x38;
	[tilespmem:$0x10100] =	vst v63  }
0xdb: {  	_ =	swait.ge [sflag:s6], $0x80  }
0xdc: {  	[sflag:s6] =	ssyncset.done $0x0  }
0xdd: {  	s0 =	rddreg [dreg:$0x7];
	[sflag:s6] =	ssyncadd.s32 $0xFFFFFF80  }
0xde: {  	[tilespmem:s30], [sflag:$0x1] =	stream.linear.gather [hbm4b:s0+s2], $0x8000, $0x38;
	[tilespmem:$0x10100] =	vst v63  }
0xdf: {  	_ =	swait.ge [sflag:s8], $0x8000  }
0xe0: {  	[sflag:s8] =	ssyncset.done $0x0  }
0xe1: {  	[sflag:s8] =	ssyncadd.s32 $0xFFFF8000  }
0xe2: {  	v3 =	vld [tilespmem:$0x0];
	_ =	sdelay $0x4  }
0xe3: {  	v16 =	vshll.u32 v3, $0x1  }
0xe4: {  	v3 =	vand.u32 $0x7, v3;
	v4 =	vand.u32 $0xFFFFFFF0, v16  }
0xe5: {  	v3 =	vor.u32 v3, v4  }
0xe6: {  	v4 =	vperm.xlane v3, v0;
	_ =	sdelay $0x1  }
0xe7: {  	v3 =	vperm.xlane v3, v2;
	v4 =	vadd.s32 v1, v4;
	_ =	sdelay $0x1  }
0xe8: {  	v3 =	vadd.s32 v1, v3;
	_ =	sdelay $0x2  }
0xe9: {  	[hbm4b:s4+s2] =	stream.indirect_vreg.scatter [tilespmem:s30], [sflag:$0x3], $0x80, v4, vm0, $0xb8;
	[tilespmem:$0x10100] =	vst v63  }
0xea: {  	s10 =	simm.s32 $0x900  }
0xeb: {  	[hbm4b:s4+s2] =	stream.indirect_vreg.scatter [tilespmem:s10], [sflag:$0x3], $0x80, v3, vm0, $0xb8;
	[tilespmem:$0x10100] =	vst v63  }
0xec: {  	v3 =	vld [tilespmem:$0x10];
	_ =	sdelay $0x4  }
0xed: {  	v17 =	vshll.u32 v3, $0x1  }
0xee: {  	v3 =	vand.u32 $0x7, v3;
	v4 =	vand.u32 $0xFFFFFFF0, v17  }
0xef: {  	v3 =	vor.u32 v3, v4  }
0xf0: {  	v4 =	vperm.xlane v3, v0;
	_ =	sdelay $0x1  }
0xf1: {  	v3 =	vperm.xlane v3, v2;
	v4 =	vadd.s32 v1, v4;
	_ =	sdelay $0x1  }
0xf2: {  	v3 =	vadd.s32 v1, v3;
	_ =	sdelay $0x1  }
0xf3: {  	s1 =	simm.s32 $0x1100  }
0xf4: {  	[hbm4b:s4+s2] =	stream.indirect_vreg.scatter [tilespmem:s1], [sflag:$0x3], $0x80, v4, vm0, $0xb8;
	[tilespmem:$0x10100] =	vst v63  }
0xf5: {  	s28 =	simm.s32 $0x1900  }
0xf6: {  	[hbm4b:s4+s2] =	stream.indirect_vreg.scatter [tilespmem:s28], [sflag:$0x3], $0x80, v3, vm0, $0xb8;
	[tilespmem:$0x10100] =	vst v63  }
0xf7: {  	v3 =	vld [tilespmem:$0x20];
	_ =	sdelay $0x4  }
0xf8: {  	v18 =	vshll.u32 v3, $0x1  }
0xf9: {  	v3 =	vand.u32 $0x7, v3;
	v4 =	vand.u32 $0xFFFFFFF0, v18  }
0xfa: {  	v3 =	vor.u32 v3, v4  }
0xfb: {  	v4 =	vperm.xlane v3, v0;
	_ =	sdelay $0x1  }
0xfc: {  	v3 =	vperm.xlane v3, v2;
	v4 =	vadd.s32 v1, v4;
	_ =	sdelay $0x1  }
0xfd: {  	v3 =	vadd.s32 v1, v3;
	_ =	sdelay $0x1  }
0xfe: {  	s3 =	simm.s32 $0x2100  }
0xff: {  	[hbm4b:s4+s2] =	stream.indirect_vreg.scatter [tilespmem:s3], [sflag:$0x3], $0x80, v4, vm0, $0xb8;
	[tilespmem:$0x10100] =	vst v63  }
0x100: {  	s31 =	simm.s32 $0x2900  }
0x101: {  	[hbm4b:s4+s2] =	stream.indirect_vreg.scatter [tilespmem:s31], [sflag:$0x3], $0x80, v3, vm0, $0xb8;
	[tilespmem:$0x10100] =	vst v63  }
0x102: {  	v3 =	vld [tilespmem:$0x30];
	_ =	sdelay $0x4  }
0x103: {  	v19 =	vshll.u32 v3, $0x1  }
0x104: {  	v3 =	vand.u32 $0x7, v3;
	v4 =	vand.u32 $0xFFFFFFF0, v19  }
0x105: {  	v3 =	vor.u32 v3, v4  }
0x106: {  	v4 =	vperm.xlane v3, v0;
	_ =	sdelay $0x1  }
0x107: {  	v3 =	vperm.xlane v3, v2;
	v4 =	vadd.s32 v1, v4;
	_ =	sdelay $0x1  }
0x108: {  	v3 =	vadd.s32 v1, v3;
	_ =	sdelay $0x1  }
0x109: {  	s7 =	simm.s32 $0x3100  }
0x10a: {  	[hbm4b:s4+s2] =	stream.indirect_vreg.scatter [tilespmem:s7], [sflag:$0x3], $0x80, v4, vm0, $0xb8;
	[tilespmem:$0x10100] =	vst v63  }
0x10b: {  	s11 =	simm.s32 $0x3900  }
0x10c: {  	[hbm4b:s4+s2] =	stream.indirect_vreg.scatter [tilespmem:s11], [sflag:$0x3], $0x80, v3, vm0, $0xb8;
	[tilespmem:$0x10100] =	vst v63  }
0x10d: {  	v3 =	vld [tilespmem:$0x40];
	_ =	sdelay $0x4  }
0x10e: {  	v20 =	vshll.u32 v3, $0x1  }
0x10f: {  	v3 =	vand.u32 $0x7, v3;
	v4 =	vand.u32 $0xFFFFFFF0, v20  }
0x110: {  	v3 =	vor.u32 v3, v4  }
0x111: {  	v4 =	vperm.xlane v3, v0;
	_ =	sdelay $0x1  }
0x112: {  	v3 =	vperm.xlane v3, v2;
	v4 =	vadd.s32 v1, v4;
	_ =	sdelay $0x1  }
0x113: {  	v3 =	vadd.s32 v1, v3;
	_ =	sdelay $0x1  }
0x114: {  	s9 =	simm.s32 $0x4100  }
0x115: {  	[hbm4b:s4+s2] =	stream.indirect_vreg.scatter [tilespmem:s9], [sflag:$0x3], $0x80, v4, vm0, $0xb8;
	[tilespmem:$0x10100] =	vst v63  }
0x116: {  	s12 =	simm.s32 $0x4900  }
0x117: {  	[hbm4b:s4+s2] =	stream.indirect_vreg.scatter [tilespmem:s12], [sflag:$0x3], $0x80, v3, vm0, $0xb8;
	[tilespmem:$0x10100] =	vst v63  }
0x118: {  	v3 =	vld [tilespmem:$0x50];
	_ =	sdelay $0x4  }
0x119: {  	v21 =	vshll.u32 v3, $0x1  }
0x11a: {  	v3 =	vand.u32 $0x7, v3;
	v4 =	vand.u32 $0xFFFFFFF0, v21  }
0x11b: {  	v3 =	vor.u32 v3, v4  }
0x11c: {  	v4 =	vperm.xlane v3, v0;
	_ =	sdelay $0x1  }
0x11d: {  	v3 =	vperm.xlane v3, v2;
	v4 =	vadd.s32 v1, v4;
	_ =	sdelay $0x1  }
0x11e: {  	v3 =	vadd.s32 v1, v3;
	_ =	sdelay $0x1  }
0x11f: {  	s9 =	simm.s32 $0x5100  }
0x120: {  	[hbm4b:s4+s2] =	stream.indirect_vreg.scatter [tilespmem:s9], [sflag:$0x3], $0x80, v4, vm0, $0xb8;
	[tilespmem:$0x10100] =	vst v63  }
0x121: {  	s11 =	simm.s32 $0x5900  }
0x122: {  	[hbm4b:s4+s2] =	stream.indirect_vreg.scatter [tilespmem:s11], [sflag:$0x3], $0x80, v3, vm0, $0xb8;
	[tilespmem:$0x10100] =	vst v63  }
0x123: {  	v3 =	vld [tilespmem:$0x60];
	_ =	sdelay $0x4  }
0x124: {  	v22 =	vshll.u32 v3, $0x1  }
0x125: {  	v3 =	vand.u32 $0x7, v3;
	v4 =	vand.u32 $0xFFFFFFF0, v22  }
0x126: {  	v3 =	vor.u32 v3, v4  }
0x127: {  	v4 =	vperm.xlane v3, v0;
	_ =	sdelay $0x1  }
0x128: {  	v3 =	vperm.xlane v3, v2;
	v4 =	vadd.s32 v1, v4;
	_ =	sdelay $0x1  }
0x129: {  	v3 =	vadd.s32 v1, v3;
	_ =	sdelay $0x1  }
0x12a: {  	s10 =	simm.s32 $0x6100  }
0x12b: {  	[hbm4b:s4+s2] =	stream.indirect_vreg.scatter [tilespmem:s10], [sflag:$0x3], $0x80, v4, vm0, $0xb8;
	[tilespmem:$0x10100] =	vst v63  }
0x12c: {  	s12 =	simm.s32 $0x6900  }
0x12d: {  	[hbm4b:s4+s2] =	stream.indirect_vreg.scatter [tilespmem:s12], [sflag:$0x3], $0x80, v3, vm0, $0xb8;
	[tilespmem:$0x10100] =	vst v63  }
0x12e: {  	v3 =	vld [tilespmem:$0x70];
	_ =	sdelay $0x4  }
0x12f: {  	v23 =	vshll.u32 v3, $0x1  }
0x130: {  	v3 =	vand.u32 $0x7, v3;
	v4 =	vand.u32 $0xFFFFFFF0, v23  }
0x131: {  	v3 =	vor.u32 v3, v4  }
0x132: {  	v4 =	vperm.xlane v3, v0;
	_ =	sdelay $0x1  }
0x133: {  	v3 =	vperm.xlane v3, v2;
	v4 =	vadd.s32 v1, v4;
	_ =	sdelay $0x1  }
0x134: {  	v3 =	vadd.s32 v1, v3;
	_ =	sdelay $0x1  }
0x135: {  	s13 =	simm.s32 $0x7100  }
0x136: {  	[hbm4b:s4+s2] =	stream.indirect_vreg.scatter [tilespmem:s13], [sflag:$0x3], $0x80, v4, vm0, $0xb8;
	[tilespmem:$0x10100] =	vst v63  }
0x137: {  	s14 =	simm.s32 $0x7900  }
0x138: {  	[hbm4b:s4+s2] =	stream.indirect_vreg.scatter [tilespmem:s14], [sflag:$0x3], $0x80, v3, vm0, $0xb8;
	[tilespmem:$0x10100] =	vst v63  }
0x139: {  	_ =	swait.ge [sflag:s18], $0x8000  }
0x13a: {  	[sflag:s18] =	ssyncset.done $0x0  }
0x13b: {  	s1 =	simm.s32 $0x80;
	s3 =	rddreg [dreg:$0x8];
	[sflag:s18] =	ssyncadd.s32 $0xFFFF8000  }
0x13c: {  	[tilespmem:s1], [sflag:$0x5] =	stream.linear.gather [hbm4b:s3+s2], $0x80, $0x38;
	[tilespmem:$0x10100] =	vst v63  }
0x13d: {  	_ =	swait.ge [sflag:s6], $0x80  }
0x13e: {  	[sflag:s6] =	ssyncset.done $0x0  }
0x13f: {  	s7 =	rddreg [dreg:$0x9];
	[sflag:s6] =	ssyncadd.s32 $0xFFFFFF80  }
0x140: {  	[tilespmem:s25], [sflag:$0x2] =	stream.linear.gather [hbm4b:s7+s2], $0x8000, $0x38;
	[tilespmem:$0x10100] =	vst v63  }
0x141: {  	_ =	swait.ge [sflag:s26], $0x8000  }
0x142: {  	[sflag:s26] =	ssyncset.done $0x0  }
0x143: {  	[sflag:s26] =	ssyncadd.s32 $0xFFFF8000  }
0x144: {  	v3 =	vld [tilespmem:$0x80];
	_ =	sdelay $0x4  }
0x145: {  	v24 =	vshll.u32 v3, $0x1  }
0x146: {  	v3 =	vand.u32 $0x7, v3;
	v4 =	vand.u32 $0xFFFFFFF0, v24  }
0x147: {  	v3 =	vor.u32 v3, v4  }
0x148: {  	v4 =	vperm.xlane v3, v0;
	_ =	sdelay $0x1  }
0x149: {  	v3 =	vperm.xlane v3, v2;
	v4 =	vadd.s32 v1, v4;
	_ =	sdelay $0x1  }
0x14a: {  	v3 =	vadd.s32 v1, v3;
	_ =	sdelay $0x2  }
0x14b: {  	[hbm4b:s4+s2] =	stream.indirect_vreg.scatter [tilespmem:s25], [sflag:$0x4], $0x80, v4, vm0, $0xb8;
	[tilespmem:$0x10100] =	vst v63  }
0x14c: {  	s3 =	simm.s32 $0x8900  }
0x14d: {  	[hbm4b:s4+s2] =	stream.indirect_vreg.scatter [tilespmem:s3], [sflag:$0x4], $0x80, v3, vm0, $0xb8;
	[tilespmem:$0x10100] =	vst v63  }
0x14e: {  	v3 =	vld [tilespmem:$0x90];
	_ =	sdelay $0x4  }
0x14f: {  	v25 =	vshll.u32 v3, $0x1  }
0x150: {  	v3 =	vand.u32 $0x7, v3;
	v4 =	vand.u32 $0xFFFFFFF0, v25  }
0x151: {  	v3 =	vor.u32 v3, v4  }
0x152: {  	v4 =	vperm.xlane v3, v0;
	_ =	sdelay $0x1  }
0x153: {  	v3 =	vperm.xlane v3, v2;
	v4 =	vadd.s32 v1, v4;
	_ =	sdelay $0x1  }
0x154: {  	v3 =	vadd.s32 v1, v3;
	_ =	sdelay $0x1  }
0x155: {  	s0 =	simm.s32 $0x9100  }
0x156: {  	[hbm4b:s4+s2] =	stream.indirect_vreg.scatter [tilespmem:s0], [sflag:$0x4], $0x80, v4, vm0, $0xb8;
	[tilespmem:$0x10100] =	vst v63  }
0x157: {  	s7 =	simm.s32 $0x9900  }
0x158: {  	[hbm4b:s4+s2] =	stream.indirect_vreg.scatter [tilespmem:s7], [sflag:$0x4], $0x80, v3, vm0, $0xb8;
	[tilespmem:$0x10100] =	vst v63  }
0x159: {  	v3 =	vld [tilespmem:$0xA0];
	_ =	sdelay $0x4  }
0x15a: {  	v26 =	vshll.u32 v3, $0x1  }
0x15b: {  	v3 =	vand.u32 $0x7, v3;
	v4 =	vand.u32 $0xFFFFFFF0, v26  }
0x15c: {  	v3 =	vor.u32 v3, v4  }
0x15d: {  	v4 =	vperm.xlane v3, v0;
	_ =	sdelay $0x1  }
0x15e: {  	v3 =	vperm.xlane v3, v2;
	v4 =	vadd.s32 v1, v4;
	_ =	sdelay $0x1  }
0x15f: {  	v3 =	vadd.s32 v1, v3;
	_ =	sdelay $0x1  }
0x160: {  	s29 =	simm.s32 $0xA100  }
0x161: {  	[hbm4b:s4+s2] =	stream.indirect_vreg.scatter [tilespmem:s29], [sflag:$0x4], $0x80, v4, vm0, $0xb8;
	[tilespmem:$0x10100] =	vst v63  }
0x162: {  	s22 =	simm.s32 $0xA900  }
0x163: {  	[hbm4b:s4+s2] =	stream.indirect_vreg.scatter [tilespmem:s22], [sflag:$0x4], $0x80, v3, vm0, $0xb8;
	[tilespmem:$0x10100] =	vst v63  }
0x164: {  	v3 =	vld [tilespmem:$0xB0];
	_ =	sdelay $0x4  }
0x165: {  	v27 =	vshll.u32 v3, $0x1  }
0x166: {  	v3 =	vand.u32 $0x7, v3;
	v4 =	vand.u32 $0xFFFFFFF0, v27  }
0x167: {  	v3 =	vor.u32 v3, v4  }
0x168: {  	v4 =	vperm.xlane v3, v0;
	_ =	sdelay $0x1  }
0x169: {  	v3 =	vperm.xlane v3, v2;
	v4 =	vadd.s32 v1, v4;
	_ =	sdelay $0x1  }
0x16a: {  	v3 =	vadd.s32 v1, v3;
	_ =	sdelay $0x1  }
0x16b: {  	s24 =	simm.s32 $0xB100  }
0x16c: {  	[hbm4b:s4+s2] =	stream.indirect_vreg.scatter [tilespmem:s24], [sflag:$0x4], $0x80, v4, vm0, $0xb8;
	[tilespmem:$0x10100] =	vst v63  }
0x16d: {  	s23 =	simm.s32 $0xB900  }
0x16e: {  	[hbm4b:s4+s2] =	stream.indirect_vreg.scatter [tilespmem:s23], [sflag:$0x4], $0x80, v3, vm0, $0xb8;
	[tilespmem:$0x10100] =	vst v63  }
0x16f: {  	v3 =	vld [tilespmem:$0xC0];
	_ =	sdelay $0x4  }
0x170: {  	v28 =	vshll.u32 v3, $0x1  }
0x171: {  	v3 =	vand.u32 $0x7, v3;
	v4 =	vand.u32 $0xFFFFFFF0, v28  }
0x172: {  	v3 =	vor.u32 v3, v4  }
0x173: {  	v4 =	vperm.xlane v3, v0;
	_ =	sdelay $0x1  }
0x174: {  	v3 =	vperm.xlane v3, v2;
	v4 =	vadd.s32 v1, v4;
	_ =	sdelay $0x1  }
0x175: {  	v3 =	vadd.s32 v1, v3;
	_ =	sdelay $0x1  }
0x176: {  	s23 =	simm.s32 $0xC100  }
0x177: {  	[hbm4b:s4+s2] =	stream.indirect_vreg.scatter [tilespmem:s23], [sflag:$0x4], $0x80, v4, vm0, $0xb8;
	[tilespmem:$0x10100] =	vst v63  }
0x178: {  	s15 =	simm.s32 $0xC900  }
0x179: {  	[hbm4b:s4+s2] =	stream.indirect_vreg.scatter [tilespmem:s15], [sflag:$0x4], $0x80, v3, vm0, $0xb8;
	[tilespmem:$0x10100] =	vst v63  }
0x17a: {  	v3 =	vld [tilespmem:$0xD0];
	_ =	sdelay $0x4  }
0x17b: {  	v29 =	vshll.u32 v3, $0x1  }
0x17c: {  	v3 =	vand.u32 $0x7, v3;
	v4 =	vand.u32 $0xFFFFFFF0, v29  }
0x17d: {  	v3 =	vor.u32 v3, v4  }
0x17e: {  	v4 =	vperm.xlane v3, v0;
	_ =	sdelay $0x1  }
0x17f: {  	v3 =	vperm.xlane v3, v2;
	v4 =	vadd.s32 v1, v4;
	_ =	sdelay $0x1  }
0x180: {  	v3 =	vadd.s32 v1, v3;
	_ =	sdelay $0x1  }
0x181: {  	s22 =	simm.s32 $0xD100  }
0x182: {  	[hbm4b:s4+s2] =	stream.indirect_vreg.scatter [tilespmem:s22], [sflag:$0x4], $0x80, v4, vm0, $0xb8;
	[tilespmem:$0x10100] =	vst v63  }
0x183: {  	s16 =	simm.s32 $0xD900  }
0x184: {  	[hbm4b:s4+s2] =	stream.indirect_vreg.scatter [tilespmem:s16], [sflag:$0x4], $0x80, v3, vm0, $0xb8;
	[tilespmem:$0x10100] =	vst v63  }
0x185: {  	v3 =	vld [tilespmem:$0xE0];
	_ =	sdelay $0x4  }
0x186: {  	v30 =	vshll.u32 v3, $0x1  }
0x187: {  	v3 =	vand.u32 $0x7, v3;
	v4 =	vand.u32 $0xFFFFFFF0, v30  }
0x188: {  	v3 =	vor.u32 v3, v4  }
0x189: {  	v4 =	vperm.xlane v3, v0;
	_ =	sdelay $0x1  }
0x18a: {  	v3 =	vperm.xlane v3, v2;
	v4 =	vadd.s32 v1, v4;
	_ =	sdelay $0x1  }
0x18b: {  	v3 =	vadd.s32 v1, v3;
	_ =	sdelay $0x1  }
0x18c: {  	s19 =	simm.s32 $0xE100  }
0x18d: {  	[hbm4b:s4+s2] =	stream.indirect_vreg.scatter [tilespmem:s19], [sflag:$0x4], $0x80, v4, vm0, $0xb8;
	[tilespmem:$0x10100] =	vst v63  }
0x18e: {  	s20 =	simm.s32 $0xE900  }
0x18f: {  	[hbm4b:s4+s2] =	stream.indirect_vreg.scatter [tilespmem:s20], [sflag:$0x4], $0x80, v3, vm0, $0xb8;
	[tilespmem:$0x10100] =	vst v63  }
0x190: {  	v3 =	vld [tilespmem:$0xF0];
	_ =	sdelay $0x4  }
0x191: {  	v31 =	vshll.u32 v3, $0x1  }
0x192: {  	v3 =	vand.u32 $0x7, v3;
	v4 =	vand.u32 $0xFFFFFFF0, v31  }
0x193: {  	v3 =	vor.u32 v3, v4  }
0x194: {  	v4 =	vperm.xlane v3, v0;
	_ =	sdelay $0x1  }
0x195: {  	v3 =	vperm.xlane v3, v2;
	v4 =	vadd.s32 v1, v4;
	_ =	sdelay $0x1  }
0x196: {  	v3 =	vadd.s32 v1, v3;
	_ =	sdelay $0x1  }
0x197: {  	s20 =	simm.s32 $0xF100  }
0x198: {  	[hbm4b:s4+s2] =	stream.indirect_vreg.scatter [tilespmem:s20], [sflag:$0x4], $0x80, v4, vm0, $0xb8;
	[tilespmem:$0x10100] =	vst v63  }
0x199: {  	s21 =	simm.s32 $0xF900  }
0x19a: {  	[hbm4b:s4+s2] =	stream.indirect_vreg.scatter [tilespmem:s21], [sflag:$0x4], $0x80, v3, vm0, $0xb8;
	[tilespmem:$0x10100] =	vst v63  }
0x19b: {  	_ =	swait.ge [sflag:s17], $0x8000  }
0x19c: {  	[sflag:s17] =	ssyncset.done $0x0  }
0x19d: {  	s21 =	rddreg [dreg:$0xa];
	[sflag:s17] =	ssyncadd.s32 $0xFFFF8000  }
0x19e: {  	[tilespmem:s2], [sflag:$0x5] =	stream.linear.gather [hbm4b:s21+s2], $0x80, $0x38;
	[tilespmem:$0x10100] =	vst v63  }
0x19f: {  	_ =	swait.ge [sflag:s6], $0x80  }
0x1a0: {  	[sflag:s6] =	ssyncset.done $0x0  }
0x1a1: {  	s22 =	rddreg [dreg:$0xb];
	[sflag:s6] =	ssyncadd.s32 $0xFFFFFF80  }
0x1a2: {  	[tilespmem:s30], [sflag:$0x1] =	stream.linear.gather [hbm4b:s22+s2], $0x8000, $0x38;
	[tilespmem:$0x10100] =	vst v63  }
0x1a3: {  	_ =	swait.ge [sflag:s8], $0x8000  }
0x1a4: {  	[sflag:s8] =	ssyncset.done $0x0  }
0x1a5: {  	[sflag:s8] =	ssyncadd.s32 $0xFFFF8000  }
0x1a6: {  	v3 =	vld [tilespmem:$0x0];
	_ =	sdelay $0x4  }
0x1a7: {  	v32 =	vshll.u32 v3, $0x1  }
0x1a8: {  	v3 =	vand.u32 $0x7, v3;
	v4 =	vand.u32 $0xFFFFFFF0, v32  }
0x1a9: {  	v3 =	vor.u32 v3, v4  }
0x1aa: {  	v4 =	vperm.xlane v3, v0;
	_ =	sdelay $0x1  }
0x1ab: {  	v3 =	vperm.xlane v3, v2;
	v4 =	vadd.s32 v1, v4;
	_ =	sdelay $0x1  }
0x1ac: {  	v3 =	vadd.s32 v1, v3;
	_ =	sdelay $0x2  }
0x1ad: {  	[hbm4b:s4+s2] =	stream.indirect_vreg.scatter [tilespmem:s30], [sflag:$0x3], $0x80, v4, vm0, $0xb8;
	[tilespmem:$0x10100] =	vst v63  }
0x1ae: {  	s21 =	simm.s32 $0x900  }
0x1af: {  	[hbm4b:s4+s2] =	stream.indirect_vreg.scatter [tilespmem:s21], [sflag:$0x3], $0x80, v3, vm0, $0xb8;
	[tilespmem:$0x10100] =	vst v63  }
0x1b0: {  	v3 =	vld [tilespmem:$0x10];
	_ =	sdelay $0x4  }
0x1b1: {  	v33 =	vshll.u32 v3, $0x1  }
0x1b2: {  	v3 =	vand.u32 $0x7, v3;
	v4 =	vand.u32 $0xFFFFFFF0, v33  }
0x1b3: {  	v3 =	vor.u32 v3, v4  }
0x1b4: {  	v4 =	vperm.xlane v3, v0;
	_ =	sdelay $0x1  }
0x1b5: {  	v3 =	vperm.xlane v3, v2;
	v4 =	vadd.s32 v1, v4;
	_ =	sdelay $0x1  }
0x1b6: {  	v3 =	vadd.s32 v1, v3;
	_ =	sdelay $0x1  }
0x1b7: {  	s22 =	simm.s32 $0x1100  }
0x1b8: {  	[hbm4b:s4+s2] =	stream.indirect_vreg.scatter [tilespmem:s22], [sflag:$0x3], $0x80, v4, vm0, $0xb8;
	[tilespmem:$0x10100] =	vst v63  }
0x1b9: {  	_ = 	snop  }
0x1ba: {  	[hbm4b:s4+s2] =	stream.indirect_vreg.scatter [tilespmem:s28], [sflag:$0x3], $0x80, v3, vm0, $0xb8;
	[tilespmem:$0x10100] =	vst v63  }
0x1bb: {  	v3 =	vld [tilespmem:$0x20];
	_ =	sdelay $0x4  }
0x1bc: {  	v34 =	vshll.u32 v3, $0x1  }
0x1bd: {  	v3 =	vand.u32 $0x7, v3;
	v4 =	vand.u32 $0xFFFFFFF0, v34  }
0x1be: {  	v3 =	vor.u32 v3, v4  }
0x1bf: {  	v4 =	vperm.xlane v3, v0;
	_ =	sdelay $0x1  }
0x1c0: {  	v3 =	vperm.xlane v3, v2;
	v4 =	vadd.s32 v1, v4;
	_ =	sdelay $0x1  }
0x1c1: {  	v3 =	vadd.s32 v1, v3;
	_ =	sdelay $0x1  }
0x1c2: {  	s28 =	simm.s32 $0x2100  }
0x1c3: {  	[hbm4b:s4+s2] =	stream.indirect_vreg.scatter [tilespmem:s28], [sflag:$0x3], $0x80, v4, vm0, $0xb8;
	[tilespmem:$0x10100] =	vst v63  }
0x1c4: {  	_ = 	snop  }
0x1c5: {  	[hbm4b:s4+s2] =	stream.indirect_vreg.scatter [tilespmem:s31], [sflag:$0x3], $0x80, v3, vm0, $0xb8;
	[tilespmem:$0x10100] =	vst v63  }
0x1c6: {  	v3 =	vld [tilespmem:$0x30];
	_ =	sdelay $0x4  }
0x1c7: {  	v35 =	vshll.u32 v3, $0x1  }
0x1c8: {  	v3 =	vand.u32 $0x7, v3;
	v4 =	vand.u32 $0xFFFFFFF0, v35  }
0x1c9: {  	v3 =	vor.u32 v3, v4  }
0x1ca: {  	v4 =	vperm.xlane v3, v0;
	_ =	sdelay $0x1  }
0x1cb: {  	v3 =	vperm.xlane v3, v2;
	v4 =	vadd.s32 v1, v4;
	_ =	sdelay $0x1  }
0x1cc: {  	v3 =	vadd.s32 v1, v3;
	_ =	sdelay $0x1  }
0x1cd: {  	s31 =	simm.s32 $0x3100  }
0x1ce: {  	[hbm4b:s4+s2] =	stream.indirect_vreg.scatter [tilespmem:s31], [sflag:$0x3], $0x80, v4, vm0, $0xb8;
	[tilespmem:$0x10100] =	vst v63  }
0x1cf: {  	s28 =	simm.s32 $0x3900  }
0x1d0: {  	[hbm4b:s4+s2] =	stream.indirect_vreg.scatter [tilespmem:s28], [sflag:$0x3], $0x80, v3, vm0, $0xb8;
	[tilespmem:$0x10100] =	vst v63  }
0x1d1: {  	v3 =	vld [tilespmem:$0x40];
	_ =	sdelay $0x4  }
0x1d2: {  	v36 =	vshll.u32 v3, $0x1  }
0x1d3: {  	v3 =	vand.u32 $0x7, v3;
	v4 =	vand.u32 $0xFFFFFFF0, v36  }
0x1d4: {  	v3 =	vor.u32 v3, v4  }
0x1d5: {  	v4 =	vperm.xlane v3, v0;
	_ =	sdelay $0x1  }
0x1d6: {  	v3 =	vperm.xlane v3, v2;
	v4 =	vadd.s32 v1, v4;
	_ =	sdelay $0x1  }
0x1d7: {  	v3 =	vadd.s32 v1, v3;
	_ =	sdelay $0x1  }
0x1d8: {  	s31 =	simm.s32 $0x4100  }
0x1d9: {  	[hbm4b:s4+s2] =	stream.indirect_vreg.scatter [tilespmem:s31], [sflag:$0x3], $0x80, v4, vm0, $0xb8;
	[tilespmem:$0x10100] =	vst v63  }
0x1da: {  	s28 =	simm.s32 $0x4900  }
0x1db: {  	[hbm4b:s4+s2] =	stream.indirect_vreg.scatter [tilespmem:s28], [sflag:$0x3], $0x80, v3, vm0, $0xb8;
	[tilespmem:$0x10100] =	vst v63  }
0x1dc: {  	v3 =	vld [tilespmem:$0x50];
	_ =	sdelay $0x4  }
0x1dd: {  	v37 =	vshll.u32 v3, $0x1  }
0x1de: {  	v3 =	vand.u32 $0x7, v3;
	v4 =	vand.u32 $0xFFFFFFF0, v37  }
0x1df: {  	v3 =	vor.u32 v3, v4  }
0x1e0: {  	v4 =	vperm.xlane v3, v0;
	_ =	sdelay $0x1  }
0x1e1: {  	v3 =	vperm.xlane v3, v2;
	v4 =	vadd.s32 v1, v4;
	_ =	sdelay $0x1  }
0x1e2: {  	v3 =	vadd.s32 v1, v3;
	_ =	sdelay $0x2  }
0x1e3: {  	[hbm4b:s4+s2] =	stream.indirect_vreg.scatter [tilespmem:s9], [sflag:$0x3], $0x80, v4, vm0, $0xb8;
	[tilespmem:$0x10100] =	vst v63  }
0x1e4: {  	_ = 	snop  }
0x1e5: {  	[hbm4b:s4+s2] =	stream.indirect_vreg.scatter [tilespmem:s11], [sflag:$0x3], $0x80, v3, vm0, $0xb8;
	[tilespmem:$0x10100] =	vst v63  }
0x1e6: {  	v3 =	vld [tilespmem:$0x60];
	_ =	sdelay $0x4  }
0x1e7: {  	v38 =	vshll.u32 v3, $0x1  }
0x1e8: {  	v3 =	vand.u32 $0x7, v3;
	v4 =	vand.u32 $0xFFFFFFF0, v38  }
0x1e9: {  	v3 =	vor.u32 v3, v4  }
0x1ea: {  	v4 =	vperm.xlane v3, v0;
	_ =	sdelay $0x1  }
0x1eb: {  	v3 =	vperm.xlane v3, v2;
	v4 =	vadd.s32 v1, v4;
	_ =	sdelay $0x1  }
0x1ec: {  	v3 =	vadd.s32 v1, v3;
	_ =	sdelay $0x2  }
0x1ed: {  	[hbm4b:s4+s2] =	stream.indirect_vreg.scatter [tilespmem:s10], [sflag:$0x3], $0x80, v4, vm0, $0xb8;
	[tilespmem:$0x10100] =	vst v63  }
0x1ee: {  	_ = 	snop  }
0x1ef: {  	[hbm4b:s4+s2] =	stream.indirect_vreg.scatter [tilespmem:s12], [sflag:$0x3], $0x80, v3, vm0, $0xb8;
	[tilespmem:$0x10100] =	vst v63  }
0x1f0: {  	v3 =	vld [tilespmem:$0x70];
	_ =	sdelay $0x4  }
0x1f1: {  	v39 =	vshll.u32 v3, $0x1  }
0x1f2: {  	v3 =	vand.u32 $0x7, v3;
	v4 =	vand.u32 $0xFFFFFFF0, v39  }
0x1f3: {  	v3 =	vor.u32 v3, v4  }
0x1f4: {  	v4 =	vperm.xlane v3, v0;
	_ =	sdelay $0x1  }
0x1f5: {  	v3 =	vperm.xlane v3, v2;
	v4 =	vadd.s32 v1, v4;
	_ =	sdelay $0x1  }
0x1f6: {  	v3 =	vadd.s32 v1, v3;
	_ =	sdelay $0x2  }
0x1f7: {  	[hbm4b:s4+s2] =	stream.indirect_vreg.scatter [tilespmem:s13], [sflag:$0x3], $0x80, v4, vm0, $0xb8;
	[tilespmem:$0x10100] =	vst v63  }
0x1f8: {  	_ = 	snop  }
0x1f9: {  	[hbm4b:s4+s2] =	stream.indirect_vreg.scatter [tilespmem:s14], [sflag:$0x3], $0x80, v3, vm0, $0xb8;
	[tilespmem:$0x10100] =	vst v63  }
0x1fa: {  	_ =	swait.ge [sflag:s18], $0x8000  }
0x1fb: {  	[sflag:s18] =	ssyncset.done $0x0  }
0x1fc: {  	s31 =	rddreg [dreg:$0xc];
	[sflag:s18] =	ssyncadd.s32 $0xFFFF8000  }
0x1fd: {  	[tilespmem:s1], [sflag:$0x5] =	stream.linear.gather [hbm4b:s31+s2], $0x80, $0x38;
	[tilespmem:$0x10100] =	vst v63  }
0x1fe: {  	_ =	swait.ge [sflag:s6], $0x80  }
0x1ff: {  	[sflag:s6] =	ssyncset.done $0x0  }
0x200: {  	s28 =	rddreg [dreg:$0xd];
	[sflag:s6] =	ssyncadd.s32 $0xFFFFFF80  }
0x201: {  	[tilespmem:s25], [sflag:$0x2] =	stream.linear.gather [hbm4b:s28+s2], $0x8000, $0x38;
	[tilespmem:$0x10100] =	vst v63  }
0x202: {  	_ =	swait.ge [sflag:s26], $0x8000  }
0x203: {  	[sflag:s26] =	ssyncset.done $0x0  }
0x204: {  	[sflag:s26] =	ssyncadd.s32 $0xFFFF8000  }
0x205: {  	v3 =	vld [tilespmem:$0x80];
	_ =	sdelay $0x4  }
0x206: {  	v40 =	vshll.u32 v3, $0x1  }
0x207: {  	v3 =	vand.u32 $0x7, v3;
	v4 =	vand.u32 $0xFFFFFFF0, v40  }
0x208: {  	v3 =	vor.u32 v3, v4  }
0x209: {  	v4 =	vperm.xlane v3, v0;
	_ =	sdelay $0x1  }
0x20a: {  	v3 =	vperm.xlane v3, v2;
	v4 =	vadd.s32 v1, v4;
	_ =	sdelay $0x1  }
0x20b: {  	v3 =	vadd.s32 v1, v3;
	_ =	sdelay $0x2  }
0x20c: {  	[hbm4b:s4+s2] =	stream.indirect_vreg.scatter [tilespmem:s25], [sflag:$0x4], $0x80, v4, vm0, $0xb8;
	[tilespmem:$0x10100] =	vst v63  }
0x20d: {  	_ = 	snop  }
0x20e: {  	[hbm4b:s4+s2] =	stream.indirect_vreg.scatter [tilespmem:s3], [sflag:$0x4], $0x80, v3, vm0, $0xb8;
	[tilespmem:$0x10100] =	vst v63  }
0x20f: {  	v3 =	vld [tilespmem:$0x90];
	_ =	sdelay $0x4  }
0x210: {  	v41 =	vshll.u32 v3, $0x1  }
0x211: {  	v3 =	vand.u32 $0x7, v3;
	v4 =	vand.u32 $0xFFFFFFF0, v41  }
0x212: {  	v3 =	vor.u32 v3, v4  }
0x213: {  	v4 =	vperm.xlane v3, v0;
	_ =	sdelay $0x1  }
0x214: {  	v3 =	vperm.xlane v3, v2;
	v4 =	vadd.s32 v1, v4;
	_ =	sdelay $0x1  }
0x215: {  	v3 =	vadd.s32 v1, v3;
	_ =	sdelay $0x2  }
0x216: {  	[hbm4b:s4+s2] =	stream.indirect_vreg.scatter [tilespmem:s0], [sflag:$0x4], $0x80, v4, vm0, $0xb8;
	[tilespmem:$0x10100] =	vst v63  }
0x217: {  	_ = 	snop  }
0x218: {  	[hbm4b:s4+s2] =	stream.indirect_vreg.scatter [tilespmem:s7], [sflag:$0x4], $0x80, v3, vm0, $0xb8;
	[tilespmem:$0x10100] =	vst v63  }
0x219: {  	v3 =	vld [tilespmem:$0xA0];
	_ =	sdelay $0x4  }
0x21a: {  	v42 =	vshll.u32 v3, $0x1  }
0x21b: {  	v3 =	vand.u32 $0x7, v3;
	v4 =	vand.u32 $0xFFFFFFF0, v42  }
0x21c: {  	v3 =	vor.u32 v3, v4  }
0x21d: {  	v4 =	vperm.xlane v3, v0;
	_ =	sdelay $0x1  }
0x21e: {  	v3 =	vperm.xlane v3, v2;
	v4 =	vadd.s32 v1, v4;
	_ =	sdelay $0x1  }
0x21f: {  	v3 =	vadd.s32 v1, v3;
	_ =	sdelay $0x1  }
0x220: {  	s29 =	simm.s32 $0xA100  }
0x221: {  	[hbm4b:s4+s2] =	stream.indirect_vreg.scatter [tilespmem:s29], [sflag:$0x4], $0x80, v4, vm0, $0xb8;
	[tilespmem:$0x10100] =	vst v63  }
0x222: {  	s29 =	simm.s32 $0xA900  }
0x223: {  	[hbm4b:s4+s2] =	stream.indirect_vreg.scatter [tilespmem:s29], [sflag:$0x4], $0x80, v3, vm0, $0xb8;
	[tilespmem:$0x10100] =	vst v63  }
0x224: {  	v3 =	vld [tilespmem:$0xB0];
	_ =	sdelay $0x4  }
0x225: {  	v43 =	vshll.u32 v3, $0x1  }
0x226: {  	v3 =	vand.u32 $0x7, v3;
	v4 =	vand.u32 $0xFFFFFFF0, v43  }
0x227: {  	v3 =	vor.u32 v3, v4  }
0x228: {  	v4 =	vperm.xlane v3, v0;
	_ =	sdelay $0x1  }
0x229: {  	v3 =	vperm.xlane v3, v2;
	v4 =	vadd.s32 v1, v4;
	_ =	sdelay $0x1  }
0x22a: {  	v3 =	vadd.s32 v1, v3;
	_ =	sdelay $0x1  }
0x22b: {  	s24 =	simm.s32 $0xB100  }
0x22c: {  	[hbm4b:s4+s2] =	stream.indirect_vreg.scatter [tilespmem:s24], [sflag:$0x4], $0x80, v4, vm0, $0xb8;
	[tilespmem:$0x10100] =	vst v63  }
0x22d: {  	s28 =	simm.s32 $0xB900  }
0x22e: {  	[hbm4b:s4+s2] =	stream.indirect_vreg.scatter [tilespmem:s28], [sflag:$0x4], $0x80, v3, vm0, $0xb8;
	[tilespmem:$0x10100] =	vst v63  }
0x22f: {  	v3 =	vld [tilespmem:$0xC0];
	_ =	sdelay $0x4  }
0x230: {  	v44 =	vshll.u32 v3, $0x1  }
0x231: {  	v3 =	vand.u32 $0x7, v3;
	v4 =	vand.u32 $0xFFFFFFF0, v44  }
0x232: {  	v3 =	vor.u32 v3, v4  }
0x233: {  	v4 =	vperm.xlane v3, v0;
	_ =	sdelay $0x1  }
0x234: {  	v3 =	vperm.xlane v3, v2;
	v4 =	vadd.s32 v1, v4;
	_ =	sdelay $0x1  }
0x235: {  	v3 =	vadd.s32 v1, v3;
	_ =	sdelay $0x1  }
0x236: {  	s23 =	simm.s32 $0xC100  }
0x237: {  	[hbm4b:s4+s2] =	stream.indirect_vreg.scatter [tilespmem:s23], [sflag:$0x4], $0x80, v4, vm0, $0xb8;
	[tilespmem:$0x10100] =	vst v63  }
0x238: {  	s23 =	simm.s32 $0xC900  }
0x239: {  	[hbm4b:s4+s2] =	stream.indirect_vreg.scatter [tilespmem:s23], [sflag:$0x4], $0x80, v3, vm0, $0xb8;
	[tilespmem:$0x10100] =	vst v63  }
0x23a: {  	v3 =	vld [tilespmem:$0xD0];
	_ =	sdelay $0x4  }
0x23b: {  	v45 =	vshll.u32 v3, $0x1  }
0x23c: {  	v3 =	vand.u32 $0x7, v3;
	v4 =	vand.u32 $0xFFFFFFF0, v45  }
0x23d: {  	v3 =	vor.u32 v3, v4  }
0x23e: {  	v4 =	vperm.xlane v3, v0;
	_ =	sdelay $0x1  }
0x23f: {  	v3 =	vperm.xlane v3, v2;
	v4 =	vadd.s32 v1, v4;
	_ =	sdelay $0x1  }
0x240: {  	v3 =	vadd.s32 v1, v3;
	_ =	sdelay $0x1  }
0x241: {  	s15 =	simm.s32 $0xD100  }
0x242: {  	[hbm4b:s4+s2] =	stream.indirect_vreg.scatter [tilespmem:s15], [sflag:$0x4], $0x80, v4, vm0, $0xb8;
	[tilespmem:$0x10100] =	vst v63  }
0x243: {  	s19 =	simm.s32 $0xD900  }
0x244: {  	[hbm4b:s4+s2] =	stream.indirect_vreg.scatter [tilespmem:s19], [sflag:$0x4], $0x80, v3, vm0, $0xb8;
	[tilespmem:$0x10100] =	vst v63  }
0x245: {  	v3 =	vld [tilespmem:$0xE0];
	_ =	sdelay $0x4  }
0x246: {  	v46 =	vshll.u32 v3, $0x1  }
0x247: {  	v3 =	vand.u32 $0x7, v3;
	v4 =	vand.u32 $0xFFFFFFF0, v46  }
0x248: {  	v3 =	vor.u32 v3, v4  }
0x249: {  	v4 =	vperm.xlane v3, v0;
	_ =	sdelay $0x1  }
0x24a: {  	v3 =	vperm.xlane v3, v2;
	v4 =	vadd.s32 v1, v4;
	_ =	sdelay $0x1  }
0x24b: {  	v3 =	vadd.s32 v1, v3;
	_ =	sdelay $0x1  }
0x24c: {  	s16 =	simm.s32 $0xE100  }
0x24d: {  	[hbm4b:s4+s2] =	stream.indirect_vreg.scatter [tilespmem:s16], [sflag:$0x4], $0x80, v4, vm0, $0xb8;
	[tilespmem:$0x10100] =	vst v63  }
0x24e: {  	s19 =	simm.s32 $0xE900  }
0x24f: {  	[hbm4b:s4+s2] =	stream.indirect_vreg.scatter [tilespmem:s19], [sflag:$0x4], $0x80, v3, vm0, $0xb8;
	[tilespmem:$0x10100] =	vst v63  }
0x250: {  	v3 =	vld [tilespmem:$0xF0];
	_ =	sdelay $0x4  }
0x251: {  	v47 =	vshll.u32 v3, $0x1  }
0x252: {  	v3 =	vand.u32 $0x7, v3;
	v4 =	vand.u32 $0xFFFFFFF0, v47  }
0x253: {  	v3 =	vor.u32 v3, v4  }
0x254: {  	v4 =	vperm.xlane v3, v0;
	_ =	sdelay $0x1  }
0x255: {  	v3 =	vperm.xlane v3, v2;
	v4 =	vadd.s32 v1, v4;
	_ =	sdelay $0x1  }
0x256: {  	v3 =	vadd.s32 v1, v3;
	_ =	sdelay $0x1  }
0x257: {  	s20 =	simm.s32 $0xF100  }
0x258: {  	[hbm4b:s4+s2] =	stream.indirect_vreg.scatter [tilespmem:s20], [sflag:$0x4], $0x80, v4, vm0, $0xb8;
	[tilespmem:$0x10100] =	vst v63  }
0x259: {  	s20 =	simm.s32 $0xF900  }
0x25a: {  	[hbm4b:s4+s2] =	stream.indirect_vreg.scatter [tilespmem:s20], [sflag:$0x4], $0x80, v3, vm0, $0xb8;
	[tilespmem:$0x10100] =	vst v63  }
0x25b: {  	_ =	swait.ge [sflag:s17], $0x8000  }
0x25c: {  	[sflag:s17] =	ssyncset.done $0x0  }
0x25d: {  	s19 =	rddreg [dreg:$0xe];
	[sflag:s17] =	ssyncadd.s32 $0xFFFF8000  }
0x25e: {  	[tilespmem:s2], [sflag:$0x5] =	stream.linear.gather [hbm4b:s19+s2], $0x80, $0x38;
	[tilespmem:$0x10100] =	vst v63  }
0x25f: {  	_ =	swait.ge [sflag:s6], $0x80  }
0x260: {  	[sflag:s6] =	ssyncset.done $0x0  }
0x261: {  	s19 =	rddreg [dreg:$0xf];
	[sflag:s6] =	ssyncadd.s32 $0xFFFFFF80  }
0x262: {  	[tilespmem:s30], [sflag:$0x1] =	stream.linear.gather [hbm4b:s19+s2], $0x8000, $0x38;
	[tilespmem:$0x10100] =	vst v63  }
0x263: {  	_ =	swait.ge [sflag:s8], $0x8000  }
0x264: {  	[sflag:s8] =	ssyncset.done $0x0  }
0x265: {  	[sflag:s8] =	ssyncadd.s32 $0xFFFF8000  }
0x266: {  	v3 =	vld [tilespmem:$0x0];
	_ =	sdelay $0x4  }
0x267: {  	v48 =	vshll.u32 v3, $0x1  }
0x268: {  	v3 =	vand.u32 $0x7, v3;
	v4 =	vand.u32 $0xFFFFFFF0, v48  }
0x269: {  	v3 =	vor.u32 v3, v4  }
0x26a: {  	v4 =	vperm.xlane v3, v0;
	_ =	sdelay $0x1  }
0x26b: {  	v3 =	vperm.xlane v3, v2;
	v4 =	vadd.s32 v1, v4;
	_ =	sdelay $0x1  }
0x26c: {  	v3 =	vadd.s32 v1, v3;
	_ =	sdelay $0x2  }
0x26d: {  	[hbm4b:s4+s2] =	stream.indirect_vreg.scatter [tilespmem:s30], [sflag:$0x3], $0x80, v4, vm0, $0xb8;
	[tilespmem:$0x10100] =	vst v63  }
0x26e: {  	s19 =	simm.s32 $0x900  }
0x26f: {  	[hbm4b:s4+s2] =	stream.indirect_vreg.scatter [tilespmem:s19], [sflag:$0x3], $0x80, v3, vm0, $0xb8;
	[tilespmem:$0x10100] =	vst v63  }
0x270: {  	v3 =	vld [tilespmem:$0x10];
	_ =	sdelay $0x4  }
0x271: {  	v49 =	vshll.u32 v3, $0x1  }
0x272: {  	v3 =	vand.u32 $0x7, v3;
	v4 =	vand.u32 $0xFFFFFFF0, v49  }
0x273: {  	v3 =	vor.u32 v3, v4  }
0x274: {  	v4 =	vperm.xlane v3, v0;
	_ =	sdelay $0x1  }
0x275: {  	v3 =	vperm.xlane v3, v2;
	v4 =	vadd.s32 v1, v4;
	_ =	sdelay $0x1  }
0x276: {  	v3 =	vadd.s32 v1, v3;
	_ =	sdelay $0x1  }
0x277: {  	s19 =	simm.s32 $0x1100  }
0x278: {  	[hbm4b:s4+s2] =	stream.indirect_vreg.scatter [tilespmem:s19], [sflag:$0x3], $0x80, v4, vm0, $0xb8;
	[tilespmem:$0x10100] =	vst v63  }
0x279: {  	s21 =	simm.s32 $0x1900  }
0x27a: {  	[hbm4b:s4+s2] =	stream.indirect_vreg.scatter [tilespmem:s21], [sflag:$0x3], $0x80, v3, vm0, $0xb8;
	[tilespmem:$0x10100] =	vst v63  }
0x27b: {  	v3 =	vld [tilespmem:$0x20];
	_ =	sdelay $0x4  }
0x27c: {  	v50 =	vshll.u32 v3, $0x1  }
0x27d: {  	v3 =	vand.u32 $0x7, v3;
	v4 =	vand.u32 $0xFFFFFFF0, v50  }
0x27e: {  	v3 =	vor.u32 v3, v4  }
0x27f: {  	v4 =	vperm.xlane v3, v0;
	_ =	sdelay $0x1  }
0x280: {  	v3 =	vperm.xlane v3, v2;
	v4 =	vadd.s32 v1, v4;
	_ =	sdelay $0x1  }
0x281: {  	v3 =	vadd.s32 v1, v3;
	_ =	sdelay $0x1  }
0x282: {  	s21 =	simm.s32 $0x2100  }
0x283: {  	[hbm4b:s4+s2] =	stream.indirect_vreg.scatter [tilespmem:s21], [sflag:$0x3], $0x80, v4, vm0, $0xb8;
	[tilespmem:$0x10100] =	vst v63  }
0x284: {  	s22 =	simm.s32 $0x2900  }
0x285: {  	[hbm4b:s4+s2] =	stream.indirect_vreg.scatter [tilespmem:s22], [sflag:$0x3], $0x80, v3, vm0, $0xb8;
	[tilespmem:$0x10100] =	vst v63  }
0x286: {  	v3 =	vld [tilespmem:$0x30];
	_ =	sdelay $0x4  }
0x287: {  	v51 =	vshll.u32 v3, $0x1  }
0x288: {  	v3 =	vand.u32 $0x7, v3;
	v4 =	vand.u32 $0xFFFFFFF0, v51  }
0x289: {  	v3 =	vor.u32 v3, v4  }
0x28a: {  	v4 =	vperm.xlane v3, v0;
	_ =	sdelay $0x1  }
0x28b: {  	v3 =	vperm.xlane v3, v2;
	v4 =	vadd.s32 v1, v4;
	_ =	sdelay $0x1  }
0x28c: {  	v3 =	vadd.s32 v1, v3;
	_ =	sdelay $0x1  }
0x28d: {  	s21 =	simm.s32 $0x3100  }
0x28e: {  	[hbm4b:s4+s2] =	stream.indirect_vreg.scatter [tilespmem:s21], [sflag:$0x3], $0x80, v4, vm0, $0xb8;
	[tilespmem:$0x10100] =	vst v63  }
0x28f: {  	s22 =	simm.s32 $0x3900  }
0x290: {  	[hbm4b:s4+s2] =	stream.indirect_vreg.scatter [tilespmem:s22], [sflag:$0x3], $0x80, v3, vm0, $0xb8;
	[tilespmem:$0x10100] =	vst v63  }
0x291: {  	v3 =	vld [tilespmem:$0x40];
	_ =	sdelay $0x4  }
0x292: {  	v52 =	vshll.u32 v3, $0x1  }
0x293: {  	v3 =	vand.u32 $0x7, v3;
	v4 =	vand.u32 $0xFFFFFFF0, v52  }
0x294: {  	v3 =	vor.u32 v3, v4  }
0x295: {  	v4 =	vperm.xlane v3, v0;
	_ =	sdelay $0x1  }
0x296: {  	v3 =	vperm.xlane v3, v2;
	v4 =	vadd.s32 v1, v4;
	_ =	sdelay $0x1  }
0x297: {  	v3 =	vadd.s32 v1, v3;
	_ =	sdelay $0x1  }
0x298: {  	s21 =	simm.s32 $0x4100  }
0x299: {  	[hbm4b:s4+s2] =	stream.indirect_vreg.scatter [tilespmem:s21], [sflag:$0x3], $0x80, v4, vm0, $0xb8;
	[tilespmem:$0x10100] =	vst v63  }
0x29a: {  	s22 =	simm.s32 $0x4900  }
0x29b: {  	[hbm4b:s4+s2] =	stream.indirect_vreg.scatter [tilespmem:s22], [sflag:$0x3], $0x80, v3, vm0, $0xb8;
	[tilespmem:$0x10100] =	vst v63  }
0x29c: {  	v3 =	vld [tilespmem:$0x50];
	_ =	sdelay $0x4  }
0x29d: {  	v53 =	vshll.u32 v3, $0x1  }
0x29e: {  	v3 =	vand.u32 $0x7, v3;
	v4 =	vand.u32 $0xFFFFFFF0, v53  }
0x29f: {  	v3 =	vor.u32 v3, v4  }
0x2a0: {  	v4 =	vperm.xlane v3, v0;
	_ =	sdelay $0x1  }
0x2a1: {  	v3 =	vperm.xlane v3, v2;
	v4 =	vadd.s32 v1, v4;
	_ =	sdelay $0x1  }
0x2a2: {  	v3 =	vadd.s32 v1, v3;
	_ =	sdelay $0x1  }
0x2a3: {  	s9 =	simm.s32 $0x5100  }
0x2a4: {  	[hbm4b:s4+s2] =	stream.indirect_vreg.scatter [tilespmem:s9], [sflag:$0x3], $0x80, v4, vm0, $0xb8;
	[tilespmem:$0x10100] =	vst v63  }
0x2a5: {  	s11 =	simm.s32 $0x5900  }
0x2a6: {  	[hbm4b:s4+s2] =	stream.indirect_vreg.scatter [tilespmem:s11], [sflag:$0x3], $0x80, v3, vm0, $0xb8;
	[tilespmem:$0x10100] =	vst v63  }
0x2a7: {  	v3 =	vld [tilespmem:$0x60];
	_ =	sdelay $0x4  }
0x2a8: {  	v54 =	vshll.u32 v3, $0x1  }
0x2a9: {  	v3 =	vand.u32 $0x7, v3;
	v4 =	vand.u32 $0xFFFFFFF0, v54  }
0x2aa: {  	v3 =	vor.u32 v3, v4  }
0x2ab: {  	v4 =	vperm.xlane v3, v0;
	_ =	sdelay $0x1  }
0x2ac: {  	v3 =	vperm.xlane v3, v2;
	v4 =	vadd.s32 v1, v4;
	_ =	sdelay $0x1  }
0x2ad: {  	v3 =	vadd.s32 v1, v3;
	_ =	sdelay $0x1  }
0x2ae: {  	s10 =	simm.s32 $0x6100  }
0x2af: {  	[hbm4b:s4+s2] =	stream.indirect_vreg.scatter [tilespmem:s10], [sflag:$0x3], $0x80, v4, vm0, $0xb8;
	[tilespmem:$0x10100] =	vst v63  }
0x2b0: {  	s12 =	simm.s32 $0x6900  }
0x2b1: {  	[hbm4b:s4+s2] =	stream.indirect_vreg.scatter [tilespmem:s12], [sflag:$0x3], $0x80, v3, vm0, $0xb8;
	[tilespmem:$0x10100] =	vst v63  }
0x2b2: {  	v3 =	vld [tilespmem:$0x70];
	_ =	sdelay $0x4  }
0x2b3: {  	v55 =	vshll.u32 v3, $0x1  }
0x2b4: {  	v3 =	vand.u32 $0x7, v3;
	v4 =	vand.u32 $0xFFFFFFF0, v55  }
0x2b5: {  	v3 =	vor.u32 v3, v4  }
0x2b6: {  	v4 =	vperm.xlane v3, v0;
	_ =	sdelay $0x1  }
0x2b7: {  	v3 =	vperm.xlane v3, v2;
	v4 =	vadd.s32 v1, v4;
	_ =	sdelay $0x1  }
0x2b8: {  	v3 =	vadd.s32 v1, v3;
	_ =	sdelay $0x1  }
0x2b9: {  	s13 =	simm.s32 $0x7100  }
0x2ba: {  	[hbm4b:s4+s2] =	stream.indirect_vreg.scatter [tilespmem:s13], [sflag:$0x3], $0x80, v4, vm0, $0xb8;
	[tilespmem:$0x10100] =	vst v63  }
0x2bb: {  	s14 =	simm.s32 $0x7900  }
0x2bc: {  	[hbm4b:s4+s2] =	stream.indirect_vreg.scatter [tilespmem:s14], [sflag:$0x3], $0x80, v3, vm0, $0xb8;
	[tilespmem:$0x10100] =	vst v63  }
0x2bd: {  	_ =	swait.ge [sflag:s18], $0x8000  }
0x2be: {  	[sflag:s18] =	ssyncset.done $0x0  }
0x2bf: {  	s1 =	simm.s32 $0x80;
	s21 =	rddreg [dreg:$0x10];
	[sflag:s18] =	ssyncadd.s32 $0xFFFF8000  }
0x2c0: {  	[tilespmem:s1], [sflag:$0x5] =	stream.linear.gather [hbm4b:s21+s2], $0x80, $0x38;
	[tilespmem:$0x10100] =	vst v63  }
0x2c1: {  	_ =	swait.ge [sflag:s6], $0x80  }
0x2c2: {  	[sflag:s6] =	ssyncset.done $0x0  }
0x2c3: {  	s22 =	rddreg [dreg:$0x11];
	[sflag:s6] =	ssyncadd.s32 $0xFFFFFF80  }
0x2c4: {  	[tilespmem:s25], [sflag:$0x2] =	stream.linear.gather [hbm4b:s22+s2], $0x8000, $0x38;
	[tilespmem:$0x10100] =	vst v63  }
0x2c5: {  	_ =	swait.ge [sflag:s26], $0x8000  }
0x2c6: {  	[sflag:s26] =	ssyncset.done $0x0  }
0x2c7: {  	[sflag:s26] =	ssyncadd.s32 $0xFFFF8000  }
0x2c8: {  	v3 =	vld [tilespmem:$0x80];
	_ =	sdelay $0x4  }
0x2c9: {  	v56 =	vshll.u32 v3, $0x1  }
0x2ca: {  	v3 =	vand.u32 $0x7, v3;
	v4 =	vand.u32 $0xFFFFFFF0, v56  }
0x2cb: {  	v3 =	vor.u32 v3, v4  }
0x2cc: {  	v4 =	vperm.xlane v3, v0;
	_ =	sdelay $0x1  }
0x2cd: {  	v3 =	vperm.xlane v3, v2;
	v4 =	vadd.s32 v1, v4;
	_ =	sdelay $0x1  }
0x2ce: {  	v3 =	vadd.s32 v1, v3;
	_ =	sdelay $0x2  }
0x2cf: {  	[hbm4b:s4+s2] =	stream.indirect_vreg.scatter [tilespmem:s25], [sflag:$0x4], $0x80, v4, vm0, $0xb8;
	[tilespmem:$0x10100] =	vst v63  }
0x2d0: {  	s3 =	simm.s32 $0x8900  }
0x2d1: {  	[hbm4b:s4+s2] =	stream.indirect_vreg.scatter [tilespmem:s3], [sflag:$0x4], $0x80, v3, vm0, $0xb8;
	[tilespmem:$0x10100] =	vst v63  }
0x2d2: {  	v3 =	vld [tilespmem:$0x90];
	_ =	sdelay $0x4  }
0x2d3: {  	v57 =	vshll.u32 v3, $0x1  }
0x2d4: {  	v3 =	vand.u32 $0x7, v3;
	v4 =	vand.u32 $0xFFFFFFF0, v57  }
0x2d5: {  	v3 =	vor.u32 v3, v4  }
0x2d6: {  	v4 =	vperm.xlane v3, v0;
	_ =	sdelay $0x1  }
0x2d7: {  	v3 =	vperm.xlane v3, v2;
	v4 =	vadd.s32 v1, v4;
	_ =	sdelay $0x1  }
0x2d8: {  	v3 =	vadd.s32 v1, v3;
	_ =	sdelay $0x1  }
0x2d9: {  	s0 =	simm.s32 $0x9100  }
0x2da: {  	[hbm4b:s4+s2] =	stream.indirect_vreg.scatter [tilespmem:s0], [sflag:$0x4], $0x80, v4, vm0, $0xb8;
	[tilespmem:$0x10100] =	vst v63  }
0x2db: {  	s7 =	simm.s32 $0x9900  }
0x2dc: {  	[hbm4b:s4+s2] =	stream.indirect_vreg.scatter [tilespmem:s7], [sflag:$0x4], $0x80, v3, vm0, $0xb8;
	[tilespmem:$0x10100] =	vst v63  }
0x2dd: {  	v3 =	vld [tilespmem:$0xA0];
	_ =	sdelay $0x4  }
0x2de: {  	v58 =	vshll.u32 v3, $0x1  }
0x2df: {  	v3 =	vand.u32 $0x7, v3;
	v4 =	vand.u32 $0xFFFFFFF0, v58  }
0x2e0: {  	v3 =	vor.u32 v3, v4  }
0x2e1: {  	v4 =	vperm.xlane v3, v0;
	_ =	sdelay $0x1  }
0x2e2: {  	v3 =	vperm.xlane v3, v2;
	v4 =	vadd.s32 v1, v4;
	_ =	sdelay $0x1  }
0x2e3: {  	v3 =	vadd.s32 v1, v3;
	_ =	sdelay $0x1  }
0x2e4: {  	s31 =	simm.s32 $0xA100  }
0x2e5: {  	[hbm4b:s4+s2] =	stream.indirect_vreg.scatter [tilespmem:s31], [sflag:$0x4], $0x80, v4, vm0, $0xb8;
	[tilespmem:$0x10100] =	vst v63  }
0x2e6: {  	s29 =	simm.s32 $0xA900  }
0x2e7: {  	[hbm4b:s4+s2] =	stream.indirect_vreg.scatter [tilespmem:s29], [sflag:$0x4], $0x80, v3, vm0, $0xb8;
	[tilespmem:$0x10100] =	vst v63  }
0x2e8: {  	v3 =	vld [tilespmem:$0xB0];
	_ =	sdelay $0x4  }
0x2e9: {  	v59 =	vshll.u32 v3, $0x1  }
0x2ea: {  	v3 =	vand.u32 $0x7, v3;
	v4 =	vand.u32 $0xFFFFFFF0, v59  }
0x2eb: {  	v3 =	vor.u32 v3, v4  }
0x2ec: {  	v4 =	vperm.xlane v3, v0;
	_ =	sdelay $0x1  }
0x2ed: {  	v3 =	vperm.xlane v3, v2;
	v4 =	vadd.s32 v1, v4;
	_ =	sdelay $0x1  }
0x2ee: {  	v3 =	vadd.s32 v1, v3;
	_ =	sdelay $0x1  }
0x2ef: {  	s24 =	simm.s32 $0xB100  }
0x2f0: {  	[hbm4b:s4+s2] =	stream.indirect_vreg.scatter [tilespmem:s24], [sflag:$0x4], $0x80, v4, vm0, $0xb8;
	[tilespmem:$0x10100] =	vst v63  }
0x2f1: {  	s24 =	simm.s32 $0xB900  }
0x2f2: {  	[hbm4b:s4+s2] =	stream.indirect_vreg.scatter [tilespmem:s24], [sflag:$0x4], $0x80, v3, vm0, $0xb8;
	[tilespmem:$0x10100] =	vst v63  }
0x2f3: {  	v3 =	vld [tilespmem:$0xC0];
	_ =	sdelay $0x4  }
0x2f4: {  	v60 =	vshll.u32 v3, $0x1  }
0x2f5: {  	v3 =	vand.u32 $0x7, v3;
	v4 =	vand.u32 $0xFFFFFFF0, v60  }
0x2f6: {  	v3 =	vor.u32 v3, v4  }
0x2f7: {  	v4 =	vperm.xlane v3, v0;
	_ =	sdelay $0x1  }
0x2f8: {  	v3 =	vperm.xlane v3, v2;
	v4 =	vadd.s32 v1, v4;
	_ =	sdelay $0x1  }
0x2f9: {  	v3 =	vadd.s32 v1, v3;
	_ =	sdelay $0x1  }
0x2fa: {  	s28 =	simm.s32 $0xC100  }
0x2fb: {  	[hbm4b:s4+s2] =	stream.indirect_vreg.scatter [tilespmem:s28], [sflag:$0x4], $0x80, v4, vm0, $0xb8;
	[tilespmem:$0x10100] =	vst v63  }
0x2fc: {  	s28 =	simm.s32 $0xC900  }
0x2fd: {  	[hbm4b:s4+s2] =	stream.indirect_vreg.scatter [tilespmem:s28], [sflag:$0x4], $0x80, v3, vm0, $0xb8;
	[tilespmem:$0x10100] =	vst v63  }
0x2fe: {  	v3 =	vld [tilespmem:$0xD0];
	_ =	sdelay $0x4  }
0x2ff: {  	v61 =	vshll.u32 v3, $0x1  }
0x300: {  	v3 =	vand.u32 $0x7, v3;
	v4 =	vand.u32 $0xFFFFFFF0, v61  }
0x301: {  	v3 =	vor.u32 v3, v4  }
0x302: {  	v4 =	vperm.xlane v3, v0;
	_ =	sdelay $0x1  }
0x303: {  	v3 =	vperm.xlane v3, v2;
	v4 =	vadd.s32 v1, v4;
	_ =	sdelay $0x1  }
0x304: {  	v3 =	vadd.s32 v1, v3;
	_ =	sdelay $0x1  }
0x305: {  	s23 =	simm.s32 $0xD100  }
0x306: {  	[hbm4b:s4+s2] =	stream.indirect_vreg.scatter [tilespmem:s23], [sflag:$0x4], $0x80, v4, vm0, $0xb8;
	[tilespmem:$0x10100] =	vst v63  }
0x307: {  	s29 =	simm.s32 $0xD900  }
0x308: {  	[hbm4b:s4+s2] =	stream.indirect_vreg.scatter [tilespmem:s29], [sflag:$0x4], $0x80, v3, vm0, $0xb8;
	[tilespmem:$0x10100] =	vst v63  }
0x309: {  	v3 =	vld [tilespmem:$0xE0];
	_ =	sdelay $0x4  }
0x30a: {  	v62 =	vshll.u32 v3, $0x1  }
0x30b: {  	v3 =	vand.u32 $0x7, v3;
	v4 =	vand.u32 $0xFFFFFFF0, v62  }
0x30c: {  	v3 =	vor.u32 v3, v4  }
0x30d: {  	v4 =	vperm.xlane v3, v0;
	_ =	sdelay $0x1  }
0x30e: {  	v3 =	vperm.xlane v3, v2;
	v4 =	vadd.s32 v1, v4;
	_ =	sdelay $0x1  }
0x30f: {  	v3 =	vadd.s32 v1, v3;
	_ =	sdelay $0x1  }
0x310: {  	s15 =	simm.s32 $0xE100  }
0x311: {  	[hbm4b:s4+s2] =	stream.indirect_vreg.scatter [tilespmem:s15], [sflag:$0x4], $0x80, v4, vm0, $0xb8;
	[tilespmem:$0x10100] =	vst v63  }
0x312: {  	s31 =	simm.s32 $0xE900  }
0x313: {  	[hbm4b:s4+s2] =	stream.indirect_vreg.scatter [tilespmem:s31], [sflag:$0x4], $0x80, v3, vm0, $0xb8;
	[tilespmem:$0x10100] =	vst v63  }
0x314: {  	v3 =	vld [tilespmem:$0xF0];
	_ =	sdelay $0x4  }
0x315: {  	v63 =	vshll.u32 v3, $0x1  }
0x316: {  	v3 =	vand.u32 $0x7, v3;
	v4 =	vand.u32 $0xFFFFFFF0, v63  }
0x317: {  	v3 =	vor.u32 v3, v4  }
0x318: {  	v4 =	vperm.xlane v3, v0;
	_ =	sdelay $0x1  }
0x319: {  	v3 =	vperm.xlane v3, v2;
	v4 =	vadd.s32 v1, v4;
	_ =	sdelay $0x1  }
0x31a: {  	v3 =	vadd.s32 v1, v3;
	_ =	sdelay $0x1  }
0x31b: {  	s16 =	simm.s32 $0xF100  }
0x31c: {  	[hbm4b:s4+s2] =	stream.indirect_vreg.scatter [tilespmem:s16], [sflag:$0x4], $0x80, v4, vm0, $0xb8;
	[tilespmem:$0x10100] =	vst v63  }
0x31d: {  	s20 =	simm.s32 $0xF900  }
0x31e: {  	[hbm4b:s4+s2] =	stream.indirect_vreg.scatter [tilespmem:s20], [sflag:$0x4], $0x80, v3, vm0, $0xb8;
	[tilespmem:$0x10100] =	vst v63  }
0x31f: {  	p0 =	sne.s32 s5, $0x1;
	_ =	swait.ge [sflag:s17], $0x8000  }
.Ltmp0:
0x320: {  	[sflag:s17] =	ssyncset.done $0x0;
	(pc) =	sbr.rel @p0 .LBB2_1-.Ltmp0, $4  }
0x321: {  	[sflag:s17] =	ssyncadd.s32 $0xFFFF8000  }
0x322: {  	_ =	swait.ge [sflag:s18], $0x8000  }
0x323: {  	[sflag:s18] =	ssyncset.done $0x0  }
0x324: {  	s5 =	sadd.s32 $0xFFFFFFFF, s5;
	[sflag:s18] =	ssyncadd.s32 $0xFFFF8000  }
0x325: {  	_ =	sfence.sel $0x180000  }
0x326: {  	[bflag:$0x0] =	sbarrier.arrive $0xFFFF  }
0x327: {  	_ =	strace $0x90000053  }
0x328: {  	s0 =	stileid.u32;
	[bflag:$0x2] =	sbarrier.arrive $0xFFFF  }
0x329: {  	p0 =	sne.s32 s0, $0x0;
	s0 =	rddreg [dreg:$0x2]  }
0x32a: {  	s0 =	sadd.s32 @!p0 $0x100000, s0  }
0x32b: {  	[sflag:s0] =	ssyncadd.tile.s32 @!p0 $0x1;
	_ =	shalt  }
.Lfunc_end2:
_tile_overlayer_lowered:
.L_overlay_start_2:
0x32c: {  	(tag) =	ssettag $0x2  }
0x32d: {  	s0 =	rddreg [dreg:$0x0];
	s2 =	stileid.u32  }
0x32e: {  	s1 =	rddreg [dreg:$0x1];
	p0 =	sne.s32 s2, $0x0  }
0x32f: {  	s3 =	rddreg [dreg:$0x2];
	[bflag:$0x3] =	sbarrier.arrive $0xFFFF;
	s2 =	simm.s32 @!p0 $0x1C05  }
0x330: {  	[timem:s3], [sflag:s2] =	dma.local @!p0 [hbm:s0], s1  }
0x331: {  	s0 =	simm.s32 @!p0 $0x5  }
0x332: {  	_ =	swait.ge @!p0 [sflag:s0], s1  }
0x333: {  	s1 =	ssub.s32 @!p0 $0x0, s1;
	[sflag:s0] =	ssyncset.done @!p0 $0x0  }
0x334: {  	[sflag:s0] =	ssyncadd.s32 @!p0 s1  }
0x335: {  	[bflag:$0x3] =	sbarrier.arrive $0xFFFF  }
0x336: {  	_ =	shalt  }

</sc_bundles>
